<compile_context>
chip_gen: v7x
topology: tpu7x:2x2x1
jax: 0.10.2.dev20260603
libtpu: 0.0.44.dev20260713+nightly
codegen_flags: <defaults>
</compile_context>

<pallas_src>
import functools

import jax
import jax.numpy as jnp
from jax import lax
from jax.experimental import pallas as pl
from jax.experimental.pallas import tpu as pltpu
from jax.experimental.pallas import tpu_sc as plsc

N_NODES = 10000
N_EDGES = 320000
NC, NS = 2, 16
NW = NC * NS
CHUNK = 128
N_CHUNKS = 80
E_PAD = NW * N_CHUNKS * CHUNK
N_ACC = 10240
ZROWS = N_ACC // NS


def _make_agg(F, tc_tiling=True, NBUF=4, NSLOT=8):
    mesh = plsc.VectorSubcoreMesh(core_axis_name="c", subcore_axis_name="s")

    @functools.partial(
        pl.kernel,
        out_type=jax.ShapeDtypeStruct((NC * N_ACC, F), jnp.float32),
        mesh=mesh,
        compiler_params=pltpu.CompilerParams(use_tc_tiling_on_sc=tc_tiling),
        scratch_types=(
            [pltpu.VMEM_SHARED((N_ACC, F), jnp.float32),
             pltpu.VMEM((NSLOT, 2, CHUNK), jnp.int32)]
            + [pltpu.VMEM((CHUNK, F), jnp.float32) for _ in range(NBUF)]
            + [pltpu.SemaphoreType.DMA for _ in range(NSLOT + NBUF + 1)]
        ),
    )
    def agg(z_hbm, idx_hbm, zeros_hbm, out_hbm, acc, ring, *rest):
        bufs = rest[:NBUF]
        isems = rest[NBUF:NBUF + NSLOT]
        gsems = rest[NBUF + NSLOT:NBUF + NSLOT + NBUF]
        zsem = rest[NBUF + NSLOT + NBUF]
        c = lax.axis_index("c")
        s = lax.axis_index("s")
        wid = c * NS + s
        pltpu.async_copy(zeros_hbm, acc.at[pl.ds(s * ZROWS, ZROWS)], zsem)

        def idx_fetch(chunk, slot):
            pltpu.async_copy(idx_hbm.at[wid, chunk], ring.at[slot],
                             isems[slot])

        def idx_wait(chunk, slot):
            pltpu.make_async_copy(idx_hbm.at[wid, chunk], ring.at[slot],
                                  isems[slot]).wait()

        def gather(slot, b):
            pltpu.async_copy(z_hbm.at[ring.at[slot, 0]], bufs[b], gsems[b])

        def gather_wait(slot, b):
            pltpu.make_async_copy(z_hbm.at[ring.at[slot, 0]], bufs[b],
                                  gsems[b]).wait()

        for k in range(NSLOT):
            idx_fetch(k, k)
        for k in range(NBUF):
            idx_wait(k, k)
            gather(k, k)
        pltpu.make_async_copy(zeros_hbm, acc.at[pl.ds(s * ZROWS, ZROWS)],
                              zsem).wait()
        plsc.subcore_barrier()

        def body(jj, carry):
            j = jj * NSLOT
            for k in range(NSLOT):
                b = k % NBUF
                gather_wait(k, b)
                pltpu.sync_copy(bufs[b], acc.at[ring.at[k, 1]], add=True)

                @pl.when(j + k + NSLOT < N_CHUNKS)
                def _():
                    idx_fetch(j + k + NSLOT, k)

                @pl.when(j + k + NBUF < N_CHUNKS)
                def _():
                    s2 = (k + NBUF) % NSLOT
                    idx_wait(j + k + NBUF, s2)
                    gather(s2, b)

            return carry

        lax.fori_loop(0, N_CHUNKS // NSLOT, body, 0)
        plsc.subcore_barrier()
        pltpu.sync_copy(
            acc.at[pl.ds(s * ZROWS, ZROWS)],
            out_hbm.at[pl.ds(c * N_ACC + s * ZROWS, ZROWS)],
        )

    return agg


_agg128 = _make_agg(128, NBUF=2, NSLOT=8)
_agg64 = _make_agg(64, tc_tiling=False, NBUF=4, NSLOT=8)


def _make_first(R, Fin, Fout):
    def body(x_ref, w_ref, o_ref):
        o_ref[...] = jnp.dot(x_ref[...], w_ref[...],
                             preferred_element_type=jnp.float32)

    return pl.pallas_call(
        body,
        grid=(N_NODES // R,),
        in_specs=[
            pl.BlockSpec((R, Fin), lambda i: (i, 0)),
            pl.BlockSpec((Fin, Fout), lambda i: (0, 0)),
        ],
        out_specs=pl.BlockSpec((R, Fout), lambda i: (i, 0)),
        out_shape=jax.ShapeDtypeStruct((N_NODES, Fout), jnp.float32),
    )


def _make_mid(R, Fa, Fb, Fc):
    def body(z_ref, p_ref, b1_ref, wb_ref, bb_ref, wn_ref, o_ref):
        t = jnp.maximum(z_ref[...] + p_ref[0] + p_ref[1] + b1_ref[...], 0.0)
        h = jnp.dot(t, wb_ref[...], preferred_element_type=jnp.float32)
        h = jnp.maximum(h + bb_ref[...], 0.0)
        o_ref[...] = jnp.dot(h, wn_ref[...], preferred_element_type=jnp.float32)

    return pl.pallas_call(
        body,
        grid=(N_NODES // R,),
        in_specs=[
            pl.BlockSpec((R, Fa), lambda i: (i, 0)),
            pl.BlockSpec((2, R, Fa), lambda i: (0, i, 0)),
            pl.BlockSpec((1, Fa), lambda i: (0, 0)),
            pl.BlockSpec((Fa, Fb), lambda i: (0, 0)),
            pl.BlockSpec((1, Fb), lambda i: (0, 0)),
            pl.BlockSpec((Fb, Fc), lambda i: (0, 0)),
        ],
        out_specs=pl.BlockSpec((R, Fc), lambda i: (i, 0)),
        out_shape=jax.ShapeDtypeStruct((N_NODES, Fc), jnp.float32),
    )


def _make_last(R, Fa, Fb):
    def body(z_ref, p_ref, b1_ref, w_ref, b_ref, o_ref):
        t = jnp.maximum(z_ref[...] + p_ref[0] + p_ref[1] + b1_ref[...], 0.0)
        h = jnp.dot(t, w_ref[...], preferred_element_type=jnp.float32)
        o_ref[...] = h + b_ref[...]

    return pl.pallas_call(
        body,
        grid=(N_NODES // R,),
        in_specs=[
            pl.BlockSpec((R, Fa), lambda i: (i, 0)),
            pl.BlockSpec((2, R, Fa), lambda i: (0, i, 0)),
            pl.BlockSpec((1, Fa), lambda i: (0, 0)),
            pl.BlockSpec((Fa, Fb), lambda i: (0, 0)),
            pl.BlockSpec((1, Fb), lambda i: (0, 0)),
        ],
        out_specs=pl.BlockSpec((R, Fb), lambda i: (i, 0)),
        out_shape=jax.ShapeDtypeStruct((N_NODES, Fb), jnp.float32),
    )


_R = 2000
_first = _make_first(_R, 128, 64)
_mid1 = _make_mid(_R, 64, 128, 128)
_mid2 = _make_mid(_R, 128, 64, 64)
_last = _make_last(_R, 64, 128)


def kernel(x, edge_index, W11, b11, W12, b12, W21, b21, W22, b22,
           W31, b31, W32, b32):
    src = edge_index[0]
    dst = edge_index[1]
    pad = E_PAD - N_EDGES
    src_p = jnp.concatenate(
        [src, jnp.zeros((pad,), jnp.int32)]).reshape(NW, N_CHUNKS, 1, CHUNK)
    dst_p = jnp.concatenate(
        [dst, jnp.full((pad,), N_NODES, jnp.int32)]).reshape(NW, N_CHUNKS, 1, CHUNK)
    idx_p = jnp.concatenate([src_p, dst_p], axis=2)
    zeros128 = jnp.zeros((ZROWS, 128), jnp.float32)
    zeros64 = jnp.zeros((ZROWS, 64), jnp.float32)
    b11r = b11.reshape(1, -1)
    b12r = b12.reshape(1, -1)
    b21r = b21.reshape(1, -1)
    b22r = b22.reshape(1, -1)
    b31r = b31.reshape(1, -1)
    b32r = b32.reshape(1, -1)

    z1 = _first(x, W11)
    p1 = _agg64(z1, idx_p, zeros64).reshape(2, N_ACC, 64)
    z2 = _mid1(z1, p1, b11r, W12, b12r, W21)
    p2 = _agg128(z2, idx_p, zeros128).reshape(2, N_ACC, 128)
    z3 = _mid2(z2, p2, b21r, W22, b22r, W31)
    p3 = _agg64(z3, idx_p, zeros64).reshape(2, N_ACC, 64)
    out = _last(z3, p3, b31r, W32, b32r)
    return out

# --- scband reference (transcript-rebuilt; emitter-appended) ---
"""Pipeline reference for scband-gingraph-model-11665131176543 (READ-ONLY COPY).

The authoritative reference and input builder live on the scoring server;
editing this copy changes nothing except your own understanding.
"""

import jax, jax.numpy as jnp
import numpy as np

N = 10000
E = 320000
D = 128
H = 128


def _lin_w(key, fin, fout):
    return (jax.random.normal(key, (fin, fout), dtype=jnp.float32) / np.sqrt(fin)).astype(jnp.float32)


def setup_inputs(seed: int = 0) -> dict:
    key = jax.random.key(seed)
    ks = jax.random.split(key, 8)
    x = jax.random.normal(ks[0], (N, D), dtype=jnp.float32)
    edge_index = jax.random.randint(ks[1], (2, E), 0, N, dtype=jnp.int32)
    # GIN layer 1: Linear(D, H//2) -> ReLU -> Linear(H//2, H)
    W11 = _lin_w(ks[2], D, H // 2); b11 = jnp.zeros((H // 2,), jnp.float32)
    W12 = _lin_w(ks[3], H // 2, H); b12 = jnp.zeros((H,), jnp.float32)
    # GIN layer 2: Linear(H, H) -> ReLU -> Linear(H, H//2)
    W21 = _lin_w(ks[4], H, H); b21 = jnp.zeros((H,), jnp.float32)
    W22 = _lin_w(ks[5], H, H // 2); b22 = jnp.zeros((H // 2,), jnp.float32)
    # GIN layer 3: Linear(H//2, H//2) -> ReLU -> Linear(H//2, D_out)
    W31 = _lin_w(ks[6], H // 2, H // 2); b31 = jnp.zeros((H // 2,), jnp.float32)
    W32 = _lin_w(ks[7], H // 2, D); b32 = jnp.zeros((D,), jnp.float32)
    return {"x": x, "edge_index": edge_index,
            "W11": W11, "b11": b11, "W12": W12, "b12": b12,
            "W21": W21, "b21": b21, "W22": W22, "b22": b22,
            "W31": W31, "b31": b31, "W32": W32, "b32": b32}


def _gin_conv(x, src, dst, W1, b1, W2, b2, eps=0.0):
    # sum-aggregate neighbor messages (PyG GINConv default: aggr='add', eps=0, train_eps=False)
    msgs = jnp.take(x, src, axis=0)
    agg = jax.ops.segment_sum(msgs, dst, num_segments=N)
    h = (1.0 + eps) * x + agg
    h = jnp.maximum(jnp.dot(h, W1) + b1, 0.0)
    return jnp.dot(h, W2) + b2


def reference(x, edge_index, W11, b11, W12, b12, W21, b21, W22, b22, W31, b31, W32, b32):
    src = edge_index[0]
    dst = edge_index[1]
    h = _gin_conv(x, src, dst, W11, b11, W12, b12)
    h = jnp.maximum(h, 0.0)
    h = _gin_conv(h, src, dst, W21, b21, W22, b22)
    h = jnp.maximum(h, 0.0)
    out = _gin_conv(h, src, dst, W31, b31, W32, b32)
    return out

if __name__ == "__main__":
    import jax
    _d = setup_inputs()
    print(jax.jit(kernel)(*tuple(_d.values())))

</pallas_src>

<mosaic_0001>
#map = affine_map<(d0, d1) -> (0, 0)>
#map1 = affine_map<(d0, d1) -> (0, 0, 0, 0)>
module attributes {stable_mosaic.version = 14 : i64} {
  func.func @agg(%arg0: i32, %arg1: i32, %arg2: memref<10000x64xf32, #tpu.memory_space<hbm>>, %arg3: memref<32x80x2x128xi32, #tpu.memory_space<hbm>>, %arg4: memref<640x64xf32, #tpu.memory_space<hbm>>, %arg5: memref<20480x64xf32, #tpu.memory_space<hbm>>, %arg6: memref<10240x64xf32, #tpu.memory_space<vmem_shared>>, %arg7: memref<8x2x128xi32, #tpu.memory_space<vmem>>, %arg8: memref<128x64xf32, #tpu.memory_space<vmem>>, %arg9: memref<128x64xf32, #tpu.memory_space<vmem>>, %arg10: memref<128x64xf32, #tpu.memory_space<vmem>>, %arg11: memref<128x64xf32, #tpu.memory_space<vmem>>, %arg12: memref<!tpu.dma_semaphore, #tpu.memory_space<semaphore_mem>>, %arg13: memref<!tpu.dma_semaphore, #tpu.memory_space<semaphore_mem>>, %arg14: memref<!tpu.dma_semaphore, #tpu.memory_space<semaphore_mem>>, %arg15: memref<!tpu.dma_semaphore, #tpu.memory_space<semaphore_mem>>, %arg16: memref<!tpu.dma_semaphore, #tpu.memory_space<semaphore_mem>>, %arg17: memref<!tpu.dma_semaphore, #tpu.memory_space<semaphore_mem>>, %arg18: memref<!tpu.dma_semaphore, #tpu.memory_space<semaphore_mem>>, %arg19: memref<!tpu.dma_semaphore, #tpu.memory_space<semaphore_mem>>, %arg20: memref<!tpu.dma_semaphore, #tpu.memory_space<semaphore_mem>>, %arg21: memref<!tpu.dma_semaphore, #tpu.memory_space<semaphore_mem>>, %arg22: memref<!tpu.dma_semaphore, #tpu.memory_space<semaphore_mem>>, %arg23: memref<!tpu.dma_semaphore, #tpu.memory_space<semaphore_mem>>, %arg24: memref<!tpu.dma_semaphore, #tpu.memory_space<semaphore_mem>>) attributes {dimension_semantics = [#tpu.dimension_semantics<core_parallel>, #tpu.dimension_semantics<subcore_parallel>], iteration_bounds = array<i64: 2, 16>, scalar_prefetch = 0 : i64, scratch_operands = 19 : i64, tpu.core_type = #tpu.core_type<sc_vector_subcore>, window_params = [{transform_indices = #map}, {transform_indices = #map1}, {transform_indices = #map}, {transform_indices = #map}]} {
    %mul3A = arith.constant 16 : i32
    %mul3A_0 = arith.muli %arg0, %mul3A : i32
    %add3A = arith.addi %mul3A_0, %arg1 : i32
    %mul3A_1 = arith.constant 640 : i32
    %mul3A_2 = arith.muli %arg1, %mul3A_1 : i32
    %dma_start3A = arith.constant 0 : i32
    %dma_start3A_3 = tpu.memref_slice %arg6[%mul3A_2, %dma_start3A] : memref<10240x64xf32, #tpu.memory_space<vmem_shared>> -> memref<640x64xf32, #tpu.memory_space<vmem_shared>>
    tpu.enqueue_dma source(%arg4 : memref<640x64xf32, #tpu.memory_space<hbm>>) target(%dma_start3A_3 : memref<640x64xf32, #tpu.memory_space<vmem_shared>>) target_semaphore(%arg24 : memref<!tpu.dma_semaphore, #tpu.memory_space<semaphore_mem>>)
    %dma_start3A_4 = arith.constant 0 : i32
    %dma_start3A_5 = arith.constant 0 : i32
    %dma_start3A_6 = arith.constant 0 : i32
    %dma_start3A_7 = arith.constant 0 : i32
    %dma_start3A_8 = tpu.memref_slice %arg7[%dma_start3A_5, %dma_start3A_6, %dma_start3A_7] : memref<8x2x128xi32, #tpu.memory_space<vmem>> -> memref<1x2x128xi32, #tpu.memory_space<vmem>>
    %dma_start3A_9 = tpu.memref_squeeze %dma_start3A_8 : memref<1x2x128xi32, #tpu.memory_space<vmem>> -> memref<2x128xi32, #tpu.memory_space<vmem>>
    %dma_start3A_10 = arith.constant 0 : i32
    %dma_start3A_11 = arith.constant 0 : i32
    %dma_start3A_12 = tpu.memref_slice %arg3[%add3A, %dma_start3A_4, %dma_start3A_10, %dma_start3A_11] : memref<32x80x2x128xi32, #tpu.memory_space<hbm>> -> memref<1x1x2x128xi32, #tpu.memory_space<hbm>>
    %dma_start3A_13 = tpu.memref_squeeze %dma_start3A_12 : memref<1x1x2x128xi32, #tpu.memory_space<hbm>> -> memref<2x128xi32, #tpu.memory_space<hbm>>
    %dma_start3A_14 = arith.constant 0 : i32
    %dma_start3A_15 = arith.constant 0 : i32
    %dma_start3A_16 = tpu.memref_slice %arg7[%dma_start3A_5, %dma_start3A_14, %dma_start3A_15] : memref<8x2x128xi32, #tpu.memory_space<vmem>> -> memref<1x2x128xi32, #tpu.memory_space<vmem>>
    %dma_start3A_17 = tpu.memref_squeeze %dma_start3A_16 : memref<1x2x128xi32, #tpu.memory_space<vmem>> -> memref<2x128xi32, #tpu.memory_space<vmem>>
    %dma_start3A_18 = arith.constant 0 : i32
    %dma_start3A_19 = arith.constant 0 : i32
    %dma_start3A_20 = tpu.memref_slice %arg3[%add3A, %dma_start3A_4, %dma_start3A_18, %dma_start3A_19] : memref<32x80x2x128xi32, #tpu.memory_space<hbm>> -> memref<1x1x2x128xi32, #tpu.memory_space<hbm>>
    %dma_start3A_21 = tpu.memref_squeeze %dma_start3A_20 : memref<1x1x2x128xi32, #tpu.memory_space<hbm>> -> memref<2x128xi32, #tpu.memory_space<hbm>>
    tpu.enqueue_dma source(%dma_start3A_21 : memref<2x128xi32, #tpu.memory_space<hbm>>) target(%dma_start3A_17 : memref<2x128xi32, #tpu.memory_space<vmem>>) target_semaphore(%arg12 : memref<!tpu.dma_semaphore, #tpu.memory_space<semaphore_mem>>)
    %dma_start3A_22 = arith.constant 1 : i32
    %dma_start3A_23 = arith.constant 1 : i32
    %dma_start3A_24 = arith.constant 0 : i32
    %dma_start3A_25 = arith.constant 0 : i32
    %dma_start3A_26 = tpu.memref_slice %arg7[%dma_start3A_23, %dma_start3A_24, %dma_start3A_25] : memref<8x2x128xi32, #tpu.memory_space<vmem>> -> memref<1x2x128xi32, #tpu.memory_space<vmem>>
    %dma_start3A_27 = tpu.memref_squeeze %dma_start3A_26 : memref<1x2x128xi32, #tpu.memory_space<vmem>> -> memref<2x128xi32, #tpu.memory_space<vmem>>
    %dma_start3A_28 = arith.constant 0 : i32
    %dma_start3A_29 = arith.constant 0 : i32
    %dma_start3A_30 = tpu.memref_slice %arg3[%add3A, %dma_start3A_22, %dma_start3A_28, %dma_start3A_29] : memref<32x80x2x128xi32, #tpu.memory_space<hbm>> -> memref<1x1x2x128xi32, #tpu.memory_space<hbm>>
    %dma_start3A_31 = tpu.memref_squeeze %dma_start3A_30 : memref<1x1x2x128xi32, #tpu.memory_space<hbm>> -> memref<2x128xi32, #tpu.memory_space<hbm>>
    %dma_start3A_32 = arith.constant 0 : i32
    %dma_start3A_33 = arith.constant 0 : i32
    %dma_start3A_34 = tpu.memref_slice %arg7[%dma_start3A_23, %dma_start3A_32, %dma_start3A_33] : memref<8x2x128xi32, #tpu.memory_space<vmem>> -> memref<1x2x128xi32, #tpu.memory_space<vmem>>
    %dma_start3A_35 = tpu.memref_squeeze %dma_start3A_34 : memref<1x2x128xi32, #tpu.memory_space<vmem>> -> memref<2x128xi32, #tpu.memory_space<vmem>>
    %dma_start3A_36 = arith.constant 0 : i32
    %dma_start3A_37 = arith.constant 0 : i32
    %dma_start3A_38 = tpu.memref_slice %arg3[%add3A, %dma_start3A_22, %dma_start3A_36, %dma_start3A_37] : memref<32x80x2x128xi32, #tpu.memory_space<hbm>> -> memref<1x1x2x128xi32, #tpu.memory_space<hbm>>
    %dma_start3A_39 = tpu.memref_squeeze %dma_start3A_38 : memref<1x1x2x128xi32, #tpu.memory_space<hbm>> -> memref<2x128xi32, #tpu.memory_space<hbm>>
    tpu.enqueue_dma source(%dma_start3A_39 : memref<2x128xi32, #tpu.memory_space<hbm>>) target(%dma_start3A_35 : memref<2x128xi32, #tpu.memory_space<vmem>>) target_semaphore(%arg13 : memref<!tpu.dma_semaphore, #tpu.memory_space<semaphore_mem>>)
    %dma_start3A_40 = arith.constant 2 : i32
    %dma_start3A_41 = arith.constant 2 : i32
    %dma_start3A_42 = arith.constant 0 : i32
    %dma_start3A_43 = arith.constant 0 : i32
    %dma_start3A_44 = tpu.memref_slice %arg7[%dma_start3A_41, %dma_start3A_42, %dma_start3A_43] : memref<8x2x128xi32, #tpu.memory_space<vmem>> -> memref<1x2x128xi32, #tpu.memory_space<vmem>>
    %dma_start3A_45 = tpu.memref_squeeze %dma_start3A_44 : memref<1x2x128xi32, #tpu.memory_space<vmem>> -> memref<2x128xi32, #tpu.memory_space<vmem>>
    %dma_start3A_46 = arith.constant 0 : i32
    %dma_start3A_47 = arith.constant 0 : i32
    %dma_start3A_48 = tpu.memref_slice %arg3[%add3A, %dma_start3A_40, %dma_start3A_46, %dma_start3A_47] : memref<32x80x2x128xi32, #tpu.memory_space<hbm>> -> memref<1x1x2x128xi32, #tpu.memory_space<hbm>>
    %dma_start3A_49 = tpu.memref_squeeze %dma_start3A_48 : memref<1x1x2x128xi32, #tpu.memory_space<hbm>> -> memref<2x128xi32, #tpu.memory_space<hbm>>
    %dma_start3A_50 = arith.constant 0 : i32
    %dma_start3A_51 = arith.constant 0 : i32
    %dma_start3A_52 = tpu.memref_slice %arg7[%dma_start3A_41, %dma_start3A_50, %dma_start3A_51] : memref<8x2x128xi32, #tpu.memory_space<vmem>> -> memref<1x2x128xi32, #tpu.memory_space<vmem>>
    %dma_start3A_53 = tpu.memref_squeeze %dma_start3A_52 : memref<1x2x128xi32, #tpu.memory_space<vmem>> -> memref<2x128xi32, #tpu.memory_space<vmem>>
    %dma_start3A_54 = arith.constant 0 : i32
    %dma_start3A_55 = arith.constant 0 : i32
    %dma_start3A_56 = tpu.memref_slice %arg3[%add3A, %dma_start3A_40, %dma_start3A_54, %dma_start3A_55] : memref<32x80x2x128xi32, #tpu.memory_space<hbm>> -> memref<1x1x2x128xi32, #tpu.memory_space<hbm>>
    %dma_start3A_57 = tpu.memref_squeeze %dma_start3A_56 : memref<1x1x2x128xi32, #tpu.memory_space<hbm>> -> memref<2x128xi32, #tpu.memory_space<hbm>>
    tpu.enqueue_dma source(%dma_start3A_57 : memref<2x128xi32, #tpu.memory_space<hbm>>) target(%dma_start3A_53 : memref<2x128xi32, #tpu.memory_space<vmem>>) target_semaphore(%arg14 : memref<!tpu.dma_semaphore, #tpu.memory_space<semaphore_mem>>)
    %dma_start3A_58 = arith.constant 3 : i32
    %dma_start3A_59 = arith.constant 3 : i32
    %dma_start3A_60 = arith.constant 0 : i32
    %dma_start3A_61 = arith.constant 0 : i32
    %dma_start3A_62 = tpu.memref_slice %arg7[%dma_start3A_59, %dma_start3A_60, %dma_start3A_61] : memref<8x2x128xi32, #tpu.memory_space<vmem>> -> memref<1x2x128xi32, #tpu.memory_space<vmem>>
    %dma_start3A_63 = tpu.memref_squeeze %dma_start3A_62 : memref<1x2x128xi32, #tpu.memory_space<vmem>> -> memref<2x128xi32, #tpu.memory_space<vmem>>
    %dma_start3A_64 = arith.constant 0 : i32
    %dma_start3A_65 = arith.constant 0 : i32
    %dma_start3A_66 = tpu.memref_slice %arg3[%add3A, %dma_start3A_58, %dma_start3A_64, %dma_start3A_65] : memref<32x80x2x128xi32, #tpu.memory_space<hbm>> -> memref<1x1x2x128xi32, #tpu.memory_space<hbm>>
    %dma_start3A_67 = tpu.memref_squeeze %dma_start3A_66 : memref<1x1x2x128xi32, #tpu.memory_space<hbm>> -> memref<2x128xi32, #tpu.memory_space<hbm>>
    %dma_start3A_68 = arith.constant 0 : i32
    %dma_start3A_69 = arith.constant 0 : i32
    %dma_start3A_70 = tpu.memref_slice %arg7[%dma_start3A_59, %dma_start3A_68, %dma_start3A_69] : memref<8x2x128xi32, #tpu.memory_space<vmem>> -> memref<1x2x128xi32, #tpu.memory_space<vmem>>
    %dma_start3A_71 = tpu.memref_squeeze %dma_start3A_70 : memref<1x2x128xi32, #tpu.memory_space<vmem>> -> memref<2x128xi32, #tpu.memory_space<vmem>>
    %dma_start3A_72 = arith.constant 0 : i32
    %dma_start3A_73 = arith.constant 0 : i32
    %dma_start3A_74 = tpu.memref_slice %arg3[%add3A, %dma_start3A_58, %dma_start3A_72, %dma_start3A_73] : memref<32x80x2x128xi32, #tpu.memory_space<hbm>> -> memref<1x1x2x128xi32, #tpu.memory_space<hbm>>
    %dma_start3A_75 = tpu.memref_squeeze %dma_start3A_74 : memref<1x1x2x128xi32, #tpu.memory_space<hbm>> -> memref<2x128xi32, #tpu.memory_space<hbm>>
    tpu.enqueue_dma source(%dma_start3A_75 : memref<2x128xi32, #tpu.memory_space<hbm>>) target(%dma_start3A_71 : memref<2x128xi32, #tpu.memory_space<vmem>>) target_semaphore(%arg15 : memref<!tpu.dma_semaphore, #tpu.memory_space<semaphore_mem>>)
    %dma_start3A_76 = arith.constant 4 : i32
    %dma_start3A_77 = arith.constant 4 : i32
    %dma_start3A_78 = arith.constant 0 : i32
    %dma_start3A_79 = arith.constant 0 : i32
    %dma_start3A_80 = tpu.memref_slice %arg7[%dma_start3A_77, %dma_start3A_78, %dma_start3A_79] : memref<8x2x128xi32, #tpu.memory_space<vmem>> -> memref<1x2x128xi32, #tpu.memory_space<vmem>>
    %dma_start3A_81 = tpu.memref_squeeze %dma_start3A_80 : memref<1x2x128xi32, #tpu.memory_space<vmem>> -> memref<2x128xi32, #tpu.memory_space<vmem>>
    %dma_start3A_82 = arith.constant 0 : i32
    %dma_start3A_83 = arith.constant 0 : i32
    %dma_start3A_84 = tpu.memref_slice %arg3[%add3A, %dma_start3A_76, %dma_start3A_82, %dma_start3A_83] : memref<32x80x2x128xi32, #tpu.memory_space<hbm>> -> memref<1x1x2x128xi32, #tpu.memory_space<hbm>>
    %dma_start3A_85 = tpu.memref_squeeze %dma_start3A_84 : memref<1x1x2x128xi32, #tpu.memory_space<hbm>> -> memref<2x128xi32, #tpu.memory_space<hbm>>
    %dma_start3A_86 = arith.constant 0 : i32
    %dma_start3A_87 = arith.constant 0 : i32
    %dma_start3A_88 = tpu.memref_slice %arg7[%dma_start3A_77, %dma_start3A_86, %dma_start3A_87] : memref<8x2x128xi32, #tpu.memory_space<vmem>> -> memref<1x2x128xi32, #tpu.memory_space<vmem>>
    %dma_start3A_89 = tpu.memref_squeeze %dma_start3A_88 : memref<1x2x128xi32, #tpu.memory_space<vmem>> -> memref<2x128xi32, #tpu.memory_space<vmem>>
    %dma_start3A_90 = arith.constant 0 : i32
    %dma_start3A_91 = arith.constant 0 : i32
    %dma_start3A_92 = tpu.memref_slice %arg3[%add3A, %dma_start3A_76, %dma_start3A_90, %dma_start3A_91] : memref<32x80x2x128xi32, #tpu.memory_space<hbm>> -> memref<1x1x2x128xi32, #tpu.memory_space<hbm>>
    %dma_start3A_93 = tpu.memref_squeeze %dma_start3A_92 : memref<1x1x2x128xi32, #tpu.memory_space<hbm>> -> memref<2x128xi32, #tpu.memory_space<hbm>>
    tpu.enqueue_dma source(%dma_start3A_93 : memref<2x128xi32, #tpu.memory_space<hbm>>) target(%dma_start3A_89 : memref<2x128xi32, #tpu.memory_space<vmem>>) target_semaphore(%arg16 : memref<!tpu.dma_semaphore, #tpu.memory_space<semaphore_mem>>)
    %dma_start3A_94 = arith.constant 5 : i32
    %dma_start3A_95 = arith.constant 5 : i32
    %dma_start3A_96 = arith.constant 0 : i32
    %dma_start3A_97 = arith.constant 0 : i32
    %dma_start3A_98 = tpu.memref_slice %arg7[%dma_start3A_95, %dma_start3A_96, %dma_start3A_97] : memref<8x2x128xi32, #tpu.memory_space<vmem>> -> memref<1x2x128xi32, #tpu.memory_space<vmem>>
    %dma_start3A_99 = tpu.memref_squeeze %dma_start3A_98 : memref<1x2x128xi32, #tpu.memory_space<vmem>> -> memref<2x128xi32, #tpu.memory_space<vmem>>
    %dma_start3A_100 = arith.constant 0 : i32
    %dma_start3A_101 = arith.constant 0 : i32
    %dma_start3A_102 = tpu.memref_slice %arg3[%add3A, %dma_start3A_94, %dma_start3A_100, %dma_start3A_101] : memref<32x80x2x128xi32, #tpu.memory_space<hbm>> -> memref<1x1x2x128xi32, #tpu.memory_space<hbm>>
    %dma_start3A_103 = tpu.memref_squeeze %dma_start3A_102 : memref<1x1x2x128xi32, #tpu.memory_space<hbm>> -> memref<2x128xi32, #tpu.memory_space<hbm>>
    %dma_start3A_104 = arith.constant 0 : i32
    %dma_start3A_105 = arith.constant 0 : i32
    %dma_start3A_106 = tpu.memref_slice %arg7[%dma_start3A_95, %dma_start3A_104, %dma_start3A_105] : memref<8x2x128xi32, #tpu.memory_space<vmem>> -> memref<1x2x128xi32, #tpu.memory_space<vmem>>
    %dma_start3A_107 = tpu.memref_squeeze %dma_start3A_106 : memref<1x2x128xi32, #tpu.memory_space<vmem>> -> memref<2x128xi32, #tpu.memory_space<vmem>>
    %dma_start3A_108 = arith.constant 0 : i32
    %dma_start3A_109 = arith.constant 0 : i32
    %dma_start3A_110 = tpu.memref_slice %arg3[%add3A, %dma_start3A_94, %dma_start3A_108, %dma_start3A_109] : memref<32x80x2x128xi32, #tpu.memory_space<hbm>> -> memref<1x1x2x128xi32, #tpu.memory_space<hbm>>
    %dma_start3A_111 = tpu.memref_squeeze %dma_start3A_110 : memref<1x1x2x128xi32, #tpu.memory_space<hbm>> -> memref<2x128xi32, #tpu.memory_space<hbm>>
    tpu.enqueue_dma source(%dma_start3A_111 : memref<2x128xi32, #tpu.memory_space<hbm>>) target(%dma_start3A_107 : memref<2x128xi32, #tpu.memory_space<vmem>>) target_semaphore(%arg17 : memref<!tpu.dma_semaphore, #tpu.memory_space<semaphore_mem>>)
    %dma_start3A_112 = arith.constant 6 : i32
    %dma_start3A_113 = arith.constant 6 : i32
    %dma_start3A_114 = arith.constant 0 : i32
    %dma_start3A_115 = arith.constant 0 : i32
    %dma_start3A_116 = tpu.memref_slice %arg7[%dma_start3A_113, %dma_start3A_114, %dma_start3A_115] : memref<8x2x128xi32, #tpu.memory_space<vmem>> -> memref<1x2x128xi32, #tpu.memory_space<vmem>>
    %dma_start3A_117 = tpu.memref_squeeze %dma_start3A_116 : memref<1x2x128xi32, #tpu.memory_space<vmem>> -> memref<2x128xi32, #tpu.memory_space<vmem>>
    %dma_start3A_118 = arith.constant 0 : i32
    %dma_start3A_119 = arith.constant 0 : i32
    %dma_start3A_120 = tpu.memref_slice %arg3[%add3A, %dma_start3A_112, %dma_start3A_118, %dma_start3A_119] : memref<32x80x2x128xi32, #tpu.memory_space<hbm>> -> memref<1x1x2x128xi32, #tpu.memory_space<hbm>>
    %dma_start3A_121 = tpu.memref_squeeze %dma_start3A_120 : memref<1x1x2x128xi32, #tpu.memory_space<hbm>> -> memref<2x128xi32, #tpu.memory_space<hbm>>
    %dma_start3A_122 = arith.constant 0 : i32
    %dma_start3A_123 = arith.constant 0 : i32
    %dma_start3A_124 = tpu.memref_slice %arg7[%dma_start3A_113, %dma_start3A_122, %dma_start3A_123] : memref<8x2x128xi32, #tpu.memory_space<vmem>> -> memref<1x2x128xi32, #tpu.memory_space<vmem>>
    %dma_start3A_125 = tpu.memref_squeeze %dma_start3A_124 : memref<1x2x128xi32, #tpu.memory_space<vmem>> -> memref<2x128xi32, #tpu.memory_space<vmem>>
    %dma_start3A_126 = arith.constant 0 : i32
    %dma_start3A_127 = arith.constant 0 : i32
    %dma_start3A_128 = tpu.memref_slice %arg3[%add3A, %dma_start3A_112, %dma_start3A_126, %dma_start3A_127] : memref<32x80x2x128xi32, #tpu.memory_space<hbm>> -> memref<1x1x2x128xi32, #tpu.memory_space<hbm>>
    %dma_start3A_129 = tpu.memref_squeeze %dma_start3A_128 : memref<1x1x2x128xi32, #tpu.memory_space<hbm>> -> memref<2x128xi32, #tpu.memory_space<hbm>>
    tpu.enqueue_dma source(%dma_start3A_129 : memref<2x128xi32, #tpu.memory_space<hbm>>) target(%dma_start3A_125 : memref<2x128xi32, #tpu.memory_space<vmem>>) target_semaphore(%arg18 : memref<!tpu.dma_semaphore, #tpu.memory_space<semaphore_mem>>)
    %dma_start3A_130 = arith.constant 7 : i32
    %dma_start3A_131 = arith.constant 7 : i32
    %dma_start3A_132 = arith.constant 0 : i32
    %dma_start3A_133 = arith.constant 0 : i32
    %dma_start3A_134 = tpu.memref_slice %arg7[%dma_start3A_131, %dma_start3A_132, %dma_start3A_133] : memref<8x2x128xi32, #tpu.memory_space<vmem>> -> memref<1x2x128xi32, #tpu.memory_space<vmem>>
    %dma_start3A_135 = tpu.memref_squeeze %dma_start3A_134 : memref<1x2x128xi32, #tpu.memory_space<vmem>> -> memref<2x128xi32, #tpu.memory_space<vmem>>
    %dma_start3A_136 = arith.constant 0 : i32
    %dma_start3A_137 = arith.constant 0 : i32
    %dma_start3A_138 = tpu.memref_slice %arg3[%add3A, %dma_start3A_130, %dma_start3A_136, %dma_start3A_137] : memref<32x80x2x128xi32, #tpu.memory_space<hbm>> -> memref<1x1x2x128xi32, #tpu.memory_space<hbm>>
    %dma_start3A_139 = tpu.memref_squeeze %dma_start3A_138 : memref<1x1x2x128xi32, #tpu.memory_space<hbm>> -> memref<2x128xi32, #tpu.memory_space<hbm>>
    %dma_start3A_140 = arith.constant 0 : i32
    %dma_start3A_141 = arith.constant 0 : i32
    %dma_start3A_142 = tpu.memref_slice %arg7[%dma_start3A_131, %dma_start3A_140, %dma_start3A_141] : memref<8x2x128xi32, #tpu.memory_space<vmem>> -> memref<1x2x128xi32, #tpu.memory_space<vmem>>
    %dma_start3A_143 = tpu.memref_squeeze %dma_start3A_142 : memref<1x2x128xi32, #tpu.memory_space<vmem>> -> memref<2x128xi32, #tpu.memory_space<vmem>>
    %dma_start3A_144 = arith.constant 0 : i32
    %dma_start3A_145 = arith.constant 0 : i32
    %dma_start3A_146 = tpu.memref_slice %arg3[%add3A, %dma_start3A_130, %dma_start3A_144, %dma_start3A_145] : memref<32x80x2x128xi32, #tpu.memory_space<hbm>> -> memref<1x1x2x128xi32, #tpu.memory_space<hbm>>
    %dma_start3A_147 = tpu.memref_squeeze %dma_start3A_146 : memref<1x1x2x128xi32, #tpu.memory_space<hbm>> -> memref<2x128xi32, #tpu.memory_space<hbm>>
    tpu.enqueue_dma source(%dma_start3A_147 : memref<2x128xi32, #tpu.memory_space<hbm>>) target(%dma_start3A_143 : memref<2x128xi32, #tpu.memory_space<vmem>>) target_semaphore(%arg19 : memref<!tpu.dma_semaphore, #tpu.memory_space<semaphore_mem>>)
    %dma_wait3A = arith.constant 0 : i32
    %dma_wait3A_148 = arith.constant 0 : i32
    %dma_wait3A_149 = arith.constant 0 : i32
    %dma_wait3A_150 = arith.constant 0 : i32
    %dma_wait3A_151 = tpu.memref_slice %arg7[%dma_wait3A_148, %dma_wait3A_149, %dma_wait3A_150] : memref<8x2x128xi32, #tpu.memory_space<vmem>> -> memref<1x2x128xi32, #tpu.memory_space<vmem>>
    %dma_wait3A_152 = tpu.memref_squeeze %dma_wait3A_151 : memref<1x2x128xi32, #tpu.memory_space<vmem>> -> memref<2x128xi32, #tpu.memory_space<vmem>>
    %dma_wait3A_153 = arith.constant 0 : i32
    %dma_wait3A_154 = arith.constant 0 : i32
    %dma_wait3A_155 = tpu.memref_slice %arg3[%add3A, %dma_wait3A, %dma_wait3A_153, %dma_wait3A_154] : memref<32x80x2x128xi32, #tpu.memory_space<hbm>> -> memref<1x1x2x128xi32, #tpu.memory_space<hbm>>
    %dma_wait3A_156 = tpu.memref_squeeze %dma_wait3A_155 : memref<1x1x2x128xi32, #tpu.memory_space<hbm>> -> memref<2x128xi32, #tpu.memory_space<hbm>>
    %dma_wait3A_157 = arith.constant 0 : i32
    %dma_wait3A_158 = arith.constant 0 : i32
    %dma_wait3A_159 = tpu.memref_slice %arg7[%dma_wait3A_148, %dma_wait3A_157, %dma_wait3A_158] : memref<8x2x128xi32, #tpu.memory_space<vmem>> -> memref<1x2x128xi32, #tpu.memory_space<vmem>>
    %dma_wait3A_160 = tpu.memref_squeeze %dma_wait3A_159 : memref<1x2x128xi32, #tpu.memory_space<vmem>> -> memref<2x128xi32, #tpu.memory_space<vmem>>
    %dma_wait3A_161 = arith.constant 0 : i32
    %dma_wait3A_162 = arith.constant 0 : i32
    %dma_wait3A_163 = tpu.memref_slice %arg3[%add3A, %dma_wait3A, %dma_wait3A_161, %dma_wait3A_162] : memref<32x80x2x128xi32, #tpu.memory_space<hbm>> -> memref<1x1x2x128xi32, #tpu.memory_space<hbm>>
    %dma_wait3A_164 = tpu.memref_squeeze %dma_wait3A_163 : memref<1x1x2x128xi32, #tpu.memory_space<hbm>> -> memref<2x128xi32, #tpu.memory_space<hbm>>
    tpu.wait_dma2 semaphore(%arg12 : memref<!tpu.dma_semaphore, #tpu.memory_space<semaphore_mem>>) src(%dma_wait3A_164 : memref<2x128xi32, #tpu.memory_space<hbm>>) dst(%dma_wait3A_160 : memref<2x128xi32, #tpu.memory_space<vmem>>)
    %dma_start3A_165 = arith.constant 0 : i32
    %dma_start3A_166 = arith.constant 0 : i32
    %dma_start3A_167 = arith.constant 0 : i32
    %dma_start3A_168 = tpu.memref_slice %arg7[%dma_start3A_165, %dma_start3A_166, %dma_start3A_167] : memref<8x2x128xi32, #tpu.memory_space<vmem>> -> memref<1x1x128xi32, #tpu.memory_space<vmem>>
    %dma_start3A_169 = tpu.memref_squeeze %dma_start3A_168 : memref<1x1x128xi32, #tpu.memory_space<vmem>> -> memref<128xi32, #tpu.memory_space<vmem>>
    %dma_start3A_170 = arith.constant 0 : i32
    %dma_start3A_171 = arith.constant 0 : i32
    %dma_start3A_172 = tpu.memref_slice %arg2[%dma_start3A_170, %dma_start3A_171] : memref<10000x64xf32, #tpu.memory_space<hbm>> -> memref<10000x64xf32, #tpu.memory_space<hbm>>
    tpu.enqueue_indirect_dma source(%dma_start3A_172 : memref<10000x64xf32, #tpu.memory_space<hbm>>) target(%arg8 : memref<128x64xf32, #tpu.memory_space<vmem>>) offsets(%dma_start3A_169 : memref<128xi32, #tpu.memory_space<vmem>>) semaphore(%arg20 : memref<!tpu.dma_semaphore, #tpu.memory_space<semaphore_mem>>)
    %dma_wait3A_173 = arith.constant 1 : i32
    %dma_wait3A_174 = arith.constant 1 : i32
    %dma_wait3A_175 = arith.constant 0 : i32
    %dma_wait3A_176 = arith.constant 0 : i32
    %dma_wait3A_177 = tpu.memref_slice %arg7[%dma_wait3A_174, %dma_wait3A_175, %dma_wait3A_176] : memref<8x2x128xi32, #tpu.memory_space<vmem>> -> memref<1x2x128xi32, #tpu.memory_space<vmem>>
    %dma_wait3A_178 = tpu.memref_squeeze %dma_wait3A_177 : memref<1x2x128xi32, #tpu.memory_space<vmem>> -> memref<2x128xi32, #tpu.memory_space<vmem>>
    %dma_wait3A_179 = arith.constant 0 : i32
    %dma_wait3A_180 = arith.constant 0 : i32
    %dma_wait3A_181 = tpu.memref_slice %arg3[%add3A, %dma_wait3A_173, %dma_wait3A_179, %dma_wait3A_180] : memref<32x80x2x128xi32, #tpu.memory_space<hbm>> -> memref<1x1x2x128xi32, #tpu.memory_space<hbm>>
    %dma_wait3A_182 = tpu.memref_squeeze %dma_wait3A_181 : memref<1x1x2x128xi32, #tpu.memory_space<hbm>> -> memref<2x128xi32, #tpu.memory_space<hbm>>
    %dma_wait3A_183 = arith.constant 0 : i32
    %dma_wait3A_184 = arith.constant 0 : i32
    %dma_wait3A_185 = tpu.memref_slice %arg7[%dma_wait3A_174, %dma_wait3A_183, %dma_wait3A_184] : memref<8x2x128xi32, #tpu.memory_space<vmem>> -> memref<1x2x128xi32, #tpu.memory_space<vmem>>
    %dma_wait3A_186 = tpu.memref_squeeze %dma_wait3A_185 : memref<1x2x128xi32, #tpu.memory_space<vmem>> -> memref<2x128xi32, #tpu.memory_space<vmem>>
    %dma_wait3A_187 = arith.constant 0 : i32
    %dma_wait3A_188 = arith.constant 0 : i32
    %dma_wait3A_189 = tpu.memref_slice %arg3[%add3A, %dma_wait3A_173, %dma_wait3A_187, %dma_wait3A_188] : memref<32x80x2x128xi32, #tpu.memory_space<hbm>> -> memref<1x1x2x128xi32, #tpu.memory_space<hbm>>
    %dma_wait3A_190 = tpu.memref_squeeze %dma_wait3A_189 : memref<1x1x2x128xi32, #tpu.memory_space<hbm>> -> memref<2x128xi32, #tpu.memory_space<hbm>>
    tpu.wait_dma2 semaphore(%arg13 : memref<!tpu.dma_semaphore, #tpu.memory_space<semaphore_mem>>) src(%dma_wait3A_190 : memref<2x128xi32, #tpu.memory_space<hbm>>) dst(%dma_wait3A_186 : memref<2x128xi32, #tpu.memory_space<vmem>>)
    %dma_start3A_191 = arith.constant 1 : i32
    %dma_start3A_192 = arith.constant 0 : i32
    %dma_start3A_193 = arith.constant 0 : i32
    %dma_start3A_194 = tpu.memref_slice %arg7[%dma_start3A_191, %dma_start3A_192, %dma_start3A_193] : memref<8x2x128xi32, #tpu.memory_space<vmem>> -> memref<1x1x128xi32, #tpu.memory_space<vmem>>
    %dma_start3A_195 = tpu.memref_squeeze %dma_start3A_194 : memref<1x1x128xi32, #tpu.memory_space<vmem>> -> memref<128xi32, #tpu.memory_space<vmem>>
    %dma_start3A_196 = arith.constant 0 : i32
    %dma_start3A_197 = arith.constant 0 : i32
    %dma_start3A_198 = tpu.memref_slice %arg2[%dma_start3A_196, %dma_start3A_197] : memref<10000x64xf32, #tpu.memory_space<hbm>> -> memref<10000x64xf32, #tpu.memory_space<hbm>>
    tpu.enqueue_indirect_dma source(%dma_start3A_198 : memref<10000x64xf32, #tpu.memory_space<hbm>>) target(%arg9 : memref<128x64xf32, #tpu.memory_space<vmem>>) offsets(%dma_start3A_195 : memref<128xi32, #tpu.memory_space<vmem>>) semaphore(%arg21 : memref<!tpu.dma_semaphore, #tpu.memory_space<semaphore_mem>>)
    %dma_wait3A_199 = arith.constant 2 : i32
    %dma_wait3A_200 = arith.constant 2 : i32
    %dma_wait3A_201 = arith.constant 0 : i32
    %dma_wait3A_202 = arith.constant 0 : i32
    %dma_wait3A_203 = tpu.memref_slice %arg7[%dma_wait3A_200, %dma_wait3A_201, %dma_wait3A_202] : memref<8x2x128xi32, #tpu.memory_space<vmem>> -> memref<1x2x128xi32, #tpu.memory_space<vmem>>
    %dma_wait3A_204 = tpu.memref_squeeze %dma_wait3A_203 : memref<1x2x128xi32, #tpu.memory_space<vmem>> -> memref<2x128xi32, #tpu.memory_space<vmem>>
    %dma_wait3A_205 = arith.constant 0 : i32
    %dma_wait3A_206 = arith.constant 0 : i32
    %dma_wait3A_207 = tpu.memref_slice %arg3[%add3A, %dma_wait3A_199, %dma_wait3A_205, %dma_wait3A_206] : memref<32x80x2x128xi32, #tpu.memory_space<hbm>> -> memref<1x1x2x128xi32, #tpu.memory_space<hbm>>
    %dma_wait3A_208 = tpu.memref_squeeze %dma_wait3A_207 : memref<1x1x2x128xi32, #tpu.memory_space<hbm>> -> memref<2x128xi32, #tpu.memory_space<hbm>>
    %dma_wait3A_209 = arith.constant 0 : i32
    %dma_wait3A_210 = arith.constant 0 : i32
    %dma_wait3A_211 = tpu.memref_slice %arg7[%dma_wait3A_200, %dma_wait3A_209, %dma_wait3A_210] : memref<8x2x128xi32, #tpu.memory_space<vmem>> -> memref<1x2x128xi32, #tpu.memory_space<vmem>>
    %dma_wait3A_212 = tpu.memref_squeeze %dma_wait3A_211 : memref<1x2x128xi32, #tpu.memory_space<vmem>> -> memref<2x128xi32, #tpu.memory_space<vmem>>
    %dma_wait3A_213 = arith.constant 0 : i32
    %dma_wait3A_214 = arith.constant 0 : i32
    %dma_wait3A_215 = tpu.memref_slice %arg3[%add3A, %dma_wait3A_199, %dma_wait3A_213, %dma_wait3A_214] : memref<32x80x2x128xi32, #tpu.memory_space<hbm>> -> memref<1x1x2x128xi32, #tpu.memory_space<hbm>>
    %dma_wait3A_216 = tpu.memref_squeeze %dma_wait3A_215 : memref<1x1x2x128xi32, #tpu.memory_space<hbm>> -> memref<2x128xi32, #tpu.memory_space<hbm>>
    tpu.wait_dma2 semaphore(%arg14 : memref<!tpu.dma_semaphore, #tpu.memory_space<semaphore_mem>>) src(%dma_wait3A_216 : memref<2x128xi32, #tpu.memory_space<hbm>>) dst(%dma_wait3A_212 : memref<2x128xi32, #tpu.memory_space<vmem>>)
    %dma_start3A_217 = arith.constant 2 : i32
    %dma_start3A_218 = arith.constant 0 : i32
    %dma_start3A_219 = arith.constant 0 : i32
    %dma_start3A_220 = tpu.memref_slice %arg7[%dma_start3A_217, %dma_start3A_218, %dma_start3A_219] : memref<8x2x128xi32, #tpu.memory_space<vmem>> -> memref<1x1x128xi32, #tpu.memory_space<vmem>>
    %dma_start3A_221 = tpu.memref_squeeze %dma_start3A_220 : memref<1x1x128xi32, #tpu.memory_space<vmem>> -> memref<128xi32, #tpu.memory_space<vmem>>
    %dma_start3A_222 = arith.constant 0 : i32
    %dma_start3A_223 = arith.constant 0 : i32
    %dma_start3A_224 = tpu.memref_slice %arg2[%dma_start3A_222, %dma_start3A_223] : memref<10000x64xf32, #tpu.memory_space<hbm>> -> memref<10000x64xf32, #tpu.memory_space<hbm>>
    tpu.enqueue_indirect_dma source(%dma_start3A_224 : memref<10000x64xf32, #tpu.memory_space<hbm>>) target(%arg10 : memref<128x64xf32, #tpu.memory_space<vmem>>) offsets(%dma_start3A_221 : memref<128xi32, #tpu.memory_space<vmem>>) semaphore(%arg22 : memref<!tpu.dma_semaphore, #tpu.memory_space<semaphore_mem>>)
    %dma_wait3A_225 = arith.constant 3 : i32
    %dma_wait3A_226 = arith.constant 3 : i32
    %dma_wait3A_227 = arith.constant 0 : i32
    %dma_wait3A_228 = arith.constant 0 : i32
    %dma_wait3A_229 = tpu.memref_slice %arg7[%dma_wait3A_226, %dma_wait3A_227, %dma_wait3A_228] : memref<8x2x128xi32, #tpu.memory_space<vmem>> -> memref<1x2x128xi32, #tpu.memory_space<vmem>>
    %dma_wait3A_230 = tpu.memref_squeeze %dma_wait3A_229 : memref<1x2x128xi32, #tpu.memory_space<vmem>> -> memref<2x128xi32, #tpu.memory_space<vmem>>
    %dma_wait3A_231 = arith.constant 0 : i32
    %dma_wait3A_232 = arith.constant 0 : i32
    %dma_wait3A_233 = tpu.memref_slice %arg3[%add3A, %dma_wait3A_225, %dma_wait3A_231, %dma_wait3A_232] : memref<32x80x2x128xi32, #tpu.memory_space<hbm>> -> memref<1x1x2x128xi32, #tpu.memory_space<hbm>>
    %dma_wait3A_234 = tpu.memref_squeeze %dma_wait3A_233 : memref<1x1x2x128xi32, #tpu.memory_space<hbm>> -> memref<2x128xi32, #tpu.memory_space<hbm>>
    %dma_wait3A_235 = arith.constant 0 : i32
    %dma_wait3A_236 = arith.constant 0 : i32
    %dma_wait3A_237 = tpu.memref_slice %arg7[%dma_wait3A_226, %dma_wait3A_235, %dma_wait3A_236] : memref<8x2x128xi32, #tpu.memory_space<vmem>> -> memref<1x2x128xi32, #tpu.memory_space<vmem>>
    %dma_wait3A_238 = tpu.memref_squeeze %dma_wait3A_237 : memref<1x2x128xi32, #tpu.memory_space<vmem>> -> memref<2x128xi32, #tpu.memory_space<vmem>>
    %dma_wait3A_239 = arith.constant 0 : i32
    %dma_wait3A_240 = arith.constant 0 : i32
    %dma_wait3A_241 = tpu.memref_slice %arg3[%add3A, %dma_wait3A_225, %dma_wait3A_239, %dma_wait3A_240] : memref<32x80x2x128xi32, #tpu.memory_space<hbm>> -> memref<1x1x2x128xi32, #tpu.memory_space<hbm>>
    %dma_wait3A_242 = tpu.memref_squeeze %dma_wait3A_241 : memref<1x1x2x128xi32, #tpu.memory_space<hbm>> -> memref<2x128xi32, #tpu.memory_space<hbm>>
    tpu.wait_dma2 semaphore(%arg15 : memref<!tpu.dma_semaphore, #tpu.memory_space<semaphore_mem>>) src(%dma_wait3A_242 : memref<2x128xi32, #tpu.memory_space<hbm>>) dst(%dma_wait3A_238 : memref<2x128xi32, #tpu.memory_space<vmem>>)
    %dma_start3A_243 = arith.constant 3 : i32
    %dma_start3A_244 = arith.constant 0 : i32
    %dma_start3A_245 = arith.constant 0 : i32
    %dma_start3A_246 = tpu.memref_slice %arg7[%dma_start3A_243, %dma_start3A_244, %dma_start3A_245] : memref<8x2x128xi32, #tpu.memory_space<vmem>> -> memref<1x1x128xi32, #tpu.memory_space<vmem>>
    %dma_start3A_247 = tpu.memref_squeeze %dma_start3A_246 : memref<1x1x128xi32, #tpu.memory_space<vmem>> -> memref<128xi32, #tpu.memory_space<vmem>>
    %dma_start3A_248 = arith.constant 0 : i32
    %dma_start3A_249 = arith.constant 0 : i32
    %dma_start3A_250 = tpu.memref_slice %arg2[%dma_start3A_248, %dma_start3A_249] : memref<10000x64xf32, #tpu.memory_space<hbm>> -> memref<10000x64xf32, #tpu.memory_space<hbm>>
    tpu.enqueue_indirect_dma source(%dma_start3A_250 : memref<10000x64xf32, #tpu.memory_space<hbm>>) target(%arg11 : memref<128x64xf32, #tpu.memory_space<vmem>>) offsets(%dma_start3A_247 : memref<128xi32, #tpu.memory_space<vmem>>) semaphore(%arg23 : memref<!tpu.dma_semaphore, #tpu.memory_space<semaphore_mem>>)
    %mul3A_251 = arith.constant 640 : i32
    %mul3A_252 = arith.muli %arg1, %mul3A_251 : i32
    %dma_wait3A_253 = arith.constant 0 : i32
    %dma_wait3A_254 = tpu.memref_slice %arg6[%mul3A_252, %dma_wait3A_253] : memref<10240x64xf32, #tpu.memory_space<vmem_shared>> -> memref<640x64xf32, #tpu.memory_space<vmem_shared>>
    tpu.wait_dma2 semaphore(%arg24 : memref<!tpu.dma_semaphore, #tpu.memory_space<semaphore_mem>>) src(%arg4 : memref<640x64xf32, #tpu.memory_space<hbm>>) dst(%dma_wait3A_254 : memref<640x64xf32, #tpu.memory_space<vmem_shared>>)
    %barrier3A = arith.constant 0 : index
    tpu.barrier barrier_id(%barrier3A)
    %scan3A = arith.constant 0 : i32
    %scan3A_255 = arith.constant 0 : i32
    %scan3A_256 = arith.constant 10 : i32
    %scan3A_257 = arith.addi %scan3A_255, %scan3A_256 : i32
    %scan3A_258 = arith.constant 1 : i32
    scf.for %scan3A_268 = %scan3A_255 to %scan3A_257 step %scan3A_258  : i32 {
      %mul3A_269 = arith.constant 8 : i32
      %mul3A_270 = arith.muli %scan3A_268, %mul3A_269 : i32
      %dma_wait3A_271 = arith.constant 0 : i32
      %dma_wait3A_272 = arith.constant 0 : i32
      %dma_wait3A_273 = arith.constant 0 : i32
      %dma_wait3A_274 = tpu.memref_slice %arg7[%dma_wait3A_271, %dma_wait3A_272, %dma_wait3A_273] : memref<8x2x128xi32, #tpu.memory_space<vmem>> -> memref<1x1x128xi32, #tpu.memory_space<vmem>>
      %dma_wait3A_275 = tpu.memref_squeeze %dma_wait3A_274 : memref<1x1x128xi32, #tpu.memory_space<vmem>> -> memref<128xi32, #tpu.memory_space<vmem>>
      %dma_wait3A_276 = arith.constant 0 : i32
      %dma_wait3A_277 = arith.constant 0 : i32
      %dma_wait3A_278 = tpu.memref_slice %arg2[%dma_wait3A_276, %dma_wait3A_277] : memref<10000x64xf32, #tpu.memory_space<hbm>> -> memref<10000x64xf32, #tpu.memory_space<hbm>>
      tpu.wait_indirect_dma semaphore(%arg20 : memref<!tpu.dma_semaphore, #tpu.memory_space<semaphore_mem>>) src(%dma_wait3A_278 : memref<10000x64xf32, #tpu.memory_space<hbm>>) dst(%arg8 : memref<128x64xf32, #tpu.memory_space<vmem>>)
      %run_scoped3A = arith.constant 0 : i32
      %run_scoped3A_279 = arith.constant 1 : i32
      "tpu.region"() ({
        %run_scoped3A_491 = tpu.sem_alloc : memref<!tpu.dma_semaphore, #tpu.memory_space<semaphore_mem>>
        %dma_start3A_492 = arith.constant 0 : i32
        %dma_start3A_493 = tpu.memref_slice %arg7[%run_scoped3A, %run_scoped3A_279, %dma_start3A_492] : memref<8x2x128xi32, #tpu.memory_space<vmem>> -> memref<1x1x128xi32, #tpu.memory_space<vmem>>
        %dma_start3A_494 = tpu.memref_squeeze %dma_start3A_493 : memref<1x1x128xi32, #tpu.memory_space<vmem>> -> memref<128xi32, #tpu.memory_space<vmem>>
        %dma_start3A_495 = arith.constant 0 : i32
        %dma_start3A_496 = arith.constant 0 : i32
        %dma_start3A_497 = tpu.memref_slice %arg6[%dma_start3A_495, %dma_start3A_496] : memref<10240x64xf32, #tpu.memory_space<vmem_shared>> -> memref<10240x64xf32, #tpu.memory_space<vmem_shared>>
        tpu.enqueue_indirect_dma source(%arg8 : memref<128x64xf32, #tpu.memory_space<vmem>>) target(%dma_start3A_497 : memref<10240x64xf32, #tpu.memory_space<vmem_shared>>) offsets(%dma_start3A_494 : memref<128xi32, #tpu.memory_space<vmem>>) semaphore(%run_scoped3A_491 : memref<!tpu.dma_semaphore, #tpu.memory_space<semaphore_mem>>) {add = true}
        %dma_wait3A_498 = arith.constant 0 : i32
        %dma_wait3A_499 = tpu.memref_slice %arg7[%run_scoped3A, %run_scoped3A_279, %dma_wait3A_498] : memref<8x2x128xi32, #tpu.memory_space<vmem>> -> memref<1x1x128xi32, #tpu.memory_space<vmem>>
        %dma_wait3A_500 = tpu.memref_squeeze %dma_wait3A_499 : memref<1x1x128xi32, #tpu.memory_space<vmem>> -> memref<128xi32, #tpu.memory_space<vmem>>
        %dma_wait3A_501 = arith.constant 0 : i32
        %dma_wait3A_502 = arith.constant 0 : i32
        %dma_wait3A_503 = tpu.memref_slice %arg6[%dma_wait3A_501, %dma_wait3A_502] : memref<10240x64xf32, #tpu.memory_space<vmem_shared>> -> memref<10240x64xf32, #tpu.memory_space<vmem_shared>>
        tpu.wait_indirect_dma semaphore(%run_scoped3A_491 : memref<!tpu.dma_semaphore, #tpu.memory_space<semaphore_mem>>) src(%arg8 : memref<128x64xf32, #tpu.memory_space<vmem>>) dst(%dma_wait3A_503 : memref<10240x64xf32, #tpu.memory_space<vmem_shared>>)
        tpu.yield
      }) : () -> ()
      %add3A_280 = arith.constant 0 : i32
      %add3A_281 = arith.addi %mul3A_270, %add3A_280 : i32
      %add3A_282 = arith.constant 8 : i32
      %add3A_283 = arith.addi %add3A_281, %add3A_282 : i32
      %lt3A = arith.constant 80 : i32
      %lt3A_284 = arith.cmpi slt, %add3A_283, %lt3A : i32
      %convert_element_type3A = arith.extui %lt3A_284 : i1 to i32
      %cond3A = arith.constant 0 : i32
      %cond3A_285 = arith.cmpi ne, %convert_element_type3A, %cond3A : i32
      scf.if %cond3A_285 {
        %add3A_491 = arith.constant 0 : i32
        %add3A_492 = arith.addi %mul3A_270, %add3A_491 : i32
        %add3A_493 = arith.constant 8 : i32
        %add3A_494 = arith.addi %add3A_492, %add3A_493 : i32
        %dma_start3A_495 = arith.constant 0 : i32
        %dma_start3A_496 = arith.constant 0 : i32
        %dma_start3A_497 = arith.constant 0 : i32
        %dma_start3A_498 = tpu.memref_slice %arg7[%dma_start3A_495, %dma_start3A_496, %dma_start3A_497] : memref<8x2x128xi32, #tpu.memory_space<vmem>> -> memref<1x2x128xi32, #tpu.memory_space<vmem>>
        %dma_start3A_499 = tpu.memref_squeeze %dma_start3A_498 : memref<1x2x128xi32, #tpu.memory_space<vmem>> -> memref<2x128xi32, #tpu.memory_space<vmem>>
        %dma_start3A_500 = arith.constant 0 : i32
        %dma_start3A_501 = arith.constant 0 : i32
        %dma_start3A_502 = tpu.memref_slice %arg3[%add3A, %add3A_494, %dma_start3A_500, %dma_start3A_501] : memref<32x80x2x128xi32, #tpu.memory_space<hbm>> -> memref<1x1x2x128xi32, #tpu.memory_space<hbm>>
        %dma_start3A_503 = tpu.memref_squeeze %dma_start3A_502 : memref<1x1x2x128xi32, #tpu.memory_space<hbm>> -> memref<2x128xi32, #tpu.memory_space<hbm>>
        %dma_start3A_504 = arith.constant 0 : i32
        %dma_start3A_505 = arith.constant 0 : i32
        %dma_start3A_506 = tpu.memref_slice %arg7[%dma_start3A_495, %dma_start3A_504, %dma_start3A_505] : memref<8x2x128xi32, #tpu.memory_space<vmem>> -> memref<1x2x128xi32, #tpu.memory_space<vmem>>
        %dma_start3A_507 = tpu.memref_squeeze %dma_start3A_506 : memref<1x2x128xi32, #tpu.memory_space<vmem>> -> memref<2x128xi32, #tpu.memory_space<vmem>>
        %dma_start3A_508 = arith.constant 0 : i32
        %dma_start3A_509 = arith.constant 0 : i32
        %dma_start3A_510 = tpu.memref_slice %arg3[%add3A, %add3A_494, %dma_start3A_508, %dma_start3A_509] : memref<32x80x2x128xi32, #tpu.memory_space<hbm>> -> memref<1x1x2x128xi32, #tpu.memory_space<hbm>>
        %dma_start3A_511 = tpu.memref_squeeze %dma_start3A_510 : memref<1x1x2x128xi32, #tpu.memory_space<hbm>> -> memref<2x128xi32, #tpu.memory_space<hbm>>
        tpu.enqueue_dma source(%dma_start3A_511 : memref<2x128xi32, #tpu.memory_space<hbm>>) target(%dma_start3A_507 : memref<2x128xi32, #tpu.memory_space<vmem>>) target_semaphore(%arg12 : memref<!tpu.dma_semaphore, #tpu.memory_space<semaphore_mem>>)
      } else {
      }
      %add3A_286 = arith.constant 0 : i32
      %add3A_287 = arith.addi %mul3A_270, %add3A_286 : i32
      %add3A_288 = arith.constant 4 : i32
      %add3A_289 = arith.addi %add3A_287, %add3A_288 : i32
      %lt3A_290 = arith.constant 80 : i32
      %lt3A_291 = arith.cmpi slt, %add3A_289, %lt3A_290 : i32
      %convert_element_type3A_292 = arith.extui %lt3A_291 : i1 to i32
      %cond3A_293 = arith.constant 0 : i32
      %cond3A_294 = arith.cmpi ne, %convert_element_type3A_292, %cond3A_293 : i32
      scf.if %cond3A_294 {
        %add3A_491 = arith.constant 0 : i32
        %add3A_492 = arith.addi %mul3A_270, %add3A_491 : i32
        %add3A_493 = arith.constant 4 : i32
        %add3A_494 = arith.addi %add3A_492, %add3A_493 : i32
        %dma_wait3A_495 = arith.constant 4 : i32
        %dma_wait3A_496 = arith.constant 0 : i32
        %dma_wait3A_497 = arith.constant 0 : i32
        %dma_wait3A_498 = tpu.memref_slice %arg7[%dma_wait3A_495, %dma_wait3A_496, %dma_wait3A_497] : memref<8x2x128xi32, #tpu.memory_space<vmem>> -> memref<1x2x128xi32, #tpu.memory_space<vmem>>
        %dma_wait3A_499 = tpu.memref_squeeze %dma_wait3A_498 : memref<1x2x128xi32, #tpu.memory_space<vmem>> -> memref<2x128xi32, #tpu.memory_space<vmem>>
        %dma_wait3A_500 = arith.constant 0 : i32
        %dma_wait3A_501 = arith.constant 0 : i32
        %dma_wait3A_502 = tpu.memref_slice %arg3[%add3A, %add3A_494, %dma_wait3A_500, %dma_wait3A_501] : memref<32x80x2x128xi32, #tpu.memory_space<hbm>> -> memref<1x1x2x128xi32, #tpu.memory_space<hbm>>
        %dma_wait3A_503 = tpu.memref_squeeze %dma_wait3A_502 : memref<1x1x2x128xi32, #tpu.memory_space<hbm>> -> memref<2x128xi32, #tpu.memory_space<hbm>>
        %dma_wait3A_504 = arith.constant 0 : i32
        %dma_wait3A_505 = arith.constant 0 : i32
        %dma_wait3A_506 = tpu.memref_slice %arg7[%dma_wait3A_495, %dma_wait3A_504, %dma_wait3A_505] : memref<8x2x128xi32, #tpu.memory_space<vmem>> -> memref<1x2x128xi32, #tpu.memory_space<vmem>>
        %dma_wait3A_507 = tpu.memref_squeeze %dma_wait3A_506 : memref<1x2x128xi32, #tpu.memory_space<vmem>> -> memref<2x128xi32, #tpu.memory_space<vmem>>
        %dma_wait3A_508 = arith.constant 0 : i32
        %dma_wait3A_509 = arith.constant 0 : i32
        %dma_wait3A_510 = tpu.memref_slice %arg3[%add3A, %add3A_494, %dma_wait3A_508, %dma_wait3A_509] : memref<32x80x2x128xi32, #tpu.memory_space<hbm>> -> memref<1x1x2x128xi32, #tpu.memory_space<hbm>>
        %dma_wait3A_511 = tpu.memref_squeeze %dma_wait3A_510 : memref<1x1x2x128xi32, #tpu.memory_space<hbm>> -> memref<2x128xi32, #tpu.memory_space<hbm>>
        tpu.wait_dma2 semaphore(%arg16 : memref<!tpu.dma_semaphore, #tpu.memory_space<semaphore_mem>>) src(%dma_wait3A_511 : memref<2x128xi32, #tpu.memory_space<hbm>>) dst(%dma_wait3A_507 : memref<2x128xi32, #tpu.memory_space<vmem>>)
        %dma_start3A_512 = arith.constant 4 : i32
        %dma_start3A_513 = arith.constant 0 : i32
        %dma_start3A_514 = arith.constant 0 : i32
        %dma_start3A_515 = tpu.memref_slice %arg7[%dma_start3A_512, %dma_start3A_513, %dma_start3A_514] : memref<8x2x128xi32, #tpu.memory_space<vmem>> -> memref<1x1x128xi32, #tpu.memory_space<vmem>>
        %dma_start3A_516 = tpu.memref_squeeze %dma_start3A_515 : memref<1x1x128xi32, #tpu.memory_space<vmem>> -> memref<128xi32, #tpu.memory_space<vmem>>
        %dma_start3A_517 = arith.constant 0 : i32
        %dma_start3A_518 = arith.constant 0 : i32
        %dma_start3A_519 = tpu.memref_slice %arg2[%dma_start3A_517, %dma_start3A_518] : memref<10000x64xf32, #tpu.memory_space<hbm>> -> memref<10000x64xf32, #tpu.memory_space<hbm>>
        tpu.enqueue_indirect_dma source(%dma_start3A_519 : memref<10000x64xf32, #tpu.memory_space<hbm>>) target(%arg8 : memref<128x64xf32, #tpu.memory_space<vmem>>) offsets(%dma_start3A_516 : memref<128xi32, #tpu.memory_space<vmem>>) semaphore(%arg20 : memref<!tpu.dma_semaphore, #tpu.memory_space<semaphore_mem>>)
      } else {
      }
      %dma_wait3A_295 = arith.constant 1 : i32
      %dma_wait3A_296 = arith.constant 0 : i32
      %dma_wait3A_297 = arith.constant 0 : i32
      %dma_wait3A_298 = tpu.memref_slice %arg7[%dma_wait3A_295, %dma_wait3A_296, %dma_wait3A_297] : memref<8x2x128xi32, #tpu.memory_space<vmem>> -> memref<1x1x128xi32, #tpu.memory_space<vmem>>
      %dma_wait3A_299 = tpu.memref_squeeze %dma_wait3A_298 : memref<1x1x128xi32, #tpu.memory_space<vmem>> -> memref<128xi32, #tpu.memory_space<vmem>>
      %dma_wait3A_300 = arith.constant 0 : i32
      %dma_wait3A_301 = arith.constant 0 : i32
      %dma_wait3A_302 = tpu.memref_slice %arg2[%dma_wait3A_300, %dma_wait3A_301] : memref<10000x64xf32, #tpu.memory_space<hbm>> -> memref<10000x64xf32, #tpu.memory_space<hbm>>
      tpu.wait_indirect_dma semaphore(%arg21 : memref<!tpu.dma_semaphore, #tpu.memory_space<semaphore_mem>>) src(%dma_wait3A_302 : memref<10000x64xf32, #tpu.memory_space<hbm>>) dst(%arg9 : memref<128x64xf32, #tpu.memory_space<vmem>>)
      %run_scoped3A_303 = arith.constant 1 : i32
      %run_scoped3A_304 = arith.constant 1 : i32
      "tpu.region"() ({
        %run_scoped3A_491 = tpu.sem_alloc : memref<!tpu.dma_semaphore, #tpu.memory_space<semaphore_mem>>
        %dma_start3A_492 = arith.constant 0 : i32
        %dma_start3A_493 = tpu.memref_slice %arg7[%run_scoped3A_303, %run_scoped3A_304, %dma_start3A_492] : memref<8x2x128xi32, #tpu.memory_space<vmem>> -> memref<1x1x128xi32, #tpu.memory_space<vmem>>
        %dma_start3A_494 = tpu.memref_squeeze %dma_start3A_493 : memref<1x1x128xi32, #tpu.memory_space<vmem>> -> memref<128xi32, #tpu.memory_space<vmem>>
        %dma_start3A_495 = arith.constant 0 : i32
        %dma_start3A_496 = arith.constant 0 : i32
        %dma_start3A_497 = tpu.memref_slice %arg6[%dma_start3A_495, %dma_start3A_496] : memref<10240x64xf32, #tpu.memory_space<vmem_shared>> -> memref<10240x64xf32, #tpu.memory_space<vmem_shared>>
        tpu.enqueue_indirect_dma source(%arg9 : memref<128x64xf32, #tpu.memory_space<vmem>>) target(%dma_start3A_497 : memref<10240x64xf32, #tpu.memory_space<vmem_shared>>) offsets(%dma_start3A_494 : memref<128xi32, #tpu.memory_space<vmem>>) semaphore(%run_scoped3A_491 : memref<!tpu.dma_semaphore, #tpu.memory_space<semaphore_mem>>) {add = true}
        %dma_wait3A_498 = arith.constant 0 : i32
        %dma_wait3A_499 = tpu.memref_slice %arg7[%run_scoped3A_303, %run_scoped3A_304, %dma_wait3A_498] : memref<8x2x128xi32, #tpu.memory_space<vmem>> -> memref<1x1x128xi32, #tpu.memory_space<vmem>>
        %dma_wait3A_500 = tpu.memref_squeeze %dma_wait3A_499 : memref<1x1x128xi32, #tpu.memory_space<vmem>> -> memref<128xi32, #tpu.memory_space<vmem>>
        %dma_wait3A_501 = arith.constant 0 : i32
        %dma_wait3A_502 = arith.constant 0 : i32
        %dma_wait3A_503 = tpu.memref_slice %arg6[%dma_wait3A_501, %dma_wait3A_502] : memref<10240x64xf32, #tpu.memory_space<vmem_shared>> -> memref<10240x64xf32, #tpu.memory_space<vmem_shared>>
        tpu.wait_indirect_dma semaphore(%run_scoped3A_491 : memref<!tpu.dma_semaphore, #tpu.memory_space<semaphore_mem>>) src(%arg9 : memref<128x64xf32, #tpu.memory_space<vmem>>) dst(%dma_wait3A_503 : memref<10240x64xf32, #tpu.memory_space<vmem_shared>>)
        tpu.yield
      }) : () -> ()
      %add3A_305 = arith.constant 1 : i32
      %add3A_306 = arith.addi %mul3A_270, %add3A_305 : i32
      %add3A_307 = arith.constant 8 : i32
      %add3A_308 = arith.addi %add3A_306, %add3A_307 : i32
      %lt3A_309 = arith.constant 80 : i32
      %lt3A_310 = arith.cmpi slt, %add3A_308, %lt3A_309 : i32
      %convert_element_type3A_311 = arith.extui %lt3A_310 : i1 to i32
      %cond3A_312 = arith.constant 0 : i32
      %cond3A_313 = arith.cmpi ne, %convert_element_type3A_311, %cond3A_312 : i32
      scf.if %cond3A_313 {
        %add3A_491 = arith.constant 1 : i32
        %add3A_492 = arith.addi %mul3A_270, %add3A_491 : i32
        %add3A_493 = arith.constant 8 : i32
        %add3A_494 = arith.addi %add3A_492, %add3A_493 : i32
        %dma_start3A_495 = arith.constant 1 : i32
        %dma_start3A_496 = arith.constant 0 : i32
        %dma_start3A_497 = arith.constant 0 : i32
        %dma_start3A_498 = tpu.memref_slice %arg7[%dma_start3A_495, %dma_start3A_496, %dma_start3A_497] : memref<8x2x128xi32, #tpu.memory_space<vmem>> -> memref<1x2x128xi32, #tpu.memory_space<vmem>>
        %dma_start3A_499 = tpu.memref_squeeze %dma_start3A_498 : memref<1x2x128xi32, #tpu.memory_space<vmem>> -> memref<2x128xi32, #tpu.memory_space<vmem>>
        %dma_start3A_500 = arith.constant 0 : i32
        %dma_start3A_501 = arith.constant 0 : i32
        %dma_start3A_502 = tpu.memref_slice %arg3[%add3A, %add3A_494, %dma_start3A_500, %dma_start3A_501] : memref<32x80x2x128xi32, #tpu.memory_space<hbm>> -> memref<1x1x2x128xi32, #tpu.memory_space<hbm>>
        %dma_start3A_503 = tpu.memref_squeeze %dma_start3A_502 : memref<1x1x2x128xi32, #tpu.memory_space<hbm>> -> memref<2x128xi32, #tpu.memory_space<hbm>>
        %dma_start3A_504 = arith.constant 0 : i32
        %dma_start3A_505 = arith.constant 0 : i32
        %dma_start3A_506 = tpu.memref_slice %arg7[%dma_start3A_495, %dma_start3A_504, %dma_start3A_505] : memref<8x2x128xi32, #tpu.memory_space<vmem>> -> memref<1x2x128xi32, #tpu.memory_space<vmem>>
        %dma_start3A_507 = tpu.memref_squeeze %dma_start3A_506 : memref<1x2x128xi32, #tpu.memory_space<vmem>> -> memref<2x128xi32, #tpu.memory_space<vmem>>
        %dma_start3A_508 = arith.constant 0 : i32
        %dma_start3A_509 = arith.constant 0 : i32
        %dma_start3A_510 = tpu.memref_slice %arg3[%add3A, %add3A_494, %dma_start3A_508, %dma_start3A_509] : memref<32x80x2x128xi32, #tpu.memory_space<hbm>> -> memref<1x1x2x128xi32, #tpu.memory_space<hbm>>
        %dma_start3A_511 = tpu.memref_squeeze %dma_start3A_510 : memref<1x1x2x128xi32, #tpu.memory_space<hbm>> -> memref<2x128xi32, #tpu.memory_space<hbm>>
        tpu.enqueue_dma source(%dma_start3A_511 : memref<2x128xi32, #tpu.memory_space<hbm>>) target(%dma_start3A_507 : memref<2x128xi32, #tpu.memory_space<vmem>>) target_semaphore(%arg13 : memref<!tpu.dma_semaphore, #tpu.memory_space<semaphore_mem>>)
      } else {
      }
      %add3A_314 = arith.constant 1 : i32
      %add3A_315 = arith.addi %mul3A_270, %add3A_314 : i32
      %add3A_316 = arith.constant 4 : i32
      %add3A_317 = arith.addi %add3A_315, %add3A_316 : i32
      %lt3A_318 = arith.constant 80 : i32
      %lt3A_319 = arith.cmpi slt, %add3A_317, %lt3A_318 : i32
      %convert_element_type3A_320 = arith.extui %lt3A_319 : i1 to i32
      %cond3A_321 = arith.constant 0 : i32
      %cond3A_322 = arith.cmpi ne, %convert_element_type3A_320, %cond3A_321 : i32
      scf.if %cond3A_322 {
        %add3A_491 = arith.constant 1 : i32
        %add3A_492 = arith.addi %mul3A_270, %add3A_491 : i32
        %add3A_493 = arith.constant 4 : i32
        %add3A_494 = arith.addi %add3A_492, %add3A_493 : i32
        %dma_wait3A_495 = arith.constant 5 : i32
        %dma_wait3A_496 = arith.constant 0 : i32
        %dma_wait3A_497 = arith.constant 0 : i32
        %dma_wait3A_498 = tpu.memref_slice %arg7[%dma_wait3A_495, %dma_wait3A_496, %dma_wait3A_497] : memref<8x2x128xi32, #tpu.memory_space<vmem>> -> memref<1x2x128xi32, #tpu.memory_space<vmem>>
        %dma_wait3A_499 = tpu.memref_squeeze %dma_wait3A_498 : memref<1x2x128xi32, #tpu.memory_space<vmem>> -> memref<2x128xi32, #tpu.memory_space<vmem>>
        %dma_wait3A_500 = arith.constant 0 : i32
        %dma_wait3A_501 = arith.constant 0 : i32
        %dma_wait3A_502 = tpu.memref_slice %arg3[%add3A, %add3A_494, %dma_wait3A_500, %dma_wait3A_501] : memref<32x80x2x128xi32, #tpu.memory_space<hbm>> -> memref<1x1x2x128xi32, #tpu.memory_space<hbm>>
        %dma_wait3A_503 = tpu.memref_squeeze %dma_wait3A_502 : memref<1x1x2x128xi32, #tpu.memory_space<hbm>> -> memref<2x128xi32, #tpu.memory_space<hbm>>
        %dma_wait3A_504 = arith.constant 0 : i32
        %dma_wait3A_505 = arith.constant 0 : i32
        %dma_wait3A_506 = tpu.memref_slice %arg7[%dma_wait3A_495, %dma_wait3A_504, %dma_wait3A_505] : memref<8x2x128xi32, #tpu.memory_space<vmem>> -> memref<1x2x128xi32, #tpu.memory_space<vmem>>
        %dma_wait3A_507 = tpu.memref_squeeze %dma_wait3A_506 : memref<1x2x128xi32, #tpu.memory_space<vmem>> -> memref<2x128xi32, #tpu.memory_space<vmem>>
        %dma_wait3A_508 = arith.constant 0 : i32
        %dma_wait3A_509 = arith.constant 0 : i32
        %dma_wait3A_510 = tpu.memref_slice %arg3[%add3A, %add3A_494, %dma_wait3A_508, %dma_wait3A_509] : memref<32x80x2x128xi32, #tpu.memory_space<hbm>> -> memref<1x1x2x128xi32, #tpu.memory_space<hbm>>
        %dma_wait3A_511 = tpu.memref_squeeze %dma_wait3A_510 : memref<1x1x2x128xi32, #tpu.memory_space<hbm>> -> memref<2x128xi32, #tpu.memory_space<hbm>>
        tpu.wait_dma2 semaphore(%arg17 : memref<!tpu.dma_semaphore, #tpu.memory_space<semaphore_mem>>) src(%dma_wait3A_511 : memref<2x128xi32, #tpu.memory_space<hbm>>) dst(%dma_wait3A_507 : memref<2x128xi32, #tpu.memory_space<vmem>>)
        %dma_start3A_512 = arith.constant 5 : i32
        %dma_start3A_513 = arith.constant 0 : i32
        %dma_start3A_514 = arith.constant 0 : i32
        %dma_start3A_515 = tpu.memref_slice %arg7[%dma_start3A_512, %dma_start3A_513, %dma_start3A_514] : memref<8x2x128xi32, #tpu.memory_space<vmem>> -> memref<1x1x128xi32, #tpu.memory_space<vmem>>
        %dma_start3A_516 = tpu.memref_squeeze %dma_start3A_515 : memref<1x1x128xi32, #tpu.memory_space<vmem>> -> memref<128xi32, #tpu.memory_space<vmem>>
        %dma_start3A_517 = arith.constant 0 : i32
        %dma_start3A_518 = arith.constant 0 : i32
        %dma_start3A_519 = tpu.memref_slice %arg2[%dma_start3A_517, %dma_start3A_518] : memref<10000x64xf32, #tpu.memory_space<hbm>> -> memref<10000x64xf32, #tpu.memory_space<hbm>>
        tpu.enqueue_indirect_dma source(%dma_start3A_519 : memref<10000x64xf32, #tpu.memory_space<hbm>>) target(%arg9 : memref<128x64xf32, #tpu.memory_space<vmem>>) offsets(%dma_start3A_516 : memref<128xi32, #tpu.memory_space<vmem>>) semaphore(%arg21 : memref<!tpu.dma_semaphore, #tpu.memory_space<semaphore_mem>>)
      } else {
      }
      %dma_wait3A_323 = arith.constant 2 : i32
      %dma_wait3A_324 = arith.constant 0 : i32
      %dma_wait3A_325 = arith.constant 0 : i32
      %dma_wait3A_326 = tpu.memref_slice %arg7[%dma_wait3A_323, %dma_wait3A_324, %dma_wait3A_325] : memref<8x2x128xi32, #tpu.memory_space<vmem>> -> memref<1x1x128xi32, #tpu.memory_space<vmem>>
      %dma_wait3A_327 = tpu.memref_squeeze %dma_wait3A_326 : memref<1x1x128xi32, #tpu.memory_space<vmem>> -> memref<128xi32, #tpu.memory_space<vmem>>
      %dma_wait3A_328 = arith.constant 0 : i32
      %dma_wait3A_329 = arith.constant 0 : i32
      %dma_wait3A_330 = tpu.memref_slice %arg2[%dma_wait3A_328, %dma_wait3A_329] : memref<10000x64xf32, #tpu.memory_space<hbm>> -> memref<10000x64xf32, #tpu.memory_space<hbm>>
      tpu.wait_indirect_dma semaphore(%arg22 : memref<!tpu.dma_semaphore, #tpu.memory_space<semaphore_mem>>) src(%dma_wait3A_330 : memref<10000x64xf32, #tpu.memory_space<hbm>>) dst(%arg10 : memref<128x64xf32, #tpu.memory_space<vmem>>)
      %run_scoped3A_331 = arith.constant 2 : i32
      %run_scoped3A_332 = arith.constant 1 : i32
      "tpu.region"() ({
        %run_scoped3A_491 = tpu.sem_alloc : memref<!tpu.dma_semaphore, #tpu.memory_space<semaphore_mem>>
        %dma_start3A_492 = arith.constant 0 : i32
        %dma_start3A_493 = tpu.memref_slice %arg7[%run_scoped3A_331, %run_scoped3A_332, %dma_start3A_492] : memref<8x2x128xi32, #tpu.memory_space<vmem>> -> memref<1x1x128xi32, #tpu.memory_space<vmem>>
        %dma_start3A_494 = tpu.memref_squeeze %dma_start3A_493 : memref<1x1x128xi32, #tpu.memory_space<vmem>> -> memref<128xi32, #tpu.memory_space<vmem>>
        %dma_start3A_495 = arith.constant 0 : i32
        %dma_start3A_496 = arith.constant 0 : i32
        %dma_start3A_497 = tpu.memref_slice %arg6[%dma_start3A_495, %dma_start3A_496] : memref<10240x64xf32, #tpu.memory_space<vmem_shared>> -> memref<10240x64xf32, #tpu.memory_space<vmem_shared>>
        tpu.enqueue_indirect_dma source(%arg10 : memref<128x64xf32, #tpu.memory_space<vmem>>) target(%dma_start3A_497 : memref<10240x64xf32, #tpu.memory_space<vmem_shared>>) offsets(%dma_start3A_494 : memref<128xi32, #tpu.memory_space<vmem>>) semaphore(%run_scoped3A_491 : memref<!tpu.dma_semaphore, #tpu.memory_space<semaphore_mem>>) {add = true}
        %dma_wait3A_498 = arith.constant 0 : i32
        %dma_wait3A_499 = tpu.memref_slice %arg7[%run_scoped3A_331, %run_scoped3A_332, %dma_wait3A_498] : memref<8x2x128xi32, #tpu.memory_space<vmem>> -> memref<1x1x128xi32, #tpu.memory_space<vmem>>
        %dma_wait3A_500 = tpu.memref_squeeze %dma_wait3A_499 : memref<1x1x128xi32, #tpu.memory_space<vmem>> -> memref<128xi32, #tpu.memory_space<vmem>>
        %dma_wait3A_501 = arith.constant 0 : i32
        %dma_wait3A_502 = arith.constant 0 : i32
        %dma_wait3A_503 = tpu.memref_slice %arg6[%dma_wait3A_501, %dma_wait3A_502] : memref<10240x64xf32, #tpu.memory_space<vmem_shared>> -> memref<10240x64xf32, #tpu.memory_space<vmem_shared>>
        tpu.wait_indirect_dma semaphore(%run_scoped3A_491 : memref<!tpu.dma_semaphore, #tpu.memory_space<semaphore_mem>>) src(%arg10 : memref<128x64xf32, #tpu.memory_space<vmem>>) dst(%dma_wait3A_503 : memref<10240x64xf32, #tpu.memory_space<vmem_shared>>)
        tpu.yield
      }) : () -> ()
      %add3A_333 = arith.constant 2 : i32
      %add3A_334 = arith.addi %mul3A_270, %add3A_333 : i32
      %add3A_335 = arith.constant 8 : i32
      %add3A_336 = arith.addi %add3A_334, %add3A_335 : i32
      %lt3A_337 = arith.constant 80 : i32
      %lt3A_338 = arith.cmpi slt, %add3A_336, %lt3A_337 : i32
      %convert_element_type3A_339 = arith.extui %lt3A_338 : i1 to i32
      %cond3A_340 = arith.constant 0 : i32
      %cond3A_341 = arith.cmpi ne, %convert_element_type3A_339, %cond3A_340 : i32
      scf.if %cond3A_341 {
        %add3A_491 = arith.constant 2 : i32
        %add3A_492 = arith.addi %mul3A_270, %add3A_491 : i32
        %add3A_493 = arith.constant 8 : i32
        %add3A_494 = arith.addi %add3A_492, %add3A_493 : i32
        %dma_start3A_495 = arith.constant 2 : i32
        %dma_start3A_496 = arith.constant 0 : i32
        %dma_start3A_497 = arith.constant 0 : i32
        %dma_start3A_498 = tpu.memref_slice %arg7[%dma_start3A_495, %dma_start3A_496, %dma_start3A_497] : memref<8x2x128xi32, #tpu.memory_space<vmem>> -> memref<1x2x128xi32, #tpu.memory_space<vmem>>
        %dma_start3A_499 = tpu.memref_squeeze %dma_start3A_498 : memref<1x2x128xi32, #tpu.memory_space<vmem>> -> memref<2x128xi32, #tpu.memory_space<vmem>>
        %dma_start3A_500 = arith.constant 0 : i32
        %dma_start3A_501 = arith.constant 0 : i32
        %dma_start3A_502 = tpu.memref_slice %arg3[%add3A, %add3A_494, %dma_start3A_500, %dma_start3A_501] : memref<32x80x2x128xi32, #tpu.memory_space<hbm>> -> memref<1x1x2x128xi32, #tpu.memory_space<hbm>>
        %dma_start3A_503 = tpu.memref_squeeze %dma_start3A_502 : memref<1x1x2x128xi32, #tpu.memory_space<hbm>> -> memref<2x128xi32, #tpu.memory_space<hbm>>
        %dma_start3A_504 = arith.constant 0 : i32
        %dma_start3A_505 = arith.constant 0 : i32
        %dma_start3A_506 = tpu.memref_slice %arg7[%dma_start3A_495, %dma_start3A_504, %dma_start3A_505] : memref<8x2x128xi32, #tpu.memory_space<vmem>> -> memref<1x2x128xi32, #tpu.memory_space<vmem>>
        %dma_start3A_507 = tpu.memref_squeeze %dma_start3A_506 : memref<1x2x128xi32, #tpu.memory_space<vmem>> -> memref<2x128xi32, #tpu.memory_space<vmem>>
        %dma_start3A_508 = arith.constant 0 : i32
        %dma_start3A_509 = arith.constant 0 : i32
        %dma_start3A_510 = tpu.memref_slice %arg3[%add3A, %add3A_494, %dma_start3A_508, %dma_start3A_509] : memref<32x80x2x128xi32, #tpu.memory_space<hbm>> -> memref<1x1x2x128xi32, #tpu.memory_space<hbm>>
        %dma_start3A_511 = tpu.memref_squeeze %dma_start3A_510 : memref<1x1x2x128xi32, #tpu.memory_space<hbm>> -> memref<2x128xi32, #tpu.memory_space<hbm>>
        tpu.enqueue_dma source(%dma_start3A_511 : memref<2x128xi32, #tpu.memory_space<hbm>>) target(%dma_start3A_507 : memref<2x128xi32, #tpu.memory_space<vmem>>) target_semaphore(%arg14 : memref<!tpu.dma_semaphore, #tpu.memory_space<semaphore_mem>>)
      } else {
      }
      %add3A_342 = arith.constant 2 : i32
      %add3A_343 = arith.addi %mul3A_270, %add3A_342 : i32
      %add3A_344 = arith.constant 4 : i32
      %add3A_345 = arith.addi %add3A_343, %add3A_344 : i32
      %lt3A_346 = arith.constant 80 : i32
      %lt3A_347 = arith.cmpi slt, %add3A_345, %lt3A_346 : i32
      %convert_element_type3A_348 = arith.extui %lt3A_347 : i1 to i32
      %cond3A_349 = arith.constant 0 : i32
      %cond3A_350 = arith.cmpi ne, %convert_element_type3A_348, %cond3A_349 : i32
      scf.if %cond3A_350 {
        %add3A_491 = arith.constant 2 : i32
        %add3A_492 = arith.addi %mul3A_270, %add3A_491 : i32
        %add3A_493 = arith.constant 4 : i32
        %add3A_494 = arith.addi %add3A_492, %add3A_493 : i32
        %dma_wait3A_495 = arith.constant 6 : i32
        %dma_wait3A_496 = arith.constant 0 : i32
        %dma_wait3A_497 = arith.constant 0 : i32
        %dma_wait3A_498 = tpu.memref_slice %arg7[%dma_wait3A_495, %dma_wait3A_496, %dma_wait3A_497] : memref<8x2x128xi32, #tpu.memory_space<vmem>> -> memref<1x2x128xi32, #tpu.memory_space<vmem>>
        %dma_wait3A_499 = tpu.memref_squeeze %dma_wait3A_498 : memref<1x2x128xi32, #tpu.memory_space<vmem>> -> memref<2x128xi32, #tpu.memory_space<vmem>>
        %dma_wait3A_500 = arith.constant 0 : i32
        %dma_wait3A_501 = arith.constant 0 : i32
        %dma_wait3A_502 = tpu.memref_slice %arg3[%add3A, %add3A_494, %dma_wait3A_500, %dma_wait3A_501] : memref<32x80x2x128xi32, #tpu.memory_space<hbm>> -> memref<1x1x2x128xi32, #tpu.memory_space<hbm>>
        %dma_wait3A_503 = tpu.memref_squeeze %dma_wait3A_502 : memref<1x1x2x128xi32, #tpu.memory_space<hbm>> -> memref<2x128xi32, #tpu.memory_space<hbm>>
        %dma_wait3A_504 = arith.constant 0 : i32
        %dma_wait3A_505 = arith.constant 0 : i32
        %dma_wait3A_506 = tpu.memref_slice %arg7[%dma_wait3A_495, %dma_wait3A_504, %dma_wait3A_505] : memref<8x2x128xi32, #tpu.memory_space<vmem>> -> memref<1x2x128xi32, #tpu.memory_space<vmem>>
        %dma_wait3A_507 = tpu.memref_squeeze %dma_wait3A_506 : memref<1x2x128xi32, #tpu.memory_space<vmem>> -> memref<2x128xi32, #tpu.memory_space<vmem>>
        %dma_wait3A_508 = arith.constant 0 : i32
        %dma_wait3A_509 = arith.constant 0 : i32
        %dma_wait3A_510 = tpu.memref_slice %arg3[%add3A, %add3A_494, %dma_wait3A_508, %dma_wait3A_509] : memref<32x80x2x128xi32, #tpu.memory_space<hbm>> -> memref<1x1x2x128xi32, #tpu.memory_space<hbm>>
        %dma_wait3A_511 = tpu.memref_squeeze %dma_wait3A_510 : memref<1x1x2x128xi32, #tpu.memory_space<hbm>> -> memref<2x128xi32, #tpu.memory_space<hbm>>
        tpu.wait_dma2 semaphore(%arg18 : memref<!tpu.dma_semaphore, #tpu.memory_space<semaphore_mem>>) src(%dma_wait3A_511 : memref<2x128xi32, #tpu.memory_space<hbm>>) dst(%dma_wait3A_507 : memref<2x128xi32, #tpu.memory_space<vmem>>)
        %dma_start3A_512 = arith.constant 6 : i32
        %dma_start3A_513 = arith.constant 0 : i32
        %dma_start3A_514 = arith.constant 0 : i32
        %dma_start3A_515 = tpu.memref_slice %arg7[%dma_start3A_512, %dma_start3A_513, %dma_start3A_514] : memref<8x2x128xi32, #tpu.memory_space<vmem>> -> memref<1x1x128xi32, #tpu.memory_space<vmem>>
        %dma_start3A_516 = tpu.memref_squeeze %dma_start3A_515 : memref<1x1x128xi32, #tpu.memory_space<vmem>> -> memref<128xi32, #tpu.memory_space<vmem>>
        %dma_start3A_517 = arith.constant 0 : i32
        %dma_start3A_518 = arith.constant 0 : i32
        %dma_start3A_519 = tpu.memref_slice %arg2[%dma_start3A_517, %dma_start3A_518] : memref<10000x64xf32, #tpu.memory_space<hbm>> -> memref<10000x64xf32, #tpu.memory_space<hbm>>
        tpu.enqueue_indirect_dma source(%dma_start3A_519 : memref<10000x64xf32, #tpu.memory_space<hbm>>) target(%arg10 : memref<128x64xf32, #tpu.memory_space<vmem>>) offsets(%dma_start3A_516 : memref<128xi32, #tpu.memory_space<vmem>>) semaphore(%arg22 : memref<!tpu.dma_semaphore, #tpu.memory_space<semaphore_mem>>)
      } else {
      }
      %dma_wait3A_351 = arith.constant 3 : i32
      %dma_wait3A_352 = arith.constant 0 : i32
      %dma_wait3A_353 = arith.constant 0 : i32
      %dma_wait3A_354 = tpu.memref_slice %arg7[%dma_wait3A_351, %dma_wait3A_352, %dma_wait3A_353] : memref<8x2x128xi32, #tpu.memory_space<vmem>> -> memref<1x1x128xi32, #tpu.memory_space<vmem>>
      %dma_wait3A_355 = tpu.memref_squeeze %dma_wait3A_354 : memref<1x1x128xi32, #tpu.memory_space<vmem>> -> memref<128xi32, #tpu.memory_space<vmem>>
      %dma_wait3A_356 = arith.constant 0 : i32
      %dma_wait3A_357 = arith.constant 0 : i32
      %dma_wait3A_358 = tpu.memref_slice %arg2[%dma_wait3A_356, %dma_wait3A_357] : memref<10000x64xf32, #tpu.memory_space<hbm>> -> memref<10000x64xf32, #tpu.memory_space<hbm>>
      tpu.wait_indirect_dma semaphore(%arg23 : memref<!tpu.dma_semaphore, #tpu.memory_space<semaphore_mem>>) src(%dma_wait3A_358 : memref<10000x64xf32, #tpu.memory_space<hbm>>) dst(%arg11 : memref<128x64xf32, #tpu.memory_space<vmem>>)
      %run_scoped3A_359 = arith.constant 3 : i32
      %run_scoped3A_360 = arith.constant 1 : i32
      "tpu.region"() ({
        %run_scoped3A_491 = tpu.sem_alloc : memref<!tpu.dma_semaphore, #tpu.memory_space<semaphore_mem>>
        %dma_start3A_492 = arith.constant 0 : i32
        %dma_start3A_493 = tpu.memref_slice %arg7[%run_scoped3A_359, %run_scoped3A_360, %dma_start3A_492] : memref<8x2x128xi32, #tpu.memory_space<vmem>> -> memref<1x1x128xi32, #tpu.memory_space<vmem>>
        %dma_start3A_494 = tpu.memref_squeeze %dma_start3A_493 : memref<1x1x128xi32, #tpu.memory_space<vmem>> -> memref<128xi32, #tpu.memory_space<vmem>>
        %dma_start3A_495 = arith.constant 0 : i32
        %dma_start3A_496 = arith.constant 0 : i32
        %dma_start3A_497 = tpu.memref_slice %arg6[%dma_start3A_495, %dma_start3A_496] : memref<10240x64xf32, #tpu.memory_space<vmem_shared>> -> memref<10240x64xf32, #tpu.memory_space<vmem_shared>>
        tpu.enqueue_indirect_dma source(%arg11 : memref<128x64xf32, #tpu.memory_space<vmem>>) target(%dma_start3A_497 : memref<10240x64xf32, #tpu.memory_space<vmem_shared>>) offsets(%dma_start3A_494 : memref<128xi32, #tpu.memory_space<vmem>>) semaphore(%run_scoped3A_491 : memref<!tpu.dma_semaphore, #tpu.memory_space<semaphore_mem>>) {add = true}
        %dma_wait3A_498 = arith.constant 0 : i32
        %dma_wait3A_499 = tpu.memref_slice %arg7[%run_scoped3A_359, %run_scoped3A_360, %dma_wait3A_498] : memref<8x2x128xi32, #tpu.memory_space<vmem>> -> memref<1x1x128xi32, #tpu.memory_space<vmem>>
        %dma_wait3A_500 = tpu.memref_squeeze %dma_wait3A_499 : memref<1x1x128xi32, #tpu.memory_space<vmem>> -> memref<128xi32, #tpu.memory_space<vmem>>
        %dma_wait3A_501 = arith.constant 0 : i32
        %dma_wait3A_502 = arith.constant 0 : i32
        %dma_wait3A_503 = tpu.memref_slice %arg6[%dma_wait3A_501, %dma_wait3A_502] : memref<10240x64xf32, #tpu.memory_space<vmem_shared>> -> memref<10240x64xf32, #tpu.memory_space<vmem_shared>>
        tpu.wait_indirect_dma semaphore(%run_scoped3A_491 : memref<!tpu.dma_semaphore, #tpu.memory_space<semaphore_mem>>) src(%arg11 : memref<128x64xf32, #tpu.memory_space<vmem>>) dst(%dma_wait3A_503 : memref<10240x64xf32, #tpu.memory_space<vmem_shared>>)
        tpu.yield
      }) : () -> ()
      %add3A_361 = arith.constant 3 : i32
      %add3A_362 = arith.addi %mul3A_270, %add3A_361 : i32
      %add3A_363 = arith.constant 8 : i32
      %add3A_364 = arith.addi %add3A_362, %add3A_363 : i32
      %lt3A_365 = arith.constant 80 : i32
      %lt3A_366 = arith.cmpi slt, %add3A_364, %lt3A_365 : i32
      %convert_element_type3A_367 = arith.extui %lt3A_366 : i1 to i32
      %cond3A_368 = arith.constant 0 : i32
      %cond3A_369 = arith.cmpi ne, %convert_element_type3A_367, %cond3A_368 : i32
      scf.if %cond3A_369 {
        %add3A_491 = arith.constant 3 : i32
        %add3A_492 = arith.addi %mul3A_270, %add3A_491 : i32
        %add3A_493 = arith.constant 8 : i32
        %add3A_494 = arith.addi %add3A_492, %add3A_493 : i32
        %dma_start3A_495 = arith.constant 3 : i32
        %dma_start3A_496 = arith.constant 0 : i32
        %dma_start3A_497 = arith.constant 0 : i32
        %dma_start3A_498 = tpu.memref_slice %arg7[%dma_start3A_495, %dma_start3A_496, %dma_start3A_497] : memref<8x2x128xi32, #tpu.memory_space<vmem>> -> memref<1x2x128xi32, #tpu.memory_space<vmem>>
        %dma_start3A_499 = tpu.memref_squeeze %dma_start3A_498 : memref<1x2x128xi32, #tpu.memory_space<vmem>> -> memref<2x128xi32, #tpu.memory_space<vmem>>
        %dma_start3A_500 = arith.constant 0 : i32
        %dma_start3A_501 = arith.constant 0 : i32
        %dma_start3A_502 = tpu.memref_slice %arg3[%add3A, %add3A_494, %dma_start3A_500, %dma_start3A_501] : memref<32x80x2x128xi32, #tpu.memory_space<hbm>> -> memref<1x1x2x128xi32, #tpu.memory_space<hbm>>
        %dma_start3A_503 = tpu.memref_squeeze %dma_start3A_502 : memref<1x1x2x128xi32, #tpu.memory_space<hbm>> -> memref<2x128xi32, #tpu.memory_space<hbm>>
        %dma_start3A_504 = arith.constant 0 : i32
        %dma_start3A_505 = arith.constant 0 : i32
        %dma_start3A_506 = tpu.memref_slice %arg7[%dma_start3A_495, %dma_start3A_504, %dma_start3A_505] : memref<8x2x128xi32, #tpu.memory_space<vmem>> -> memref<1x2x128xi32, #tpu.memory_space<vmem>>
        %dma_start3A_507 = tpu.memref_squeeze %dma_start3A_506 : memref<1x2x128xi32, #tpu.memory_space<vmem>> -> memref<2x128xi32, #tpu.memory_space<vmem>>
        %dma_start3A_508 = arith.constant 0 : i32
        %dma_start3A_509 = arith.constant 0 : i32
        %dma_start3A_510 = tpu.memref_slice %arg3[%add3A, %add3A_494, %dma_start3A_508, %dma_start3A_509] : memref<32x80x2x128xi32, #tpu.memory_space<hbm>> -> memref<1x1x2x128xi32, #tpu.memory_space<hbm>>
        %dma_start3A_511 = tpu.memref_squeeze %dma_start3A_510 : memref<1x1x2x128xi32, #tpu.memory_space<hbm>> -> memref<2x128xi32, #tpu.memory_space<hbm>>
        tpu.enqueue_dma source(%dma_start3A_511 : memref<2x128xi32, #tpu.memory_space<hbm>>) target(%dma_start3A_507 : memref<2x128xi32, #tpu.memory_space<vmem>>) target_semaphore(%arg15 : memref<!tpu.dma_semaphore, #tpu.memory_space<semaphore_mem>>)
      } else {
      }
      %add3A_370 = arith.constant 3 : i32
      %add3A_371 = arith.addi %mul3A_270, %add3A_370 : i32
      %add3A_372 = arith.constant 4 : i32
      %add3A_373 = arith.addi %add3A_371, %add3A_372 : i32
      %lt3A_374 = arith.constant 80 : i32
      %lt3A_375 = arith.cmpi slt, %add3A_373, %lt3A_374 : i32
      %convert_element_type3A_376 = arith.extui %lt3A_375 : i1 to i32
      %cond3A_377 = arith.constant 0 : i32
      %cond3A_378 = arith.cmpi ne, %convert_element_type3A_376, %cond3A_377 : i32
      scf.if %cond3A_378 {
        %add3A_491 = arith.constant 3 : i32
        %add3A_492 = arith.addi %mul3A_270, %add3A_491 : i32
        %add3A_493 = arith.constant 4 : i32
        %add3A_494 = arith.addi %add3A_492, %add3A_493 : i32
        %dma_wait3A_495 = arith.constant 7 : i32
        %dma_wait3A_496 = arith.constant 0 : i32
        %dma_wait3A_497 = arith.constant 0 : i32
        %dma_wait3A_498 = tpu.memref_slice %arg7[%dma_wait3A_495, %dma_wait3A_496, %dma_wait3A_497] : memref<8x2x128xi32, #tpu.memory_space<vmem>> -> memref<1x2x128xi32, #tpu.memory_space<vmem>>
        %dma_wait3A_499 = tpu.memref_squeeze %dma_wait3A_498 : memref<1x2x128xi32, #tpu.memory_space<vmem>> -> memref<2x128xi32, #tpu.memory_space<vmem>>
        %dma_wait3A_500 = arith.constant 0 : i32
        %dma_wait3A_501 = arith.constant 0 : i32
        %dma_wait3A_502 = tpu.memref_slice %arg3[%add3A, %add3A_494, %dma_wait3A_500, %dma_wait3A_501] : memref<32x80x2x128xi32, #tpu.memory_space<hbm>> -> memref<1x1x2x128xi32, #tpu.memory_space<hbm>>
        %dma_wait3A_503 = tpu.memref_squeeze %dma_wait3A_502 : memref<1x1x2x128xi32, #tpu.memory_space<hbm>> -> memref<2x128xi32, #tpu.memory_space<hbm>>
        %dma_wait3A_504 = arith.constant 0 : i32
        %dma_wait3A_505 = arith.constant 0 : i32
        %dma_wait3A_506 = tpu.memref_slice %arg7[%dma_wait3A_495, %dma_wait3A_504, %dma_wait3A_505] : memref<8x2x128xi32, #tpu.memory_space<vmem>> -> memref<1x2x128xi32, #tpu.memory_space<vmem>>
        %dma_wait3A_507 = tpu.memref_squeeze %dma_wait3A_506 : memref<1x2x128xi32, #tpu.memory_space<vmem>> -> memref<2x128xi32, #tpu.memory_space<vmem>>
        %dma_wait3A_508 = arith.constant 0 : i32
        %dma_wait3A_509 = arith.constant 0 : i32
        %dma_wait3A_510 = tpu.memref_slice %arg3[%add3A, %add3A_494, %dma_wait3A_508, %dma_wait3A_509] : memref<32x80x2x128xi32, #tpu.memory_space<hbm>> -> memref<1x1x2x128xi32, #tpu.memory_space<hbm>>
        %dma_wait3A_511 = tpu.memref_squeeze %dma_wait3A_510 : memref<1x1x2x128xi32, #tpu.memory_space<hbm>> -> memref<2x128xi32, #tpu.memory_space<hbm>>
        tpu.wait_dma2 semaphore(%arg19 : memref<!tpu.dma_semaphore, #tpu.memory_space<semaphore_mem>>) src(%dma_wait3A_511 : memref<2x128xi32, #tpu.memory_space<hbm>>) dst(%dma_wait3A_507 : memref<2x128xi32, #tpu.memory_space<vmem>>)
        %dma_start3A_512 = arith.constant 7 : i32
        %dma_start3A_513 = arith.constant 0 : i32
        %dma_start3A_514 = arith.constant 0 : i32
        %dma_start3A_515 = tpu.memref_slice %arg7[%dma_start3A_512, %dma_start3A_513, %dma_start3A_514] : memref<8x2x128xi32, #tpu.memory_space<vmem>> -> memref<1x1x128xi32, #tpu.memory_space<vmem>>
        %dma_start3A_516 = tpu.memref_squeeze %dma_start3A_515 : memref<1x1x128xi32, #tpu.memory_space<vmem>> -> memref<128xi32, #tpu.memory_space<vmem>>
        %dma_start3A_517 = arith.constant 0 : i32
        %dma_start3A_518 = arith.constant 0 : i32
        %dma_start3A_519 = tpu.memref_slice %arg2[%dma_start3A_517, %dma_start3A_518] : memref<10000x64xf32, #tpu.memory_space<hbm>> -> memref<10000x64xf32, #tpu.memory_space<hbm>>
        tpu.enqueue_indirect_dma source(%dma_start3A_519 : memref<10000x64xf32, #tpu.memory_space<hbm>>) target(%arg11 : memref<128x64xf32, #tpu.memory_space<vmem>>) offsets(%dma_start3A_516 : memref<128xi32, #tpu.memory_space<vmem>>) semaphore(%arg23 : memref<!tpu.dma_semaphore, #tpu.memory_space<semaphore_mem>>)
      } else {
      }
      %dma_wait3A_379 = arith.constant 4 : i32
      %dma_wait3A_380 = arith.constant 0 : i32
      %dma_wait3A_381 = arith.constant 0 : i32
      %dma_wait3A_382 = tpu.memref_slice %arg7[%dma_wait3A_379, %dma_wait3A_380, %dma_wait3A_381] : memref<8x2x128xi32, #tpu.memory_space<vmem>> -> memref<1x1x128xi32, #tpu.memory_space<vmem>>
      %dma_wait3A_383 = tpu.memref_squeeze %dma_wait3A_382 : memref<1x1x128xi32, #tpu.memory_space<vmem>> -> memref<128xi32, #tpu.memory_space<vmem>>
      %dma_wait3A_384 = arith.constant 0 : i32
      %dma_wait3A_385 = arith.constant 0 : i32
      %dma_wait3A_386 = tpu.memref_slice %arg2[%dma_wait3A_384, %dma_wait3A_385] : memref<10000x64xf32, #tpu.memory_space<hbm>> -> memref<10000x64xf32, #tpu.memory_space<hbm>>
      tpu.wait_indirect_dma semaphore(%arg20 : memref<!tpu.dma_semaphore, #tpu.memory_space<semaphore_mem>>) src(%dma_wait3A_386 : memref<10000x64xf32, #tpu.memory_space<hbm>>) dst(%arg8 : memref<128x64xf32, #tpu.memory_space<vmem>>)
      %run_scoped3A_387 = arith.constant 4 : i32
      %run_scoped3A_388 = arith.constant 1 : i32
      "tpu.region"() ({
        %run_scoped3A_491 = tpu.sem_alloc : memref<!tpu.dma_semaphore, #tpu.memory_space<semaphore_mem>>
        %dma_start3A_492 = arith.constant 0 : i32
        %dma_start3A_493 = tpu.memref_slice %arg7[%run_scoped3A_387, %run_scoped3A_388, %dma_start3A_492] : memref<8x2x128xi32, #tpu.memory_space<vmem>> -> memref<1x1x128xi32, #tpu.memory_space<vmem>>
        %dma_start3A_494 = tpu.memref_squeeze %dma_start3A_493 : memref<1x1x128xi32, #tpu.memory_space<vmem>> -> memref<128xi32, #tpu.memory_space<vmem>>
        %dma_start3A_495 = arith.constant 0 : i32
        %dma_start3A_496 = arith.constant 0 : i32
        %dma_start3A_497 = tpu.memref_slice %arg6[%dma_start3A_495, %dma_start3A_496] : memref<10240x64xf32, #tpu.memory_space<vmem_shared>> -> memref<10240x64xf32, #tpu.memory_space<vmem_shared>>
        tpu.enqueue_indirect_dma source(%arg8 : memref<128x64xf32, #tpu.memory_space<vmem>>) target(%dma_start3A_497 : memref<10240x64xf32, #tpu.memory_space<vmem_shared>>) offsets(%dma_start3A_494 : memref<128xi32, #tpu.memory_space<vmem>>) semaphore(%run_scoped3A_491 : memref<!tpu.dma_semaphore, #tpu.memory_space<semaphore_mem>>) {add = true}
        %dma_wait3A_498 = arith.constant 0 : i32
        %dma_wait3A_499 = tpu.memref_slice %arg7[%run_scoped3A_387, %run_scoped3A_388, %dma_wait3A_498] : memref<8x2x128xi32, #tpu.memory_space<vmem>> -> memref<1x1x128xi32, #tpu.memory_space<vmem>>
        %dma_wait3A_500 = tpu.memref_squeeze %dma_wait3A_499 : memref<1x1x128xi32, #tpu.memory_space<vmem>> -> memref<128xi32, #tpu.memory_space<vmem>>
        %dma_wait3A_501 = arith.constant 0 : i32
        %dma_wait3A_502 = arith.constant 0 : i32
        %dma_wait3A_503 = tpu.memref_slice %arg6[%dma_wait3A_501, %dma_wait3A_502] : memref<10240x64xf32, #tpu.memory_space<vmem_shared>> -> memref<10240x64xf32, #tpu.memory_space<vmem_shared>>
        tpu.wait_indirect_dma semaphore(%run_scoped3A_491 : memref<!tpu.dma_semaphore, #tpu.memory_space<semaphore_mem>>) src(%arg8 : memref<128x64xf32, #tpu.memory_space<vmem>>) dst(%dma_wait3A_503 : memref<10240x64xf32, #tpu.memory_space<vmem_shared>>)
        tpu.yield
      }) : () -> ()
      %add3A_389 = arith.constant 4 : i32
      %add3A_390 = arith.addi %mul3A_270, %add3A_389 : i32
      %add3A_391 = arith.constant 8 : i32
      %add3A_392 = arith.addi %add3A_390, %add3A_391 : i32
      %lt3A_393 = arith.constant 80 : i32
      %lt3A_394 = arith.cmpi slt, %add3A_392, %lt3A_393 : i32
      %convert_element_type3A_395 = arith.extui %lt3A_394 : i1 to i32
      %cond3A_396 = arith.constant 0 : i32
      %cond3A_397 = arith.cmpi ne, %convert_element_type3A_395, %cond3A_396 : i32
      scf.if %cond3A_397 {
        %add3A_491 = arith.constant 4 : i32
        %add3A_492 = arith.addi %mul3A_270, %add3A_491 : i32
        %add3A_493 = arith.constant 8 : i32
        %add3A_494 = arith.addi %add3A_492, %add3A_493 : i32
        %dma_start3A_495 = arith.constant 4 : i32
        %dma_start3A_496 = arith.constant 0 : i32
        %dma_start3A_497 = arith.constant 0 : i32
        %dma_start3A_498 = tpu.memref_slice %arg7[%dma_start3A_495, %dma_start3A_496, %dma_start3A_497] : memref<8x2x128xi32, #tpu.memory_space<vmem>> -> memref<1x2x128xi32, #tpu.memory_space<vmem>>
        %dma_start3A_499 = tpu.memref_squeeze %dma_start3A_498 : memref<1x2x128xi32, #tpu.memory_space<vmem>> -> memref<2x128xi32, #tpu.memory_space<vmem>>
        %dma_start3A_500 = arith.constant 0 : i32
        %dma_start3A_501 = arith.constant 0 : i32
        %dma_start3A_502 = tpu.memref_slice %arg3[%add3A, %add3A_494, %dma_start3A_500, %dma_start3A_501] : memref<32x80x2x128xi32, #tpu.memory_space<hbm>> -> memref<1x1x2x128xi32, #tpu.memory_space<hbm>>
        %dma_start3A_503 = tpu.memref_squeeze %dma_start3A_502 : memref<1x1x2x128xi32, #tpu.memory_space<hbm>> -> memref<2x128xi32, #tpu.memory_space<hbm>>
        %dma_start3A_504 = arith.constant 0 : i32
        %dma_start3A_505 = arith.constant 0 : i32
        %dma_start3A_506 = tpu.memref_slice %arg7[%dma_start3A_495, %dma_start3A_504, %dma_start3A_505] : memref<8x2x128xi32, #tpu.memory_space<vmem>> -> memref<1x2x128xi32, #tpu.memory_space<vmem>>
        %dma_start3A_507 = tpu.memref_squeeze %dma_start3A_506 : memref<1x2x128xi32, #tpu.memory_space<vmem>> -> memref<2x128xi32, #tpu.memory_space<vmem>>
        %dma_start3A_508 = arith.constant 0 : i32
        %dma_start3A_509 = arith.constant 0 : i32
        %dma_start3A_510 = tpu.memref_slice %arg3[%add3A, %add3A_494, %dma_start3A_508, %dma_start3A_509] : memref<32x80x2x128xi32, #tpu.memory_space<hbm>> -> memref<1x1x2x128xi32, #tpu.memory_space<hbm>>
        %dma_start3A_511 = tpu.memref_squeeze %dma_start3A_510 : memref<1x1x2x128xi32, #tpu.memory_space<hbm>> -> memref<2x128xi32, #tpu.memory_space<hbm>>
        tpu.enqueue_dma source(%dma_start3A_511 : memref<2x128xi32, #tpu.memory_space<hbm>>) target(%dma_start3A_507 : memref<2x128xi32, #tpu.memory_space<vmem>>) target_semaphore(%arg16 : memref<!tpu.dma_semaphore, #tpu.memory_space<semaphore_mem>>)
      } else {
      }
      %add3A_398 = arith.constant 4 : i32
      %add3A_399 = arith.addi %mul3A_270, %add3A_398 : i32
      %add3A_400 = arith.constant 4 : i32
      %add3A_401 = arith.addi %add3A_399, %add3A_400 : i32
      %lt3A_402 = arith.constant 80 : i32
      %lt3A_403 = arith.cmpi slt, %add3A_401, %lt3A_402 : i32
      %convert_element_type3A_404 = arith.extui %lt3A_403 : i1 to i32
      %cond3A_405 = arith.constant 0 : i32
      %cond3A_406 = arith.cmpi ne, %convert_element_type3A_404, %cond3A_405 : i32
      scf.if %cond3A_406 {
        %add3A_491 = arith.constant 4 : i32
        %add3A_492 = arith.addi %mul3A_270, %add3A_491 : i32
        %add3A_493 = arith.constant 4 : i32
        %add3A_494 = arith.addi %add3A_492, %add3A_493 : i32
        %dma_wait3A_495 = arith.constant 0 : i32
        %dma_wait3A_496 = arith.constant 0 : i32
        %dma_wait3A_497 = arith.constant 0 : i32
        %dma_wait3A_498 = tpu.memref_slice %arg7[%dma_wait3A_495, %dma_wait3A_496, %dma_wait3A_497] : memref<8x2x128xi32, #tpu.memory_space<vmem>> -> memref<1x2x128xi32, #tpu.memory_space<vmem>>
        %dma_wait3A_499 = tpu.memref_squeeze %dma_wait3A_498 : memref<1x2x128xi32, #tpu.memory_space<vmem>> -> memref<2x128xi32, #tpu.memory_space<vmem>>
        %dma_wait3A_500 = arith.constant 0 : i32
        %dma_wait3A_501 = arith.constant 0 : i32
        %dma_wait3A_502 = tpu.memref_slice %arg3[%add3A, %add3A_494, %dma_wait3A_500, %dma_wait3A_501] : memref<32x80x2x128xi32, #tpu.memory_space<hbm>> -> memref<1x1x2x128xi32, #tpu.memory_space<hbm>>
        %dma_wait3A_503 = tpu.memref_squeeze %dma_wait3A_502 : memref<1x1x2x128xi32, #tpu.memory_space<hbm>> -> memref<2x128xi32, #tpu.memory_space<hbm>>
        %dma_wait3A_504 = arith.constant 0 : i32
        %dma_wait3A_505 = arith.constant 0 : i32
        %dma_wait3A_506 = tpu.memref_slice %arg7[%dma_wait3A_495, %dma_wait3A_504, %dma_wait3A_505] : memref<8x2x128xi32, #tpu.memory_space<vmem>> -> memref<1x2x128xi32, #tpu.memory_space<vmem>>
        %dma_wait3A_507 = tpu.memref_squeeze %dma_wait3A_506 : memref<1x2x128xi32, #tpu.memory_space<vmem>> -> memref<2x128xi32, #tpu.memory_space<vmem>>
        %dma_wait3A_508 = arith.constant 0 : i32
        %dma_wait3A_509 = arith.constant 0 : i32
        %dma_wait3A_510 = tpu.memref_slice %arg3[%add3A, %add3A_494, %dma_wait3A_508, %dma_wait3A_509] : memref<32x80x2x128xi32, #tpu.memory_space<hbm>> -> memref<1x1x2x128xi32, #tpu.memory_space<hbm>>
        %dma_wait3A_511 = tpu.memref_squeeze %dma_wait3A_510 : memref<1x1x2x128xi32, #tpu.memory_space<hbm>> -> memref<2x128xi32, #tpu.memory_space<hbm>>
        tpu.wait_dma2 semaphore(%arg12 : memref<!tpu.dma_semaphore, #tpu.memory_space<semaphore_mem>>) src(%dma_wait3A_511 : memref<2x128xi32, #tpu.memory_space<hbm>>) dst(%dma_wait3A_507 : memref<2x128xi32, #tpu.memory_space<vmem>>)
        %dma_start3A_512 = arith.constant 0 : i32
        %dma_start3A_513 = arith.constant 0 : i32
        %dma_start3A_514 = arith.constant 0 : i32
        %dma_start3A_515 = tpu.memref_slice %arg7[%dma_start3A_512, %dma_start3A_513, %dma_start3A_514] : memref<8x2x128xi32, #tpu.memory_space<vmem>> -> memref<1x1x128xi32, #tpu.memory_space<vmem>>
        %dma_start3A_516 = tpu.memref_squeeze %dma_start3A_515 : memref<1x1x128xi32, #tpu.memory_space<vmem>> -> memref<128xi32, #tpu.memory_space<vmem>>
        %dma_start3A_517 = arith.constant 0 : i32
        %dma_start3A_518 = arith.constant 0 : i32
        %dma_start3A_519 = tpu.memref_slice %arg2[%dma_start3A_517, %dma_start3A_518] : memref<10000x64xf32, #tpu.memory_space<hbm>> -> memref<10000x64xf32, #tpu.memory_space<hbm>>
        tpu.enqueue_indirect_dma source(%dma_start3A_519 : memref<10000x64xf32, #tpu.memory_space<hbm>>) target(%arg8 : memref<128x64xf32, #tpu.memory_space<vmem>>) offsets(%dma_start3A_516 : memref<128xi32, #tpu.memory_space<vmem>>) semaphore(%arg20 : memref<!tpu.dma_semaphore, #tpu.memory_space<semaphore_mem>>)
      } else {
      }
      %dma_wait3A_407 = arith.constant 5 : i32
      %dma_wait3A_408 = arith.constant 0 : i32
      %dma_wait3A_409 = arith.constant 0 : i32
      %dma_wait3A_410 = tpu.memref_slice %arg7[%dma_wait3A_407, %dma_wait3A_408, %dma_wait3A_409] : memref<8x2x128xi32, #tpu.memory_space<vmem>> -> memref<1x1x128xi32, #tpu.memory_space<vmem>>
      %dma_wait3A_411 = tpu.memref_squeeze %dma_wait3A_410 : memref<1x1x128xi32, #tpu.memory_space<vmem>> -> memref<128xi32, #tpu.memory_space<vmem>>
      %dma_wait3A_412 = arith.constant 0 : i32
      %dma_wait3A_413 = arith.constant 0 : i32
      %dma_wait3A_414 = tpu.memref_slice %arg2[%dma_wait3A_412, %dma_wait3A_413] : memref<10000x64xf32, #tpu.memory_space<hbm>> -> memref<10000x64xf32, #tpu.memory_space<hbm>>
      tpu.wait_indirect_dma semaphore(%arg21 : memref<!tpu.dma_semaphore, #tpu.memory_space<semaphore_mem>>) src(%dma_wait3A_414 : memref<10000x64xf32, #tpu.memory_space<hbm>>) dst(%arg9 : memref<128x64xf32, #tpu.memory_space<vmem>>)
      %run_scoped3A_415 = arith.constant 5 : i32
      %run_scoped3A_416 = arith.constant 1 : i32
      "tpu.region"() ({
        %run_scoped3A_491 = tpu.sem_alloc : memref<!tpu.dma_semaphore, #tpu.memory_space<semaphore_mem>>
        %dma_start3A_492 = arith.constant 0 : i32
        %dma_start3A_493 = tpu.memref_slice %arg7[%run_scoped3A_415, %run_scoped3A_416, %dma_start3A_492] : memref<8x2x128xi32, #tpu.memory_space<vmem>> -> memref<1x1x128xi32, #tpu.memory_space<vmem>>
        %dma_start3A_494 = tpu.memref_squeeze %dma_start3A_493 : memref<1x1x128xi32, #tpu.memory_space<vmem>> -> memref<128xi32, #tpu.memory_space<vmem>>
        %dma_start3A_495 = arith.constant 0 : i32
        %dma_start3A_496 = arith.constant 0 : i32
        %dma_start3A_497 = tpu.memref_slice %arg6[%dma_start3A_495, %dma_start3A_496] : memref<10240x64xf32, #tpu.memory_space<vmem_shared>> -> memref<10240x64xf32, #tpu.memory_space<vmem_shared>>
        tpu.enqueue_indirect_dma source(%arg9 : memref<128x64xf32, #tpu.memory_space<vmem>>) target(%dma_start3A_497 : memref<10240x64xf32, #tpu.memory_space<vmem_shared>>) offsets(%dma_start3A_494 : memref<128xi32, #tpu.memory_space<vmem>>) semaphore(%run_scoped3A_491 : memref<!tpu.dma_semaphore, #tpu.memory_space<semaphore_mem>>) {add = true}
        %dma_wait3A_498 = arith.constant 0 : i32
        %dma_wait3A_499 = tpu.memref_slice %arg7[%run_scoped3A_415, %run_scoped3A_416, %dma_wait3A_498] : memref<8x2x128xi32, #tpu.memory_space<vmem>> -> memref<1x1x128xi32, #tpu.memory_space<vmem>>
        %dma_wait3A_500 = tpu.memref_squeeze %dma_wait3A_499 : memref<1x1x128xi32, #tpu.memory_space<vmem>> -> memref<128xi32, #tpu.memory_space<vmem>>
        %dma_wait3A_501 = arith.constant 0 : i32
        %dma_wait3A_502 = arith.constant 0 : i32
        %dma_wait3A_503 = tpu.memref_slice %arg6[%dma_wait3A_501, %dma_wait3A_502] : memref<10240x64xf32, #tpu.memory_space<vmem_shared>> -> memref<10240x64xf32, #tpu.memory_space<vmem_shared>>
        tpu.wait_indirect_dma semaphore(%run_scoped3A_491 : memref<!tpu.dma_semaphore, #tpu.memory_space<semaphore_mem>>) src(%arg9 : memref<128x64xf32, #tpu.memory_space<vmem>>) dst(%dma_wait3A_503 : memref<10240x64xf32, #tpu.memory_space<vmem_shared>>)
        tpu.yield
      }) : () -> ()
      %add3A_417 = arith.constant 5 : i32
      %add3A_418 = arith.addi %mul3A_270, %add3A_417 : i32
      %add3A_419 = arith.constant 8 : i32
      %add3A_420 = arith.addi %add3A_418, %add3A_419 : i32
      %lt3A_421 = arith.constant 80 : i32
      %lt3A_422 = arith.cmpi slt, %add3A_420, %lt3A_421 : i32
      %convert_element_type3A_423 = arith.extui %lt3A_422 : i1 to i32
      %cond3A_424 = arith.constant 0 : i32
      %cond3A_425 = arith.cmpi ne, %convert_element_type3A_423, %cond3A_424 : i32
      scf.if %cond3A_425 {
        %add3A_491 = arith.constant 5 : i32
        %add3A_492 = arith.addi %mul3A_270, %add3A_491 : i32
        %add3A_493 = arith.constant 8 : i32
        %add3A_494 = arith.addi %add3A_492, %add3A_493 : i32
        %dma_start3A_495 = arith.constant 5 : i32
        %dma_start3A_496 = arith.constant 0 : i32
        %dma_start3A_497 = arith.constant 0 : i32
        %dma_start3A_498 = tpu.memref_slice %arg7[%dma_start3A_495, %dma_start3A_496, %dma_start3A_497] : memref<8x2x128xi32, #tpu.memory_space<vmem>> -> memref<1x2x128xi32, #tpu.memory_space<vmem>>
        %dma_start3A_499 = tpu.memref_squeeze %dma_start3A_498 : memref<1x2x128xi32, #tpu.memory_space<vmem>> -> memref<2x128xi32, #tpu.memory_space<vmem>>
        %dma_start3A_500 = arith.constant 0 : i32
        %dma_start3A_501 = arith.constant 0 : i32
        %dma_start3A_502 = tpu.memref_slice %arg3[%add3A, %add3A_494, %dma_start3A_500, %dma_start3A_501] : memref<32x80x2x128xi32, #tpu.memory_space<hbm>> -> memref<1x1x2x128xi32, #tpu.memory_space<hbm>>
        %dma_start3A_503 = tpu.memref_squeeze %dma_start3A_502 : memref<1x1x2x128xi32, #tpu.memory_space<hbm>> -> memref<2x128xi32, #tpu.memory_space<hbm>>
        %dma_start3A_504 = arith.constant 0 : i32
        %dma_start3A_505 = arith.constant 0 : i32
        %dma_start3A_506 = tpu.memref_slice %arg7[%dma_start3A_495, %dma_start3A_504, %dma_start3A_505] : memref<8x2x128xi32, #tpu.memory_space<vmem>> -> memref<1x2x128xi32, #tpu.memory_space<vmem>>
        %dma_start3A_507 = tpu.memref_squeeze %dma_start3A_506 : memref<1x2x128xi32, #tpu.memory_space<vmem>> -> memref<2x128xi32, #tpu.memory_space<vmem>>
        %dma_start3A_508 = arith.constant 0 : i32
        %dma_start3A_509 = arith.constant 0 : i32
        %dma_start3A_510 = tpu.memref_slice %arg3[%add3A, %add3A_494, %dma_start3A_508, %dma_start3A_509] : memref<32x80x2x128xi32, #tpu.memory_space<hbm>> -> memref<1x1x2x128xi32, #tpu.memory_space<hbm>>
        %dma_start3A_511 = tpu.memref_squeeze %dma_start3A_510 : memref<1x1x2x128xi32, #tpu.memory_space<hbm>> -> memref<2x128xi32, #tpu.memory_space<hbm>>
        tpu.enqueue_dma source(%dma_start3A_511 : memref<2x128xi32, #tpu.memory_space<hbm>>) target(%dma_start3A_507 : memref<2x128xi32, #tpu.memory_space<vmem>>) target_semaphore(%arg17 : memref<!tpu.dma_semaphore, #tpu.memory_space<semaphore_mem>>)
      } else {
      }
      %add3A_426 = arith.constant 5 : i32
      %add3A_427 = arith.addi %mul3A_270, %add3A_426 : i32
      %add3A_428 = arith.constant 4 : i32
      %add3A_429 = arith.addi %add3A_427, %add3A_428 : i32
      %lt3A_430 = arith.constant 80 : i32
      %lt3A_431 = arith.cmpi slt, %add3A_429, %lt3A_430 : i32
      %convert_element_type3A_432 = arith.extui %lt3A_431 : i1 to i32
      %cond3A_433 = arith.constant 0 : i32
      %cond3A_434 = arith.cmpi ne, %convert_element_type3A_432, %cond3A_433 : i32
      scf.if %cond3A_434 {
        %add3A_491 = arith.constant 5 : i32
        %add3A_492 = arith.addi %mul3A_270, %add3A_491 : i32
        %add3A_493 = arith.constant 4 : i32
        %add3A_494 = arith.addi %add3A_492, %add3A_493 : i32
        %dma_wait3A_495 = arith.constant 1 : i32
        %dma_wait3A_496 = arith.constant 0 : i32
        %dma_wait3A_497 = arith.constant 0 : i32
        %dma_wait3A_498 = tpu.memref_slice %arg7[%dma_wait3A_495, %dma_wait3A_496, %dma_wait3A_497] : memref<8x2x128xi32, #tpu.memory_space<vmem>> -> memref<1x2x128xi32, #tpu.memory_space<vmem>>
        %dma_wait3A_499 = tpu.memref_squeeze %dma_wait3A_498 : memref<1x2x128xi32, #tpu.memory_space<vmem>> -> memref<2x128xi32, #tpu.memory_space<vmem>>
        %dma_wait3A_500 = arith.constant 0 : i32
        %dma_wait3A_501 = arith.constant 0 : i32
        %dma_wait3A_502 = tpu.memref_slice %arg3[%add3A, %add3A_494, %dma_wait3A_500, %dma_wait3A_501] : memref<32x80x2x128xi32, #tpu.memory_space<hbm>> -> memref<1x1x2x128xi32, #tpu.memory_space<hbm>>
        %dma_wait3A_503 = tpu.memref_squeeze %dma_wait3A_502 : memref<1x1x2x128xi32, #tpu.memory_space<hbm>> -> memref<2x128xi32, #tpu.memory_space<hbm>>
        %dma_wait3A_504 = arith.constant 0 : i32
        %dma_wait3A_505 = arith.constant 0 : i32
        %dma_wait3A_506 = tpu.memref_slice %arg7[%dma_wait3A_495, %dma_wait3A_504, %dma_wait3A_505] : memref<8x2x128xi32, #tpu.memory_space<vmem>> -> memref<1x2x128xi32, #tpu.memory_space<vmem>>
        %dma_wait3A_507 = tpu.memref_squeeze %dma_wait3A_506 : memref<1x2x128xi32, #tpu.memory_space<vmem>> -> memref<2x128xi32, #tpu.memory_space<vmem>>
        %dma_wait3A_508 = arith.constant 0 : i32
        %dma_wait3A_509 = arith.constant 0 : i32
        %dma_wait3A_510 = tpu.memref_slice %arg3[%add3A, %add3A_494, %dma_wait3A_508, %dma_wait3A_509] : memref<32x80x2x128xi32, #tpu.memory_space<hbm>> -> memref<1x1x2x128xi32, #tpu.memory_space<hbm>>
        %dma_wait3A_511 = tpu.memref_squeeze %dma_wait3A_510 : memref<1x1x2x128xi32, #tpu.memory_space<hbm>> -> memref<2x128xi32, #tpu.memory_space<hbm>>
        tpu.wait_dma2 semaphore(%arg13 : memref<!tpu.dma_semaphore, #tpu.memory_space<semaphore_mem>>) src(%dma_wait3A_511 : memref<2x128xi32, #tpu.memory_space<hbm>>) dst(%dma_wait3A_507 : memref<2x128xi32, #tpu.memory_space<vmem>>)
        %dma_start3A_512 = arith.constant 1 : i32
        %dma_start3A_513 = arith.constant 0 : i32
        %dma_start3A_514 = arith.constant 0 : i32
        %dma_start3A_515 = tpu.memref_slice %arg7[%dma_start3A_512, %dma_start3A_513, %dma_start3A_514] : memref<8x2x128xi32, #tpu.memory_space<vmem>> -> memref<1x1x128xi32, #tpu.memory_space<vmem>>
        %dma_start3A_516 = tpu.memref_squeeze %dma_start3A_515 : memref<1x1x128xi32, #tpu.memory_space<vmem>> -> memref<128xi32, #tpu.memory_space<vmem>>
        %dma_start3A_517 = arith.constant 0 : i32
        %dma_start3A_518 = arith.constant 0 : i32
        %dma_start3A_519 = tpu.memref_slice %arg2[%dma_start3A_517, %dma_start3A_518] : memref<10000x64xf32, #tpu.memory_space<hbm>> -> memref<10000x64xf32, #tpu.memory_space<hbm>>
        tpu.enqueue_indirect_dma source(%dma_start3A_519 : memref<10000x64xf32, #tpu.memory_space<hbm>>) target(%arg9 : memref<128x64xf32, #tpu.memory_space<vmem>>) offsets(%dma_start3A_516 : memref<128xi32, #tpu.memory_space<vmem>>) semaphore(%arg21 : memref<!tpu.dma_semaphore, #tpu.memory_space<semaphore_mem>>)
      } else {
      }
      %dma_wait3A_435 = arith.constant 6 : i32
      %dma_wait3A_436 = arith.constant 0 : i32
      %dma_wait3A_437 = arith.constant 0 : i32
      %dma_wait3A_438 = tpu.memref_slice %arg7[%dma_wait3A_435, %dma_wait3A_436, %dma_wait3A_437] : memref<8x2x128xi32, #tpu.memory_space<vmem>> -> memref<1x1x128xi32, #tpu.memory_space<vmem>>
      %dma_wait3A_439 = tpu.memref_squeeze %dma_wait3A_438 : memref<1x1x128xi32, #tpu.memory_space<vmem>> -> memref<128xi32, #tpu.memory_space<vmem>>
      %dma_wait3A_440 = arith.constant 0 : i32
      %dma_wait3A_441 = arith.constant 0 : i32
      %dma_wait3A_442 = tpu.memref_slice %arg2[%dma_wait3A_440, %dma_wait3A_441] : memref<10000x64xf32, #tpu.memory_space<hbm>> -> memref<10000x64xf32, #tpu.memory_space<hbm>>
      tpu.wait_indirect_dma semaphore(%arg22 : memref<!tpu.dma_semaphore, #tpu.memory_space<semaphore_mem>>) src(%dma_wait3A_442 : memref<10000x64xf32, #tpu.memory_space<hbm>>) dst(%arg10 : memref<128x64xf32, #tpu.memory_space<vmem>>)
      %run_scoped3A_443 = arith.constant 6 : i32
      %run_scoped3A_444 = arith.constant 1 : i32
      "tpu.region"() ({
        %run_scoped3A_491 = tpu.sem_alloc : memref<!tpu.dma_semaphore, #tpu.memory_space<semaphore_mem>>
        %dma_start3A_492 = arith.constant 0 : i32
        %dma_start3A_493 = tpu.memref_slice %arg7[%run_scoped3A_443, %run_scoped3A_444, %dma_start3A_492] : memref<8x2x128xi32, #tpu.memory_space<vmem>> -> memref<1x1x128xi32, #tpu.memory_space<vmem>>
        %dma_start3A_494 = tpu.memref_squeeze %dma_start3A_493 : memref<1x1x128xi32, #tpu.memory_space<vmem>> -> memref<128xi32, #tpu.memory_space<vmem>>
        %dma_start3A_495 = arith.constant 0 : i32
        %dma_start3A_496 = arith.constant 0 : i32
        %dma_start3A_497 = tpu.memref_slice %arg6[%dma_start3A_495, %dma_start3A_496] : memref<10240x64xf32, #tpu.memory_space<vmem_shared>> -> memref<10240x64xf32, #tpu.memory_space<vmem_shared>>
        tpu.enqueue_indirect_dma source(%arg10 : memref<128x64xf32, #tpu.memory_space<vmem>>) target(%dma_start3A_497 : memref<10240x64xf32, #tpu.memory_space<vmem_shared>>) offsets(%dma_start3A_494 : memref<128xi32, #tpu.memory_space<vmem>>) semaphore(%run_scoped3A_491 : memref<!tpu.dma_semaphore, #tpu.memory_space<semaphore_mem>>) {add = true}
        %dma_wait3A_498 = arith.constant 0 : i32
        %dma_wait3A_499 = tpu.memref_slice %arg7[%run_scoped3A_443, %run_scoped3A_444, %dma_wait3A_498] : memref<8x2x128xi32, #tpu.memory_space<vmem>> -> memref<1x1x128xi32, #tpu.memory_space<vmem>>
        %dma_wait3A_500 = tpu.memref_squeeze %dma_wait3A_499 : memref<1x1x128xi32, #tpu.memory_space<vmem>> -> memref<128xi32, #tpu.memory_space<vmem>>
        %dma_wait3A_501 = arith.constant 0 : i32
        %dma_wait3A_502 = arith.constant 0 : i32
        %dma_wait3A_503 = tpu.memref_slice %arg6[%dma_wait3A_501, %dma_wait3A_502] : memref<10240x64xf32, #tpu.memory_space<vmem_shared>> -> memref<10240x64xf32, #tpu.memory_space<vmem_shared>>
        tpu.wait_indirect_dma semaphore(%run_scoped3A_491 : memref<!tpu.dma_semaphore, #tpu.memory_space<semaphore_mem>>) src(%arg10 : memref<128x64xf32, #tpu.memory_space<vmem>>) dst(%dma_wait3A_503 : memref<10240x64xf32, #tpu.memory_space<vmem_shared>>)
        tpu.yield
      }) : () -> ()
      %add3A_445 = arith.constant 6 : i32
      %add3A_446 = arith.addi %mul3A_270, %add3A_445 : i32
      %add3A_447 = arith.constant 8 : i32
      %add3A_448 = arith.addi %add3A_446, %add3A_447 : i32
      %lt3A_449 = arith.constant 80 : i32
      %lt3A_450 = arith.cmpi slt, %add3A_448, %lt3A_449 : i32
      %convert_element_type3A_451 = arith.extui %lt3A_450 : i1 to i32
      %cond3A_452 = arith.constant 0 : i32
      %cond3A_453 = arith.cmpi ne, %convert_element_type3A_451, %cond3A_452 : i32
      scf.if %cond3A_453 {
        %add3A_491 = arith.constant 6 : i32
        %add3A_492 = arith.addi %mul3A_270, %add3A_491 : i32
        %add3A_493 = arith.constant 8 : i32
        %add3A_494 = arith.addi %add3A_492, %add3A_493 : i32
        %dma_start3A_495 = arith.constant 6 : i32
        %dma_start3A_496 = arith.constant 0 : i32
        %dma_start3A_497 = arith.constant 0 : i32
        %dma_start3A_498 = tpu.memref_slice %arg7[%dma_start3A_495, %dma_start3A_496, %dma_start3A_497] : memref<8x2x128xi32, #tpu.memory_space<vmem>> -> memref<1x2x128xi32, #tpu.memory_space<vmem>>
        %dma_start3A_499 = tpu.memref_squeeze %dma_start3A_498 : memref<1x2x128xi32, #tpu.memory_space<vmem>> -> memref<2x128xi32, #tpu.memory_space<vmem>>
        %dma_start3A_500 = arith.constant 0 : i32
        %dma_start3A_501 = arith.constant 0 : i32
        %dma_start3A_502 = tpu.memref_slice %arg3[%add3A, %add3A_494, %dma_start3A_500, %dma_start3A_501] : memref<32x80x2x128xi32, #tpu.memory_space<hbm>> -> memref<1x1x2x128xi32, #tpu.memory_space<hbm>>
        %dma_start3A_503 = tpu.memref_squeeze %dma_start3A_502 : memref<1x1x2x128xi32, #tpu.memory_space<hbm>> -> memref<2x128xi32, #tpu.memory_space<hbm>>
        %dma_start3A_504 = arith.constant 0 : i32
        %dma_start3A_505 = arith.constant 0 : i32
        %dma_start3A_506 = tpu.memref_slice %arg7[%dma_start3A_495, %dma_start3A_504, %dma_start3A_505] : memref<8x2x128xi32, #tpu.memory_space<vmem>> -> memref<1x2x128xi32, #tpu.memory_space<vmem>>
        %dma_start3A_507 = tpu.memref_squeeze %dma_start3A_506 : memref<1x2x128xi32, #tpu.memory_space<vmem>> -> memref<2x128xi32, #tpu.memory_space<vmem>>
        %dma_start3A_508 = arith.constant 0 : i32
        %dma_start3A_509 = arith.constant 0 : i32
        %dma_start3A_510 = tpu.memref_slice %arg3[%add3A, %add3A_494, %dma_start3A_508, %dma_start3A_509] : memref<32x80x2x128xi32, #tpu.memory_space<hbm>> -> memref<1x1x2x128xi32, #tpu.memory_space<hbm>>
        %dma_start3A_511 = tpu.memref_squeeze %dma_start3A_510 : memref<1x1x2x128xi32, #tpu.memory_space<hbm>> -> memref<2x128xi32, #tpu.memory_space<hbm>>
        tpu.enqueue_dma source(%dma_start3A_511 : memref<2x128xi32, #tpu.memory_space<hbm>>) target(%dma_start3A_507 : memref<2x128xi32, #tpu.memory_space<vmem>>) target_semaphore(%arg18 : memref<!tpu.dma_semaphore, #tpu.memory_space<semaphore_mem>>)
      } else {
      }
      %add3A_454 = arith.constant 6 : i32
      %add3A_455 = arith.addi %mul3A_270, %add3A_454 : i32
      %add3A_456 = arith.constant 4 : i32
      %add3A_457 = arith.addi %add3A_455, %add3A_456 : i32
      %lt3A_458 = arith.constant 80 : i32
      %lt3A_459 = arith.cmpi slt, %add3A_457, %lt3A_458 : i32
      %convert_element_type3A_460 = arith.extui %lt3A_459 : i1 to i32
      %cond3A_461 = arith.constant 0 : i32
      %cond3A_462 = arith.cmpi ne, %convert_element_type3A_460, %cond3A_461 : i32
      scf.if %cond3A_462 {
        %add3A_491 = arith.constant 6 : i32
        %add3A_492 = arith.addi %mul3A_270, %add3A_491 : i32
        %add3A_493 = arith.constant 4 : i32
        %add3A_494 = arith.addi %add3A_492, %add3A_493 : i32
        %dma_wait3A_495 = arith.constant 2 : i32
        %dma_wait3A_496 = arith.constant 0 : i32
        %dma_wait3A_497 = arith.constant 0 : i32
        %dma_wait3A_498 = tpu.memref_slice %arg7[%dma_wait3A_495, %dma_wait3A_496, %dma_wait3A_497] : memref<8x2x128xi32, #tpu.memory_space<vmem>> -> memref<1x2x128xi32, #tpu.memory_space<vmem>>
        %dma_wait3A_499 = tpu.memref_squeeze %dma_wait3A_498 : memref<1x2x128xi32, #tpu.memory_space<vmem>> -> memref<2x128xi32, #tpu.memory_space<vmem>>
        %dma_wait3A_500 = arith.constant 0 : i32
        %dma_wait3A_501 = arith.constant 0 : i32
        %dma_wait3A_502 = tpu.memref_slice %arg3[%add3A, %add3A_494, %dma_wait3A_500, %dma_wait3A_501] : memref<32x80x2x128xi32, #tpu.memory_space<hbm>> -> memref<1x1x2x128xi32, #tpu.memory_space<hbm>>
        %dma_wait3A_503 = tpu.memref_squeeze %dma_wait3A_502 : memref<1x1x2x128xi32, #tpu.memory_space<hbm>> -> memref<2x128xi32, #tpu.memory_space<hbm>>
        %dma_wait3A_504 = arith.constant 0 : i32
        %dma_wait3A_505 = arith.constant 0 : i32
        %dma_wait3A_506 = tpu.memref_slice %arg7[%dma_wait3A_495, %dma_wait3A_504, %dma_wait3A_505] : memref<8x2x128xi32, #tpu.memory_space<vmem>> -> memref<1x2x128xi32, #tpu.memory_space<vmem>>
        %dma_wait3A_507 = tpu.memref_squeeze %dma_wait3A_506 : memref<1x2x128xi32, #tpu.memory_space<vmem>> -> memref<2x128xi32, #tpu.memory_space<vmem>>
        %dma_wait3A_508 = arith.constant 0 : i32
        %dma_wait3A_509 = arith.constant 0 : i32
        %dma_wait3A_510 = tpu.memref_slice %arg3[%add3A, %add3A_494, %dma_wait3A_508, %dma_wait3A_509] : memref<32x80x2x128xi32, #tpu.memory_space<hbm>> -> memref<1x1x2x128xi32, #tpu.memory_space<hbm>>
        %dma_wait3A_511 = tpu.memref_squeeze %dma_wait3A_510 : memref<1x1x2x128xi32, #tpu.memory_space<hbm>> -> memref<2x128xi32, #tpu.memory_space<hbm>>
        tpu.wait_dma2 semaphore(%arg14 : memref<!tpu.dma_semaphore, #tpu.memory_space<semaphore_mem>>) src(%dma_wait3A_511 : memref<2x128xi32, #tpu.memory_space<hbm>>) dst(%dma_wait3A_507 : memref<2x128xi32, #tpu.memory_space<vmem>>)
        %dma_start3A_512 = arith.constant 2 : i32
        %dma_start3A_513 = arith.constant 0 : i32
        %dma_start3A_514 = arith.constant 0 : i32
        %dma_start3A_515 = tpu.memref_slice %arg7[%dma_start3A_512, %dma_start3A_513, %dma_start3A_514] : memref<8x2x128xi32, #tpu.memory_space<vmem>> -> memref<1x1x128xi32, #tpu.memory_space<vmem>>
        %dma_start3A_516 = tpu.memref_squeeze %dma_start3A_515 : memref<1x1x128xi32, #tpu.memory_space<vmem>> -> memref<128xi32, #tpu.memory_space<vmem>>
        %dma_start3A_517 = arith.constant 0 : i32
        %dma_start3A_518 = arith.constant 0 : i32
        %dma_start3A_519 = tpu.memref_slice %arg2[%dma_start3A_517, %dma_start3A_518] : memref<10000x64xf32, #tpu.memory_space<hbm>> -> memref<10000x64xf32, #tpu.memory_space<hbm>>
        tpu.enqueue_indirect_dma source(%dma_start3A_519 : memref<10000x64xf32, #tpu.memory_space<hbm>>) target(%arg10 : memref<128x64xf32, #tpu.memory_space<vmem>>) offsets(%dma_start3A_516 : memref<128xi32, #tpu.memory_space<vmem>>) semaphore(%arg22 : memref<!tpu.dma_semaphore, #tpu.memory_space<semaphore_mem>>)
      } else {
      }
      %dma_wait3A_463 = arith.constant 7 : i32
      %dma_wait3A_464 = arith.constant 0 : i32
      %dma_wait3A_465 = arith.constant 0 : i32
      %dma_wait3A_466 = tpu.memref_slice %arg7[%dma_wait3A_463, %dma_wait3A_464, %dma_wait3A_465] : memref<8x2x128xi32, #tpu.memory_space<vmem>> -> memref<1x1x128xi32, #tpu.memory_space<vmem>>
      %dma_wait3A_467 = tpu.memref_squeeze %dma_wait3A_466 : memref<1x1x128xi32, #tpu.memory_space<vmem>> -> memref<128xi32, #tpu.memory_space<vmem>>
      %dma_wait3A_468 = arith.constant 0 : i32
      %dma_wait3A_469 = arith.constant 0 : i32
      %dma_wait3A_470 = tpu.memref_slice %arg2[%dma_wait3A_468, %dma_wait3A_469] : memref<10000x64xf32, #tpu.memory_space<hbm>> -> memref<10000x64xf32, #tpu.memory_space<hbm>>
      tpu.wait_indirect_dma semaphore(%arg23 : memref<!tpu.dma_semaphore, #tpu.memory_space<semaphore_mem>>) src(%dma_wait3A_470 : memref<10000x64xf32, #tpu.memory_space<hbm>>) dst(%arg11 : memref<128x64xf32, #tpu.memory_space<vmem>>)
      %run_scoped3A_471 = arith.constant 7 : i32
      %run_scoped3A_472 = arith.constant 1 : i32
      "tpu.region"() ({
        %run_scoped3A_491 = tpu.sem_alloc : memref<!tpu.dma_semaphore, #tpu.memory_space<semaphore_mem>>
        %dma_start3A_492 = arith.constant 0 : i32
        %dma_start3A_493 = tpu.memref_slice %arg7[%run_scoped3A_471, %run_scoped3A_472, %dma_start3A_492] : memref<8x2x128xi32, #tpu.memory_space<vmem>> -> memref<1x1x128xi32, #tpu.memory_space<vmem>>
        %dma_start3A_494 = tpu.memref_squeeze %dma_start3A_493 : memref<1x1x128xi32, #tpu.memory_space<vmem>> -> memref<128xi32, #tpu.memory_space<vmem>>
        %dma_start3A_495 = arith.constant 0 : i32
        %dma_start3A_496 = arith.constant 0 : i32
        %dma_start3A_497 = tpu.memref_slice %arg6[%dma_start3A_495, %dma_start3A_496] : memref<10240x64xf32, #tpu.memory_space<vmem_shared>> -> memref<10240x64xf32, #tpu.memory_space<vmem_shared>>
        tpu.enqueue_indirect_dma source(%arg11 : memref<128x64xf32, #tpu.memory_space<vmem>>) target(%dma_start3A_497 : memref<10240x64xf32, #tpu.memory_space<vmem_shared>>) offsets(%dma_start3A_494 : memref<128xi32, #tpu.memory_space<vmem>>) semaphore(%run_scoped3A_491 : memref<!tpu.dma_semaphore, #tpu.memory_space<semaphore_mem>>) {add = true}
        %dma_wait3A_498 = arith.constant 0 : i32
        %dma_wait3A_499 = tpu.memref_slice %arg7[%run_scoped3A_471, %run_scoped3A_472, %dma_wait3A_498] : memref<8x2x128xi32, #tpu.memory_space<vmem>> -> memref<1x1x128xi32, #tpu.memory_space<vmem>>
        %dma_wait3A_500 = tpu.memref_squeeze %dma_wait3A_499 : memref<1x1x128xi32, #tpu.memory_space<vmem>> -> memref<128xi32, #tpu.memory_space<vmem>>
        %dma_wait3A_501 = arith.constant 0 : i32
        %dma_wait3A_502 = arith.constant 0 : i32
        %dma_wait3A_503 = tpu.memref_slice %arg6[%dma_wait3A_501, %dma_wait3A_502] : memref<10240x64xf32, #tpu.memory_space<vmem_shared>> -> memref<10240x64xf32, #tpu.memory_space<vmem_shared>>
        tpu.wait_indirect_dma semaphore(%run_scoped3A_491 : memref<!tpu.dma_semaphore, #tpu.memory_space<semaphore_mem>>) src(%arg11 : memref<128x64xf32, #tpu.memory_space<vmem>>) dst(%dma_wait3A_503 : memref<10240x64xf32, #tpu.memory_space<vmem_shared>>)
        tpu.yield
      }) : () -> ()
      %add3A_473 = arith.constant 7 : i32
      %add3A_474 = arith.addi %mul3A_270, %add3A_473 : i32
      %add3A_475 = arith.constant 8 : i32
      %add3A_476 = arith.addi %add3A_474, %add3A_475 : i32
      %lt3A_477 = arith.constant 80 : i32
      %lt3A_478 = arith.cmpi slt, %add3A_476, %lt3A_477 : i32
      %convert_element_type3A_479 = arith.extui %lt3A_478 : i1 to i32
      %cond3A_480 = arith.constant 0 : i32
      %cond3A_481 = arith.cmpi ne, %convert_element_type3A_479, %cond3A_480 : i32
      scf.if %cond3A_481 {
        %add3A_491 = arith.constant 7 : i32
        %add3A_492 = arith.addi %mul3A_270, %add3A_491 : i32
        %add3A_493 = arith.constant 8 : i32
        %add3A_494 = arith.addi %add3A_492, %add3A_493 : i32
        %dma_start3A_495 = arith.constant 7 : i32
        %dma_start3A_496 = arith.constant 0 : i32
        %dma_start3A_497 = arith.constant 0 : i32
        %dma_start3A_498 = tpu.memref_slice %arg7[%dma_start3A_495, %dma_start3A_496, %dma_start3A_497] : memref<8x2x128xi32, #tpu.memory_space<vmem>> -> memref<1x2x128xi32, #tpu.memory_space<vmem>>
        %dma_start3A_499 = tpu.memref_squeeze %dma_start3A_498 : memref<1x2x128xi32, #tpu.memory_space<vmem>> -> memref<2x128xi32, #tpu.memory_space<vmem>>
        %dma_start3A_500 = arith.constant 0 : i32
        %dma_start3A_501 = arith.constant 0 : i32
        %dma_start3A_502 = tpu.memref_slice %arg3[%add3A, %add3A_494, %dma_start3A_500, %dma_start3A_501] : memref<32x80x2x128xi32, #tpu.memory_space<hbm>> -> memref<1x1x2x128xi32, #tpu.memory_space<hbm>>
        %dma_start3A_503 = tpu.memref_squeeze %dma_start3A_502 : memref<1x1x2x128xi32, #tpu.memory_space<hbm>> -> memref<2x128xi32, #tpu.memory_space<hbm>>
        %dma_start3A_504 = arith.constant 0 : i32
        %dma_start3A_505 = arith.constant 0 : i32
        %dma_start3A_506 = tpu.memref_slice %arg7[%dma_start3A_495, %dma_start3A_504, %dma_start3A_505] : memref<8x2x128xi32, #tpu.memory_space<vmem>> -> memref<1x2x128xi32, #tpu.memory_space<vmem>>
        %dma_start3A_507 = tpu.memref_squeeze %dma_start3A_506 : memref<1x2x128xi32, #tpu.memory_space<vmem>> -> memref<2x128xi32, #tpu.memory_space<vmem>>
        %dma_start3A_508 = arith.constant 0 : i32
        %dma_start3A_509 = arith.constant 0 : i32
        %dma_start3A_510 = tpu.memref_slice %arg3[%add3A, %add3A_494, %dma_start3A_508, %dma_start3A_509] : memref<32x80x2x128xi32, #tpu.memory_space<hbm>> -> memref<1x1x2x128xi32, #tpu.memory_space<hbm>>
        %dma_start3A_511 = tpu.memref_squeeze %dma_start3A_510 : memref<1x1x2x128xi32, #tpu.memory_space<hbm>> -> memref<2x128xi32, #tpu.memory_space<hbm>>
        tpu.enqueue_dma source(%dma_start3A_511 : memref<2x128xi32, #tpu.memory_space<hbm>>) target(%dma_start3A_507 : memref<2x128xi32, #tpu.memory_space<vmem>>) target_semaphore(%arg19 : memref<!tpu.dma_semaphore, #tpu.memory_space<semaphore_mem>>)
      } else {
      }
      %add3A_482 = arith.constant 7 : i32
      %add3A_483 = arith.addi %mul3A_270, %add3A_482 : i32
      %add3A_484 = arith.constant 4 : i32
      %add3A_485 = arith.addi %add3A_483, %add3A_484 : i32
      %lt3A_486 = arith.constant 80 : i32
      %lt3A_487 = arith.cmpi slt, %add3A_485, %lt3A_486 : i32
      %convert_element_type3A_488 = arith.extui %lt3A_487 : i1 to i32
      %cond3A_489 = arith.constant 0 : i32
      %cond3A_490 = arith.cmpi ne, %convert_element_type3A_488, %cond3A_489 : i32
      scf.if %cond3A_490 {
        %add3A_491 = arith.constant 7 : i32
        %add3A_492 = arith.addi %mul3A_270, %add3A_491 : i32
        %add3A_493 = arith.constant 4 : i32
        %add3A_494 = arith.addi %add3A_492, %add3A_493 : i32
        %dma_wait3A_495 = arith.constant 3 : i32
        %dma_wait3A_496 = arith.constant 0 : i32
        %dma_wait3A_497 = arith.constant 0 : i32
        %dma_wait3A_498 = tpu.memref_slice %arg7[%dma_wait3A_495, %dma_wait3A_496, %dma_wait3A_497] : memref<8x2x128xi32, #tpu.memory_space<vmem>> -> memref<1x2x128xi32, #tpu.memory_space<vmem>>
        %dma_wait3A_499 = tpu.memref_squeeze %dma_wait3A_498 : memref<1x2x128xi32, #tpu.memory_space<vmem>> -> memref<2x128xi32, #tpu.memory_space<vmem>>
        %dma_wait3A_500 = arith.constant 0 : i32
        %dma_wait3A_501 = arith.constant 0 : i32
        %dma_wait3A_502 = tpu.memref_slice %arg3[%add3A, %add3A_494, %dma_wait3A_500, %dma_wait3A_501] : memref<32x80x2x128xi32, #tpu.memory_space<hbm>> -> memref<1x1x2x128xi32, #tpu.memory_space<hbm>>
        %dma_wait3A_503 = tpu.memref_squeeze %dma_wait3A_502 : memref<1x1x2x128xi32, #tpu.memory_space<hbm>> -> memref<2x128xi32, #tpu.memory_space<hbm>>
        %dma_wait3A_504 = arith.constant 0 : i32
        %dma_wait3A_505 = arith.constant 0 : i32
        %dma_wait3A_506 = tpu.memref_slice %arg7[%dma_wait3A_495, %dma_wait3A_504, %dma_wait3A_505] : memref<8x2x128xi32, #tpu.memory_space<vmem>> -> memref<1x2x128xi32, #tpu.memory_space<vmem>>
        %dma_wait3A_507 = tpu.memref_squeeze %dma_wait3A_506 : memref<1x2x128xi32, #tpu.memory_space<vmem>> -> memref<2x128xi32, #tpu.memory_space<vmem>>
        %dma_wait3A_508 = arith.constant 0 : i32
        %dma_wait3A_509 = arith.constant 0 : i32
        %dma_wait3A_510 = tpu.memref_slice %arg3[%add3A, %add3A_494, %dma_wait3A_508, %dma_wait3A_509] : memref<32x80x2x128xi32, #tpu.memory_space<hbm>> -> memref<1x1x2x128xi32, #tpu.memory_space<hbm>>
        %dma_wait3A_511 = tpu.memref_squeeze %dma_wait3A_510 : memref<1x1x2x128xi32, #tpu.memory_space<hbm>> -> memref<2x128xi32, #tpu.memory_space<hbm>>
        tpu.wait_dma2 semaphore(%arg15 : memref<!tpu.dma_semaphore, #tpu.memory_space<semaphore_mem>>) src(%dma_wait3A_511 : memref<2x128xi32, #tpu.memory_space<hbm>>) dst(%dma_wait3A_507 : memref<2x128xi32, #tpu.memory_space<vmem>>)
        %dma_start3A_512 = arith.constant 3 : i32
        %dma_start3A_513 = arith.constant 0 : i32
        %dma_start3A_514 = arith.constant 0 : i32
        %dma_start3A_515 = tpu.memref_slice %arg7[%dma_start3A_512, %dma_start3A_513, %dma_start3A_514] : memref<8x2x128xi32, #tpu.memory_space<vmem>> -> memref<1x1x128xi32, #tpu.memory_space<vmem>>
        %dma_start3A_516 = tpu.memref_squeeze %dma_start3A_515 : memref<1x1x128xi32, #tpu.memory_space<vmem>> -> memref<128xi32, #tpu.memory_space<vmem>>
        %dma_start3A_517 = arith.constant 0 : i32
        %dma_start3A_518 = arith.constant 0 : i32
        %dma_start3A_519 = tpu.memref_slice %arg2[%dma_start3A_517, %dma_start3A_518] : memref<10000x64xf32, #tpu.memory_space<hbm>> -> memref<10000x64xf32, #tpu.memory_space<hbm>>
        tpu.enqueue_indirect_dma source(%dma_start3A_519 : memref<10000x64xf32, #tpu.memory_space<hbm>>) target(%arg11 : memref<128x64xf32, #tpu.memory_space<vmem>>) offsets(%dma_start3A_516 : memref<128xi32, #tpu.memory_space<vmem>>) semaphore(%arg23 : memref<!tpu.dma_semaphore, #tpu.memory_space<semaphore_mem>>)
      } else {
      }
    }
    %scan3A_259 = arith.constant 10 : i32
    %barrier3A_260 = arith.constant 0 : index
    tpu.barrier barrier_id(%barrier3A_260)
    %mul3A_261 = arith.constant 640 : i32
    %mul3A_262 = arith.muli %arg1, %mul3A_261 : i32
    %mul3A_263 = arith.constant 10240 : i32
    %mul3A_264 = arith.muli %arg0, %mul3A_263 : i32
    %mul3A_265 = arith.constant 640 : i32
    %mul3A_266 = arith.muli %arg1, %mul3A_265 : i32
    %add3A_267 = arith.addi %mul3A_264, %mul3A_266 : i32
    "tpu.region"() ({
      %run_scoped3A = tpu.sem_alloc : memref<!tpu.dma_semaphore, #tpu.memory_space<semaphore_mem>>
      %dma_start3A_268 = arith.constant 0 : i32
      %dma_start3A_269 = tpu.memref_slice %arg5[%add3A_267, %dma_start3A_268] : memref<20480x64xf32, #tpu.memory_space<hbm>> -> memref<640x64xf32, #tpu.memory_space<hbm>>
      %dma_start3A_270 = arith.constant 0 : i32
      %dma_start3A_271 = tpu.memref_slice %arg6[%mul3A_262, %dma_start3A_270] : memref<10240x64xf32, #tpu.memory_space<vmem_shared>> -> memref<640x64xf32, #tpu.memory_space<vmem_shared>>
      tpu.enqueue_dma source(%dma_start3A_271 : memref<640x64xf32, #tpu.memory_space<vmem_shared>>) target(%dma_start3A_269 : memref<640x64xf32, #tpu.memory_space<hbm>>) target_semaphore(%run_scoped3A : memref<!tpu.dma_semaphore, #tpu.memory_space<semaphore_mem>>)
      %dma_wait3A_272 = arith.constant 0 : i32
      %dma_wait3A_273 = tpu.memref_slice %arg5[%add3A_267, %dma_wait3A_272] : memref<20480x64xf32, #tpu.memory_space<hbm>> -> memref<640x64xf32, #tpu.memory_space<hbm>>
      %dma_wait3A_274 = arith.constant 0 : i32
      %dma_wait3A_275 = tpu.memref_slice %arg6[%mul3A_262, %dma_wait3A_274] : memref<10240x64xf32, #tpu.memory_space<vmem_shared>> -> memref<640x64xf32, #tpu.memory_space<vmem_shared>>
      tpu.wait_dma2 semaphore(%run_scoped3A : memref<!tpu.dma_semaphore, #tpu.memory_space<semaphore_mem>>) src(%dma_wait3A_275 : memref<640x64xf32, #tpu.memory_space<vmem_shared>>) dst(%dma_wait3A_273 : memref<640x64xf32, #tpu.memory_space<hbm>>)
      tpu.yield
    }) : () -> ()
    return
  }
}

#map = affine_map<(d0, d1) -> (0, 0)>
#map1 = affine_map<(d0, d1) -> (0, 0, 0, 0)>
module attributes {stable_mosaic.version = 14 : i64} {
  func.func @agg(%arg0: i32, %arg1: i32, %arg2: memref<10000x128xf32, #tpu.memory_space<hbm>>, %arg3: memref<32x80x2x128xi32, #tpu.memory_space<hbm>>, %arg4: memref<640x128xf32, #tpu.memory_space<hbm>>, %arg5: memref<20480x128xf32, #tpu.memory_space<hbm>>, %arg6: memref<10240x128xf32, #tpu.memory_space<vmem_shared>>, %arg7: memref<8x2x128xi32, #tpu.memory_space<vmem>>, %arg8: memref<128x128xf32, #tpu.memory_space<vmem>>, %arg9: memref<128x128xf32, #tpu.memory_space<vmem>>, %arg10: memref<!tpu.dma_semaphore, #tpu.memory_space<semaphore_mem>>, %arg11: memref<!tpu.dma_semaphore, #tpu.memory_space<semaphore_mem>>, %arg12: memref<!tpu.dma_semaphore, #tpu.memory_space<semaphore_mem>>, %arg13: memref<!tpu.dma_semaphore, #tpu.memory_space<semaphore_mem>>, %arg14: memref<!tpu.dma_semaphore, #tpu.memory_space<semaphore_mem>>, %arg15: memref<!tpu.dma_semaphore, #tpu.memory_space<semaphore_mem>>, %arg16: memref<!tpu.dma_semaphore, #tpu.memory_space<semaphore_mem>>, %arg17: memref<!tpu.dma_semaphore, #tpu.memory_space<semaphore_mem>>, %arg18: memref<!tpu.dma_semaphore, #tpu.memory_space<semaphore_mem>>, %arg19: memref<!tpu.dma_semaphore, #tpu.memory_space<semaphore_mem>>, %arg20: memref<!tpu.dma_semaphore, #tpu.memory_space<semaphore_mem>>) attributes {dimension_semantics = [#tpu.dimension_semantics<core_parallel>, #tpu.dimension_semantics<subcore_parallel>], iteration_bounds = array<i64: 2, 16>, scalar_prefetch = 0 : i64, scratch_operands = 15 : i64, tpu.core_type = #tpu.core_type<sc_vector_subcore>, window_params = [{transform_indices = #map}, {transform_indices = #map1}, {transform_indices = #map}, {transform_indices = #map}]} {
    %mul3A = arith.constant 16 : i32
    %mul3A_0 = arith.muli %arg0, %mul3A : i32
    %add3A = arith.addi %mul3A_0, %arg1 : i32
    %mul3A_1 = arith.constant 640 : i32
    %mul3A_2 = arith.muli %arg1, %mul3A_1 : i32
    %dma_start3A = arith.constant 0 : i32
    %dma_start3A_3 = tpu.memref_slice %arg6[%mul3A_2, %dma_start3A] : memref<10240x128xf32, #tpu.memory_space<vmem_shared>> -> memref<640x128xf32, #tpu.memory_space<vmem_shared>>
    tpu.enqueue_dma source(%arg4 : memref<640x128xf32, #tpu.memory_space<hbm>>) target(%dma_start3A_3 : memref<640x128xf32, #tpu.memory_space<vmem_shared>>) target_semaphore(%arg20 : memref<!tpu.dma_semaphore, #tpu.memory_space<semaphore_mem>>)
    %dma_start3A_4 = arith.constant 0 : i32
    %dma_start3A_5 = arith.constant 0 : i32
    %dma_start3A_6 = arith.constant 0 : i32
    %dma_start3A_7 = arith.constant 0 : i32
    %dma_start3A_8 = tpu.memref_slice %arg7[%dma_start3A_5, %dma_start3A_6, %dma_start3A_7] : memref<8x2x128xi32, #tpu.memory_space<vmem>> -> memref<1x2x128xi32, #tpu.memory_space<vmem>>
    %dma_start3A_9 = tpu.memref_squeeze %dma_start3A_8 : memref<1x2x128xi32, #tpu.memory_space<vmem>> -> memref<2x128xi32, #tpu.memory_space<vmem>>
    %dma_start3A_10 = arith.constant 0 : i32
    %dma_start3A_11 = arith.constant 0 : i32
    %dma_start3A_12 = tpu.memref_slice %arg3[%add3A, %dma_start3A_4, %dma_start3A_10, %dma_start3A_11] : memref<32x80x2x128xi32, #tpu.memory_space<hbm>> -> memref<1x1x2x128xi32, #tpu.memory_space<hbm>>
    %dma_start3A_13 = tpu.memref_squeeze %dma_start3A_12 : memref<1x1x2x128xi32, #tpu.memory_space<hbm>> -> memref<2x128xi32, #tpu.memory_space<hbm>>
    %dma_start3A_14 = arith.constant 0 : i32
    %dma_start3A_15 = arith.constant 0 : i32
    %dma_start3A_16 = tpu.memref_slice %arg7[%dma_start3A_5, %dma_start3A_14, %dma_start3A_15] : memref<8x2x128xi32, #tpu.memory_space<vmem>> -> memref<1x2x128xi32, #tpu.memory_space<vmem>>
    %dma_start3A_17 = tpu.memref_squeeze %dma_start3A_16 : memref<1x2x128xi32, #tpu.memory_space<vmem>> -> memref<2x128xi32, #tpu.memory_space<vmem>>
    %dma_start3A_18 = arith.constant 0 : i32
    %dma_start3A_19 = arith.constant 0 : i32
    %dma_start3A_20 = tpu.memref_slice %arg3[%add3A, %dma_start3A_4, %dma_start3A_18, %dma_start3A_19] : memref<32x80x2x128xi32, #tpu.memory_space<hbm>> -> memref<1x1x2x128xi32, #tpu.memory_space<hbm>>
    %dma_start3A_21 = tpu.memref_squeeze %dma_start3A_20 : memref<1x1x2x128xi32, #tpu.memory_space<hbm>> -> memref<2x128xi32, #tpu.memory_space<hbm>>
    tpu.enqueue_dma source(%dma_start3A_21 : memref<2x128xi32, #tpu.memory_space<hbm>>) target(%dma_start3A_17 : memref<2x128xi32, #tpu.memory_space<vmem>>) target_semaphore(%arg10 : memref<!tpu.dma_semaphore, #tpu.memory_space<semaphore_mem>>)
    %dma_start3A_22 = arith.constant 1 : i32
    %dma_start3A_23 = arith.constant 1 : i32
    %dma_start3A_24 = arith.constant 0 : i32
    %dma_start3A_25 = arith.constant 0 : i32
    %dma_start3A_26 = tpu.memref_slice %arg7[%dma_start3A_23, %dma_start3A_24, %dma_start3A_25] : memref<8x2x128xi32, #tpu.memory_space<vmem>> -> memref<1x2x128xi32, #tpu.memory_space<vmem>>
    %dma_start3A_27 = tpu.memref_squeeze %dma_start3A_26 : memref<1x2x128xi32, #tpu.memory_space<vmem>> -> memref<2x128xi32, #tpu.memory_space<vmem>>
    %dma_start3A_28 = arith.constant 0 : i32
    %dma_start3A_29 = arith.constant 0 : i32
    %dma_start3A_30 = tpu.memref_slice %arg3[%add3A, %dma_start3A_22, %dma_start3A_28, %dma_start3A_29] : memref<32x80x2x128xi32, #tpu.memory_space<hbm>> -> memref<1x1x2x128xi32, #tpu.memory_space<hbm>>
    %dma_start3A_31 = tpu.memref_squeeze %dma_start3A_30 : memref<1x1x2x128xi32, #tpu.memory_space<hbm>> -> memref<2x128xi32, #tpu.memory_space<hbm>>
    %dma_start3A_32 = arith.constant 0 : i32
    %dma_start3A_33 = arith.constant 0 : i32
    %dma_start3A_34 = tpu.memref_slice %arg7[%dma_start3A_23, %dma_start3A_32, %dma_start3A_33] : memref<8x2x128xi32, #tpu.memory_space<vmem>> -> memref<1x2x128xi32, #tpu.memory_space<vmem>>
    %dma_start3A_35 = tpu.memref_squeeze %dma_start3A_34 : memref<1x2x128xi32, #tpu.memory_space<vmem>> -> memref<2x128xi32, #tpu.memory_space<vmem>>
    %dma_start3A_36 = arith.constant 0 : i32
    %dma_start3A_37 = arith.constant 0 : i32
    %dma_start3A_38 = tpu.memref_slice %arg3[%add3A, %dma_start3A_22, %dma_start3A_36, %dma_start3A_37] : memref<32x80x2x128xi32, #tpu.memory_space<hbm>> -> memref<1x1x2x128xi32, #tpu.memory_space<hbm>>
    %dma_start3A_39 = tpu.memref_squeeze %dma_start3A_38 : memref<1x1x2x128xi32, #tpu.memory_space<hbm>> -> memref<2x128xi32, #tpu.memory_space<hbm>>
    tpu.enqueue_dma source(%dma_start3A_39 : memref<2x128xi32, #tpu.memory_space<hbm>>) target(%dma_start3A_35 : memref<2x128xi32, #tpu.memory_space<vmem>>) target_semaphore(%arg11 : memref<!tpu.dma_semaphore, #tpu.memory_space<semaphore_mem>>)
    %dma_start3A_40 = arith.constant 2 : i32
    %dma_start3A_41 = arith.constant 2 : i32
    %dma_start3A_42 = arith.constant 0 : i32
    %dma_start3A_43 = arith.constant 0 : i32
    %dma_start3A_44 = tpu.memref_slice %arg7[%dma_start3A_41, %dma_start3A_42, %dma_start3A_43] : memref<8x2x128xi32, #tpu.memory_space<vmem>> -> memref<1x2x128xi32, #tpu.memory_space<vmem>>
    %dma_start3A_45 = tpu.memref_squeeze %dma_start3A_44 : memref<1x2x128xi32, #tpu.memory_space<vmem>> -> memref<2x128xi32, #tpu.memory_space<vmem>>
    %dma_start3A_46 = arith.constant 0 : i32
    %dma_start3A_47 = arith.constant 0 : i32
    %dma_start3A_48 = tpu.memref_slice %arg3[%add3A, %dma_start3A_40, %dma_start3A_46, %dma_start3A_47] : memref<32x80x2x128xi32, #tpu.memory_space<hbm>> -> memref<1x1x2x128xi32, #tpu.memory_space<hbm>>
    %dma_start3A_49 = tpu.memref_squeeze %dma_start3A_48 : memref<1x1x2x128xi32, #tpu.memory_space<hbm>> -> memref<2x128xi32, #tpu.memory_space<hbm>>
    %dma_start3A_50 = arith.constant 0 : i32
    %dma_start3A_51 = arith.constant 0 : i32
    %dma_start3A_52 = tpu.memref_slice %arg7[%dma_start3A_41, %dma_start3A_50, %dma_start3A_51] : memref<8x2x128xi32, #tpu.memory_space<vmem>> -> memref<1x2x128xi32, #tpu.memory_space<vmem>>
    %dma_start3A_53 = tpu.memref_squeeze %dma_start3A_52 : memref<1x2x128xi32, #tpu.memory_space<vmem>> -> memref<2x128xi32, #tpu.memory_space<vmem>>
    %dma_start3A_54 = arith.constant 0 : i32
    %dma_start3A_55 = arith.constant 0 : i32
    %dma_start3A_56 = tpu.memref_slice %arg3[%add3A, %dma_start3A_40, %dma_start3A_54, %dma_start3A_55] : memref<32x80x2x128xi32, #tpu.memory_space<hbm>> -> memref<1x1x2x128xi32, #tpu.memory_space<hbm>>
    %dma_start3A_57 = tpu.memref_squeeze %dma_start3A_56 : memref<1x1x2x128xi32, #tpu.memory_space<hbm>> -> memref<2x128xi32, #tpu.memory_space<hbm>>
    tpu.enqueue_dma source(%dma_start3A_57 : memref<2x128xi32, #tpu.memory_space<hbm>>) target(%dma_start3A_53 : memref<2x128xi32, #tpu.memory_space<vmem>>) target_semaphore(%arg12 : memref<!tpu.dma_semaphore, #tpu.memory_space<semaphore_mem>>)
    %dma_start3A_58 = arith.constant 3 : i32
    %dma_start3A_59 = arith.constant 3 : i32
    %dma_start3A_60 = arith.constant 0 : i32
    %dma_start3A_61 = arith.constant 0 : i32
    %dma_start3A_62 = tpu.memref_slice %arg7[%dma_start3A_59, %dma_start3A_60, %dma_start3A_61] : memref<8x2x128xi32, #tpu.memory_space<vmem>> -> memref<1x2x128xi32, #tpu.memory_space<vmem>>
    %dma_start3A_63 = tpu.memref_squeeze %dma_start3A_62 : memref<1x2x128xi32, #tpu.memory_space<vmem>> -> memref<2x128xi32, #tpu.memory_space<vmem>>
    %dma_start3A_64 = arith.constant 0 : i32
    %dma_start3A_65 = arith.constant 0 : i32
    %dma_start3A_66 = tpu.memref_slice %arg3[%add3A, %dma_start3A_58, %dma_start3A_64, %dma_start3A_65] : memref<32x80x2x128xi32, #tpu.memory_space<hbm>> -> memref<1x1x2x128xi32, #tpu.memory_space<hbm>>
    %dma_start3A_67 = tpu.memref_squeeze %dma_start3A_66 : memref<1x1x2x128xi32, #tpu.memory_space<hbm>> -> memref<2x128xi32, #tpu.memory_space<hbm>>
    %dma_start3A_68 = arith.constant 0 : i32
    %dma_start3A_69 = arith.constant 0 : i32
    %dma_start3A_70 = tpu.memref_slice %arg7[%dma_start3A_59, %dma_start3A_68, %dma_start3A_69] : memref<8x2x128xi32, #tpu.memory_space<vmem>> -> memref<1x2x128xi32, #tpu.memory_space<vmem>>
    %dma_start3A_71 = tpu.memref_squeeze %dma_start3A_70 : memref<1x2x128xi32, #tpu.memory_space<vmem>> -> memref<2x128xi32, #tpu.memory_space<vmem>>
    %dma_start3A_72 = arith.constant 0 : i32
    %dma_start3A_73 = arith.constant 0 : i32
    %dma_start3A_74 = tpu.memref_slice %arg3[%add3A, %dma_start3A_58, %dma_start3A_72, %dma_start3A_73] : memref<32x80x2x128xi32, #tpu.memory_space<hbm>> -> memref<1x1x2x128xi32, #tpu.memory_space<hbm>>
    %dma_start3A_75 = tpu.memref_squeeze %dma_start3A_74 : memref<1x1x2x128xi32, #tpu.memory_space<hbm>> -> memref<2x128xi32, #tpu.memory_space<hbm>>
    tpu.enqueue_dma source(%dma_start3A_75 : memref<2x128xi32, #tpu.memory_space<hbm>>) target(%dma_start3A_71 : memref<2x128xi32, #tpu.memory_space<vmem>>) target_semaphore(%arg13 : memref<!tpu.dma_semaphore, #tpu.memory_space<semaphore_mem>>)
    %dma_start3A_76 = arith.constant 4 : i32
    %dma_start3A_77 = arith.constant 4 : i32
    %dma_start3A_78 = arith.constant 0 : i32
    %dma_start3A_79 = arith.constant 0 : i32
    %dma_start3A_80 = tpu.memref_slice %arg7[%dma_start3A_77, %dma_start3A_78, %dma_start3A_79] : memref<8x2x128xi32, #tpu.memory_space<vmem>> -> memref<1x2x128xi32, #tpu.memory_space<vmem>>
    %dma_start3A_81 = tpu.memref_squeeze %dma_start3A_80 : memref<1x2x128xi32, #tpu.memory_space<vmem>> -> memref<2x128xi32, #tpu.memory_space<vmem>>
    %dma_start3A_82 = arith.constant 0 : i32
    %dma_start3A_83 = arith.constant 0 : i32
    %dma_start3A_84 = tpu.memref_slice %arg3[%add3A, %dma_start3A_76, %dma_start3A_82, %dma_start3A_83] : memref<32x80x2x128xi32, #tpu.memory_space<hbm>> -> memref<1x1x2x128xi32, #tpu.memory_space<hbm>>
    %dma_start3A_85 = tpu.memref_squeeze %dma_start3A_84 : memref<1x1x2x128xi32, #tpu.memory_space<hbm>> -> memref<2x128xi32, #tpu.memory_space<hbm>>
    %dma_start3A_86 = arith.constant 0 : i32
    %dma_start3A_87 = arith.constant 0 : i32
    %dma_start3A_88 = tpu.memref_slice %arg7[%dma_start3A_77, %dma_start3A_86, %dma_start3A_87] : memref<8x2x128xi32, #tpu.memory_space<vmem>> -> memref<1x2x128xi32, #tpu.memory_space<vmem>>
    %dma_start3A_89 = tpu.memref_squeeze %dma_start3A_88 : memref<1x2x128xi32, #tpu.memory_space<vmem>> -> memref<2x128xi32, #tpu.memory_space<vmem>>
    %dma_start3A_90 = arith.constant 0 : i32
    %dma_start3A_91 = arith.constant 0 : i32
    %dma_start3A_92 = tpu.memref_slice %arg3[%add3A, %dma_start3A_76, %dma_start3A_90, %dma_start3A_91] : memref<32x80x2x128xi32, #tpu.memory_space<hbm>> -> memref<1x1x2x128xi32, #tpu.memory_space<hbm>>
    %dma_start3A_93 = tpu.memref_squeeze %dma_start3A_92 : memref<1x1x2x128xi32, #tpu.memory_space<hbm>> -> memref<2x128xi32, #tpu.memory_space<hbm>>
    tpu.enqueue_dma source(%dma_start3A_93 : memref<2x128xi32, #tpu.memory_space<hbm>>) target(%dma_start3A_89 : memref<2x128xi32, #tpu.memory_space<vmem>>) target_semaphore(%arg14 : memref<!tpu.dma_semaphore, #tpu.memory_space<semaphore_mem>>)
    %dma_start3A_94 = arith.constant 5 : i32
    %dma_start3A_95 = arith.constant 5 : i32
    %dma_start3A_96 = arith.constant 0 : i32
    %dma_start3A_97 = arith.constant 0 : i32
    %dma_start3A_98 = tpu.memref_slice %arg7[%dma_start3A_95, %dma_start3A_96, %dma_start3A_97] : memref<8x2x128xi32, #tpu.memory_space<vmem>> -> memref<1x2x128xi32, #tpu.memory_space<vmem>>
    %dma_start3A_99 = tpu.memref_squeeze %dma_start3A_98 : memref<1x2x128xi32, #tpu.memory_space<vmem>> -> memref<2x128xi32, #tpu.memory_space<vmem>>
    %dma_start3A_100 = arith.constant 0 : i32
    %dma_start3A_101 = arith.constant 0 : i32
    %dma_start3A_102 = tpu.memref_slice %arg3[%add3A, %dma_start3A_94, %dma_start3A_100, %dma_start3A_101] : memref<32x80x2x128xi32, #tpu.memory_space<hbm>> -> memref<1x1x2x128xi32, #tpu.memory_space<hbm>>
    %dma_start3A_103 = tpu.memref_squeeze %dma_start3A_102 : memref<1x1x2x128xi32, #tpu.memory_space<hbm>> -> memref<2x128xi32, #tpu.memory_space<hbm>>
    %dma_start3A_104 = arith.constant 0 : i32
    %dma_start3A_105 = arith.constant 0 : i32
    %dma_start3A_106 = tpu.memref_slice %arg7[%dma_start3A_95, %dma_start3A_104, %dma_start3A_105] : memref<8x2x128xi32, #tpu.memory_space<vmem>> -> memref<1x2x128xi32, #tpu.memory_space<vmem>>
    %dma_start3A_107 = tpu.memref_squeeze %dma_start3A_106 : memref<1x2x128xi32, #tpu.memory_space<vmem>> -> memref<2x128xi32, #tpu.memory_space<vmem>>
    %dma_start3A_108 = arith.constant 0 : i32
    %dma_start3A_109 = arith.constant 0 : i32
    %dma_start3A_110 = tpu.memref_slice %arg3[%add3A, %dma_start3A_94, %dma_start3A_108, %dma_start3A_109] : memref<32x80x2x128xi32, #tpu.memory_space<hbm>> -> memref<1x1x2x128xi32, #tpu.memory_space<hbm>>
    %dma_start3A_111 = tpu.memref_squeeze %dma_start3A_110 : memref<1x1x2x128xi32, #tpu.memory_space<hbm>> -> memref<2x128xi32, #tpu.memory_space<hbm>>
    tpu.enqueue_dma source(%dma_start3A_111 : memref<2x128xi32, #tpu.memory_space<hbm>>) target(%dma_start3A_107 : memref<2x128xi32, #tpu.memory_space<vmem>>) target_semaphore(%arg15 : memref<!tpu.dma_semaphore, #tpu.memory_space<semaphore_mem>>)
    %dma_start3A_112 = arith.constant 6 : i32
    %dma_start3A_113 = arith.constant 6 : i32
    %dma_start3A_114 = arith.constant 0 : i32
    %dma_start3A_115 = arith.constant 0 : i32
    %dma_start3A_116 = tpu.memref_slice %arg7[%dma_start3A_113, %dma_start3A_114, %dma_start3A_115] : memref<8x2x128xi32, #tpu.memory_space<vmem>> -> memref<1x2x128xi32, #tpu.memory_space<vmem>>
    %dma_start3A_117 = tpu.memref_squeeze %dma_start3A_116 : memref<1x2x128xi32, #tpu.memory_space<vmem>> -> memref<2x128xi32, #tpu.memory_space<vmem>>
    %dma_start3A_118 = arith.constant 0 : i32
    %dma_start3A_119 = arith.constant 0 : i32
    %dma_start3A_120 = tpu.memref_slice %arg3[%add3A, %dma_start3A_112, %dma_start3A_118, %dma_start3A_119] : memref<32x80x2x128xi32, #tpu.memory_space<hbm>> -> memref<1x1x2x128xi32, #tpu.memory_space<hbm>>
    %dma_start3A_121 = tpu.memref_squeeze %dma_start3A_120 : memref<1x1x2x128xi32, #tpu.memory_space<hbm>> -> memref<2x128xi32, #tpu.memory_space<hbm>>
    %dma_start3A_122 = arith.constant 0 : i32
    %dma_start3A_123 = arith.constant 0 : i32
    %dma_start3A_124 = tpu.memref_slice %arg7[%dma_start3A_113, %dma_start3A_122, %dma_start3A_123] : memref<8x2x128xi32, #tpu.memory_space<vmem>> -> memref<1x2x128xi32, #tpu.memory_space<vmem>>
    %dma_start3A_125 = tpu.memref_squeeze %dma_start3A_124 : memref<1x2x128xi32, #tpu.memory_space<vmem>> -> memref<2x128xi32, #tpu.memory_space<vmem>>
    %dma_start3A_126 = arith.constant 0 : i32
    %dma_start3A_127 = arith.constant 0 : i32
    %dma_start3A_128 = tpu.memref_slice %arg3[%add3A, %dma_start3A_112, %dma_start3A_126, %dma_start3A_127] : memref<32x80x2x128xi32, #tpu.memory_space<hbm>> -> memref<1x1x2x128xi32, #tpu.memory_space<hbm>>
    %dma_start3A_129 = tpu.memref_squeeze %dma_start3A_128 : memref<1x1x2x128xi32, #tpu.memory_space<hbm>> -> memref<2x128xi32, #tpu.memory_space<hbm>>
    tpu.enqueue_dma source(%dma_start3A_129 : memref<2x128xi32, #tpu.memory_space<hbm>>) target(%dma_start3A_125 : memref<2x128xi32, #tpu.memory_space<vmem>>) target_semaphore(%arg16 : memref<!tpu.dma_semaphore, #tpu.memory_space<semaphore_mem>>)
    %dma_start3A_130 = arith.constant 7 : i32
    %dma_start3A_131 = arith.constant 7 : i32
    %dma_start3A_132 = arith.constant 0 : i32
    %dma_start3A_133 = arith.constant 0 : i32
    %dma_start3A_134 = tpu.memref_slice %arg7[%dma_start3A_131, %dma_start3A_132, %dma_start3A_133] : memref<8x2x128xi32, #tpu.memory_space<vmem>> -> memref<1x2x128xi32, #tpu.memory_space<vmem>>
    %dma_start3A_135 = tpu.memref_squeeze %dma_start3A_134 : memref<1x2x128xi32, #tpu.memory_space<vmem>> -> memref<2x128xi32, #tpu.memory_space<vmem>>
    %dma_start3A_136 = arith.constant 0 : i32
    %dma_start3A_137 = arith.constant 0 : i32
    %dma_start3A_138 = tpu.memref_slice %arg3[%add3A, %dma_start3A_130, %dma_start3A_136, %dma_start3A_137] : memref<32x80x2x128xi32, #tpu.memory_space<hbm>> -> memref<1x1x2x128xi32, #tpu.memory_space<hbm>>
    %dma_start3A_139 = tpu.memref_squeeze %dma_start3A_138 : memref<1x1x2x128xi32, #tpu.memory_space<hbm>> -> memref<2x128xi32, #tpu.memory_space<hbm>>
    %dma_start3A_140 = arith.constant 0 : i32
    %dma_start3A_141 = arith.constant 0 : i32
    %dma_start3A_142 = tpu.memref_slice %arg7[%dma_start3A_131, %dma_start3A_140, %dma_start3A_141] : memref<8x2x128xi32, #tpu.memory_space<vmem>> -> memref<1x2x128xi32, #tpu.memory_space<vmem>>
    %dma_start3A_143 = tpu.memref_squeeze %dma_start3A_142 : memref<1x2x128xi32, #tpu.memory_space<vmem>> -> memref<2x128xi32, #tpu.memory_space<vmem>>
    %dma_start3A_144 = arith.constant 0 : i32
    %dma_start3A_145 = arith.constant 0 : i32
    %dma_start3A_146 = tpu.memref_slice %arg3[%add3A, %dma_start3A_130, %dma_start3A_144, %dma_start3A_145] : memref<32x80x2x128xi32, #tpu.memory_space<hbm>> -> memref<1x1x2x128xi32, #tpu.memory_space<hbm>>
    %dma_start3A_147 = tpu.memref_squeeze %dma_start3A_146 : memref<1x1x2x128xi32, #tpu.memory_space<hbm>> -> memref<2x128xi32, #tpu.memory_space<hbm>>
    tpu.enqueue_dma source(%dma_start3A_147 : memref<2x128xi32, #tpu.memory_space<hbm>>) target(%dma_start3A_143 : memref<2x128xi32, #tpu.memory_space<vmem>>) target_semaphore(%arg17 : memref<!tpu.dma_semaphore, #tpu.memory_space<semaphore_mem>>)
    %dma_wait3A = arith.constant 0 : i32
    %dma_wait3A_148 = arith.constant 0 : i32
    %dma_wait3A_149 = arith.constant 0 : i32
    %dma_wait3A_150 = arith.constant 0 : i32
    %dma_wait3A_151 = tpu.memref_slice %arg7[%dma_wait3A_148, %dma_wait3A_149, %dma_wait3A_150] : memref<8x2x128xi32, #tpu.memory_space<vmem>> -> memref<1x2x128xi32, #tpu.memory_space<vmem>>
    %dma_wait3A_152 = tpu.memref_squeeze %dma_wait3A_151 : memref<1x2x128xi32, #tpu.memory_space<vmem>> -> memref<2x128xi32, #tpu.memory_space<vmem>>
    %dma_wait3A_153 = arith.constant 0 : i32
    %dma_wait3A_154 = arith.constant 0 : i32
    %dma_wait3A_155 = tpu.memref_slice %arg3[%add3A, %dma_wait3A, %dma_wait3A_153, %dma_wait3A_154] : memref<32x80x2x128xi32, #tpu.memory_space<hbm>> -> memref<1x1x2x128xi32, #tpu.memory_space<hbm>>
    %dma_wait3A_156 = tpu.memref_squeeze %dma_wait3A_155 : memref<1x1x2x128xi32, #tpu.memory_space<hbm>> -> memref<2x128xi32, #tpu.memory_space<hbm>>
    %dma_wait3A_157 = arith.constant 0 : i32
    %dma_wait3A_158 = arith.constant 0 : i32
    %dma_wait3A_159 = tpu.memref_slice %arg7[%dma_wait3A_148, %dma_wait3A_157, %dma_wait3A_158] : memref<8x2x128xi32, #tpu.memory_space<vmem>> -> memref<1x2x128xi32, #tpu.memory_space<vmem>>
    %dma_wait3A_160 = tpu.memref_squeeze %dma_wait3A_159 : memref<1x2x128xi32, #tpu.memory_space<vmem>> -> memref<2x128xi32, #tpu.memory_space<vmem>>
    %dma_wait3A_161 = arith.constant 0 : i32
    %dma_wait3A_162 = arith.constant 0 : i32
    %dma_wait3A_163 = tpu.memref_slice %arg3[%add3A, %dma_wait3A, %dma_wait3A_161, %dma_wait3A_162] : memref<32x80x2x128xi32, #tpu.memory_space<hbm>> -> memref<1x1x2x128xi32, #tpu.memory_space<hbm>>
    %dma_wait3A_164 = tpu.memref_squeeze %dma_wait3A_163 : memref<1x1x2x128xi32, #tpu.memory_space<hbm>> -> memref<2x128xi32, #tpu.memory_space<hbm>>
    tpu.wait_dma2 semaphore(%arg10 : memref<!tpu.dma_semaphore, #tpu.memory_space<semaphore_mem>>) src(%dma_wait3A_164 : memref<2x128xi32, #tpu.memory_space<hbm>>) dst(%dma_wait3A_160 : memref<2x128xi32, #tpu.memory_space<vmem>>)
    %dma_start3A_165 = arith.constant 0 : i32
    %dma_start3A_166 = arith.constant 0 : i32
    %dma_start3A_167 = arith.constant 0 : i32
    %dma_start3A_168 = tpu.memref_slice %arg7[%dma_start3A_165, %dma_start3A_166, %dma_start3A_167] : memref<8x2x128xi32, #tpu.memory_space<vmem>> -> memref<1x1x128xi32, #tpu.memory_space<vmem>>
    %dma_start3A_169 = tpu.memref_squeeze %dma_start3A_168 : memref<1x1x128xi32, #tpu.memory_space<vmem>> -> memref<128xi32, #tpu.memory_space<vmem>>
    %dma_start3A_170 = arith.constant 0 : i32
    %dma_start3A_171 = arith.constant 0 : i32
    %dma_start3A_172 = tpu.memref_slice %arg2[%dma_start3A_170, %dma_start3A_171] : memref<10000x128xf32, #tpu.memory_space<hbm>> -> memref<10000x128xf32, #tpu.memory_space<hbm>>
    tpu.enqueue_indirect_dma source(%dma_start3A_172 : memref<10000x128xf32, #tpu.memory_space<hbm>>) target(%arg8 : memref<128x128xf32, #tpu.memory_space<vmem>>) offsets(%dma_start3A_169 : memref<128xi32, #tpu.memory_space<vmem>>) semaphore(%arg18 : memref<!tpu.dma_semaphore, #tpu.memory_space<semaphore_mem>>)
    %dma_wait3A_173 = arith.constant 1 : i32
    %dma_wait3A_174 = arith.constant 1 : i32
    %dma_wait3A_175 = arith.constant 0 : i32
    %dma_wait3A_176 = arith.constant 0 : i32
    %dma_wait3A_177 = tpu.memref_slice %arg7[%dma_wait3A_174, %dma_wait3A_175, %dma_wait3A_176] : memref<8x2x128xi32, #tpu.memory_space<vmem>> -> memref<1x2x128xi32, #tpu.memory_space<vmem>>
    %dma_wait3A_178 = tpu.memref_squeeze %dma_wait3A_177 : memref<1x2x128xi32, #tpu.memory_space<vmem>> -> memref<2x128xi32, #tpu.memory_space<vmem>>
    %dma_wait3A_179 = arith.constant 0 : i32
    %dma_wait3A_180 = arith.constant 0 : i32
    %dma_wait3A_181 = tpu.memref_slice %arg3[%add3A, %dma_wait3A_173, %dma_wait3A_179, %dma_wait3A_180] : memref<32x80x2x128xi32, #tpu.memory_space<hbm>> -> memref<1x1x2x128xi32, #tpu.memory_space<hbm>>
    %dma_wait3A_182 = tpu.memref_squeeze %dma_wait3A_181 : memref<1x1x2x128xi32, #tpu.memory_space<hbm>> -> memref<2x128xi32, #tpu.memory_space<hbm>>
    %dma_wait3A_183 = arith.constant 0 : i32
    %dma_wait3A_184 = arith.constant 0 : i32
    %dma_wait3A_185 = tpu.memref_slice %arg7[%dma_wait3A_174, %dma_wait3A_183, %dma_wait3A_184] : memref<8x2x128xi32, #tpu.memory_space<vmem>> -> memref<1x2x128xi32, #tpu.memory_space<vmem>>
    %dma_wait3A_186 = tpu.memref_squeeze %dma_wait3A_185 : memref<1x2x128xi32, #tpu.memory_space<vmem>> -> memref<2x128xi32, #tpu.memory_space<vmem>>
    %dma_wait3A_187 = arith.constant 0 : i32
    %dma_wait3A_188 = arith.constant 0 : i32
    %dma_wait3A_189 = tpu.memref_slice %arg3[%add3A, %dma_wait3A_173, %dma_wait3A_187, %dma_wait3A_188] : memref<32x80x2x128xi32, #tpu.memory_space<hbm>> -> memref<1x1x2x128xi32, #tpu.memory_space<hbm>>
    %dma_wait3A_190 = tpu.memref_squeeze %dma_wait3A_189 : memref<1x1x2x128xi32, #tpu.memory_space<hbm>> -> memref<2x128xi32, #tpu.memory_space<hbm>>
    tpu.wait_dma2 semaphore(%arg11 : memref<!tpu.dma_semaphore, #tpu.memory_space<semaphore_mem>>) src(%dma_wait3A_190 : memref<2x128xi32, #tpu.memory_space<hbm>>) dst(%dma_wait3A_186 : memref<2x128xi32, #tpu.memory_space<vmem>>)
    %dma_start3A_191 = arith.constant 1 : i32
    %dma_start3A_192 = arith.constant 0 : i32
    %dma_start3A_193 = arith.constant 0 : i32
    %dma_start3A_194 = tpu.memref_slice %arg7[%dma_start3A_191, %dma_start3A_192, %dma_start3A_193] : memref<8x2x128xi32, #tpu.memory_space<vmem>> -> memref<1x1x128xi32, #tpu.memory_space<vmem>>
    %dma_start3A_195 = tpu.memref_squeeze %dma_start3A_194 : memref<1x1x128xi32, #tpu.memory_space<vmem>> -> memref<128xi32, #tpu.memory_space<vmem>>
    %dma_start3A_196 = arith.constant 0 : i32
    %dma_start3A_197 = arith.constant 0 : i32
    %dma_start3A_198 = tpu.memref_slice %arg2[%dma_start3A_196, %dma_start3A_197] : memref<10000x128xf32, #tpu.memory_space<hbm>> -> memref<10000x128xf32, #tpu.memory_space<hbm>>
    tpu.enqueue_indirect_dma source(%dma_start3A_198 : memref<10000x128xf32, #tpu.memory_space<hbm>>) target(%arg9 : memref<128x128xf32, #tpu.memory_space<vmem>>) offsets(%dma_start3A_195 : memref<128xi32, #tpu.memory_space<vmem>>) semaphore(%arg19 : memref<!tpu.dma_semaphore, #tpu.memory_space<semaphore_mem>>)
    %mul3A_199 = arith.constant 640 : i32
    %mul3A_200 = arith.muli %arg1, %mul3A_199 : i32
    %dma_wait3A_201 = arith.constant 0 : i32
    %dma_wait3A_202 = tpu.memref_slice %arg6[%mul3A_200, %dma_wait3A_201] : memref<10240x128xf32, #tpu.memory_space<vmem_shared>> -> memref<640x128xf32, #tpu.memory_space<vmem_shared>>
    tpu.wait_dma2 semaphore(%arg20 : memref<!tpu.dma_semaphore, #tpu.memory_space<semaphore_mem>>) src(%arg4 : memref<640x128xf32, #tpu.memory_space<hbm>>) dst(%dma_wait3A_202 : memref<640x128xf32, #tpu.memory_space<vmem_shared>>)
    %barrier3A = arith.constant 0 : index
    tpu.barrier barrier_id(%barrier3A)
    %scan3A = arith.constant 0 : i32
    %scan3A_203 = arith.constant 0 : i32
    %scan3A_204 = arith.constant 10 : i32
    %scan3A_205 = arith.addi %scan3A_203, %scan3A_204 : i32
    %scan3A_206 = arith.constant 1 : i32
    scf.for %scan3A_216 = %scan3A_203 to %scan3A_205 step %scan3A_206  : i32 {
      %mul3A_217 = arith.constant 8 : i32
      %mul3A_218 = arith.muli %scan3A_216, %mul3A_217 : i32
      %dma_wait3A_219 = arith.constant 0 : i32
      %dma_wait3A_220 = arith.constant 0 : i32
      %dma_wait3A_221 = arith.constant 0 : i32
      %dma_wait3A_222 = tpu.memref_slice %arg7[%dma_wait3A_219, %dma_wait3A_220, %dma_wait3A_221] : memref<8x2x128xi32, #tpu.memory_space<vmem>> -> memref<1x1x128xi32, #tpu.memory_space<vmem>>
      %dma_wait3A_223 = tpu.memref_squeeze %dma_wait3A_222 : memref<1x1x128xi32, #tpu.memory_space<vmem>> -> memref<128xi32, #tpu.memory_space<vmem>>
      %dma_wait3A_224 = arith.constant 0 : i32
      %dma_wait3A_225 = arith.constant 0 : i32
      %dma_wait3A_226 = tpu.memref_slice %arg2[%dma_wait3A_224, %dma_wait3A_225] : memref<10000x128xf32, #tpu.memory_space<hbm>> -> memref<10000x128xf32, #tpu.memory_space<hbm>>
      tpu.wait_indirect_dma semaphore(%arg18 : memref<!tpu.dma_semaphore, #tpu.memory_space<semaphore_mem>>) src(%dma_wait3A_226 : memref<10000x128xf32, #tpu.memory_space<hbm>>) dst(%arg8 : memref<128x128xf32, #tpu.memory_space<vmem>>)
      %run_scoped3A = arith.constant 0 : i32
      %run_scoped3A_227 = arith.constant 1 : i32
      "tpu.region"() ({
        %run_scoped3A_439 = tpu.sem_alloc : memref<!tpu.dma_semaphore, #tpu.memory_space<semaphore_mem>>
        %dma_start3A_440 = arith.constant 0 : i32
        %dma_start3A_441 = tpu.memref_slice %arg7[%run_scoped3A, %run_scoped3A_227, %dma_start3A_440] : memref<8x2x128xi32, #tpu.memory_space<vmem>> -> memref<1x1x128xi32, #tpu.memory_space<vmem>>
        %dma_start3A_442 = tpu.memref_squeeze %dma_start3A_441 : memref<1x1x128xi32, #tpu.memory_space<vmem>> -> memref<128xi32, #tpu.memory_space<vmem>>
        %dma_start3A_443 = arith.constant 0 : i32
        %dma_start3A_444 = arith.constant 0 : i32
        %dma_start3A_445 = tpu.memref_slice %arg6[%dma_start3A_443, %dma_start3A_444] : memref<10240x128xf32, #tpu.memory_space<vmem_shared>> -> memref<10240x128xf32, #tpu.memory_space<vmem_shared>>
        tpu.enqueue_indirect_dma source(%arg8 : memref<128x128xf32, #tpu.memory_space<vmem>>) target(%dma_start3A_445 : memref<10240x128xf32, #tpu.memory_space<vmem_shared>>) offsets(%dma_start3A_442 : memref<128xi32, #tpu.memory_space<vmem>>) semaphore(%run_scoped3A_439 : memref<!tpu.dma_semaphore, #tpu.memory_space<semaphore_mem>>) {add = true}
        %dma_wait3A_446 = arith.constant 0 : i32
        %dma_wait3A_447 = tpu.memref_slice %arg7[%run_scoped3A, %run_scoped3A_227, %dma_wait3A_446] : memref<8x2x128xi32, #tpu.memory_space<vmem>> -> memref<1x1x128xi32, #tpu.memory_space<vmem>>
        %dma_wait3A_448 = tpu.memref_squeeze %dma_wait3A_447 : memref<1x1x128xi32, #tpu.memory_space<vmem>> -> memref<128xi32, #tpu.memory_space<vmem>>
        %dma_wait3A_449 = arith.constant 0 : i32
        %dma_wait3A_450 = arith.constant 0 : i32
        %dma_wait3A_451 = tpu.memref_slice %arg6[%dma_wait3A_449, %dma_wait3A_450] : memref<10240x128xf32, #tpu.memory_space<vmem_shared>> -> memref<10240x128xf32, #tpu.memory_space<vmem_shared>>
        tpu.wait_indirect_dma semaphore(%run_scoped3A_439 : memref<!tpu.dma_semaphore, #tpu.memory_space<semaphore_mem>>) src(%arg8 : memref<128x128xf32, #tpu.memory_space<vmem>>) dst(%dma_wait3A_451 : memref<10240x128xf32, #tpu.memory_space<vmem_shared>>)
        tpu.yield
      }) : () -> ()
      %add3A_228 = arith.constant 0 : i32
      %add3A_229 = arith.addi %mul3A_218, %add3A_228 : i32
      %add3A_230 = arith.constant 8 : i32
      %add3A_231 = arith.addi %add3A_229, %add3A_230 : i32
      %lt3A = arith.constant 80 : i32
      %lt3A_232 = arith.cmpi slt, %add3A_231, %lt3A : i32
      %convert_element_type3A = arith.extui %lt3A_232 : i1 to i32
      %cond3A = arith.constant 0 : i32
      %cond3A_233 = arith.cmpi ne, %convert_element_type3A, %cond3A : i32
      scf.if %cond3A_233 {
        %add3A_439 = arith.constant 0 : i32
        %add3A_440 = arith.addi %mul3A_218, %add3A_439 : i32
        %add3A_441 = arith.constant 8 : i32
        %add3A_442 = arith.addi %add3A_440, %add3A_441 : i32
        %dma_start3A_443 = arith.constant 0 : i32
        %dma_start3A_444 = arith.constant 0 : i32
        %dma_start3A_445 = arith.constant 0 : i32
        %dma_start3A_446 = tpu.memref_slice %arg7[%dma_start3A_443, %dma_start3A_444, %dma_start3A_445] : memref<8x2x128xi32, #tpu.memory_space<vmem>> -> memref<1x2x128xi32, #tpu.memory_space<vmem>>
        %dma_start3A_447 = tpu.memref_squeeze %dma_start3A_446 : memref<1x2x128xi32, #tpu.memory_space<vmem>> -> memref<2x128xi32, #tpu.memory_space<vmem>>
        %dma_start3A_448 = arith.constant 0 : i32
        %dma_start3A_449 = arith.constant 0 : i32
        %dma_start3A_450 = tpu.memref_slice %arg3[%add3A, %add3A_442, %dma_start3A_448, %dma_start3A_449] : memref<32x80x2x128xi32, #tpu.memory_space<hbm>> -> memref<1x1x2x128xi32, #tpu.memory_space<hbm>>
        %dma_start3A_451 = tpu.memref_squeeze %dma_start3A_450 : memref<1x1x2x128xi32, #tpu.memory_space<hbm>> -> memref<2x128xi32, #tpu.memory_space<hbm>>
        %dma_start3A_452 = arith.constant 0 : i32
        %dma_start3A_453 = arith.constant 0 : i32
        %dma_start3A_454 = tpu.memref_slice %arg7[%dma_start3A_443, %dma_start3A_452, %dma_start3A_453] : memref<8x2x128xi32, #tpu.memory_space<vmem>> -> memref<1x2x128xi32, #tpu.memory_space<vmem>>
        %dma_start3A_455 = tpu.memref_squeeze %dma_start3A_454 : memref<1x2x128xi32, #tpu.memory_space<vmem>> -> memref<2x128xi32, #tpu.memory_space<vmem>>
        %dma_start3A_456 = arith.constant 0 : i32
        %dma_start3A_457 = arith.constant 0 : i32
        %dma_start3A_458 = tpu.memref_slice %arg3[%add3A, %add3A_442, %dma_start3A_456, %dma_start3A_457] : memref<32x80x2x128xi32, #tpu.memory_space<hbm>> -> memref<1x1x2x128xi32, #tpu.memory_space<hbm>>
        %dma_start3A_459 = tpu.memref_squeeze %dma_start3A_458 : memref<1x1x2x128xi32, #tpu.memory_space<hbm>> -> memref<2x128xi32, #tpu.memory_space<hbm>>
        tpu.enqueue_dma source(%dma_start3A_459 : memref<2x128xi32, #tpu.memory_space<hbm>>) target(%dma_start3A_455 : memref<2x128xi32, #tpu.memory_space<vmem>>) target_semaphore(%arg10 : memref<!tpu.dma_semaphore, #tpu.memory_space<semaphore_mem>>)
      } else {
      }
      %add3A_234 = arith.constant 0 : i32
      %add3A_235 = arith.addi %mul3A_218, %add3A_234 : i32
      %add3A_236 = arith.constant 2 : i32
      %add3A_237 = arith.addi %add3A_235, %add3A_236 : i32
      %lt3A_238 = arith.constant 80 : i32
      %lt3A_239 = arith.cmpi slt, %add3A_237, %lt3A_238 : i32
      %convert_element_type3A_240 = arith.extui %lt3A_239 : i1 to i32
      %cond3A_241 = arith.constant 0 : i32
      %cond3A_242 = arith.cmpi ne, %convert_element_type3A_240, %cond3A_241 : i32
      scf.if %cond3A_242 {
        %add3A_439 = arith.constant 0 : i32
        %add3A_440 = arith.addi %mul3A_218, %add3A_439 : i32
        %add3A_441 = arith.constant 2 : i32
        %add3A_442 = arith.addi %add3A_440, %add3A_441 : i32
        %dma_wait3A_443 = arith.constant 2 : i32
        %dma_wait3A_444 = arith.constant 0 : i32
        %dma_wait3A_445 = arith.constant 0 : i32
        %dma_wait3A_446 = tpu.memref_slice %arg7[%dma_wait3A_443, %dma_wait3A_444, %dma_wait3A_445] : memref<8x2x128xi32, #tpu.memory_space<vmem>> -> memref<1x2x128xi32, #tpu.memory_space<vmem>>
        %dma_wait3A_447 = tpu.memref_squeeze %dma_wait3A_446 : memref<1x2x128xi32, #tpu.memory_space<vmem>> -> memref<2x128xi32, #tpu.memory_space<vmem>>
        %dma_wait3A_448 = arith.constant 0 : i32
        %dma_wait3A_449 = arith.constant 0 : i32
        %dma_wait3A_450 = tpu.memref_slice %arg3[%add3A, %add3A_442, %dma_wait3A_448, %dma_wait3A_449] : memref<32x80x2x128xi32, #tpu.memory_space<hbm>> -> memref<1x1x2x128xi32, #tpu.memory_space<hbm>>
        %dma_wait3A_451 = tpu.memref_squeeze %dma_wait3A_450 : memref<1x1x2x128xi32, #tpu.memory_space<hbm>> -> memref<2x128xi32, #tpu.memory_space<hbm>>
        %dma_wait3A_452 = arith.constant 0 : i32
        %dma_wait3A_453 = arith.constant 0 : i32
        %dma_wait3A_454 = tpu.memref_slice %arg7[%dma_wait3A_443, %dma_wait3A_452, %dma_wait3A_453] : memref<8x2x128xi32, #tpu.memory_space<vmem>> -> memref<1x2x128xi32, #tpu.memory_space<vmem>>
        %dma_wait3A_455 = tpu.memref_squeeze %dma_wait3A_454 : memref<1x2x128xi32, #tpu.memory_space<vmem>> -> memref<2x128xi32, #tpu.memory_space<vmem>>
        %dma_wait3A_456 = arith.constant 0 : i32
        %dma_wait3A_457 = arith.constant 0 : i32
        %dma_wait3A_458 = tpu.memref_slice %arg3[%add3A, %add3A_442, %dma_wait3A_456, %dma_wait3A_457] : memref<32x80x2x128xi32, #tpu.memory_space<hbm>> -> memref<1x1x2x128xi32, #tpu.memory_space<hbm>>
        %dma_wait3A_459 = tpu.memref_squeeze %dma_wait3A_458 : memref<1x1x2x128xi32, #tpu.memory_space<hbm>> -> memref<2x128xi32, #tpu.memory_space<hbm>>
        tpu.wait_dma2 semaphore(%arg12 : memref<!tpu.dma_semaphore, #tpu.memory_space<semaphore_mem>>) src(%dma_wait3A_459 : memref<2x128xi32, #tpu.memory_space<hbm>>) dst(%dma_wait3A_455 : memref<2x128xi32, #tpu.memory_space<vmem>>)
        %dma_start3A_460 = arith.constant 2 : i32
        %dma_start3A_461 = arith.constant 0 : i32
        %dma_start3A_462 = arith.constant 0 : i32
        %dma_start3A_463 = tpu.memref_slice %arg7[%dma_start3A_460, %dma_start3A_461, %dma_start3A_462] : memref<8x2x128xi32, #tpu.memory_space<vmem>> -> memref<1x1x128xi32, #tpu.memory_space<vmem>>
        %dma_start3A_464 = tpu.memref_squeeze %dma_start3A_463 : memref<1x1x128xi32, #tpu.memory_space<vmem>> -> memref<128xi32, #tpu.memory_space<vmem>>
        %dma_start3A_465 = arith.constant 0 : i32
        %dma_start3A_466 = arith.constant 0 : i32
        %dma_start3A_467 = tpu.memref_slice %arg2[%dma_start3A_465, %dma_start3A_466] : memref<10000x128xf32, #tpu.memory_space<hbm>> -> memref<10000x128xf32, #tpu.memory_space<hbm>>
        tpu.enqueue_indirect_dma source(%dma_start3A_467 : memref<10000x128xf32, #tpu.memory_space<hbm>>) target(%arg8 : memref<128x128xf32, #tpu.memory_space<vmem>>) offsets(%dma_start3A_464 : memref<128xi32, #tpu.memory_space<vmem>>) semaphore(%arg18 : memref<!tpu.dma_semaphore, #tpu.memory_space<semaphore_mem>>)
      } else {
      }
      %dma_wait3A_243 = arith.constant 1 : i32
      %dma_wait3A_244 = arith.constant 0 : i32
      %dma_wait3A_245 = arith.constant 0 : i32
      %dma_wait3A_246 = tpu.memref_slice %arg7[%dma_wait3A_243, %dma_wait3A_244, %dma_wait3A_245] : memref<8x2x128xi32, #tpu.memory_space<vmem>> -> memref<1x1x128xi32, #tpu.memory_space<vmem>>
      %dma_wait3A_247 = tpu.memref_squeeze %dma_wait3A_246 : memref<1x1x128xi32, #tpu.memory_space<vmem>> -> memref<128xi32, #tpu.memory_space<vmem>>
      %dma_wait3A_248 = arith.constant 0 : i32
      %dma_wait3A_249 = arith.constant 0 : i32
      %dma_wait3A_250 = tpu.memref_slice %arg2[%dma_wait3A_248, %dma_wait3A_249] : memref<10000x128xf32, #tpu.memory_space<hbm>> -> memref<10000x128xf32, #tpu.memory_space<hbm>>
      tpu.wait_indirect_dma semaphore(%arg19 : memref<!tpu.dma_semaphore, #tpu.memory_space<semaphore_mem>>) src(%dma_wait3A_250 : memref<10000x128xf32, #tpu.memory_space<hbm>>) dst(%arg9 : memref<128x128xf32, #tpu.memory_space<vmem>>)
      %run_scoped3A_251 = arith.constant 1 : i32
      %run_scoped3A_252 = arith.constant 1 : i32
      "tpu.region"() ({
        %run_scoped3A_439 = tpu.sem_alloc : memref<!tpu.dma_semaphore, #tpu.memory_space<semaphore_mem>>
        %dma_start3A_440 = arith.constant 0 : i32
        %dma_start3A_441 = tpu.memref_slice %arg7[%run_scoped3A_251, %run_scoped3A_252, %dma_start3A_440] : memref<8x2x128xi32, #tpu.memory_space<vmem>> -> memref<1x1x128xi32, #tpu.memory_space<vmem>>
        %dma_start3A_442 = tpu.memref_squeeze %dma_start3A_441 : memref<1x1x128xi32, #tpu.memory_space<vmem>> -> memref<128xi32, #tpu.memory_space<vmem>>
        %dma_start3A_443 = arith.constant 0 : i32
        %dma_start3A_444 = arith.constant 0 : i32
        %dma_start3A_445 = tpu.memref_slice %arg6[%dma_start3A_443, %dma_start3A_444] : memref<10240x128xf32, #tpu.memory_space<vmem_shared>> -> memref<10240x128xf32, #tpu.memory_space<vmem_shared>>
        tpu.enqueue_indirect_dma source(%arg9 : memref<128x128xf32, #tpu.memory_space<vmem>>) target(%dma_start3A_445 : memref<10240x128xf32, #tpu.memory_space<vmem_shared>>) offsets(%dma_start3A_442 : memref<128xi32, #tpu.memory_space<vmem>>) semaphore(%run_scoped3A_439 : memref<!tpu.dma_semaphore, #tpu.memory_space<semaphore_mem>>) {add = true}
        %dma_wait3A_446 = arith.constant 0 : i32
        %dma_wait3A_447 = tpu.memref_slice %arg7[%run_scoped3A_251, %run_scoped3A_252, %dma_wait3A_446] : memref<8x2x128xi32, #tpu.memory_space<vmem>> -> memref<1x1x128xi32, #tpu.memory_space<vmem>>
        %dma_wait3A_448 = tpu.memref_squeeze %dma_wait3A_447 : memref<1x1x128xi32, #tpu.memory_space<vmem>> -> memref<128xi32, #tpu.memory_space<vmem>>
        %dma_wait3A_449 = arith.constant 0 : i32
        %dma_wait3A_450 = arith.constant 0 : i32
        %dma_wait3A_451 = tpu.memref_slice %arg6[%dma_wait3A_449, %dma_wait3A_450] : memref<10240x128xf32, #tpu.memory_space<vmem_shared>> -> memref<10240x128xf32, #tpu.memory_space<vmem_shared>>
        tpu.wait_indirect_dma semaphore(%run_scoped3A_439 : memref<!tpu.dma_semaphore, #tpu.memory_space<semaphore_mem>>) src(%arg9 : memref<128x128xf32, #tpu.memory_space<vmem>>) dst(%dma_wait3A_451 : memref<10240x128xf32, #tpu.memory_space<vmem_shared>>)
        tpu.yield
      }) : () -> ()
      %add3A_253 = arith.constant 1 : i32
      %add3A_254 = arith.addi %mul3A_218, %add3A_253 : i32
      %add3A_255 = arith.constant 8 : i32
      %add3A_256 = arith.addi %add3A_254, %add3A_255 : i32
      %lt3A_257 = arith.constant 80 : i32
      %lt3A_258 = arith.cmpi slt, %add3A_256, %lt3A_257 : i32
      %convert_element_type3A_259 = arith.extui %lt3A_258 : i1 to i32
      %cond3A_260 = arith.constant 0 : i32
      %cond3A_261 = arith.cmpi ne, %convert_element_type3A_259, %cond3A_260 : i32
      scf.if %cond3A_261 {
        %add3A_439 = arith.constant 1 : i32
        %add3A_440 = arith.addi %mul3A_218, %add3A_439 : i32
        %add3A_441 = arith.constant 8 : i32
        %add3A_442 = arith.addi %add3A_440, %add3A_441 : i32
        %dma_start3A_443 = arith.constant 1 : i32
        %dma_start3A_444 = arith.constant 0 : i32
        %dma_start3A_445 = arith.constant 0 : i32
        %dma_start3A_446 = tpu.memref_slice %arg7[%dma_start3A_443, %dma_start3A_444, %dma_start3A_445] : memref<8x2x128xi32, #tpu.memory_space<vmem>> -> memref<1x2x128xi32, #tpu.memory_space<vmem>>
        %dma_start3A_447 = tpu.memref_squeeze %dma_start3A_446 : memref<1x2x128xi32, #tpu.memory_space<vmem>> -> memref<2x128xi32, #tpu.memory_space<vmem>>
        %dma_start3A_448 = arith.constant 0 : i32
        %dma_start3A_449 = arith.constant 0 : i32
        %dma_start3A_450 = tpu.memref_slice %arg3[%add3A, %add3A_442, %dma_start3A_448, %dma_start3A_449] : memref<32x80x2x128xi32, #tpu.memory_space<hbm>> -> memref<1x1x2x128xi32, #tpu.memory_space<hbm>>
        %dma_start3A_451 = tpu.memref_squeeze %dma_start3A_450 : memref<1x1x2x128xi32, #tpu.memory_space<hbm>> -> memref<2x128xi32, #tpu.memory_space<hbm>>
        %dma_start3A_452 = arith.constant 0 : i32
        %dma_start3A_453 = arith.constant 0 : i32
        %dma_start3A_454 = tpu.memref_slice %arg7[%dma_start3A_443, %dma_start3A_452, %dma_start3A_453] : memref<8x2x128xi32, #tpu.memory_space<vmem>> -> memref<1x2x128xi32, #tpu.memory_space<vmem>>
        %dma_start3A_455 = tpu.memref_squeeze %dma_start3A_454 : memref<1x2x128xi32, #tpu.memory_space<vmem>> -> memref<2x128xi32, #tpu.memory_space<vmem>>
        %dma_start3A_456 = arith.constant 0 : i32
        %dma_start3A_457 = arith.constant 0 : i32
        %dma_start3A_458 = tpu.memref_slice %arg3[%add3A, %add3A_442, %dma_start3A_456, %dma_start3A_457] : memref<32x80x2x128xi32, #tpu.memory_space<hbm>> -> memref<1x1x2x128xi32, #tpu.memory_space<hbm>>
        %dma_start3A_459 = tpu.memref_squeeze %dma_start3A_458 : memref<1x1x2x128xi32, #tpu.memory_space<hbm>> -> memref<2x128xi32, #tpu.memory_space<hbm>>
        tpu.enqueue_dma source(%dma_start3A_459 : memref<2x128xi32, #tpu.memory_space<hbm>>) target(%dma_start3A_455 : memref<2x128xi32, #tpu.memory_space<vmem>>) target_semaphore(%arg11 : memref<!tpu.dma_semaphore, #tpu.memory_space<semaphore_mem>>)
      } else {
      }
      %add3A_262 = arith.constant 1 : i32
      %add3A_263 = arith.addi %mul3A_218, %add3A_262 : i32
      %add3A_264 = arith.constant 2 : i32
      %add3A_265 = arith.addi %add3A_263, %add3A_264 : i32
      %lt3A_266 = arith.constant 80 : i32
      %lt3A_267 = arith.cmpi slt, %add3A_265, %lt3A_266 : i32
      %convert_element_type3A_268 = arith.extui %lt3A_267 : i1 to i32
      %cond3A_269 = arith.constant 0 : i32
      %cond3A_270 = arith.cmpi ne, %convert_element_type3A_268, %cond3A_269 : i32
      scf.if %cond3A_270 {
        %add3A_439 = arith.constant 1 : i32
        %add3A_440 = arith.addi %mul3A_218, %add3A_439 : i32
        %add3A_441 = arith.constant 2 : i32
        %add3A_442 = arith.addi %add3A_440, %add3A_441 : i32
        %dma_wait3A_443 = arith.constant 3 : i32
        %dma_wait3A_444 = arith.constant 0 : i32
        %dma_wait3A_445 = arith.constant 0 : i32
        %dma_wait3A_446 = tpu.memref_slice %arg7[%dma_wait3A_443, %dma_wait3A_444, %dma_wait3A_445] : memref<8x2x128xi32, #tpu.memory_space<vmem>> -> memref<1x2x128xi32, #tpu.memory_space<vmem>>
        %dma_wait3A_447 = tpu.memref_squeeze %dma_wait3A_446 : memref<1x2x128xi32, #tpu.memory_space<vmem>> -> memref<2x128xi32, #tpu.memory_space<vmem>>
        %dma_wait3A_448 = arith.constant 0 : i32
        %dma_wait3A_449 = arith.constant 0 : i32
        %dma_wait3A_450 = tpu.memref_slice %arg3[%add3A, %add3A_442, %dma_wait3A_448, %dma_wait3A_449] : memref<32x80x2x128xi32, #tpu.memory_space<hbm>> -> memref<1x1x2x128xi32, #tpu.memory_space<hbm>>
        %dma_wait3A_451 = tpu.memref_squeeze %dma_wait3A_450 : memref<1x1x2x128xi32, #tpu.memory_space<hbm>> -> memref<2x128xi32, #tpu.memory_space<hbm>>
        %dma_wait3A_452 = arith.constant 0 : i32
        %dma_wait3A_453 = arith.constant 0 : i32
        %dma_wait3A_454 = tpu.memref_slice %arg7[%dma_wait3A_443, %dma_wait3A_452, %dma_wait3A_453] : memref<8x2x128xi32, #tpu.memory_space<vmem>> -> memref<1x2x128xi32, #tpu.memory_space<vmem>>
        %dma_wait3A_455 = tpu.memref_squeeze %dma_wait3A_454 : memref<1x2x128xi32, #tpu.memory_space<vmem>> -> memref<2x128xi32, #tpu.memory_space<vmem>>
        %dma_wait3A_456 = arith.constant 0 : i32
        %dma_wait3A_457 = arith.constant 0 : i32
        %dma_wait3A_458 = tpu.memref_slice %arg3[%add3A, %add3A_442, %dma_wait3A_456, %dma_wait3A_457] : memref<32x80x2x128xi32, #tpu.memory_space<hbm>> -> memref<1x1x2x128xi32, #tpu.memory_space<hbm>>
        %dma_wait3A_459 = tpu.memref_squeeze %dma_wait3A_458 : memref<1x1x2x128xi32, #tpu.memory_space<hbm>> -> memref<2x128xi32, #tpu.memory_space<hbm>>
        tpu.wait_dma2 semaphore(%arg13 : memref<!tpu.dma_semaphore, #tpu.memory_space<semaphore_mem>>) src(%dma_wait3A_459 : memref<2x128xi32, #tpu.memory_space<hbm>>) dst(%dma_wait3A_455 : memref<2x128xi32, #tpu.memory_space<vmem>>)
        %dma_start3A_460 = arith.constant 3 : i32
        %dma_start3A_461 = arith.constant 0 : i32
        %dma_start3A_462 = arith.constant 0 : i32
        %dma_start3A_463 = tpu.memref_slice %arg7[%dma_start3A_460, %dma_start3A_461, %dma_start3A_462] : memref<8x2x128xi32, #tpu.memory_space<vmem>> -> memref<1x1x128xi32, #tpu.memory_space<vmem>>
        %dma_start3A_464 = tpu.memref_squeeze %dma_start3A_463 : memref<1x1x128xi32, #tpu.memory_space<vmem>> -> memref<128xi32, #tpu.memory_space<vmem>>
        %dma_start3A_465 = arith.constant 0 : i32
        %dma_start3A_466 = arith.constant 0 : i32
        %dma_start3A_467 = tpu.memref_slice %arg2[%dma_start3A_465, %dma_start3A_466] : memref<10000x128xf32, #tpu.memory_space<hbm>> -> memref<10000x128xf32, #tpu.memory_space<hbm>>
        tpu.enqueue_indirect_dma source(%dma_start3A_467 : memref<10000x128xf32, #tpu.memory_space<hbm>>) target(%arg9 : memref<128x128xf32, #tpu.memory_space<vmem>>) offsets(%dma_start3A_464 : memref<128xi32, #tpu.memory_space<vmem>>) semaphore(%arg19 : memref<!tpu.dma_semaphore, #tpu.memory_space<semaphore_mem>>)
      } else {
      }
      %dma_wait3A_271 = arith.constant 2 : i32
      %dma_wait3A_272 = arith.constant 0 : i32
      %dma_wait3A_273 = arith.constant 0 : i32
      %dma_wait3A_274 = tpu.memref_slice %arg7[%dma_wait3A_271, %dma_wait3A_272, %dma_wait3A_273] : memref<8x2x128xi32, #tpu.memory_space<vmem>> -> memref<1x1x128xi32, #tpu.memory_space<vmem>>
      %dma_wait3A_275 = tpu.memref_squeeze %dma_wait3A_274 : memref<1x1x128xi32, #tpu.memory_space<vmem>> -> memref<128xi32, #tpu.memory_space<vmem>>
      %dma_wait3A_276 = arith.constant 0 : i32
      %dma_wait3A_277 = arith.constant 0 : i32
      %dma_wait3A_278 = tpu.memref_slice %arg2[%dma_wait3A_276, %dma_wait3A_277] : memref<10000x128xf32, #tpu.memory_space<hbm>> -> memref<10000x128xf32, #tpu.memory_space<hbm>>
      tpu.wait_indirect_dma semaphore(%arg18 : memref<!tpu.dma_semaphore, #tpu.memory_space<semaphore_mem>>) src(%dma_wait3A_278 : memref<10000x128xf32, #tpu.memory_space<hbm>>) dst(%arg8 : memref<128x128xf32, #tpu.memory_space<vmem>>)
      %run_scoped3A_279 = arith.constant 2 : i32
      %run_scoped3A_280 = arith.constant 1 : i32
      "tpu.region"() ({
        %run_scoped3A_439 = tpu.sem_alloc : memref<!tpu.dma_semaphore, #tpu.memory_space<semaphore_mem>>
        %dma_start3A_440 = arith.constant 0 : i32
        %dma_start3A_441 = tpu.memref_slice %arg7[%run_scoped3A_279, %run_scoped3A_280, %dma_start3A_440] : memref<8x2x128xi32, #tpu.memory_space<vmem>> -> memref<1x1x128xi32, #tpu.memory_space<vmem>>
        %dma_start3A_442 = tpu.memref_squeeze %dma_start3A_441 : memref<1x1x128xi32, #tpu.memory_space<vmem>> -> memref<128xi32, #tpu.memory_space<vmem>>
        %dma_start3A_443 = arith.constant 0 : i32
        %dma_start3A_444 = arith.constant 0 : i32
        %dma_start3A_445 = tpu.memref_slice %arg6[%dma_start3A_443, %dma_start3A_444] : memref<10240x128xf32, #tpu.memory_space<vmem_shared>> -> memref<10240x128xf32, #tpu.memory_space<vmem_shared>>
        tpu.enqueue_indirect_dma source(%arg8 : memref<128x128xf32, #tpu.memory_space<vmem>>) target(%dma_start3A_445 : memref<10240x128xf32, #tpu.memory_space<vmem_shared>>) offsets(%dma_start3A_442 : memref<128xi32, #tpu.memory_space<vmem>>) semaphore(%run_scoped3A_439 : memref<!tpu.dma_semaphore, #tpu.memory_space<semaphore_mem>>) {add = true}
        %dma_wait3A_446 = arith.constant 0 : i32
        %dma_wait3A_447 = tpu.memref_slice %arg7[%run_scoped3A_279, %run_scoped3A_280, %dma_wait3A_446] : memref<8x2x128xi32, #tpu.memory_space<vmem>> -> memref<1x1x128xi32, #tpu.memory_space<vmem>>
        %dma_wait3A_448 = tpu.memref_squeeze %dma_wait3A_447 : memref<1x1x128xi32, #tpu.memory_space<vmem>> -> memref<128xi32, #tpu.memory_space<vmem>>
        %dma_wait3A_449 = arith.constant 0 : i32
        %dma_wait3A_450 = arith.constant 0 : i32
        %dma_wait3A_451 = tpu.memref_slice %arg6[%dma_wait3A_449, %dma_wait3A_450] : memref<10240x128xf32, #tpu.memory_space<vmem_shared>> -> memref<10240x128xf32, #tpu.memory_space<vmem_shared>>
        tpu.wait_indirect_dma semaphore(%run_scoped3A_439 : memref<!tpu.dma_semaphore, #tpu.memory_space<semaphore_mem>>) src(%arg8 : memref<128x128xf32, #tpu.memory_space<vmem>>) dst(%dma_wait3A_451 : memref<10240x128xf32, #tpu.memory_space<vmem_shared>>)
        tpu.yield
      }) : () -> ()
      %add3A_281 = arith.constant 2 : i32
      %add3A_282 = arith.addi %mul3A_218, %add3A_281 : i32
      %add3A_283 = arith.constant 8 : i32
      %add3A_284 = arith.addi %add3A_282, %add3A_283 : i32
      %lt3A_285 = arith.constant 80 : i32
      %lt3A_286 = arith.cmpi slt, %add3A_284, %lt3A_285 : i32
      %convert_element_type3A_287 = arith.extui %lt3A_286 : i1 to i32
      %cond3A_288 = arith.constant 0 : i32
      %cond3A_289 = arith.cmpi ne, %convert_element_type3A_287, %cond3A_288 : i32
      scf.if %cond3A_289 {
        %add3A_439 = arith.constant 2 : i32
        %add3A_440 = arith.addi %mul3A_218, %add3A_439 : i32
        %add3A_441 = arith.constant 8 : i32
        %add3A_442 = arith.addi %add3A_440, %add3A_441 : i32
        %dma_start3A_443 = arith.constant 2 : i32
        %dma_start3A_444 = arith.constant 0 : i32
        %dma_start3A_445 = arith.constant 0 : i32
        %dma_start3A_446 = tpu.memref_slice %arg7[%dma_start3A_443, %dma_start3A_444, %dma_start3A_445] : memref<8x2x128xi32, #tpu.memory_space<vmem>> -> memref<1x2x128xi32, #tpu.memory_space<vmem>>
        %dma_start3A_447 = tpu.memref_squeeze %dma_start3A_446 : memref<1x2x128xi32, #tpu.memory_space<vmem>> -> memref<2x128xi32, #tpu.memory_space<vmem>>
        %dma_start3A_448 = arith.constant 0 : i32
        %dma_start3A_449 = arith.constant 0 : i32
        %dma_start3A_450 = tpu.memref_slice %arg3[%add3A, %add3A_442, %dma_start3A_448, %dma_start3A_449] : memref<32x80x2x128xi32, #tpu.memory_space<hbm>> -> memref<1x1x2x128xi32, #tpu.memory_space<hbm>>
        %dma_start3A_451 = tpu.memref_squeeze %dma_start3A_450 : memref<1x1x2x128xi32, #tpu.memory_space<hbm>> -> memref<2x128xi32, #tpu.memory_space<hbm>>
        %dma_start3A_452 = arith.constant 0 : i32
        %dma_start3A_453 = arith.constant 0 : i32
        %dma_start3A_454 = tpu.memref_slice %arg7[%dma_start3A_443, %dma_start3A_452, %dma_start3A_453] : memref<8x2x128xi32, #tpu.memory_space<vmem>> -> memref<1x2x128xi32, #tpu.memory_space<vmem>>
        %dma_start3A_455 = tpu.memref_squeeze %dma_start3A_454 : memref<1x2x128xi32, #tpu.memory_space<vmem>> -> memref<2x128xi32, #tpu.memory_space<vmem>>
        %dma_start3A_456 = arith.constant 0 : i32
        %dma_start3A_457 = arith.constant 0 : i32
        %dma_start3A_458 = tpu.memref_slice %arg3[%add3A, %add3A_442, %dma_start3A_456, %dma_start3A_457] : memref<32x80x2x128xi32, #tpu.memory_space<hbm>> -> memref<1x1x2x128xi32, #tpu.memory_space<hbm>>
        %dma_start3A_459 = tpu.memref_squeeze %dma_start3A_458 : memref<1x1x2x128xi32, #tpu.memory_space<hbm>> -> memref<2x128xi32, #tpu.memory_space<hbm>>
        tpu.enqueue_dma source(%dma_start3A_459 : memref<2x128xi32, #tpu.memory_space<hbm>>) target(%dma_start3A_455 : memref<2x128xi32, #tpu.memory_space<vmem>>) target_semaphore(%arg12 : memref<!tpu.dma_semaphore, #tpu.memory_space<semaphore_mem>>)
      } else {
      }
      %add3A_290 = arith.constant 2 : i32
      %add3A_291 = arith.addi %mul3A_218, %add3A_290 : i32
      %add3A_292 = arith.constant 2 : i32
      %add3A_293 = arith.addi %add3A_291, %add3A_292 : i32
      %lt3A_294 = arith.constant 80 : i32
      %lt3A_295 = arith.cmpi slt, %add3A_293, %lt3A_294 : i32
      %convert_element_type3A_296 = arith.extui %lt3A_295 : i1 to i32
      %cond3A_297 = arith.constant 0 : i32
      %cond3A_298 = arith.cmpi ne, %convert_element_type3A_296, %cond3A_297 : i32
      scf.if %cond3A_298 {
        %add3A_439 = arith.constant 2 : i32
        %add3A_440 = arith.addi %mul3A_218, %add3A_439 : i32
        %add3A_441 = arith.constant 2 : i32
        %add3A_442 = arith.addi %add3A_440, %add3A_441 : i32
        %dma_wait3A_443 = arith.constant 4 : i32
        %dma_wait3A_444 = arith.constant 0 : i32
        %dma_wait3A_445 = arith.constant 0 : i32
        %dma_wait3A_446 = tpu.memref_slice %arg7[%dma_wait3A_443, %dma_wait3A_444, %dma_wait3A_445] : memref<8x2x128xi32, #tpu.memory_space<vmem>> -> memref<1x2x128xi32, #tpu.memory_space<vmem>>
        %dma_wait3A_447 = tpu.memref_squeeze %dma_wait3A_446 : memref<1x2x128xi32, #tpu.memory_space<vmem>> -> memref<2x128xi32, #tpu.memory_space<vmem>>
        %dma_wait3A_448 = arith.constant 0 : i32
        %dma_wait3A_449 = arith.constant 0 : i32
        %dma_wait3A_450 = tpu.memref_slice %arg3[%add3A, %add3A_442, %dma_wait3A_448, %dma_wait3A_449] : memref<32x80x2x128xi32, #tpu.memory_space<hbm>> -> memref<1x1x2x128xi32, #tpu.memory_space<hbm>>
        %dma_wait3A_451 = tpu.memref_squeeze %dma_wait3A_450 : memref<1x1x2x128xi32, #tpu.memory_space<hbm>> -> memref<2x128xi32, #tpu.memory_space<hbm>>
        %dma_wait3A_452 = arith.constant 0 : i32
        %dma_wait3A_453 = arith.constant 0 : i32
        %dma_wait3A_454 = tpu.memref_slice %arg7[%dma_wait3A_443, %dma_wait3A_452, %dma_wait3A_453] : memref<8x2x128xi32, #tpu.memory_space<vmem>> -> memref<1x2x128xi32, #tpu.memory_space<vmem>>
        %dma_wait3A_455 = tpu.memref_squeeze %dma_wait3A_454 : memref<1x2x128xi32, #tpu.memory_space<vmem>> -> memref<2x128xi32, #tpu.memory_space<vmem>>
        %dma_wait3A_456 = arith.constant 0 : i32
        %dma_wait3A_457 = arith.constant 0 : i32
        %dma_wait3A_458 = tpu.memref_slice %arg3[%add3A, %add3A_442, %dma_wait3A_456, %dma_wait3A_457] : memref<32x80x2x128xi32, #tpu.memory_space<hbm>> -> memref<1x1x2x128xi32, #tpu.memory_space<hbm>>
        %dma_wait3A_459 = tpu.memref_squeeze %dma_wait3A_458 : memref<1x1x2x128xi32, #tpu.memory_space<hbm>> -> memref<2x128xi32, #tpu.memory_space<hbm>>
        tpu.wait_dma2 semaphore(%arg14 : memref<!tpu.dma_semaphore, #tpu.memory_space<semaphore_mem>>) src(%dma_wait3A_459 : memref<2x128xi32, #tpu.memory_space<hbm>>) dst(%dma_wait3A_455 : memref<2x128xi32, #tpu.memory_space<vmem>>)
        %dma_start3A_460 = arith.constant 4 : i32
        %dma_start3A_461 = arith.constant 0 : i32
        %dma_start3A_462 = arith.constant 0 : i32
        %dma_start3A_463 = tpu.memref_slice %arg7[%dma_start3A_460, %dma_start3A_461, %dma_start3A_462] : memref<8x2x128xi32, #tpu.memory_space<vmem>> -> memref<1x1x128xi32, #tpu.memory_space<vmem>>
        %dma_start3A_464 = tpu.memref_squeeze %dma_start3A_463 : memref<1x1x128xi32, #tpu.memory_space<vmem>> -> memref<128xi32, #tpu.memory_space<vmem>>
        %dma_start3A_465 = arith.constant 0 : i32
        %dma_start3A_466 = arith.constant 0 : i32
        %dma_start3A_467 = tpu.memref_slice %arg2[%dma_start3A_465, %dma_start3A_466] : memref<10000x128xf32, #tpu.memory_space<hbm>> -> memref<10000x128xf32, #tpu.memory_space<hbm>>
        tpu.enqueue_indirect_dma source(%dma_start3A_467 : memref<10000x128xf32, #tpu.memory_space<hbm>>) target(%arg8 : memref<128x128xf32, #tpu.memory_space<vmem>>) offsets(%dma_start3A_464 : memref<128xi32, #tpu.memory_space<vmem>>) semaphore(%arg18 : memref<!tpu.dma_semaphore, #tpu.memory_space<semaphore_mem>>)
      } else {
      }
      %dma_wait3A_299 = arith.constant 3 : i32
      %dma_wait3A_300 = arith.constant 0 : i32
      %dma_wait3A_301 = arith.constant 0 : i32
      %dma_wait3A_302 = tpu.memref_slice %arg7[%dma_wait3A_299, %dma_wait3A_300, %dma_wait3A_301] : memref<8x2x128xi32, #tpu.memory_space<vmem>> -> memref<1x1x128xi32, #tpu.memory_space<vmem>>
      %dma_wait3A_303 = tpu.memref_squeeze %dma_wait3A_302 : memref<1x1x128xi32, #tpu.memory_space<vmem>> -> memref<128xi32, #tpu.memory_space<vmem>>
      %dma_wait3A_304 = arith.constant 0 : i32
      %dma_wait3A_305 = arith.constant 0 : i32
      %dma_wait3A_306 = tpu.memref_slice %arg2[%dma_wait3A_304, %dma_wait3A_305] : memref<10000x128xf32, #tpu.memory_space<hbm>> -> memref<10000x128xf32, #tpu.memory_space<hbm>>
      tpu.wait_indirect_dma semaphore(%arg19 : memref<!tpu.dma_semaphore, #tpu.memory_space<semaphore_mem>>) src(%dma_wait3A_306 : memref<10000x128xf32, #tpu.memory_space<hbm>>) dst(%arg9 : memref<128x128xf32, #tpu.memory_space<vmem>>)
      %run_scoped3A_307 = arith.constant 3 : i32
      %run_scoped3A_308 = arith.constant 1 : i32
      "tpu.region"() ({
        %run_scoped3A_439 = tpu.sem_alloc : memref<!tpu.dma_semaphore, #tpu.memory_space<semaphore_mem>>
        %dma_start3A_440 = arith.constant 0 : i32
        %dma_start3A_441 = tpu.memref_slice %arg7[%run_scoped3A_307, %run_scoped3A_308, %dma_start3A_440] : memref<8x2x128xi32, #tpu.memory_space<vmem>> -> memref<1x1x128xi32, #tpu.memory_space<vmem>>
        %dma_start3A_442 = tpu.memref_squeeze %dma_start3A_441 : memref<1x1x128xi32, #tpu.memory_space<vmem>> -> memref<128xi32, #tpu.memory_space<vmem>>
        %dma_start3A_443 = arith.constant 0 : i32
        %dma_start3A_444 = arith.constant 0 : i32
        %dma_start3A_445 = tpu.memref_slice %arg6[%dma_start3A_443, %dma_start3A_444] : memref<10240x128xf32, #tpu.memory_space<vmem_shared>> -> memref<10240x128xf32, #tpu.memory_space<vmem_shared>>
        tpu.enqueue_indirect_dma source(%arg9 : memref<128x128xf32, #tpu.memory_space<vmem>>) target(%dma_start3A_445 : memref<10240x128xf32, #tpu.memory_space<vmem_shared>>) offsets(%dma_start3A_442 : memref<128xi32, #tpu.memory_space<vmem>>) semaphore(%run_scoped3A_439 : memref<!tpu.dma_semaphore, #tpu.memory_space<semaphore_mem>>) {add = true}
        %dma_wait3A_446 = arith.constant 0 : i32
        %dma_wait3A_447 = tpu.memref_slice %arg7[%run_scoped3A_307, %run_scoped3A_308, %dma_wait3A_446] : memref<8x2x128xi32, #tpu.memory_space<vmem>> -> memref<1x1x128xi32, #tpu.memory_space<vmem>>
        %dma_wait3A_448 = tpu.memref_squeeze %dma_wait3A_447 : memref<1x1x128xi32, #tpu.memory_space<vmem>> -> memref<128xi32, #tpu.memory_space<vmem>>
        %dma_wait3A_449 = arith.constant 0 : i32
        %dma_wait3A_450 = arith.constant 0 : i32
        %dma_wait3A_451 = tpu.memref_slice %arg6[%dma_wait3A_449, %dma_wait3A_450] : memref<10240x128xf32, #tpu.memory_space<vmem_shared>> -> memref<10240x128xf32, #tpu.memory_space<vmem_shared>>
        tpu.wait_indirect_dma semaphore(%run_scoped3A_439 : memref<!tpu.dma_semaphore, #tpu.memory_space<semaphore_mem>>) src(%arg9 : memref<128x128xf32, #tpu.memory_space<vmem>>) dst(%dma_wait3A_451 : memref<10240x128xf32, #tpu.memory_space<vmem_shared>>)
        tpu.yield
      }) : () -> ()
      %add3A_309 = arith.constant 3 : i32
      %add3A_310 = arith.addi %mul3A_218, %add3A_309 : i32
      %add3A_311 = arith.constant 8 : i32
      %add3A_312 = arith.addi %add3A_310, %add3A_311 : i32
      %lt3A_313 = arith.constant 80 : i32
      %lt3A_314 = arith.cmpi slt, %add3A_312, %lt3A_313 : i32
      %convert_element_type3A_315 = arith.extui %lt3A_314 : i1 to i32
      %cond3A_316 = arith.constant 0 : i32
      %cond3A_317 = arith.cmpi ne, %convert_element_type3A_315, %cond3A_316 : i32
      scf.if %cond3A_317 {
        %add3A_439 = arith.constant 3 : i32
        %add3A_440 = arith.addi %mul3A_218, %add3A_439 : i32
        %add3A_441 = arith.constant 8 : i32
        %add3A_442 = arith.addi %add3A_440, %add3A_441 : i32
        %dma_start3A_443 = arith.constant 3 : i32
        %dma_start3A_444 = arith.constant 0 : i32
        %dma_start3A_445 = arith.constant 0 : i32
        %dma_start3A_446 = tpu.memref_slice %arg7[%dma_start3A_443, %dma_start3A_444, %dma_start3A_445] : memref<8x2x128xi32, #tpu.memory_space<vmem>> -> memref<1x2x128xi32, #tpu.memory_space<vmem>>
        %dma_start3A_447 = tpu.memref_squeeze %dma_start3A_446 : memref<1x2x128xi32, #tpu.memory_space<vmem>> -> memref<2x128xi32, #tpu.memory_space<vmem>>
        %dma_start3A_448 = arith.constant 0 : i32
        %dma_start3A_449 = arith.constant 0 : i32
        %dma_start3A_450 = tpu.memref_slice %arg3[%add3A, %add3A_442, %dma_start3A_448, %dma_start3A_449] : memref<32x80x2x128xi32, #tpu.memory_space<hbm>> -> memref<1x1x2x128xi32, #tpu.memory_space<hbm>>
        %dma_start3A_451 = tpu.memref_squeeze %dma_start3A_450 : memref<1x1x2x128xi32, #tpu.memory_space<hbm>> -> memref<2x128xi32, #tpu.memory_space<hbm>>
        %dma_start3A_452 = arith.constant 0 : i32
        %dma_start3A_453 = arith.constant 0 : i32
        %dma_start3A_454 = tpu.memref_slice %arg7[%dma_start3A_443, %dma_start3A_452, %dma_start3A_453] : memref<8x2x128xi32, #tpu.memory_space<vmem>> -> memref<1x2x128xi32, #tpu.memory_space<vmem>>
        %dma_start3A_455 = tpu.memref_squeeze %dma_start3A_454 : memref<1x2x128xi32, #tpu.memory_space<vmem>> -> memref<2x128xi32, #tpu.memory_space<vmem>>
        %dma_start3A_456 = arith.constant 0 : i32
        %dma_start3A_457 = arith.constant 0 : i32
        %dma_start3A_458 = tpu.memref_slice %arg3[%add3A, %add3A_442, %dma_start3A_456, %dma_start3A_457] : memref<32x80x2x128xi32, #tpu.memory_space<hbm>> -> memref<1x1x2x128xi32, #tpu.memory_space<hbm>>
        %dma_start3A_459 = tpu.memref_squeeze %dma_start3A_458 : memref<1x1x2x128xi32, #tpu.memory_space<hbm>> -> memref<2x128xi32, #tpu.memory_space<hbm>>
        tpu.enqueue_dma source(%dma_start3A_459 : memref<2x128xi32, #tpu.memory_space<hbm>>) target(%dma_start3A_455 : memref<2x128xi32, #tpu.memory_space<vmem>>) target_semaphore(%arg13 : memref<!tpu.dma_semaphore, #tpu.memory_space<semaphore_mem>>)
      } else {
      }
      %add3A_318 = arith.constant 3 : i32
      %add3A_319 = arith.addi %mul3A_218, %add3A_318 : i32
      %add3A_320 = arith.constant 2 : i32
      %add3A_321 = arith.addi %add3A_319, %add3A_320 : i32
      %lt3A_322 = arith.constant 80 : i32
      %lt3A_323 = arith.cmpi slt, %add3A_321, %lt3A_322 : i32
      %convert_element_type3A_324 = arith.extui %lt3A_323 : i1 to i32
      %cond3A_325 = arith.constant 0 : i32
      %cond3A_326 = arith.cmpi ne, %convert_element_type3A_324, %cond3A_325 : i32
      scf.if %cond3A_326 {
        %add3A_439 = arith.constant 3 : i32
        %add3A_440 = arith.addi %mul3A_218, %add3A_439 : i32
        %add3A_441 = arith.constant 2 : i32
        %add3A_442 = arith.addi %add3A_440, %add3A_441 : i32
        %dma_wait3A_443 = arith.constant 5 : i32
        %dma_wait3A_444 = arith.constant 0 : i32
        %dma_wait3A_445 = arith.constant 0 : i32
        %dma_wait3A_446 = tpu.memref_slice %arg7[%dma_wait3A_443, %dma_wait3A_444, %dma_wait3A_445] : memref<8x2x128xi32, #tpu.memory_space<vmem>> -> memref<1x2x128xi32, #tpu.memory_space<vmem>>
        %dma_wait3A_447 = tpu.memref_squeeze %dma_wait3A_446 : memref<1x2x128xi32, #tpu.memory_space<vmem>> -> memref<2x128xi32, #tpu.memory_space<vmem>>
        %dma_wait3A_448 = arith.constant 0 : i32
        %dma_wait3A_449 = arith.constant 0 : i32
        %dma_wait3A_450 = tpu.memref_slice %arg3[%add3A, %add3A_442, %dma_wait3A_448, %dma_wait3A_449] : memref<32x80x2x128xi32, #tpu.memory_space<hbm>> -> memref<1x1x2x128xi32, #tpu.memory_space<hbm>>
        %dma_wait3A_451 = tpu.memref_squeeze %dma_wait3A_450 : memref<1x1x2x128xi32, #tpu.memory_space<hbm>> -> memref<2x128xi32, #tpu.memory_space<hbm>>
        %dma_wait3A_452 = arith.constant 0 : i32
        %dma_wait3A_453 = arith.constant 0 : i32
        %dma_wait3A_454 = tpu.memref_slice %arg7[%dma_wait3A_443, %dma_wait3A_452, %dma_wait3A_453] : memref<8x2x128xi32, #tpu.memory_space<vmem>> -> memref<1x2x128xi32, #tpu.memory_space<vmem>>
        %dma_wait3A_455 = tpu.memref_squeeze %dma_wait3A_454 : memref<1x2x128xi32, #tpu.memory_space<vmem>> -> memref<2x128xi32, #tpu.memory_space<vmem>>
        %dma_wait3A_456 = arith.constant 0 : i32
        %dma_wait3A_457 = arith.constant 0 : i32
        %dma_wait3A_458 = tpu.memref_slice %arg3[%add3A, %add3A_442, %dma_wait3A_456, %dma_wait3A_457] : memref<32x80x2x128xi32, #tpu.memory_space<hbm>> -> memref<1x1x2x128xi32, #tpu.memory_space<hbm>>
        %dma_wait3A_459 = tpu.memref_squeeze %dma_wait3A_458 : memref<1x1x2x128xi32, #tpu.memory_space<hbm>> -> memref<2x128xi32, #tpu.memory_space<hbm>>
        tpu.wait_dma2 semaphore(%arg15 : memref<!tpu.dma_semaphore, #tpu.memory_space<semaphore_mem>>) src(%dma_wait3A_459 : memref<2x128xi32, #tpu.memory_space<hbm>>) dst(%dma_wait3A_455 : memref<2x128xi32, #tpu.memory_space<vmem>>)
        %dma_start3A_460 = arith.constant 5 : i32
        %dma_start3A_461 = arith.constant 0 : i32
        %dma_start3A_462 = arith.constant 0 : i32
        %dma_start3A_463 = tpu.memref_slice %arg7[%dma_start3A_460, %dma_start3A_461, %dma_start3A_462] : memref<8x2x128xi32, #tpu.memory_space<vmem>> -> memref<1x1x128xi32, #tpu.memory_space<vmem>>
        %dma_start3A_464 = tpu.memref_squeeze %dma_start3A_463 : memref<1x1x128xi32, #tpu.memory_space<vmem>> -> memref<128xi32, #tpu.memory_space<vmem>>
        %dma_start3A_465 = arith.constant 0 : i32
        %dma_start3A_466 = arith.constant 0 : i32
        %dma_start3A_467 = tpu.memref_slice %arg2[%dma_start3A_465, %dma_start3A_466] : memref<10000x128xf32, #tpu.memory_space<hbm>> -> memref<10000x128xf32, #tpu.memory_space<hbm>>
        tpu.enqueue_indirect_dma source(%dma_start3A_467 : memref<10000x128xf32, #tpu.memory_space<hbm>>) target(%arg9 : memref<128x128xf32, #tpu.memory_space<vmem>>) offsets(%dma_start3A_464 : memref<128xi32, #tpu.memory_space<vmem>>) semaphore(%arg19 : memref<!tpu.dma_semaphore, #tpu.memory_space<semaphore_mem>>)
      } else {
      }
      %dma_wait3A_327 = arith.constant 4 : i32
      %dma_wait3A_328 = arith.constant 0 : i32
      %dma_wait3A_329 = arith.constant 0 : i32
      %dma_wait3A_330 = tpu.memref_slice %arg7[%dma_wait3A_327, %dma_wait3A_328, %dma_wait3A_329] : memref<8x2x128xi32, #tpu.memory_space<vmem>> -> memref<1x1x128xi32, #tpu.memory_space<vmem>>
      %dma_wait3A_331 = tpu.memref_squeeze %dma_wait3A_330 : memref<1x1x128xi32, #tpu.memory_space<vmem>> -> memref<128xi32, #tpu.memory_space<vmem>>
      %dma_wait3A_332 = arith.constant 0 : i32
      %dma_wait3A_333 = arith.constant 0 : i32
      %dma_wait3A_334 = tpu.memref_slice %arg2[%dma_wait3A_332, %dma_wait3A_333] : memref<10000x128xf32, #tpu.memory_space<hbm>> -> memref<10000x128xf32, #tpu.memory_space<hbm>>
      tpu.wait_indirect_dma semaphore(%arg18 : memref<!tpu.dma_semaphore, #tpu.memory_space<semaphore_mem>>) src(%dma_wait3A_334 : memref<10000x128xf32, #tpu.memory_space<hbm>>) dst(%arg8 : memref<128x128xf32, #tpu.memory_space<vmem>>)
      %run_scoped3A_335 = arith.constant 4 : i32
      %run_scoped3A_336 = arith.constant 1 : i32
      "tpu.region"() ({
        %run_scoped3A_439 = tpu.sem_alloc : memref<!tpu.dma_semaphore, #tpu.memory_space<semaphore_mem>>
        %dma_start3A_440 = arith.constant 0 : i32
        %dma_start3A_441 = tpu.memref_slice %arg7[%run_scoped3A_335, %run_scoped3A_336, %dma_start3A_440] : memref<8x2x128xi32, #tpu.memory_space<vmem>> -> memref<1x1x128xi32, #tpu.memory_space<vmem>>
        %dma_start3A_442 = tpu.memref_squeeze %dma_start3A_441 : memref<1x1x128xi32, #tpu.memory_space<vmem>> -> memref<128xi32, #tpu.memory_space<vmem>>
        %dma_start3A_443 = arith.constant 0 : i32
        %dma_start3A_444 = arith.constant 0 : i32
        %dma_start3A_445 = tpu.memref_slice %arg6[%dma_start3A_443, %dma_start3A_444] : memref<10240x128xf32, #tpu.memory_space<vmem_shared>> -> memref<10240x128xf32, #tpu.memory_space<vmem_shared>>
        tpu.enqueue_indirect_dma source(%arg8 : memref<128x128xf32, #tpu.memory_space<vmem>>) target(%dma_start3A_445 : memref<10240x128xf32, #tpu.memory_space<vmem_shared>>) offsets(%dma_start3A_442 : memref<128xi32, #tpu.memory_space<vmem>>) semaphore(%run_scoped3A_439 : memref<!tpu.dma_semaphore, #tpu.memory_space<semaphore_mem>>) {add = true}
        %dma_wait3A_446 = arith.constant 0 : i32
        %dma_wait3A_447 = tpu.memref_slice %arg7[%run_scoped3A_335, %run_scoped3A_336, %dma_wait3A_446] : memref<8x2x128xi32, #tpu.memory_space<vmem>> -> memref<1x1x128xi32, #tpu.memory_space<vmem>>
        %dma_wait3A_448 = tpu.memref_squeeze %dma_wait3A_447 : memref<1x1x128xi32, #tpu.memory_space<vmem>> -> memref<128xi32, #tpu.memory_space<vmem>>
        %dma_wait3A_449 = arith.constant 0 : i32
        %dma_wait3A_450 = arith.constant 0 : i32
        %dma_wait3A_451 = tpu.memref_slice %arg6[%dma_wait3A_449, %dma_wait3A_450] : memref<10240x128xf32, #tpu.memory_space<vmem_shared>> -> memref<10240x128xf32, #tpu.memory_space<vmem_shared>>
        tpu.wait_indirect_dma semaphore(%run_scoped3A_439 : memref<!tpu.dma_semaphore, #tpu.memory_space<semaphore_mem>>) src(%arg8 : memref<128x128xf32, #tpu.memory_space<vmem>>) dst(%dma_wait3A_451 : memref<10240x128xf32, #tpu.memory_space<vmem_shared>>)
        tpu.yield
      }) : () -> ()
      %add3A_337 = arith.constant 4 : i32
      %add3A_338 = arith.addi %mul3A_218, %add3A_337 : i32
      %add3A_339 = arith.constant 8 : i32
      %add3A_340 = arith.addi %add3A_338, %add3A_339 : i32
      %lt3A_341 = arith.constant 80 : i32
      %lt3A_342 = arith.cmpi slt, %add3A_340, %lt3A_341 : i32
      %convert_element_type3A_343 = arith.extui %lt3A_342 : i1 to i32
      %cond3A_344 = arith.constant 0 : i32
      %cond3A_345 = arith.cmpi ne, %convert_element_type3A_343, %cond3A_344 : i32
      scf.if %cond3A_345 {
        %add3A_439 = arith.constant 4 : i32
        %add3A_440 = arith.addi %mul3A_218, %add3A_439 : i32
        %add3A_441 = arith.constant 8 : i32
        %add3A_442 = arith.addi %add3A_440, %add3A_441 : i32
        %dma_start3A_443 = arith.constant 4 : i32
        %dma_start3A_444 = arith.constant 0 : i32
        %dma_start3A_445 = arith.constant 0 : i32
        %dma_start3A_446 = tpu.memref_slice %arg7[%dma_start3A_443, %dma_start3A_444, %dma_start3A_445] : memref<8x2x128xi32, #tpu.memory_space<vmem>> -> memref<1x2x128xi32, #tpu.memory_space<vmem>>
        %dma_start3A_447 = tpu.memref_squeeze %dma_start3A_446 : memref<1x2x128xi32, #tpu.memory_space<vmem>> -> memref<2x128xi32, #tpu.memory_space<vmem>>
        %dma_start3A_448 = arith.constant 0 : i32
        %dma_start3A_449 = arith.constant 0 : i32
        %dma_start3A_450 = tpu.memref_slice %arg3[%add3A, %add3A_442, %dma_start3A_448, %dma_start3A_449] : memref<32x80x2x128xi32, #tpu.memory_space<hbm>> -> memref<1x1x2x128xi32, #tpu.memory_space<hbm>>
        %dma_start3A_451 = tpu.memref_squeeze %dma_start3A_450 : memref<1x1x2x128xi32, #tpu.memory_space<hbm>> -> memref<2x128xi32, #tpu.memory_space<hbm>>
        %dma_start3A_452 = arith.constant 0 : i32
        %dma_start3A_453 = arith.constant 0 : i32
        %dma_start3A_454 = tpu.memref_slice %arg7[%dma_start3A_443, %dma_start3A_452, %dma_start3A_453] : memref<8x2x128xi32, #tpu.memory_space<vmem>> -> memref<1x2x128xi32, #tpu.memory_space<vmem>>
        %dma_start3A_455 = tpu.memref_squeeze %dma_start3A_454 : memref<1x2x128xi32, #tpu.memory_space<vmem>> -> memref<2x128xi32, #tpu.memory_space<vmem>>
        %dma_start3A_456 = arith.constant 0 : i32
        %dma_start3A_457 = arith.constant 0 : i32
        %dma_start3A_458 = tpu.memref_slice %arg3[%add3A, %add3A_442, %dma_start3A_456, %dma_start3A_457] : memref<32x80x2x128xi32, #tpu.memory_space<hbm>> -> memref<1x1x2x128xi32, #tpu.memory_space<hbm>>
        %dma_start3A_459 = tpu.memref_squeeze %dma_start3A_458 : memref<1x1x2x128xi32, #tpu.memory_space<hbm>> -> memref<2x128xi32, #tpu.memory_space<hbm>>
        tpu.enqueue_dma source(%dma_start3A_459 : memref<2x128xi32, #tpu.memory_space<hbm>>) target(%dma_start3A_455 : memref<2x128xi32, #tpu.memory_space<vmem>>) target_semaphore(%arg14 : memref<!tpu.dma_semaphore, #tpu.memory_space<semaphore_mem>>)
      } else {
      }
      %add3A_346 = arith.constant 4 : i32
      %add3A_347 = arith.addi %mul3A_218, %add3A_346 : i32
      %add3A_348 = arith.constant 2 : i32
      %add3A_349 = arith.addi %add3A_347, %add3A_348 : i32
      %lt3A_350 = arith.constant 80 : i32
      %lt3A_351 = arith.cmpi slt, %add3A_349, %lt3A_350 : i32
      %convert_element_type3A_352 = arith.extui %lt3A_351 : i1 to i32
      %cond3A_353 = arith.constant 0 : i32
      %cond3A_354 = arith.cmpi ne, %convert_element_type3A_352, %cond3A_353 : i32
      scf.if %cond3A_354 {
        %add3A_439 = arith.constant 4 : i32
        %add3A_440 = arith.addi %mul3A_218, %add3A_439 : i32
        %add3A_441 = arith.constant 2 : i32
        %add3A_442 = arith.addi %add3A_440, %add3A_441 : i32
        %dma_wait3A_443 = arith.constant 6 : i32
        %dma_wait3A_444 = arith.constant 0 : i32
        %dma_wait3A_445 = arith.constant 0 : i32
        %dma_wait3A_446 = tpu.memref_slice %arg7[%dma_wait3A_443, %dma_wait3A_444, %dma_wait3A_445] : memref<8x2x128xi32, #tpu.memory_space<vmem>> -> memref<1x2x128xi32, #tpu.memory_space<vmem>>
        %dma_wait3A_447 = tpu.memref_squeeze %dma_wait3A_446 : memref<1x2x128xi32, #tpu.memory_space<vmem>> -> memref<2x128xi32, #tpu.memory_space<vmem>>
        %dma_wait3A_448 = arith.constant 0 : i32
        %dma_wait3A_449 = arith.constant 0 : i32
        %dma_wait3A_450 = tpu.memref_slice %arg3[%add3A, %add3A_442, %dma_wait3A_448, %dma_wait3A_449] : memref<32x80x2x128xi32, #tpu.memory_space<hbm>> -> memref<1x1x2x128xi32, #tpu.memory_space<hbm>>
        %dma_wait3A_451 = tpu.memref_squeeze %dma_wait3A_450 : memref<1x1x2x128xi32, #tpu.memory_space<hbm>> -> memref<2x128xi32, #tpu.memory_space<hbm>>
        %dma_wait3A_452 = arith.constant 0 : i32
        %dma_wait3A_453 = arith.constant 0 : i32
        %dma_wait3A_454 = tpu.memref_slice %arg7[%dma_wait3A_443, %dma_wait3A_452, %dma_wait3A_453] : memref<8x2x128xi32, #tpu.memory_space<vmem>> -> memref<1x2x128xi32, #tpu.memory_space<vmem>>
        %dma_wait3A_455 = tpu.memref_squeeze %dma_wait3A_454 : memref<1x2x128xi32, #tpu.memory_space<vmem>> -> memref<2x128xi32, #tpu.memory_space<vmem>>
        %dma_wait3A_456 = arith.constant 0 : i32
        %dma_wait3A_457 = arith.constant 0 : i32
        %dma_wait3A_458 = tpu.memref_slice %arg3[%add3A, %add3A_442, %dma_wait3A_456, %dma_wait3A_457] : memref<32x80x2x128xi32, #tpu.memory_space<hbm>> -> memref<1x1x2x128xi32, #tpu.memory_space<hbm>>
        %dma_wait3A_459 = tpu.memref_squeeze %dma_wait3A_458 : memref<1x1x2x128xi32, #tpu.memory_space<hbm>> -> memref<2x128xi32, #tpu.memory_space<hbm>>
        tpu.wait_dma2 semaphore(%arg16 : memref<!tpu.dma_semaphore, #tpu.memory_space<semaphore_mem>>) src(%dma_wait3A_459 : memref<2x128xi32, #tpu.memory_space<hbm>>) dst(%dma_wait3A_455 : memref<2x128xi32, #tpu.memory_space<vmem>>)
        %dma_start3A_460 = arith.constant 6 : i32
        %dma_start3A_461 = arith.constant 0 : i32
        %dma_start3A_462 = arith.constant 0 : i32
        %dma_start3A_463 = tpu.memref_slice %arg7[%dma_start3A_460, %dma_start3A_461, %dma_start3A_462] : memref<8x2x128xi32, #tpu.memory_space<vmem>> -> memref<1x1x128xi32, #tpu.memory_space<vmem>>
        %dma_start3A_464 = tpu.memref_squeeze %dma_start3A_463 : memref<1x1x128xi32, #tpu.memory_space<vmem>> -> memref<128xi32, #tpu.memory_space<vmem>>
        %dma_start3A_465 = arith.constant 0 : i32
        %dma_start3A_466 = arith.constant 0 : i32
        %dma_start3A_467 = tpu.memref_slice %arg2[%dma_start3A_465, %dma_start3A_466] : memref<10000x128xf32, #tpu.memory_space<hbm>> -> memref<10000x128xf32, #tpu.memory_space<hbm>>
        tpu.enqueue_indirect_dma source(%dma_start3A_467 : memref<10000x128xf32, #tpu.memory_space<hbm>>) target(%arg8 : memref<128x128xf32, #tpu.memory_space<vmem>>) offsets(%dma_start3A_464 : memref<128xi32, #tpu.memory_space<vmem>>) semaphore(%arg18 : memref<!tpu.dma_semaphore, #tpu.memory_space<semaphore_mem>>)
      } else {
      }
      %dma_wait3A_355 = arith.constant 5 : i32
      %dma_wait3A_356 = arith.constant 0 : i32
      %dma_wait3A_357 = arith.constant 0 : i32
      %dma_wait3A_358 = tpu.memref_slice %arg7[%dma_wait3A_355, %dma_wait3A_356, %dma_wait3A_357] : memref<8x2x128xi32, #tpu.memory_space<vmem>> -> memref<1x1x128xi32, #tpu.memory_space<vmem>>
      %dma_wait3A_359 = tpu.memref_squeeze %dma_wait3A_358 : memref<1x1x128xi32, #tpu.memory_space<vmem>> -> memref<128xi32, #tpu.memory_space<vmem>>
      %dma_wait3A_360 = arith.constant 0 : i32
      %dma_wait3A_361 = arith.constant 0 : i32
      %dma_wait3A_362 = tpu.memref_slice %arg2[%dma_wait3A_360, %dma_wait3A_361] : memref<10000x128xf32, #tpu.memory_space<hbm>> -> memref<10000x128xf32, #tpu.memory_space<hbm>>
      tpu.wait_indirect_dma semaphore(%arg19 : memref<!tpu.dma_semaphore, #tpu.memory_space<semaphore_mem>>) src(%dma_wait3A_362 : memref<10000x128xf32, #tpu.memory_space<hbm>>) dst(%arg9 : memref<128x128xf32, #tpu.memory_space<vmem>>)
      %run_scoped3A_363 = arith.constant 5 : i32
      %run_scoped3A_364 = arith.constant 1 : i32
      "tpu.region"() ({
        %run_scoped3A_439 = tpu.sem_alloc : memref<!tpu.dma_semaphore, #tpu.memory_space<semaphore_mem>>
        %dma_start3A_440 = arith.constant 0 : i32
        %dma_start3A_441 = tpu.memref_slice %arg7[%run_scoped3A_363, %run_scoped3A_364, %dma_start3A_440] : memref<8x2x128xi32, #tpu.memory_space<vmem>> -> memref<1x1x128xi32, #tpu.memory_space<vmem>>
        %dma_start3A_442 = tpu.memref_squeeze %dma_start3A_441 : memref<1x1x128xi32, #tpu.memory_space<vmem>> -> memref<128xi32, #tpu.memory_space<vmem>>
        %dma_start3A_443 = arith.constant 0 : i32
        %dma_start3A_444 = arith.constant 0 : i32
        %dma_start3A_445 = tpu.memref_slice %arg6[%dma_start3A_443, %dma_start3A_444] : memref<10240x128xf32, #tpu.memory_space<vmem_shared>> -> memref<10240x128xf32, #tpu.memory_space<vmem_shared>>
        tpu.enqueue_indirect_dma source(%arg9 : memref<128x128xf32, #tpu.memory_space<vmem>>) target(%dma_start3A_445 : memref<10240x128xf32, #tpu.memory_space<vmem_shared>>) offsets(%dma_start3A_442 : memref<128xi32, #tpu.memory_space<vmem>>) semaphore(%run_scoped3A_439 : memref<!tpu.dma_semaphore, #tpu.memory_space<semaphore_mem>>) {add = true}
        %dma_wait3A_446 = arith.constant 0 : i32
        %dma_wait3A_447 = tpu.memref_slice %arg7[%run_scoped3A_363, %run_scoped3A_364, %dma_wait3A_446] : memref<8x2x128xi32, #tpu.memory_space<vmem>> -> memref<1x1x128xi32, #tpu.memory_space<vmem>>
        %dma_wait3A_448 = tpu.memref_squeeze %dma_wait3A_447 : memref<1x1x128xi32, #tpu.memory_space<vmem>> -> memref<128xi32, #tpu.memory_space<vmem>>
        %dma_wait3A_449 = arith.constant 0 : i32
        %dma_wait3A_450 = arith.constant 0 : i32
        %dma_wait3A_451 = tpu.memref_slice %arg6[%dma_wait3A_449, %dma_wait3A_450] : memref<10240x128xf32, #tpu.memory_space<vmem_shared>> -> memref<10240x128xf32, #tpu.memory_space<vmem_shared>>
        tpu.wait_indirect_dma semaphore(%run_scoped3A_439 : memref<!tpu.dma_semaphore, #tpu.memory_space<semaphore_mem>>) src(%arg9 : memref<128x128xf32, #tpu.memory_space<vmem>>) dst(%dma_wait3A_451 : memref<10240x128xf32, #tpu.memory_space<vmem_shared>>)
        tpu.yield
      }) : () -> ()
      %add3A_365 = arith.constant 5 : i32
      %add3A_366 = arith.addi %mul3A_218, %add3A_365 : i32
      %add3A_367 = arith.constant 8 : i32
      %add3A_368 = arith.addi %add3A_366, %add3A_367 : i32
      %lt3A_369 = arith.constant 80 : i32
      %lt3A_370 = arith.cmpi slt, %add3A_368, %lt3A_369 : i32
      %convert_element_type3A_371 = arith.extui %lt3A_370 : i1 to i32
      %cond3A_372 = arith.constant 0 : i32
      %cond3A_373 = arith.cmpi ne, %convert_element_type3A_371, %cond3A_372 : i32
      scf.if %cond3A_373 {
        %add3A_439 = arith.constant 5 : i32
        %add3A_440 = arith.addi %mul3A_218, %add3A_439 : i32
        %add3A_441 = arith.constant 8 : i32
        %add3A_442 = arith.addi %add3A_440, %add3A_441 : i32
        %dma_start3A_443 = arith.constant 5 : i32
        %dma_start3A_444 = arith.constant 0 : i32
        %dma_start3A_445 = arith.constant 0 : i32
        %dma_start3A_446 = tpu.memref_slice %arg7[%dma_start3A_443, %dma_start3A_444, %dma_start3A_445] : memref<8x2x128xi32, #tpu.memory_space<vmem>> -> memref<1x2x128xi32, #tpu.memory_space<vmem>>
        %dma_start3A_447 = tpu.memref_squeeze %dma_start3A_446 : memref<1x2x128xi32, #tpu.memory_space<vmem>> -> memref<2x128xi32, #tpu.memory_space<vmem>>
        %dma_start3A_448 = arith.constant 0 : i32
        %dma_start3A_449 = arith.constant 0 : i32
        %dma_start3A_450 = tpu.memref_slice %arg3[%add3A, %add3A_442, %dma_start3A_448, %dma_start3A_449] : memref<32x80x2x128xi32, #tpu.memory_space<hbm>> -> memref<1x1x2x128xi32, #tpu.memory_space<hbm>>
        %dma_start3A_451 = tpu.memref_squeeze %dma_start3A_450 : memref<1x1x2x128xi32, #tpu.memory_space<hbm>> -> memref<2x128xi32, #tpu.memory_space<hbm>>
        %dma_start3A_452 = arith.constant 0 : i32
        %dma_start3A_453 = arith.constant 0 : i32
        %dma_start3A_454 = tpu.memref_slice %arg7[%dma_start3A_443, %dma_start3A_452, %dma_start3A_453] : memref<8x2x128xi32, #tpu.memory_space<vmem>> -> memref<1x2x128xi32, #tpu.memory_space<vmem>>
        %dma_start3A_455 = tpu.memref_squeeze %dma_start3A_454 : memref<1x2x128xi32, #tpu.memory_space<vmem>> -> memref<2x128xi32, #tpu.memory_space<vmem>>
        %dma_start3A_456 = arith.constant 0 : i32
        %dma_start3A_457 = arith.constant 0 : i32
        %dma_start3A_458 = tpu.memref_slice %arg3[%add3A, %add3A_442, %dma_start3A_456, %dma_start3A_457] : memref<32x80x2x128xi32, #tpu.memory_space<hbm>> -> memref<1x1x2x128xi32, #tpu.memory_space<hbm>>
        %dma_start3A_459 = tpu.memref_squeeze %dma_start3A_458 : memref<1x1x2x128xi32, #tpu.memory_space<hbm>> -> memref<2x128xi32, #tpu.memory_space<hbm>>
        tpu.enqueue_dma source(%dma_start3A_459 : memref<2x128xi32, #tpu.memory_space<hbm>>) target(%dma_start3A_455 : memref<2x128xi32, #tpu.memory_space<vmem>>) target_semaphore(%arg15 : memref<!tpu.dma_semaphore, #tpu.memory_space<semaphore_mem>>)
      } else {
      }
      %add3A_374 = arith.constant 5 : i32
      %add3A_375 = arith.addi %mul3A_218, %add3A_374 : i32
      %add3A_376 = arith.constant 2 : i32
      %add3A_377 = arith.addi %add3A_375, %add3A_376 : i32
      %lt3A_378 = arith.constant 80 : i32
      %lt3A_379 = arith.cmpi slt, %add3A_377, %lt3A_378 : i32
      %convert_element_type3A_380 = arith.extui %lt3A_379 : i1 to i32
      %cond3A_381 = arith.constant 0 : i32
      %cond3A_382 = arith.cmpi ne, %convert_element_type3A_380, %cond3A_381 : i32
      scf.if %cond3A_382 {
        %add3A_439 = arith.constant 5 : i32
        %add3A_440 = arith.addi %mul3A_218, %add3A_439 : i32
        %add3A_441 = arith.constant 2 : i32
        %add3A_442 = arith.addi %add3A_440, %add3A_441 : i32
        %dma_wait3A_443 = arith.constant 7 : i32
        %dma_wait3A_444 = arith.constant 0 : i32
        %dma_wait3A_445 = arith.constant 0 : i32
        %dma_wait3A_446 = tpu.memref_slice %arg7[%dma_wait3A_443, %dma_wait3A_444, %dma_wait3A_445] : memref<8x2x128xi32, #tpu.memory_space<vmem>> -> memref<1x2x128xi32, #tpu.memory_space<vmem>>
        %dma_wait3A_447 = tpu.memref_squeeze %dma_wait3A_446 : memref<1x2x128xi32, #tpu.memory_space<vmem>> -> memref<2x128xi32, #tpu.memory_space<vmem>>
        %dma_wait3A_448 = arith.constant 0 : i32
        %dma_wait3A_449 = arith.constant 0 : i32
        %dma_wait3A_450 = tpu.memref_slice %arg3[%add3A, %add3A_442, %dma_wait3A_448, %dma_wait3A_449] : memref<32x80x2x128xi32, #tpu.memory_space<hbm>> -> memref<1x1x2x128xi32, #tpu.memory_space<hbm>>
        %dma_wait3A_451 = tpu.memref_squeeze %dma_wait3A_450 : memref<1x1x2x128xi32, #tpu.memory_space<hbm>> -> memref<2x128xi32, #tpu.memory_space<hbm>>
        %dma_wait3A_452 = arith.constant 0 : i32
        %dma_wait3A_453 = arith.constant 0 : i32
        %dma_wait3A_454 = tpu.memref_slice %arg7[%dma_wait3A_443, %dma_wait3A_452, %dma_wait3A_453] : memref<8x2x128xi32, #tpu.memory_space<vmem>> -> memref<1x2x128xi32, #tpu.memory_space<vmem>>
        %dma_wait3A_455 = tpu.memref_squeeze %dma_wait3A_454 : memref<1x2x128xi32, #tpu.memory_space<vmem>> -> memref<2x128xi32, #tpu.memory_space<vmem>>
        %dma_wait3A_456 = arith.constant 0 : i32
        %dma_wait3A_457 = arith.constant 0 : i32
        %dma_wait3A_458 = tpu.memref_slice %arg3[%add3A, %add3A_442, %dma_wait3A_456, %dma_wait3A_457] : memref<32x80x2x128xi32, #tpu.memory_space<hbm>> -> memref<1x1x2x128xi32, #tpu.memory_space<hbm>>
        %dma_wait3A_459 = tpu.memref_squeeze %dma_wait3A_458 : memref<1x1x2x128xi32, #tpu.memory_space<hbm>> -> memref<2x128xi32, #tpu.memory_space<hbm>>
        tpu.wait_dma2 semaphore(%arg17 : memref<!tpu.dma_semaphore, #tpu.memory_space<semaphore_mem>>) src(%dma_wait3A_459 : memref<2x128xi32, #tpu.memory_space<hbm>>) dst(%dma_wait3A_455 : memref<2x128xi32, #tpu.memory_space<vmem>>)
        %dma_start3A_460 = arith.constant 7 : i32
        %dma_start3A_461 = arith.constant 0 : i32
        %dma_start3A_462 = arith.constant 0 : i32
        %dma_start3A_463 = tpu.memref_slice %arg7[%dma_start3A_460, %dma_start3A_461, %dma_start3A_462] : memref<8x2x128xi32, #tpu.memory_space<vmem>> -> memref<1x1x128xi32, #tpu.memory_space<vmem>>
        %dma_start3A_464 = tpu.memref_squeeze %dma_start3A_463 : memref<1x1x128xi32, #tpu.memory_space<vmem>> -> memref<128xi32, #tpu.memory_space<vmem>>
        %dma_start3A_465 = arith.constant 0 : i32
        %dma_start3A_466 = arith.constant 0 : i32
        %dma_start3A_467 = tpu.memref_slice %arg2[%dma_start3A_465, %dma_start3A_466] : memref<10000x128xf32, #tpu.memory_space<hbm>> -> memref<10000x128xf32, #tpu.memory_space<hbm>>
        tpu.enqueue_indirect_dma source(%dma_start3A_467 : memref<10000x128xf32, #tpu.memory_space<hbm>>) target(%arg9 : memref<128x128xf32, #tpu.memory_space<vmem>>) offsets(%dma_start3A_464 : memref<128xi32, #tpu.memory_space<vmem>>) semaphore(%arg19 : memref<!tpu.dma_semaphore, #tpu.memory_space<semaphore_mem>>)
      } else {
      }
      %dma_wait3A_383 = arith.constant 6 : i32
      %dma_wait3A_384 = arith.constant 0 : i32
      %dma_wait3A_385 = arith.constant 0 : i32
      %dma_wait3A_386 = tpu.memref_slice %arg7[%dma_wait3A_383, %dma_wait3A_384, %dma_wait3A_385] : memref<8x2x128xi32, #tpu.memory_space<vmem>> -> memref<1x1x128xi32, #tpu.memory_space<vmem>>
      %dma_wait3A_387 = tpu.memref_squeeze %dma_wait3A_386 : memref<1x1x128xi32, #tpu.memory_space<vmem>> -> memref<128xi32, #tpu.memory_space<vmem>>
      %dma_wait3A_388 = arith.constant 0 : i32
      %dma_wait3A_389 = arith.constant 0 : i32
      %dma_wait3A_390 = tpu.memref_slice %arg2[%dma_wait3A_388, %dma_wait3A_389] : memref<10000x128xf32, #tpu.memory_space<hbm>> -> memref<10000x128xf32, #tpu.memory_space<hbm>>
      tpu.wait_indirect_dma semaphore(%arg18 : memref<!tpu.dma_semaphore, #tpu.memory_space<semaphore_mem>>) src(%dma_wait3A_390 : memref<10000x128xf32, #tpu.memory_space<hbm>>) dst(%arg8 : memref<128x128xf32, #tpu.memory_space<vmem>>)
      %run_scoped3A_391 = arith.constant 6 : i32
      %run_scoped3A_392 = arith.constant 1 : i32
      "tpu.region"() ({
        %run_scoped3A_439 = tpu.sem_alloc : memref<!tpu.dma_semaphore, #tpu.memory_space<semaphore_mem>>
        %dma_start3A_440 = arith.constant 0 : i32
        %dma_start3A_441 = tpu.memref_slice %arg7[%run_scoped3A_391, %run_scoped3A_392, %dma_start3A_440] : memref<8x2x128xi32, #tpu.memory_space<vmem>> -> memref<1x1x128xi32, #tpu.memory_space<vmem>>
        %dma_start3A_442 = tpu.memref_squeeze %dma_start3A_441 : memref<1x1x128xi32, #tpu.memory_space<vmem>> -> memref<128xi32, #tpu.memory_space<vmem>>
        %dma_start3A_443 = arith.constant 0 : i32
        %dma_start3A_444 = arith.constant 0 : i32
        %dma_start3A_445 = tpu.memref_slice %arg6[%dma_start3A_443, %dma_start3A_444] : memref<10240x128xf32, #tpu.memory_space<vmem_shared>> -> memref<10240x128xf32, #tpu.memory_space<vmem_shared>>
        tpu.enqueue_indirect_dma source(%arg8 : memref<128x128xf32, #tpu.memory_space<vmem>>) target(%dma_start3A_445 : memref<10240x128xf32, #tpu.memory_space<vmem_shared>>) offsets(%dma_start3A_442 : memref<128xi32, #tpu.memory_space<vmem>>) semaphore(%run_scoped3A_439 : memref<!tpu.dma_semaphore, #tpu.memory_space<semaphore_mem>>) {add = true}
        %dma_wait3A_446 = arith.constant 0 : i32
        %dma_wait3A_447 = tpu.memref_slice %arg7[%run_scoped3A_391, %run_scoped3A_392, %dma_wait3A_446] : memref<8x2x128xi32, #tpu.memory_space<vmem>> -> memref<1x1x128xi32, #tpu.memory_space<vmem>>
        %dma_wait3A_448 = tpu.memref_squeeze %dma_wait3A_447 : memref<1x1x128xi32, #tpu.memory_space<vmem>> -> memref<128xi32, #tpu.memory_space<vmem>>
        %dma_wait3A_449 = arith.constant 0 : i32
        %dma_wait3A_450 = arith.constant 0 : i32
        %dma_wait3A_451 = tpu.memref_slice %arg6[%dma_wait3A_449, %dma_wait3A_450] : memref<10240x128xf32, #tpu.memory_space<vmem_shared>> -> memref<10240x128xf32, #tpu.memory_space<vmem_shared>>
        tpu.wait_indirect_dma semaphore(%run_scoped3A_439 : memref<!tpu.dma_semaphore, #tpu.memory_space<semaphore_mem>>) src(%arg8 : memref<128x128xf32, #tpu.memory_space<vmem>>) dst(%dma_wait3A_451 : memref<10240x128xf32, #tpu.memory_space<vmem_shared>>)
        tpu.yield
      }) : () -> ()
      %add3A_393 = arith.constant 6 : i32
      %add3A_394 = arith.addi %mul3A_218, %add3A_393 : i32
      %add3A_395 = arith.constant 8 : i32
      %add3A_396 = arith.addi %add3A_394, %add3A_395 : i32
      %lt3A_397 = arith.constant 80 : i32
      %lt3A_398 = arith.cmpi slt, %add3A_396, %lt3A_397 : i32
      %convert_element_type3A_399 = arith.extui %lt3A_398 : i1 to i32
      %cond3A_400 = arith.constant 0 : i32
      %cond3A_401 = arith.cmpi ne, %convert_element_type3A_399, %cond3A_400 : i32
      scf.if %cond3A_401 {
        %add3A_439 = arith.constant 6 : i32
        %add3A_440 = arith.addi %mul3A_218, %add3A_439 : i32
        %add3A_441 = arith.constant 8 : i32
        %add3A_442 = arith.addi %add3A_440, %add3A_441 : i32
        %dma_start3A_443 = arith.constant 6 : i32
        %dma_start3A_444 = arith.constant 0 : i32
        %dma_start3A_445 = arith.constant 0 : i32
        %dma_start3A_446 = tpu.memref_slice %arg7[%dma_start3A_443, %dma_start3A_444, %dma_start3A_445] : memref<8x2x128xi32, #tpu.memory_space<vmem>> -> memref<1x2x128xi32, #tpu.memory_space<vmem>>
        %dma_start3A_447 = tpu.memref_squeeze %dma_start3A_446 : memref<1x2x128xi32, #tpu.memory_space<vmem>> -> memref<2x128xi32, #tpu.memory_space<vmem>>
        %dma_start3A_448 = arith.constant 0 : i32
        %dma_start3A_449 = arith.constant 0 : i32
        %dma_start3A_450 = tpu.memref_slice %arg3[%add3A, %add3A_442, %dma_start3A_448, %dma_start3A_449] : memref<32x80x2x128xi32, #tpu.memory_space<hbm>> -> memref<1x1x2x128xi32, #tpu.memory_space<hbm>>
        %dma_start3A_451 = tpu.memref_squeeze %dma_start3A_450 : memref<1x1x2x128xi32, #tpu.memory_space<hbm>> -> memref<2x128xi32, #tpu.memory_space<hbm>>
        %dma_start3A_452 = arith.constant 0 : i32
        %dma_start3A_453 = arith.constant 0 : i32
        %dma_start3A_454 = tpu.memref_slice %arg7[%dma_start3A_443, %dma_start3A_452, %dma_start3A_453] : memref<8x2x128xi32, #tpu.memory_space<vmem>> -> memref<1x2x128xi32, #tpu.memory_space<vmem>>
        %dma_start3A_455 = tpu.memref_squeeze %dma_start3A_454 : memref<1x2x128xi32, #tpu.memory_space<vmem>> -> memref<2x128xi32, #tpu.memory_space<vmem>>
        %dma_start3A_456 = arith.constant 0 : i32
        %dma_start3A_457 = arith.constant 0 : i32
        %dma_start3A_458 = tpu.memref_slice %arg3[%add3A, %add3A_442, %dma_start3A_456, %dma_start3A_457] : memref<32x80x2x128xi32, #tpu.memory_space<hbm>> -> memref<1x1x2x128xi32, #tpu.memory_space<hbm>>
        %dma_start3A_459 = tpu.memref_squeeze %dma_start3A_458 : memref<1x1x2x128xi32, #tpu.memory_space<hbm>> -> memref<2x128xi32, #tpu.memory_space<hbm>>
        tpu.enqueue_dma source(%dma_start3A_459 : memref<2x128xi32, #tpu.memory_space<hbm>>) target(%dma_start3A_455 : memref<2x128xi32, #tpu.memory_space<vmem>>) target_semaphore(%arg16 : memref<!tpu.dma_semaphore, #tpu.memory_space<semaphore_mem>>)
      } else {
      }
      %add3A_402 = arith.constant 6 : i32
      %add3A_403 = arith.addi %mul3A_218, %add3A_402 : i32
      %add3A_404 = arith.constant 2 : i32
      %add3A_405 = arith.addi %add3A_403, %add3A_404 : i32
      %lt3A_406 = arith.constant 80 : i32
      %lt3A_407 = arith.cmpi slt, %add3A_405, %lt3A_406 : i32
      %convert_element_type3A_408 = arith.extui %lt3A_407 : i1 to i32
      %cond3A_409 = arith.constant 0 : i32
      %cond3A_410 = arith.cmpi ne, %convert_element_type3A_408, %cond3A_409 : i32
      scf.if %cond3A_410 {
        %add3A_439 = arith.constant 6 : i32
        %add3A_440 = arith.addi %mul3A_218, %add3A_439 : i32
        %add3A_441 = arith.constant 2 : i32
        %add3A_442 = arith.addi %add3A_440, %add3A_441 : i32
        %dma_wait3A_443 = arith.constant 0 : i32
        %dma_wait3A_444 = arith.constant 0 : i32
        %dma_wait3A_445 = arith.constant 0 : i32
        %dma_wait3A_446 = tpu.memref_slice %arg7[%dma_wait3A_443, %dma_wait3A_444, %dma_wait3A_445] : memref<8x2x128xi32, #tpu.memory_space<vmem>> -> memref<1x2x128xi32, #tpu.memory_space<vmem>>
        %dma_wait3A_447 = tpu.memref_squeeze %dma_wait3A_446 : memref<1x2x128xi32, #tpu.memory_space<vmem>> -> memref<2x128xi32, #tpu.memory_space<vmem>>
        %dma_wait3A_448 = arith.constant 0 : i32
        %dma_wait3A_449 = arith.constant 0 : i32
        %dma_wait3A_450 = tpu.memref_slice %arg3[%add3A, %add3A_442, %dma_wait3A_448, %dma_wait3A_449] : memref<32x80x2x128xi32, #tpu.memory_space<hbm>> -> memref<1x1x2x128xi32, #tpu.memory_space<hbm>>
        %dma_wait3A_451 = tpu.memref_squeeze %dma_wait3A_450 : memref<1x1x2x128xi32, #tpu.memory_space<hbm>> -> memref<2x128xi32, #tpu.memory_space<hbm>>
        %dma_wait3A_452 = arith.constant 0 : i32
        %dma_wait3A_453 = arith.constant 0 : i32
        %dma_wait3A_454 = tpu.memref_slice %arg7[%dma_wait3A_443, %dma_wait3A_452, %dma_wait3A_453] : memref<8x2x128xi32, #tpu.memory_space<vmem>> -> memref<1x2x128xi32, #tpu.memory_space<vmem>>
        %dma_wait3A_455 = tpu.memref_squeeze %dma_wait3A_454 : memref<1x2x128xi32, #tpu.memory_space<vmem>> -> memref<2x128xi32, #tpu.memory_space<vmem>>
        %dma_wait3A_456 = arith.constant 0 : i32
        %dma_wait3A_457 = arith.constant 0 : i32
        %dma_wait3A_458 = tpu.memref_slice %arg3[%add3A, %add3A_442, %dma_wait3A_456, %dma_wait3A_457] : memref<32x80x2x128xi32, #tpu.memory_space<hbm>> -> memref<1x1x2x128xi32, #tpu.memory_space<hbm>>
        %dma_wait3A_459 = tpu.memref_squeeze %dma_wait3A_458 : memref<1x1x2x128xi32, #tpu.memory_space<hbm>> -> memref<2x128xi32, #tpu.memory_space<hbm>>
        tpu.wait_dma2 semaphore(%arg10 : memref<!tpu.dma_semaphore, #tpu.memory_space<semaphore_mem>>) src(%dma_wait3A_459 : memref<2x128xi32, #tpu.memory_space<hbm>>) dst(%dma_wait3A_455 : memref<2x128xi32, #tpu.memory_space<vmem>>)
        %dma_start3A_460 = arith.constant 0 : i32
        %dma_start3A_461 = arith.constant 0 : i32
        %dma_start3A_462 = arith.constant 0 : i32
        %dma_start3A_463 = tpu.memref_slice %arg7[%dma_start3A_460, %dma_start3A_461, %dma_start3A_462] : memref<8x2x128xi32, #tpu.memory_space<vmem>> -> memref<1x1x128xi32, #tpu.memory_space<vmem>>
        %dma_start3A_464 = tpu.memref_squeeze %dma_start3A_463 : memref<1x1x128xi32, #tpu.memory_space<vmem>> -> memref<128xi32, #tpu.memory_space<vmem>>
        %dma_start3A_465 = arith.constant 0 : i32
        %dma_start3A_466 = arith.constant 0 : i32
        %dma_start3A_467 = tpu.memref_slice %arg2[%dma_start3A_465, %dma_start3A_466] : memref<10000x128xf32, #tpu.memory_space<hbm>> -> memref<10000x128xf32, #tpu.memory_space<hbm>>
        tpu.enqueue_indirect_dma source(%dma_start3A_467 : memref<10000x128xf32, #tpu.memory_space<hbm>>) target(%arg8 : memref<128x128xf32, #tpu.memory_space<vmem>>) offsets(%dma_start3A_464 : memref<128xi32, #tpu.memory_space<vmem>>) semaphore(%arg18 : memref<!tpu.dma_semaphore, #tpu.memory_space<semaphore_mem>>)
      } else {
      }
      %dma_wait3A_411 = arith.constant 7 : i32
      %dma_wait3A_412 = arith.constant 0 : i32
      %dma_wait3A_413 = arith.constant 0 : i32
      %dma_wait3A_414 = tpu.memref_slice %arg7[%dma_wait3A_411, %dma_wait3A_412, %dma_wait3A_413] : memref<8x2x128xi32, #tpu.memory_space<vmem>> -> memref<1x1x128xi32, #tpu.memory_space<vmem>>
      %dma_wait3A_415 = tpu.memref_squeeze %dma_wait3A_414 : memref<1x1x128xi32, #tpu.memory_space<vmem>> -> memref<128xi32, #tpu.memory_space<vmem>>
      %dma_wait3A_416 = arith.constant 0 : i32
      %dma_wait3A_417 = arith.constant 0 : i32
      %dma_wait3A_418 = tpu.memref_slice %arg2[%dma_wait3A_416, %dma_wait3A_417] : memref<10000x128xf32, #tpu.memory_space<hbm>> -> memref<10000x128xf32, #tpu.memory_space<hbm>>
      tpu.wait_indirect_dma semaphore(%arg19 : memref<!tpu.dma_semaphore, #tpu.memory_space<semaphore_mem>>) src(%dma_wait3A_418 : memref<10000x128xf32, #tpu.memory_space<hbm>>) dst(%arg9 : memref<128x128xf32, #tpu.memory_space<vmem>>)
      %run_scoped3A_419 = arith.constant 7 : i32
      %run_scoped3A_420 = arith.constant 1 : i32
      "tpu.region"() ({
        %run_scoped3A_439 = tpu.sem_alloc : memref<!tpu.dma_semaphore, #tpu.memory_space<semaphore_mem>>
        %dma_start3A_440 = arith.constant 0 : i32
        %dma_start3A_441 = tpu.memref_slice %arg7[%run_scoped3A_419, %run_scoped3A_420, %dma_start3A_440] : memref<8x2x128xi32, #tpu.memory_space<vmem>> -> memref<1x1x128xi32, #tpu.memory_space<vmem>>
        %dma_start3A_442 = tpu.memref_squeeze %dma_start3A_441 : memref<1x1x128xi32, #tpu.memory_space<vmem>> -> memref<128xi32, #tpu.memory_space<vmem>>
        %dma_start3A_443 = arith.constant 0 : i32
        %dma_start3A_444 = arith.constant 0 : i32
        %dma_start3A_445 = tpu.memref_slice %arg6[%dma_start3A_443, %dma_start3A_444] : memref<10240x128xf32, #tpu.memory_space<vmem_shared>> -> memref<10240x128xf32, #tpu.memory_space<vmem_shared>>
        tpu.enqueue_indirect_dma source(%arg9 : memref<128x128xf32, #tpu.memory_space<vmem>>) target(%dma_start3A_445 : memref<10240x128xf32, #tpu.memory_space<vmem_shared>>) offsets(%dma_start3A_442 : memref<128xi32, #tpu.memory_space<vmem>>) semaphore(%run_scoped3A_439 : memref<!tpu.dma_semaphore, #tpu.memory_space<semaphore_mem>>) {add = true}
        %dma_wait3A_446 = arith.constant 0 : i32
        %dma_wait3A_447 = tpu.memref_slice %arg7[%run_scoped3A_419, %run_scoped3A_420, %dma_wait3A_446] : memref<8x2x128xi32, #tpu.memory_space<vmem>> -> memref<1x1x128xi32, #tpu.memory_space<vmem>>
        %dma_wait3A_448 = tpu.memref_squeeze %dma_wait3A_447 : memref<1x1x128xi32, #tpu.memory_space<vmem>> -> memref<128xi32, #tpu.memory_space<vmem>>
        %dma_wait3A_449 = arith.constant 0 : i32
        %dma_wait3A_450 = arith.constant 0 : i32
        %dma_wait3A_451 = tpu.memref_slice %arg6[%dma_wait3A_449, %dma_wait3A_450] : memref<10240x128xf32, #tpu.memory_space<vmem_shared>> -> memref<10240x128xf32, #tpu.memory_space<vmem_shared>>
        tpu.wait_indirect_dma semaphore(%run_scoped3A_439 : memref<!tpu.dma_semaphore, #tpu.memory_space<semaphore_mem>>) src(%arg9 : memref<128x128xf32, #tpu.memory_space<vmem>>) dst(%dma_wait3A_451 : memref<10240x128xf32, #tpu.memory_space<vmem_shared>>)
        tpu.yield
      }) : () -> ()
      %add3A_421 = arith.constant 7 : i32
      %add3A_422 = arith.addi %mul3A_218, %add3A_421 : i32
      %add3A_423 = arith.constant 8 : i32
      %add3A_424 = arith.addi %add3A_422, %add3A_423 : i32
      %lt3A_425 = arith.constant 80 : i32
      %lt3A_426 = arith.cmpi slt, %add3A_424, %lt3A_425 : i32
      %convert_element_type3A_427 = arith.extui %lt3A_426 : i1 to i32
      %cond3A_428 = arith.constant 0 : i32
      %cond3A_429 = arith.cmpi ne, %convert_element_type3A_427, %cond3A_428 : i32
      scf.if %cond3A_429 {
        %add3A_439 = arith.constant 7 : i32
        %add3A_440 = arith.addi %mul3A_218, %add3A_439 : i32
        %add3A_441 = arith.constant 8 : i32
        %add3A_442 = arith.addi %add3A_440, %add3A_441 : i32
        %dma_start3A_443 = arith.constant 7 : i32
        %dma_start3A_444 = arith.constant 0 : i32
        %dma_start3A_445 = arith.constant 0 : i32
        %dma_start3A_446 = tpu.memref_slice %arg7[%dma_start3A_443, %dma_start3A_444, %dma_start3A_445] : memref<8x2x128xi32, #tpu.memory_space<vmem>> -> memref<1x2x128xi32, #tpu.memory_space<vmem>>
        %dma_start3A_447 = tpu.memref_squeeze %dma_start3A_446 : memref<1x2x128xi32, #tpu.memory_space<vmem>> -> memref<2x128xi32, #tpu.memory_space<vmem>>
        %dma_start3A_448 = arith.constant 0 : i32
        %dma_start3A_449 = arith.constant 0 : i32
        %dma_start3A_450 = tpu.memref_slice %arg3[%add3A, %add3A_442, %dma_start3A_448, %dma_start3A_449] : memref<32x80x2x128xi32, #tpu.memory_space<hbm>> -> memref<1x1x2x128xi32, #tpu.memory_space<hbm>>
        %dma_start3A_451 = tpu.memref_squeeze %dma_start3A_450 : memref<1x1x2x128xi32, #tpu.memory_space<hbm>> -> memref<2x128xi32, #tpu.memory_space<hbm>>
        %dma_start3A_452 = arith.constant 0 : i32
        %dma_start3A_453 = arith.constant 0 : i32
        %dma_start3A_454 = tpu.memref_slice %arg7[%dma_start3A_443, %dma_start3A_452, %dma_start3A_453] : memref<8x2x128xi32, #tpu.memory_space<vmem>> -> memref<1x2x128xi32, #tpu.memory_space<vmem>>
        %dma_start3A_455 = tpu.memref_squeeze %dma_start3A_454 : memref<1x2x128xi32, #tpu.memory_space<vmem>> -> memref<2x128xi32, #tpu.memory_space<vmem>>
        %dma_start3A_456 = arith.constant 0 : i32
        %dma_start3A_457 = arith.constant 0 : i32
        %dma_start3A_458 = tpu.memref_slice %arg3[%add3A, %add3A_442, %dma_start3A_456, %dma_start3A_457] : memref<32x80x2x128xi32, #tpu.memory_space<hbm>> -> memref<1x1x2x128xi32, #tpu.memory_space<hbm>>
        %dma_start3A_459 = tpu.memref_squeeze %dma_start3A_458 : memref<1x1x2x128xi32, #tpu.memory_space<hbm>> -> memref<2x128xi32, #tpu.memory_space<hbm>>
        tpu.enqueue_dma source(%dma_start3A_459 : memref<2x128xi32, #tpu.memory_space<hbm>>) target(%dma_start3A_455 : memref<2x128xi32, #tpu.memory_space<vmem>>) target_semaphore(%arg17 : memref<!tpu.dma_semaphore, #tpu.memory_space<semaphore_mem>>)
      } else {
      }
      %add3A_430 = arith.constant 7 : i32
      %add3A_431 = arith.addi %mul3A_218, %add3A_430 : i32
      %add3A_432 = arith.constant 2 : i32
      %add3A_433 = arith.addi %add3A_431, %add3A_432 : i32
      %lt3A_434 = arith.constant 80 : i32
      %lt3A_435 = arith.cmpi slt, %add3A_433, %lt3A_434 : i32
      %convert_element_type3A_436 = arith.extui %lt3A_435 : i1 to i32
      %cond3A_437 = arith.constant 0 : i32
      %cond3A_438 = arith.cmpi ne, %convert_element_type3A_436, %cond3A_437 : i32
      scf.if %cond3A_438 {
        %add3A_439 = arith.constant 7 : i32
        %add3A_440 = arith.addi %mul3A_218, %add3A_439 : i32
        %add3A_441 = arith.constant 2 : i32
        %add3A_442 = arith.addi %add3A_440, %add3A_441 : i32
        %dma_wait3A_443 = arith.constant 1 : i32
        %dma_wait3A_444 = arith.constant 0 : i32
        %dma_wait3A_445 = arith.constant 0 : i32
        %dma_wait3A_446 = tpu.memref_slice %arg7[%dma_wait3A_443, %dma_wait3A_444, %dma_wait3A_445] : memref<8x2x128xi32, #tpu.memory_space<vmem>> -> memref<1x2x128xi32, #tpu.memory_space<vmem>>
        %dma_wait3A_447 = tpu.memref_squeeze %dma_wait3A_446 : memref<1x2x128xi32, #tpu.memory_space<vmem>> -> memref<2x128xi32, #tpu.memory_space<vmem>>
        %dma_wait3A_448 = arith.constant 0 : i32
        %dma_wait3A_449 = arith.constant 0 : i32
        %dma_wait3A_450 = tpu.memref_slice %arg3[%add3A, %add3A_442, %dma_wait3A_448, %dma_wait3A_449] : memref<32x80x2x128xi32, #tpu.memory_space<hbm>> -> memref<1x1x2x128xi32, #tpu.memory_space<hbm>>
        %dma_wait3A_451 = tpu.memref_squeeze %dma_wait3A_450 : memref<1x1x2x128xi32, #tpu.memory_space<hbm>> -> memref<2x128xi32, #tpu.memory_space<hbm>>
        %dma_wait3A_452 = arith.constant 0 : i32
        %dma_wait3A_453 = arith.constant 0 : i32
        %dma_wait3A_454 = tpu.memref_slice %arg7[%dma_wait3A_443, %dma_wait3A_452, %dma_wait3A_453] : memref<8x2x128xi32, #tpu.memory_space<vmem>> -> memref<1x2x128xi32, #tpu.memory_space<vmem>>
        %dma_wait3A_455 = tpu.memref_squeeze %dma_wait3A_454 : memref<1x2x128xi32, #tpu.memory_space<vmem>> -> memref<2x128xi32, #tpu.memory_space<vmem>>
        %dma_wait3A_456 = arith.constant 0 : i32
        %dma_wait3A_457 = arith.constant 0 : i32
        %dma_wait3A_458 = tpu.memref_slice %arg3[%add3A, %add3A_442, %dma_wait3A_456, %dma_wait3A_457] : memref<32x80x2x128xi32, #tpu.memory_space<hbm>> -> memref<1x1x2x128xi32, #tpu.memory_space<hbm>>
        %dma_wait3A_459 = tpu.memref_squeeze %dma_wait3A_458 : memref<1x1x2x128xi32, #tpu.memory_space<hbm>> -> memref<2x128xi32, #tpu.memory_space<hbm>>
        tpu.wait_dma2 semaphore(%arg11 : memref<!tpu.dma_semaphore, #tpu.memory_space<semaphore_mem>>) src(%dma_wait3A_459 : memref<2x128xi32, #tpu.memory_space<hbm>>) dst(%dma_wait3A_455 : memref<2x128xi32, #tpu.memory_space<vmem>>)
        %dma_start3A_460 = arith.constant 1 : i32
        %dma_start3A_461 = arith.constant 0 : i32
        %dma_start3A_462 = arith.constant 0 : i32
        %dma_start3A_463 = tpu.memref_slice %arg7[%dma_start3A_460, %dma_start3A_461, %dma_start3A_462] : memref<8x2x128xi32, #tpu.memory_space<vmem>> -> memref<1x1x128xi32, #tpu.memory_space<vmem>>
        %dma_start3A_464 = tpu.memref_squeeze %dma_start3A_463 : memref<1x1x128xi32, #tpu.memory_space<vmem>> -> memref<128xi32, #tpu.memory_space<vmem>>
        %dma_start3A_465 = arith.constant 0 : i32
        %dma_start3A_466 = arith.constant 0 : i32
        %dma_start3A_467 = tpu.memref_slice %arg2[%dma_start3A_465, %dma_start3A_466] : memref<10000x128xf32, #tpu.memory_space<hbm>> -> memref<10000x128xf32, #tpu.memory_space<hbm>>
        tpu.enqueue_indirect_dma source(%dma_start3A_467 : memref<10000x128xf32, #tpu.memory_space<hbm>>) target(%arg9 : memref<128x128xf32, #tpu.memory_space<vmem>>) offsets(%dma_start3A_464 : memref<128xi32, #tpu.memory_space<vmem>>) semaphore(%arg19 : memref<!tpu.dma_semaphore, #tpu.memory_space<semaphore_mem>>)
      } else {
      }
    }
    %scan3A_207 = arith.constant 10 : i32
    %barrier3A_208 = arith.constant 0 : index
    tpu.barrier barrier_id(%barrier3A_208)
    %mul3A_209 = arith.constant 640 : i32
    %mul3A_210 = arith.muli %arg1, %mul3A_209 : i32
    %mul3A_211 = arith.constant 10240 : i32
    %mul3A_212 = arith.muli %arg0, %mul3A_211 : i32
    %mul3A_213 = arith.constant 640 : i32
    %mul3A_214 = arith.muli %arg1, %mul3A_213 : i32
    %add3A_215 = arith.addi %mul3A_212, %mul3A_214 : i32
    "tpu.region"() ({
      %run_scoped3A = tpu.sem_alloc : memref<!tpu.dma_semaphore, #tpu.memory_space<semaphore_mem>>
      %dma_start3A_216 = arith.constant 0 : i32
      %dma_start3A_217 = tpu.memref_slice %arg5[%add3A_215, %dma_start3A_216] : memref<20480x128xf32, #tpu.memory_space<hbm>> -> memref<640x128xf32, #tpu.memory_space<hbm>>
      %dma_start3A_218 = arith.constant 0 : i32
      %dma_start3A_219 = tpu.memref_slice %arg6[%mul3A_210, %dma_start3A_218] : memref<10240x128xf32, #tpu.memory_space<vmem_shared>> -> memref<640x128xf32, #tpu.memory_space<vmem_shared>>
      tpu.enqueue_dma source(%dma_start3A_219 : memref<640x128xf32, #tpu.memory_space<vmem_shared>>) target(%dma_start3A_217 : memref<640x128xf32, #tpu.memory_space<hbm>>) target_semaphore(%run_scoped3A : memref<!tpu.dma_semaphore, #tpu.memory_space<semaphore_mem>>)
      %dma_wait3A_220 = arith.constant 0 : i32
      %dma_wait3A_221 = tpu.memref_slice %arg5[%add3A_215, %dma_wait3A_220] : memref<20480x128xf32, #tpu.memory_space<hbm>> -> memref<640x128xf32, #tpu.memory_space<hbm>>
      %dma_wait3A_222 = arith.constant 0 : i32
      %dma_wait3A_223 = tpu.memref_slice %arg6[%mul3A_210, %dma_wait3A_222] : memref<10240x128xf32, #tpu.memory_space<vmem_shared>> -> memref<640x128xf32, #tpu.memory_space<vmem_shared>>
      tpu.wait_dma2 semaphore(%run_scoped3A : memref<!tpu.dma_semaphore, #tpu.memory_space<semaphore_mem>>) src(%dma_wait3A_223 : memref<640x128xf32, #tpu.memory_space<vmem_shared>>) dst(%dma_wait3A_221 : memref<640x128xf32, #tpu.memory_space<hbm>>)
      tpu.yield
    }) : () -> ()
    return
  }
}

#map = affine_map<(d0, d1) -> (0, 0)>
#map1 = affine_map<(d0, d1) -> (0, 0, 0, 0)>
module attributes {stable_mosaic.version = 14 : i64} {
  func.func @agg(%arg0: i32, %arg1: i32, %arg2: memref<10000x64xf32, #tpu.memory_space<hbm>>, %arg3: memref<32x80x2x128xi32, #tpu.memory_space<hbm>>, %arg4: memref<640x64xf32, #tpu.memory_space<hbm>>, %arg5: memref<20480x64xf32, #tpu.memory_space<hbm>>, %arg6: memref<10240x64xf32, #tpu.memory_space<vmem_shared>>, %arg7: memref<8x2x128xi32, #tpu.memory_space<vmem>>, %arg8: memref<128x64xf32, #tpu.memory_space<vmem>>, %arg9: memref<128x64xf32, #tpu.memory_space<vmem>>, %arg10: memref<128x64xf32, #tpu.memory_space<vmem>>, %arg11: memref<128x64xf32, #tpu.memory_space<vmem>>, %arg12: memref<!tpu.dma_semaphore, #tpu.memory_space<semaphore_mem>>, %arg13: memref<!tpu.dma_semaphore, #tpu.memory_space<semaphore_mem>>, %arg14: memref<!tpu.dma_semaphore, #tpu.memory_space<semaphore_mem>>, %arg15: memref<!tpu.dma_semaphore, #tpu.memory_space<semaphore_mem>>, %arg16: memref<!tpu.dma_semaphore, #tpu.memory_space<semaphore_mem>>, %arg17: memref<!tpu.dma_semaphore, #tpu.memory_space<semaphore_mem>>, %arg18: memref<!tpu.dma_semaphore, #tpu.memory_space<semaphore_mem>>, %arg19: memref<!tpu.dma_semaphore, #tpu.memory_space<semaphore_mem>>, %arg20: memref<!tpu.dma_semaphore, #tpu.memory_space<semaphore_mem>>, %arg21: memref<!tpu.dma_semaphore, #tpu.memory_space<semaphore_mem>>, %arg22: memref<!tpu.dma_semaphore, #tpu.memory_space<semaphore_mem>>, %arg23: memref<!tpu.dma_semaphore, #tpu.memory_space<semaphore_mem>>, %arg24: memref<!tpu.dma_semaphore, #tpu.memory_space<semaphore_mem>>) attributes {dimension_semantics = [#tpu.dimension_semantics<core_parallel>, #tpu.dimension_semantics<subcore_parallel>], iteration_bounds = array<i64: 2, 16>, scalar_prefetch = 0 : i64, scratch_operands = 19 : i64, tpu.core_type = #tpu.core_type<sc_vector_subcore>, window_params = [{transform_indices = #map}, {transform_indices = #map1}, {transform_indices = #map}, {transform_indices = #map}]} {
    %mul3A = arith.constant 16 : i32
    %mul3A_0 = arith.muli %arg0, %mul3A : i32
    %add3A = arith.addi %mul3A_0, %arg1 : i32
    %mul3A_1 = arith.constant 640 : i32
    %mul3A_2 = arith.muli %arg1, %mul3A_1 : i32
    %dma_start3A = arith.constant 0 : i32
    %dma_start3A_3 = tpu.memref_slice %arg6[%mul3A_2, %dma_start3A] : memref<10240x64xf32, #tpu.memory_space<vmem_shared>> -> memref<640x64xf32, #tpu.memory_space<vmem_shared>>
    tpu.enqueue_dma source(%arg4 : memref<640x64xf32, #tpu.memory_space<hbm>>) target(%dma_start3A_3 : memref<640x64xf32, #tpu.memory_space<vmem_shared>>) target_semaphore(%arg24 : memref<!tpu.dma_semaphore, #tpu.memory_space<semaphore_mem>>)
    %dma_start3A_4 = arith.constant 0 : i32
    %dma_start3A_5 = arith.constant 0 : i32
    %dma_start3A_6 = arith.constant 0 : i32
    %dma_start3A_7 = arith.constant 0 : i32
    %dma_start3A_8 = tpu.memref_slice %arg7[%dma_start3A_5, %dma_start3A_6, %dma_start3A_7] : memref<8x2x128xi32, #tpu.memory_space<vmem>> -> memref<1x2x128xi32, #tpu.memory_space<vmem>>
    %dma_start3A_9 = tpu.memref_squeeze %dma_start3A_8 : memref<1x2x128xi32, #tpu.memory_space<vmem>> -> memref<2x128xi32, #tpu.memory_space<vmem>>
    %dma_start3A_10 = arith.constant 0 : i32
    %dma_start3A_11 = arith.constant 0 : i32
    %dma_start3A_12 = tpu.memref_slice %arg3[%add3A, %dma_start3A_4, %dma_start3A_10, %dma_start3A_11] : memref<32x80x2x128xi32, #tpu.memory_space<hbm>> -> memref<1x1x2x128xi32, #tpu.memory_space<hbm>>
    %dma_start3A_13 = tpu.memref_squeeze %dma_start3A_12 : memref<1x1x2x128xi32, #tpu.memory_space<hbm>> -> memref<2x128xi32, #tpu.memory_space<hbm>>
    %dma_start3A_14 = arith.constant 0 : i32
    %dma_start3A_15 = arith.constant 0 : i32
    %dma_start3A_16 = tpu.memref_slice %arg7[%dma_start3A_5, %dma_start3A_14, %dma_start3A_15] : memref<8x2x128xi32, #tpu.memory_space<vmem>> -> memref<1x2x128xi32, #tpu.memory_space<vmem>>
    %dma_start3A_17 = tpu.memref_squeeze %dma_start3A_16 : memref<1x2x128xi32, #tpu.memory_space<vmem>> -> memref<2x128xi32, #tpu.memory_space<vmem>>
    %dma_start3A_18 = arith.constant 0 : i32
    %dma_start3A_19 = arith.constant 0 : i32
    %dma_start3A_20 = tpu.memref_slice %arg3[%add3A, %dma_start3A_4, %dma_start3A_18, %dma_start3A_19] : memref<32x80x2x128xi32, #tpu.memory_space<hbm>> -> memref<1x1x2x128xi32, #tpu.memory_space<hbm>>
    %dma_start3A_21 = tpu.memref_squeeze %dma_start3A_20 : memref<1x1x2x128xi32, #tpu.memory_space<hbm>> -> memref<2x128xi32, #tpu.memory_space<hbm>>
    tpu.enqueue_dma source(%dma_start3A_21 : memref<2x128xi32, #tpu.memory_space<hbm>>) target(%dma_start3A_17 : memref<2x128xi32, #tpu.memory_space<vmem>>) target_semaphore(%arg12 : memref<!tpu.dma_semaphore, #tpu.memory_space<semaphore_mem>>)
    %dma_start3A_22 = arith.constant 1 : i32
    %dma_start3A_23 = arith.constant 1 : i32
    %dma_start3A_24 = arith.constant 0 : i32
    %dma_start3A_25 = arith.constant 0 : i32
    %dma_start3A_26 = tpu.memref_slice %arg7[%dma_start3A_23, %dma_start3A_24, %dma_start3A_25] : memref<8x2x128xi32, #tpu.memory_space<vmem>> -> memref<1x2x128xi32, #tpu.memory_space<vmem>>
    %dma_start3A_27 = tpu.memref_squeeze %dma_start3A_26 : memref<1x2x128xi32, #tpu.memory_space<vmem>> -> memref<2x128xi32, #tpu.memory_space<vmem>>
    %dma_start3A_28 = arith.constant 0 : i32
    %dma_start3A_29 = arith.constant 0 : i32
    %dma_start3A_30 = tpu.memref_slice %arg3[%add3A, %dma_start3A_22, %dma_start3A_28, %dma_start3A_29] : memref<32x80x2x128xi32, #tpu.memory_space<hbm>> -> memref<1x1x2x128xi32, #tpu.memory_space<hbm>>
    %dma_start3A_31 = tpu.memref_squeeze %dma_start3A_30 : memref<1x1x2x128xi32, #tpu.memory_space<hbm>> -> memref<2x128xi32, #tpu.memory_space<hbm>>
    %dma_start3A_32 = arith.constant 0 : i32
    %dma_start3A_33 = arith.constant 0 : i32
    %dma_start3A_34 = tpu.memref_slice %arg7[%dma_start3A_23, %dma_start3A_32, %dma_start3A_33] : memref<8x2x128xi32, #tpu.memory_space<vmem>> -> memref<1x2x128xi32, #tpu.memory_space<vmem>>
    %dma_start3A_35 = tpu.memref_squeeze %dma_start3A_34 : memref<1x2x128xi32, #tpu.memory_space<vmem>> -> memref<2x128xi32, #tpu.memory_space<vmem>>
    %dma_start3A_36 = arith.constant 0 : i32
    %dma_start3A_37 = arith.constant 0 : i32
    %dma_start3A_38 = tpu.memref_slice %arg3[%add3A, %dma_start3A_22, %dma_start3A_36, %dma_start3A_37] : memref<32x80x2x128xi32, #tpu.memory_space<hbm>> -> memref<1x1x2x128xi32, #tpu.memory_space<hbm>>
    %dma_start3A_39 = tpu.memref_squeeze %dma_start3A_38 : memref<1x1x2x128xi32, #tpu.memory_space<hbm>> -> memref<2x128xi32, #tpu.memory_space<hbm>>
    tpu.enqueue_dma source(%dma_start3A_39 : memref<2x128xi32, #tpu.memory_space<hbm>>) target(%dma_start3A_35 : memref<2x128xi32, #tpu.memory_space<vmem>>) target_semaphore(%arg13 : memref<!tpu.dma_semaphore, #tpu.memory_space<semaphore_mem>>)
    %dma_start3A_40 = arith.constant 2 : i32
    %dma_start3A_41 = arith.constant 2 : i32
    %dma_start3A_42 = arith.constant 0 : i32
    %dma_start3A_43 = arith.constant 0 : i32
    %dma_start3A_44 = tpu.memref_slice %arg7[%dma_start3A_41, %dma_start3A_42, %dma_start3A_43] : memref<8x2x128xi32, #tpu.memory_space<vmem>> -> memref<1x2x128xi32, #tpu.memory_space<vmem>>
    %dma_start3A_45 = tpu.memref_squeeze %dma_start3A_44 : memref<1x2x128xi32, #tpu.memory_space<vmem>> -> memref<2x128xi32, #tpu.memory_space<vmem>>
    %dma_start3A_46 = arith.constant 0 : i32
    %dma_start3A_47 = arith.constant 0 : i32
    %dma_start3A_48 = tpu.memref_slice %arg3[%add3A, %dma_start3A_40, %dma_start3A_46, %dma_start3A_47] : memref<32x80x2x128xi32, #tpu.memory_space<hbm>> -> memref<1x1x2x128xi32, #tpu.memory_space<hbm>>
    %dma_start3A_49 = tpu.memref_squeeze %dma_start3A_48 : memref<1x1x2x128xi32, #tpu.memory_space<hbm>> -> memref<2x128xi32, #tpu.memory_space<hbm>>
    %dma_start3A_50 = arith.constant 0 : i32
    %dma_start3A_51 = arith.constant 0 : i32
    %dma_start3A_52 = tpu.memref_slice %arg7[%dma_start3A_41, %dma_start3A_50, %dma_start3A_51] : memref<8x2x128xi32, #tpu.memory_space<vmem>> -> memref<1x2x128xi32, #tpu.memory_space<vmem>>
    %dma_start3A_53 = tpu.memref_squeeze %dma_start3A_52 : memref<1x2x128xi32, #tpu.memory_space<vmem>> -> memref<2x128xi32, #tpu.memory_space<vmem>>
    %dma_start3A_54 = arith.constant 0 : i32
    %dma_start3A_55 = arith.constant 0 : i32
    %dma_start3A_56 = tpu.memref_slice %arg3[%add3A, %dma_start3A_40, %dma_start3A_54, %dma_start3A_55] : memref<32x80x2x128xi32, #tpu.memory_space<hbm>> -> memref<1x1x2x128xi32, #tpu.memory_space<hbm>>
    %dma_start3A_57 = tpu.memref_squeeze %dma_start3A_56 : memref<1x1x2x128xi32, #tpu.memory_space<hbm>> -> memref<2x128xi32, #tpu.memory_space<hbm>>
    tpu.enqueue_dma source(%dma_start3A_57 : memref<2x128xi32, #tpu.memory_space<hbm>>) target(%dma_start3A_53 : memref<2x128xi32, #tpu.memory_space<vmem>>) target_semaphore(%arg14 : memref<!tpu.dma_semaphore, #tpu.memory_space<semaphore_mem>>)
    %dma_start3A_58 = arith.constant 3 : i32
    %dma_start3A_59 = arith.constant 3 : i32
    %dma_start3A_60 = arith.constant 0 : i32
    %dma_start3A_61 = arith.constant 0 : i32
    %dma_start3A_62 = tpu.memref_slice %arg7[%dma_start3A_59, %dma_start3A_60, %dma_start3A_61] : memref<8x2x128xi32, #tpu.memory_space<vmem>> -> memref<1x2x128xi32, #tpu.memory_space<vmem>>
    %dma_start3A_63 = tpu.memref_squeeze %dma_start3A_62 : memref<1x2x128xi32, #tpu.memory_space<vmem>> -> memref<2x128xi32, #tpu.memory_space<vmem>>
    %dma_start3A_64 = arith.constant 0 : i32
    %dma_start3A_65 = arith.constant 0 : i32
    %dma_start3A_66 = tpu.memref_slice %arg3[%add3A, %dma_start3A_58, %dma_start3A_64, %dma_start3A_65] : memref<32x80x2x128xi32, #tpu.memory_space<hbm>> -> memref<1x1x2x128xi32, #tpu.memory_space<hbm>>
    %dma_start3A_67 = tpu.memref_squeeze %dma_start3A_66 : memref<1x1x2x128xi32, #tpu.memory_space<hbm>> -> memref<2x128xi32, #tpu.memory_space<hbm>>
    %dma_start3A_68 = arith.constant 0 : i32
    %dma_start3A_69 = arith.constant 0 : i32
    %dma_start3A_70 = tpu.memref_slice %arg7[%dma_start3A_59, %dma_start3A_68, %dma_start3A_69] : memref<8x2x128xi32, #tpu.memory_space<vmem>> -> memref<1x2x128xi32, #tpu.memory_space<vmem>>
    %dma_start3A_71 = tpu.memref_squeeze %dma_start3A_70 : memref<1x2x128xi32, #tpu.memory_space<vmem>> -> memref<2x128xi32, #tpu.memory_space<vmem>>
    %dma_start3A_72 = arith.constant 0 : i32
    %dma_start3A_73 = arith.constant 0 : i32
    %dma_start3A_74 = tpu.memref_slice %arg3[%add3A, %dma_start3A_58, %dma_start3A_72, %dma_start3A_73] : memref<32x80x2x128xi32, #tpu.memory_space<hbm>> -> memref<1x1x2x128xi32, #tpu.memory_space<hbm>>
    %dma_start3A_75 = tpu.memref_squeeze %dma_start3A_74 : memref<1x1x2x128xi32, #tpu.memory_space<hbm>> -> memref<2x128xi32, #tpu.memory_space<hbm>>
    tpu.enqueue_dma source(%dma_start3A_75 : memref<2x128xi32, #tpu.memory_space<hbm>>) target(%dma_start3A_71 : memref<2x128xi32, #tpu.memory_space<vmem>>) target_semaphore(%arg15 : memref<!tpu.dma_semaphore, #tpu.memory_space<semaphore_mem>>)
    %dma_start3A_76 = arith.constant 4 : i32
    %dma_start3A_77 = arith.constant 4 : i32
    %dma_start3A_78 = arith.constant 0 : i32
    %dma_start3A_79 = arith.constant 0 : i32
    %dma_start3A_80 = tpu.memref_slice %arg7[%dma_start3A_77, %dma_start3A_78, %dma_start3A_79] : memref<8x2x128xi32, #tpu.memory_space<vmem>> -> memref<1x2x128xi32, #tpu.memory_space<vmem>>
    %dma_start3A_81 = tpu.memref_squeeze %dma_start3A_80 : memref<1x2x128xi32, #tpu.memory_space<vmem>> -> memref<2x128xi32, #tpu.memory_space<vmem>>
    %dma_start3A_82 = arith.constant 0 : i32
    %dma_start3A_83 = arith.constant 0 : i32
    %dma_start3A_84 = tpu.memref_slice %arg3[%add3A, %dma_start3A_76, %dma_start3A_82, %dma_start3A_83] : memref<32x80x2x128xi32, #tpu.memory_space<hbm>> -> memref<1x1x2x128xi32, #tpu.memory_space<hbm>>
    %dma_start3A_85 = tpu.memref_squeeze %dma_start3A_84 : memref<1x1x2x128xi32, #tpu.memory_space<hbm>> -> memref<2x128xi32, #tpu.memory_space<hbm>>
    %dma_start3A_86 = arith.constant 0 : i32
    %dma_start3A_87 = arith.constant 0 : i32
    %dma_start3A_88 = tpu.memref_slice %arg7[%dma_start3A_77, %dma_start3A_86, %dma_start3A_87] : memref<8x2x128xi32, #tpu.memory_space<vmem>> -> memref<1x2x128xi32, #tpu.memory_space<vmem>>
    %dma_start3A_89 = tpu.memref_squeeze %dma_start3A_88 : memref<1x2x128xi32, #tpu.memory_space<vmem>> -> memref<2x128xi32, #tpu.memory_space<vmem>>
    %dma_start3A_90 = arith.constant 0 : i32
    %dma_start3A_91 = arith.constant 0 : i32
    %dma_start3A_92 = tpu.memref_slice %arg3[%add3A, %dma_start3A_76, %dma_start3A_90, %dma_start3A_91] : memref<32x80x2x128xi32, #tpu.memory_space<hbm>> -> memref<1x1x2x128xi32, #tpu.memory_space<hbm>>
    %dma_start3A_93 = tpu.memref_squeeze %dma_start3A_92 : memref<1x1x2x128xi32, #tpu.memory_space<hbm>> -> memref<2x128xi32, #tpu.memory_space<hbm>>
    tpu.enqueue_dma source(%dma_start3A_93 : memref<2x128xi32, #tpu.memory_space<hbm>>) target(%dma_start3A_89 : memref<2x128xi32, #tpu.memory_space<vmem>>) target_semaphore(%arg16 : memref<!tpu.dma_semaphore, #tpu.memory_space<semaphore_mem>>)
    %dma_start3A_94 = arith.constant 5 : i32
    %dma_start3A_95 = arith.constant 5 : i32
    %dma_start3A_96 = arith.constant 0 : i32
    %dma_start3A_97 = arith.constant 0 : i32
    %dma_start3A_98 = tpu.memref_slice %arg7[%dma_start3A_95, %dma_start3A_96, %dma_start3A_97] : memref<8x2x128xi32, #tpu.memory_space<vmem>> -> memref<1x2x128xi32, #tpu.memory_space<vmem>>
    %dma_start3A_99 = tpu.memref_squeeze %dma_start3A_98 : memref<1x2x128xi32, #tpu.memory_space<vmem>> -> memref<2x128xi32, #tpu.memory_space<vmem>>
    %dma_start3A_100 = arith.constant 0 : i32
    %dma_start3A_101 = arith.constant 0 : i32
    %dma_start3A_102 = tpu.memref_slice %arg3[%add3A, %dma_start3A_94, %dma_start3A_100, %dma_start3A_101] : memref<32x80x2x128xi32, #tpu.memory_space<hbm>> -> memref<1x1x2x128xi32, #tpu.memory_space<hbm>>
    %dma_start3A_103 = tpu.memref_squeeze %dma_start3A_102 : memref<1x1x2x128xi32, #tpu.memory_space<hbm>> -> memref<2x128xi32, #tpu.memory_space<hbm>>
    %dma_start3A_104 = arith.constant 0 : i32
    %dma_start3A_105 = arith.constant 0 : i32
    %dma_start3A_106 = tpu.memref_slice %arg7[%dma_start3A_95, %dma_start3A_104, %dma_start3A_105] : memref<8x2x128xi32, #tpu.memory_space<vmem>> -> memref<1x2x128xi32, #tpu.memory_space<vmem>>
    %dma_start3A_107 = tpu.memref_squeeze %dma_start3A_106 : memref<1x2x128xi32, #tpu.memory_space<vmem>> -> memref<2x128xi32, #tpu.memory_space<vmem>>
    %dma_start3A_108 = arith.constant 0 : i32
    %dma_start3A_109 = arith.constant 0 : i32
    %dma_start3A_110 = tpu.memref_slice %arg3[%add3A, %dma_start3A_94, %dma_start3A_108, %dma_start3A_109] : memref<32x80x2x128xi32, #tpu.memory_space<hbm>> -> memref<1x1x2x128xi32, #tpu.memory_space<hbm>>
    %dma_start3A_111 = tpu.memref_squeeze %dma_start3A_110 : memref<1x1x2x128xi32, #tpu.memory_space<hbm>> -> memref<2x128xi32, #tpu.memory_space<hbm>>
    tpu.enqueue_dma source(%dma_start3A_111 : memref<2x128xi32, #tpu.memory_space<hbm>>) target(%dma_start3A_107 : memref<2x128xi32, #tpu.memory_space<vmem>>) target_semaphore(%arg17 : memref<!tpu.dma_semaphore, #tpu.memory_space<semaphore_mem>>)
    %dma_start3A_112 = arith.constant 6 : i32
    %dma_start3A_113 = arith.constant 6 : i32
    %dma_start3A_114 = arith.constant 0 : i32
    %dma_start3A_115 = arith.constant 0 : i32
    %dma_start3A_116 = tpu.memref_slice %arg7[%dma_start3A_113, %dma_start3A_114, %dma_start3A_115] : memref<8x2x128xi32, #tpu.memory_space<vmem>> -> memref<1x2x128xi32, #tpu.memory_space<vmem>>
    %dma_start3A_117 = tpu.memref_squeeze %dma_start3A_116 : memref<1x2x128xi32, #tpu.memory_space<vmem>> -> memref<2x128xi32, #tpu.memory_space<vmem>>
    %dma_start3A_118 = arith.constant 0 : i32
    %dma_start3A_119 = arith.constant 0 : i32
    %dma_start3A_120 = tpu.memref_slice %arg3[%add3A, %dma_start3A_112, %dma_start3A_118, %dma_start3A_119] : memref<32x80x2x128xi32, #tpu.memory_space<hbm>> -> memref<1x1x2x128xi32, #tpu.memory_space<hbm>>
    %dma_start3A_121 = tpu.memref_squeeze %dma_start3A_120 : memref<1x1x2x128xi32, #tpu.memory_space<hbm>> -> memref<2x128xi32, #tpu.memory_space<hbm>>
    %dma_start3A_122 = arith.constant 0 : i32
    %dma_start3A_123 = arith.constant 0 : i32
    %dma_start3A_124 = tpu.memref_slice %arg7[%dma_start3A_113, %dma_start3A_122, %dma_start3A_123] : memref<8x2x128xi32, #tpu.memory_space<vmem>> -> memref<1x2x128xi32, #tpu.memory_space<vmem>>
    %dma_start3A_125 = tpu.memref_squeeze %dma_start3A_124 : memref<1x2x128xi32, #tpu.memory_space<vmem>> -> memref<2x128xi32, #tpu.memory_space<vmem>>
    %dma_start3A_126 = arith.constant 0 : i32
    %dma_start3A_127 = arith.constant 0 : i32
    %dma_start3A_128 = tpu.memref_slice %arg3[%add3A, %dma_start3A_112, %dma_start3A_126, %dma_start3A_127] : memref<32x80x2x128xi32, #tpu.memory_space<hbm>> -> memref<1x1x2x128xi32, #tpu.memory_space<hbm>>
    %dma_start3A_129 = tpu.memref_squeeze %dma_start3A_128 : memref<1x1x2x128xi32, #tpu.memory_space<hbm>> -> memref<2x128xi32, #tpu.memory_space<hbm>>
    tpu.enqueue_dma source(%dma_start3A_129 : memref<2x128xi32, #tpu.memory_space<hbm>>) target(%dma_start3A_125 : memref<2x128xi32, #tpu.memory_space<vmem>>) target_semaphore(%arg18 : memref<!tpu.dma_semaphore, #tpu.memory_space<semaphore_mem>>)
    %dma_start3A_130 = arith.constant 7 : i32
    %dma_start3A_131 = arith.constant 7 : i32
    %dma_start3A_132 = arith.constant 0 : i32
    %dma_start3A_133 = arith.constant 0 : i32
    %dma_start3A_134 = tpu.memref_slice %arg7[%dma_start3A_131, %dma_start3A_132, %dma_start3A_133] : memref<8x2x128xi32, #tpu.memory_space<vmem>> -> memref<1x2x128xi32, #tpu.memory_space<vmem>>
    %dma_start3A_135 = tpu.memref_squeeze %dma_start3A_134 : memref<1x2x128xi32, #tpu.memory_space<vmem>> -> memref<2x128xi32, #tpu.memory_space<vmem>>
    %dma_start3A_136 = arith.constant 0 : i32
    %dma_start3A_137 = arith.constant 0 : i32
    %dma_start3A_138 = tpu.memref_slice %arg3[%add3A, %dma_start3A_130, %dma_start3A_136, %dma_start3A_137] : memref<32x80x2x128xi32, #tpu.memory_space<hbm>> -> memref<1x1x2x128xi32, #tpu.memory_space<hbm>>
    %dma_start3A_139 = tpu.memref_squeeze %dma_start3A_138 : memref<1x1x2x128xi32, #tpu.memory_space<hbm>> -> memref<2x128xi32, #tpu.memory_space<hbm>>
    %dma_start3A_140 = arith.constant 0 : i32
    %dma_start3A_141 = arith.constant 0 : i32
    %dma_start3A_142 = tpu.memref_slice %arg7[%dma_start3A_131, %dma_start3A_140, %dma_start3A_141] : memref<8x2x128xi32, #tpu.memory_space<vmem>> -> memref<1x2x128xi32, #tpu.memory_space<vmem>>
    %dma_start3A_143 = tpu.memref_squeeze %dma_start3A_142 : memref<1x2x128xi32, #tpu.memory_space<vmem>> -> memref<2x128xi32, #tpu.memory_space<vmem>>
    %dma_start3A_144 = arith.constant 0 : i32
    %dma_start3A_145 = arith.constant 0 : i32
    %dma_start3A_146 = tpu.memref_slice %arg3[%add3A, %dma_start3A_130, %dma_start3A_144, %dma_start3A_145] : memref<32x80x2x128xi32, #tpu.memory_space<hbm>> -> memref<1x1x2x128xi32, #tpu.memory_space<hbm>>
    %dma_start3A_147 = tpu.memref_squeeze %dma_start3A_146 : memref<1x1x2x128xi32, #tpu.memory_space<hbm>> -> memref<2x128xi32, #tpu.memory_space<hbm>>
    tpu.enqueue_dma source(%dma_start3A_147 : memref<2x128xi32, #tpu.memory_space<hbm>>) target(%dma_start3A_143 : memref<2x128xi32, #tpu.memory_space<vmem>>) target_semaphore(%arg19 : memref<!tpu.dma_semaphore, #tpu.memory_space<semaphore_mem>>)
    %dma_wait3A = arith.constant 0 : i32
    %dma_wait3A_148 = arith.constant 0 : i32
    %dma_wait3A_149 = arith.constant 0 : i32
    %dma_wait3A_150 = arith.constant 0 : i32
    %dma_wait3A_151 = tpu.memref_slice %arg7[%dma_wait3A_148, %dma_wait3A_149, %dma_wait3A_150] : memref<8x2x128xi32, #tpu.memory_space<vmem>> -> memref<1x2x128xi32, #tpu.memory_space<vmem>>
    %dma_wait3A_152 = tpu.memref_squeeze %dma_wait3A_151 : memref<1x2x128xi32, #tpu.memory_space<vmem>> -> memref<2x128xi32, #tpu.memory_space<vmem>>
    %dma_wait3A_153 = arith.constant 0 : i32
    %dma_wait3A_154 = arith.constant 0 : i32
    %dma_wait3A_155 = tpu.memref_slice %arg3[%add3A, %dma_wait3A, %dma_wait3A_153, %dma_wait3A_154] : memref<32x80x2x128xi32, #tpu.memory_space<hbm>> -> memref<1x1x2x128xi32, #tpu.memory_space<hbm>>
    %dma_wait3A_156 = tpu.memref_squeeze %dma_wait3A_155 : memref<1x1x2x128xi32, #tpu.memory_space<hbm>> -> memref<2x128xi32, #tpu.memory_space<hbm>>
    %dma_wait3A_157 = arith.constant 0 : i32
    %dma_wait3A_158 = arith.constant 0 : i32
    %dma_wait3A_159 = tpu.memref_slice %arg7[%dma_wait3A_148, %dma_wait3A_157, %dma_wait3A_158] : memref<8x2x128xi32, #tpu.memory_space<vmem>> -> memref<1x2x128xi32, #tpu.memory_space<vmem>>
    %dma_wait3A_160 = tpu.memref_squeeze %dma_wait3A_159 : memref<1x2x128xi32, #tpu.memory_space<vmem>> -> memref<2x128xi32, #tpu.memory_space<vmem>>
    %dma_wait3A_161 = arith.constant 0 : i32
    %dma_wait3A_162 = arith.constant 0 : i32
    %dma_wait3A_163 = tpu.memref_slice %arg3[%add3A, %dma_wait3A, %dma_wait3A_161, %dma_wait3A_162] : memref<32x80x2x128xi32, #tpu.memory_space<hbm>> -> memref<1x1x2x128xi32, #tpu.memory_space<hbm>>
    %dma_wait3A_164 = tpu.memref_squeeze %dma_wait3A_163 : memref<1x1x2x128xi32, #tpu.memory_space<hbm>> -> memref<2x128xi32, #tpu.memory_space<hbm>>
    tpu.wait_dma2 semaphore(%arg12 : memref<!tpu.dma_semaphore, #tpu.memory_space<semaphore_mem>>) src(%dma_wait3A_164 : memref<2x128xi32, #tpu.memory_space<hbm>>) dst(%dma_wait3A_160 : memref<2x128xi32, #tpu.memory_space<vmem>>)
    %dma_start3A_165 = arith.constant 0 : i32
    %dma_start3A_166 = arith.constant 0 : i32
    %dma_start3A_167 = arith.constant 0 : i32
    %dma_start3A_168 = tpu.memref_slice %arg7[%dma_start3A_165, %dma_start3A_166, %dma_start3A_167] : memref<8x2x128xi32, #tpu.memory_space<vmem>> -> memref<1x1x128xi32, #tpu.memory_space<vmem>>
    %dma_start3A_169 = tpu.memref_squeeze %dma_start3A_168 : memref<1x1x128xi32, #tpu.memory_space<vmem>> -> memref<128xi32, #tpu.memory_space<vmem>>
    %dma_start3A_170 = arith.constant 0 : i32
    %dma_start3A_171 = arith.constant 0 : i32
    %dma_start3A_172 = tpu.memref_slice %arg2[%dma_start3A_170, %dma_start3A_171] : memref<10000x64xf32, #tpu.memory_space<hbm>> -> memref<10000x64xf32, #tpu.memory_space<hbm>>
    tpu.enqueue_indirect_dma source(%dma_start3A_172 : memref<10000x64xf32, #tpu.memory_space<hbm>>) target(%arg8 : memref<128x64xf32, #tpu.memory_space<vmem>>) offsets(%dma_start3A_169 : memref<128xi32, #tpu.memory_space<vmem>>) semaphore(%arg20 : memref<!tpu.dma_semaphore, #tpu.memory_space<semaphore_mem>>)
    %dma_wait3A_173 = arith.constant 1 : i32
    %dma_wait3A_174 = arith.constant 1 : i32
    %dma_wait3A_175 = arith.constant 0 : i32
    %dma_wait3A_176 = arith.constant 0 : i32
    %dma_wait3A_177 = tpu.memref_slice %arg7[%dma_wait3A_174, %dma_wait3A_175, %dma_wait3A_176] : memref<8x2x128xi32, #tpu.memory_space<vmem>> -> memref<1x2x128xi32, #tpu.memory_space<vmem>>
    %dma_wait3A_178 = tpu.memref_squeeze %dma_wait3A_177 : memref<1x2x128xi32, #tpu.memory_space<vmem>> -> memref<2x128xi32, #tpu.memory_space<vmem>>
    %dma_wait3A_179 = arith.constant 0 : i32
    %dma_wait3A_180 = arith.constant 0 : i32
    %dma_wait3A_181 = tpu.memref_slice %arg3[%add3A, %dma_wait3A_173, %dma_wait3A_179, %dma_wait3A_180] : memref<32x80x2x128xi32, #tpu.memory_space<hbm>> -> memref<1x1x2x128xi32, #tpu.memory_space<hbm>>
    %dma_wait3A_182 = tpu.memref_squeeze %dma_wait3A_181 : memref<1x1x2x128xi32, #tpu.memory_space<hbm>> -> memref<2x128xi32, #tpu.memory_space<hbm>>
    %dma_wait3A_183 = arith.constant 0 : i32
    %dma_wait3A_184 = arith.constant 0 : i32
    %dma_wait3A_185 = tpu.memref_slice %arg7[%dma_wait3A_174, %dma_wait3A_183, %dma_wait3A_184] : memref<8x2x128xi32, #tpu.memory_space<vmem>> -> memref<1x2x128xi32, #tpu.memory_space<vmem>>
    %dma_wait3A_186 = tpu.memref_squeeze %dma_wait3A_185 : memref<1x2x128xi32, #tpu.memory_space<vmem>> -> memref<2x128xi32, #tpu.memory_space<vmem>>
    %dma_wait3A_187 = arith.constant 0 : i32
    %dma_wait3A_188 = arith.constant 0 : i32
    %dma_wait3A_189 = tpu.memref_slice %arg3[%add3A, %dma_wait3A_173, %dma_wait3A_187, %dma_wait3A_188] : memref<32x80x2x128xi32, #tpu.memory_space<hbm>> -> memref<1x1x2x128xi32, #tpu.memory_space<hbm>>
    %dma_wait3A_190 = tpu.memref_squeeze %dma_wait3A_189 : memref<1x1x2x128xi32, #tpu.memory_space<hbm>> -> memref<2x128xi32, #tpu.memory_space<hbm>>
    tpu.wait_dma2 semaphore(%arg13 : memref<!tpu.dma_semaphore, #tpu.memory_space<semaphore_mem>>) src(%dma_wait3A_190 : memref<2x128xi32, #tpu.memory_space<hbm>>) dst(%dma_wait3A_186 : memref<2x128xi32, #tpu.memory_space<vmem>>)
    %dma_start3A_191 = arith.constant 1 : i32
    %dma_start3A_192 = arith.constant 0 : i32
    %dma_start3A_193 = arith.constant 0 : i32
    %dma_start3A_194 = tpu.memref_slice %arg7[%dma_start3A_191, %dma_start3A_192, %dma_start3A_193] : memref<8x2x128xi32, #tpu.memory_space<vmem>> -> memref<1x1x128xi32, #tpu.memory_space<vmem>>
    %dma_start3A_195 = tpu.memref_squeeze %dma_start3A_194 : memref<1x1x128xi32, #tpu.memory_space<vmem>> -> memref<128xi32, #tpu.memory_space<vmem>>
    %dma_start3A_196 = arith.constant 0 : i32
    %dma_start3A_197 = arith.constant 0 : i32
    %dma_start3A_198 = tpu.memref_slice %arg2[%dma_start3A_196, %dma_start3A_197] : memref<10000x64xf32, #tpu.memory_space<hbm>> -> memref<10000x64xf32, #tpu.memory_space<hbm>>
    tpu.enqueue_indirect_dma source(%dma_start3A_198 : memref<10000x64xf32, #tpu.memory_space<hbm>>) target(%arg9 : memref<128x64xf32, #tpu.memory_space<vmem>>) offsets(%dma_start3A_195 : memref<128xi32, #tpu.memory_space<vmem>>) semaphore(%arg21 : memref<!tpu.dma_semaphore, #tpu.memory_space<semaphore_mem>>)
    %dma_wait3A_199 = arith.constant 2 : i32
    %dma_wait3A_200 = arith.constant 2 : i32
    %dma_wait3A_201 = arith.constant 0 : i32
    %dma_wait3A_202 = arith.constant 0 : i32
    %dma_wait3A_203 = tpu.memref_slice %arg7[%dma_wait3A_200, %dma_wait3A_201, %dma_wait3A_202] : memref<8x2x128xi32, #tpu.memory_space<vmem>> -> memref<1x2x128xi32, #tpu.memory_space<vmem>>
    %dma_wait3A_204 = tpu.memref_squeeze %dma_wait3A_203 : memref<1x2x128xi32, #tpu.memory_space<vmem>> -> memref<2x128xi32, #tpu.memory_space<vmem>>
    %dma_wait3A_205 = arith.constant 0 : i32
    %dma_wait3A_206 = arith.constant 0 : i32
    %dma_wait3A_207 = tpu.memref_slice %arg3[%add3A, %dma_wait3A_199, %dma_wait3A_205, %dma_wait3A_206] : memref<32x80x2x128xi32, #tpu.memory_space<hbm>> -> memref<1x1x2x128xi32, #tpu.memory_space<hbm>>
    %dma_wait3A_208 = tpu.memref_squeeze %dma_wait3A_207 : memref<1x1x2x128xi32, #tpu.memory_space<hbm>> -> memref<2x128xi32, #tpu.memory_space<hbm>>
    %dma_wait3A_209 = arith.constant 0 : i32
    %dma_wait3A_210 = arith.constant 0 : i32
    %dma_wait3A_211 = tpu.memref_slice %arg7[%dma_wait3A_200, %dma_wait3A_209, %dma_wait3A_210] : memref<8x2x128xi32, #tpu.memory_space<vmem>> -> memref<1x2x128xi32, #tpu.memory_space<vmem>>
    %dma_wait3A_212 = tpu.memref_squeeze %dma_wait3A_211 : memref<1x2x128xi32, #tpu.memory_space<vmem>> -> memref<2x128xi32, #tpu.memory_space<vmem>>
    %dma_wait3A_213 = arith.constant 0 : i32
    %dma_wait3A_214 = arith.constant 0 : i32
    %dma_wait3A_215 = tpu.memref_slice %arg3[%add3A, %dma_wait3A_199, %dma_wait3A_213, %dma_wait3A_214] : memref<32x80x2x128xi32, #tpu.memory_space<hbm>> -> memref<1x1x2x128xi32, #tpu.memory_space<hbm>>
    %dma_wait3A_216 = tpu.memref_squeeze %dma_wait3A_215 : memref<1x1x2x128xi32, #tpu.memory_space<hbm>> -> memref<2x128xi32, #tpu.memory_space<hbm>>
    tpu.wait_dma2 semaphore(%arg14 : memref<!tpu.dma_semaphore, #tpu.memory_space<semaphore_mem>>) src(%dma_wait3A_216 : memref<2x128xi32, #tpu.memory_space<hbm>>) dst(%dma_wait3A_212 : memref<2x128xi32, #tpu.memory_space<vmem>>)
    %dma_start3A_217 = arith.constant 2 : i32
    %dma_start3A_218 = arith.constant 0 : i32
    %dma_start3A_219 = arith.constant 0 : i32
    %dma_start3A_220 = tpu.memref_slice %arg7[%dma_start3A_217, %dma_start3A_218, %dma_start3A_219] : memref<8x2x128xi32, #tpu.memory_space<vmem>> -> memref<1x1x128xi32, #tpu.memory_space<vmem>>
    %dma_start3A_221 = tpu.memref_squeeze %dma_start3A_220 : memref<1x1x128xi32, #tpu.memory_space<vmem>> -> memref<128xi32, #tpu.memory_space<vmem>>
    %dma_start3A_222 = arith.constant 0 : i32
    %dma_start3A_223 = arith.constant 0 : i32
    %dma_start3A_224 = tpu.memref_slice %arg2[%dma_start3A_222, %dma_start3A_223] : memref<10000x64xf32, #tpu.memory_space<hbm>> -> memref<10000x64xf32, #tpu.memory_space<hbm>>
    tpu.enqueue_indirect_dma source(%dma_start3A_224 : memref<10000x64xf32, #tpu.memory_space<hbm>>) target(%arg10 : memref<128x64xf32, #tpu.memory_space<vmem>>) offsets(%dma_start3A_221 : memref<128xi32, #tpu.memory_space<vmem>>) semaphore(%arg22 : memref<!tpu.dma_semaphore, #tpu.memory_space<semaphore_mem>>)
    %dma_wait3A_225 = arith.constant 3 : i32
    %dma_wait3A_226 = arith.constant 3 : i32
    %dma_wait3A_227 = arith.constant 0 : i32
    %dma_wait3A_228 = arith.constant 0 : i32
    %dma_wait3A_229 = tpu.memref_slice %arg7[%dma_wait3A_226, %dma_wait3A_227, %dma_wait3A_228] : memref<8x2x128xi32, #tpu.memory_space<vmem>> -> memref<1x2x128xi32, #tpu.memory_space<vmem>>
    %dma_wait3A_230 = tpu.memref_squeeze %dma_wait3A_229 : memref<1x2x128xi32, #tpu.memory_space<vmem>> -> memref<2x128xi32, #tpu.memory_space<vmem>>
    %dma_wait3A_231 = arith.constant 0 : i32
    %dma_wait3A_232 = arith.constant 0 : i32
    %dma_wait3A_233 = tpu.memref_slice %arg3[%add3A, %dma_wait3A_225, %dma_wait3A_231, %dma_wait3A_232] : memref<32x80x2x128xi32, #tpu.memory_space<hbm>> -> memref<1x1x2x128xi32, #tpu.memory_space<hbm>>
    %dma_wait3A_234 = tpu.memref_squeeze %dma_wait3A_233 : memref<1x1x2x128xi32, #tpu.memory_space<hbm>> -> memref<2x128xi32, #tpu.memory_space<hbm>>
    %dma_wait3A_235 = arith.constant 0 : i32
    %dma_wait3A_236 = arith.constant 0 : i32
    %dma_wait3A_237 = tpu.memref_slice %arg7[%dma_wait3A_226, %dma_wait3A_235, %dma_wait3A_236] : memref<8x2x128xi32, #tpu.memory_space<vmem>> -> memref<1x2x128xi32, #tpu.memory_space<vmem>>
    %dma_wait3A_238 = tpu.memref_squeeze %dma_wait3A_237 : memref<1x2x128xi32, #tpu.memory_space<vmem>> -> memref<2x128xi32, #tpu.memory_space<vmem>>
    %dma_wait3A_239 = arith.constant 0 : i32
    %dma_wait3A_240 = arith.constant 0 : i32
    %dma_wait3A_241 = tpu.memref_slice %arg3[%add3A, %dma_wait3A_225, %dma_wait3A_239, %dma_wait3A_240] : memref<32x80x2x128xi32, #tpu.memory_space<hbm>> -> memref<1x1x2x128xi32, #tpu.memory_space<hbm>>
    %dma_wait3A_242 = tpu.memref_squeeze %dma_wait3A_241 : memref<1x1x2x128xi32, #tpu.memory_space<hbm>> -> memref<2x128xi32, #tpu.memory_space<hbm>>
    tpu.wait_dma2 semaphore(%arg15 : memref<!tpu.dma_semaphore, #tpu.memory_space<semaphore_mem>>) src(%dma_wait3A_242 : memref<2x128xi32, #tpu.memory_space<hbm>>) dst(%dma_wait3A_238 : memref<2x128xi32, #tpu.memory_space<vmem>>)
    %dma_start3A_243 = arith.constant 3 : i32
    %dma_start3A_244 = arith.constant 0 : i32
    %dma_start3A_245 = arith.constant 0 : i32
    %dma_start3A_246 = tpu.memref_slice %arg7[%dma_start3A_243, %dma_start3A_244, %dma_start3A_245] : memref<8x2x128xi32, #tpu.memory_space<vmem>> -> memref<1x1x128xi32, #tpu.memory_space<vmem>>
    %dma_start3A_247 = tpu.memref_squeeze %dma_start3A_246 : memref<1x1x128xi32, #tpu.memory_space<vmem>> -> memref<128xi32, #tpu.memory_space<vmem>>
    %dma_start3A_248 = arith.constant 0 : i32
    %dma_start3A_249 = arith.constant 0 : i32
    %dma_start3A_250 = tpu.memref_slice %arg2[%dma_start3A_248, %dma_start3A_249] : memref<10000x64xf32, #tpu.memory_space<hbm>> -> memref<10000x64xf32, #tpu.memory_space<hbm>>
    tpu.enqueue_indirect_dma source(%dma_start3A_250 : memref<10000x64xf32, #tpu.memory_space<hbm>>) target(%arg11 : memref<128x64xf32, #tpu.memory_space<vmem>>) offsets(%dma_start3A_247 : memref<128xi32, #tpu.memory_space<vmem>>) semaphore(%arg23 : memref<!tpu.dma_semaphore, #tpu.memory_space<semaphore_mem>>)
    %mul3A_251 = arith.constant 640 : i32
    %mul3A_252 = arith.muli %arg1, %mul3A_251 : i32
    %dma_wait3A_253 = arith.constant 0 : i32
    %dma_wait3A_254 = tpu.memref_slice %arg6[%mul3A_252, %dma_wait3A_253] : memref<10240x64xf32, #tpu.memory_space<vmem_shared>> -> memref<640x64xf32, #tpu.memory_space<vmem_shared>>
    tpu.wait_dma2 semaphore(%arg24 : memref<!tpu.dma_semaphore, #tpu.memory_space<semaphore_mem>>) src(%arg4 : memref<640x64xf32, #tpu.memory_space<hbm>>) dst(%dma_wait3A_254 : memref<640x64xf32, #tpu.memory_space<vmem_shared>>)
    %barrier3A = arith.constant 0 : index
    tpu.barrier barrier_id(%barrier3A)
    %scan3A = arith.constant 0 : i32
    %scan3A_255 = arith.constant 0 : i32
    %scan3A_256 = arith.constant 10 : i32
    %scan3A_257 = arith.addi %scan3A_255, %scan3A_256 : i32
    %scan3A_258 = arith.constant 1 : i32
    scf.for %scan3A_268 = %scan3A_255 to %scan3A_257 step %scan3A_258  : i32 {
      %mul3A_269 = arith.constant 8 : i32
      %mul3A_270 = arith.muli %scan3A_268, %mul3A_269 : i32
      %dma_wait3A_271 = arith.constant 0 : i32
      %dma_wait3A_272 = arith.constant 0 : i32
      %dma_wait3A_273 = arith.constant 0 : i32
      %dma_wait3A_274 = tpu.memref_slice %arg7[%dma_wait3A_271, %dma_wait3A_272, %dma_wait3A_273] : memref<8x2x128xi32, #tpu.memory_space<vmem>> -> memref<1x1x128xi32, #tpu.memory_space<vmem>>
      %dma_wait3A_275 = tpu.memref_squeeze %dma_wait3A_274 : memref<1x1x128xi32, #tpu.memory_space<vmem>> -> memref<128xi32, #tpu.memory_space<vmem>>
      %dma_wait3A_276 = arith.constant 0 : i32
      %dma_wait3A_277 = arith.constant 0 : i32
      %dma_wait3A_278 = tpu.memref_slice %arg2[%dma_wait3A_276, %dma_wait3A_277] : memref<10000x64xf32, #tpu.memory_space<hbm>> -> memref<10000x64xf32, #tpu.memory_space<hbm>>
      tpu.wait_indirect_dma semaphore(%arg20 : memref<!tpu.dma_semaphore, #tpu.memory_space<semaphore_mem>>) src(%dma_wait3A_278 : memref<10000x64xf32, #tpu.memory_space<hbm>>) dst(%arg8 : memref<128x64xf32, #tpu.memory_space<vmem>>)
      %run_scoped3A = arith.constant 0 : i32
      %run_scoped3A_279 = arith.constant 1 : i32
      "tpu.region"() ({
        %run_scoped3A_491 = tpu.sem_alloc : memref<!tpu.dma_semaphore, #tpu.memory_space<semaphore_mem>>
        %dma_start3A_492 = arith.constant 0 : i32
        %dma_start3A_493 = tpu.memref_slice %arg7[%run_scoped3A, %run_scoped3A_279, %dma_start3A_492] : memref<8x2x128xi32, #tpu.memory_space<vmem>> -> memref<1x1x128xi32, #tpu.memory_space<vmem>>
        %dma_start3A_494 = tpu.memref_squeeze %dma_start3A_493 : memref<1x1x128xi32, #tpu.memory_space<vmem>> -> memref<128xi32, #tpu.memory_space<vmem>>
        %dma_start3A_495 = arith.constant 0 : i32
        %dma_start3A_496 = arith.constant 0 : i32
        %dma_start3A_497 = tpu.memref_slice %arg6[%dma_start3A_495, %dma_start3A_496] : memref<10240x64xf32, #tpu.memory_space<vmem_shared>> -> memref<10240x64xf32, #tpu.memory_space<vmem_shared>>
        tpu.enqueue_indirect_dma source(%arg8 : memref<128x64xf32, #tpu.memory_space<vmem>>) target(%dma_start3A_497 : memref<10240x64xf32, #tpu.memory_space<vmem_shared>>) offsets(%dma_start3A_494 : memref<128xi32, #tpu.memory_space<vmem>>) semaphore(%run_scoped3A_491 : memref<!tpu.dma_semaphore, #tpu.memory_space<semaphore_mem>>) {add = true}
        %dma_wait3A_498 = arith.constant 0 : i32
        %dma_wait3A_499 = tpu.memref_slice %arg7[%run_scoped3A, %run_scoped3A_279, %dma_wait3A_498] : memref<8x2x128xi32, #tpu.memory_space<vmem>> -> memref<1x1x128xi32, #tpu.memory_space<vmem>>
        %dma_wait3A_500 = tpu.memref_squeeze %dma_wait3A_499 : memref<1x1x128xi32, #tpu.memory_space<vmem>> -> memref<128xi32, #tpu.memory_space<vmem>>
        %dma_wait3A_501 = arith.constant 0 : i32
        %dma_wait3A_502 = arith.constant 0 : i32
        %dma_wait3A_503 = tpu.memref_slice %arg6[%dma_wait3A_501, %dma_wait3A_502] : memref<10240x64xf32, #tpu.memory_space<vmem_shared>> -> memref<10240x64xf32, #tpu.memory_space<vmem_shared>>
        tpu.wait_indirect_dma semaphore(%run_scoped3A_491 : memref<!tpu.dma_semaphore, #tpu.memory_space<semaphore_mem>>) src(%arg8 : memref<128x64xf32, #tpu.memory_space<vmem>>) dst(%dma_wait3A_503 : memref<10240x64xf32, #tpu.memory_space<vmem_shared>>)
        tpu.yield
      }) : () -> ()
      %add3A_280 = arith.constant 0 : i32
      %add3A_281 = arith.addi %mul3A_270, %add3A_280 : i32
      %add3A_282 = arith.constant 8 : i32
      %add3A_283 = arith.addi %add3A_281, %add3A_282 : i32
      %lt3A = arith.constant 80 : i32
      %lt3A_284 = arith.cmpi slt, %add3A_283, %lt3A : i32
      %convert_element_type3A = arith.extui %lt3A_284 : i1 to i32
      %cond3A = arith.constant 0 : i32
      %cond3A_285 = arith.cmpi ne, %convert_element_type3A, %cond3A : i32
      scf.if %cond3A_285 {
        %add3A_491 = arith.constant 0 : i32
        %add3A_492 = arith.addi %mul3A_270, %add3A_491 : i32
        %add3A_493 = arith.constant 8 : i32
        %add3A_494 = arith.addi %add3A_492, %add3A_493 : i32
        %dma_start3A_495 = arith.constant 0 : i32
        %dma_start3A_496 = arith.constant 0 : i32
        %dma_start3A_497 = arith.constant 0 : i32
        %dma_start3A_498 = tpu.memref_slice %arg7[%dma_start3A_495, %dma_start3A_496, %dma_start3A_497] : memref<8x2x128xi32, #tpu.memory_space<vmem>> -> memref<1x2x128xi32, #tpu.memory_space<vmem>>
        %dma_start3A_499 = tpu.memref_squeeze %dma_start3A_498 : memref<1x2x128xi32, #tpu.memory_space<vmem>> -> memref<2x128xi32, #tpu.memory_space<vmem>>
        %dma_start3A_500 = arith.constant 0 : i32
        %dma_start3A_501 = arith.constant 0 : i32
        %dma_start3A_502 = tpu.memref_slice %arg3[%add3A, %add3A_494, %dma_start3A_500, %dma_start3A_501] : memref<32x80x2x128xi32, #tpu.memory_space<hbm>> -> memref<1x1x2x128xi32, #tpu.memory_space<hbm>>
        %dma_start3A_503 = tpu.memref_squeeze %dma_start3A_502 : memref<1x1x2x128xi32, #tpu.memory_space<hbm>> -> memref<2x128xi32, #tpu.memory_space<hbm>>
        %dma_start3A_504 = arith.constant 0 : i32
        %dma_start3A_505 = arith.constant 0 : i32
        %dma_start3A_506 = tpu.memref_slice %arg7[%dma_start3A_495, %dma_start3A_504, %dma_start3A_505] : memref<8x2x128xi32, #tpu.memory_space<vmem>> -> memref<1x2x128xi32, #tpu.memory_space<vmem>>
        %dma_start3A_507 = tpu.memref_squeeze %dma_start3A_506 : memref<1x2x128xi32, #tpu.memory_space<vmem>> -> memref<2x128xi32, #tpu.memory_space<vmem>>
        %dma_start3A_508 = arith.constant 0 : i32
        %dma_start3A_509 = arith.constant 0 : i32
        %dma_start3A_510 = tpu.memref_slice %arg3[%add3A, %add3A_494, %dma_start3A_508, %dma_start3A_509] : memref<32x80x2x128xi32, #tpu.memory_space<hbm>> -> memref<1x1x2x128xi32, #tpu.memory_space<hbm>>
        %dma_start3A_511 = tpu.memref_squeeze %dma_start3A_510 : memref<1x1x2x128xi32, #tpu.memory_space<hbm>> -> memref<2x128xi32, #tpu.memory_space<hbm>>
        tpu.enqueue_dma source(%dma_start3A_511 : memref<2x128xi32, #tpu.memory_space<hbm>>) target(%dma_start3A_507 : memref<2x128xi32, #tpu.memory_space<vmem>>) target_semaphore(%arg12 : memref<!tpu.dma_semaphore, #tpu.memory_space<semaphore_mem>>)
      } else {
      }
      %add3A_286 = arith.constant 0 : i32
      %add3A_287 = arith.addi %mul3A_270, %add3A_286 : i32
      %add3A_288 = arith.constant 4 : i32
      %add3A_289 = arith.addi %add3A_287, %add3A_288 : i32
      %lt3A_290 = arith.constant 80 : i32
      %lt3A_291 = arith.cmpi slt, %add3A_289, %lt3A_290 : i32
      %convert_element_type3A_292 = arith.extui %lt3A_291 : i1 to i32
      %cond3A_293 = arith.constant 0 : i32
      %cond3A_294 = arith.cmpi ne, %convert_element_type3A_292, %cond3A_293 : i32
      scf.if %cond3A_294 {
        %add3A_491 = arith.constant 0 : i32
        %add3A_492 = arith.addi %mul3A_270, %add3A_491 : i32
        %add3A_493 = arith.constant 4 : i32
        %add3A_494 = arith.addi %add3A_492, %add3A_493 : i32
        %dma_wait3A_495 = arith.constant 4 : i32
        %dma_wait3A_496 = arith.constant 0 : i32
        %dma_wait3A_497 = arith.constant 0 : i32
        %dma_wait3A_498 = tpu.memref_slice %arg7[%dma_wait3A_495, %dma_wait3A_496, %dma_wait3A_497] : memref<8x2x128xi32, #tpu.memory_space<vmem>> -> memref<1x2x128xi32, #tpu.memory_space<vmem>>
        %dma_wait3A_499 = tpu.memref_squeeze %dma_wait3A_498 : memref<1x2x128xi32, #tpu.memory_space<vmem>> -> memref<2x128xi32, #tpu.memory_space<vmem>>
        %dma_wait3A_500 = arith.constant 0 : i32
        %dma_wait3A_501 = arith.constant 0 : i32
        %dma_wait3A_502 = tpu.memref_slice %arg3[%add3A, %add3A_494, %dma_wait3A_500, %dma_wait3A_501] : memref<32x80x2x128xi32, #tpu.memory_space<hbm>> -> memref<1x1x2x128xi32, #tpu.memory_space<hbm>>
        %dma_wait3A_503 = tpu.memref_squeeze %dma_wait3A_502 : memref<1x1x2x128xi32, #tpu.memory_space<hbm>> -> memref<2x128xi32, #tpu.memory_space<hbm>>
        %dma_wait3A_504 = arith.constant 0 : i32
        %dma_wait3A_505 = arith.constant 0 : i32
        %dma_wait3A_506 = tpu.memref_slice %arg7[%dma_wait3A_495, %dma_wait3A_504, %dma_wait3A_505] : memref<8x2x128xi32, #tpu.memory_space<vmem>> -> memref<1x2x128xi32, #tpu.memory_space<vmem>>
        %dma_wait3A_507 = tpu.memref_squeeze %dma_wait3A_506 : memref<1x2x128xi32, #tpu.memory_space<vmem>> -> memref<2x128xi32, #tpu.memory_space<vmem>>
        %dma_wait3A_508 = arith.constant 0 : i32
        %dma_wait3A_509 = arith.constant 0 : i32
        %dma_wait3A_510 = tpu.memref_slice %arg3[%add3A, %add3A_494, %dma_wait3A_508, %dma_wait3A_509] : memref<32x80x2x128xi32, #tpu.memory_space<hbm>> -> memref<1x1x2x128xi32, #tpu.memory_space<hbm>>
        %dma_wait3A_511 = tpu.memref_squeeze %dma_wait3A_510 : memref<1x1x2x128xi32, #tpu.memory_space<hbm>> -> memref<2x128xi32, #tpu.memory_space<hbm>>
        tpu.wait_dma2 semaphore(%arg16 : memref<!tpu.dma_semaphore, #tpu.memory_space<semaphore_mem>>) src(%dma_wait3A_511 : memref<2x128xi32, #tpu.memory_space<hbm>>) dst(%dma_wait3A_507 : memref<2x128xi32, #tpu.memory_space<vmem>>)
        %dma_start3A_512 = arith.constant 4 : i32
        %dma_start3A_513 = arith.constant 0 : i32
        %dma_start3A_514 = arith.constant 0 : i32
        %dma_start3A_515 = tpu.memref_slice %arg7[%dma_start3A_512, %dma_start3A_513, %dma_start3A_514] : memref<8x2x128xi32, #tpu.memory_space<vmem>> -> memref<1x1x128xi32, #tpu.memory_space<vmem>>
        %dma_start3A_516 = tpu.memref_squeeze %dma_start3A_515 : memref<1x1x128xi32, #tpu.memory_space<vmem>> -> memref<128xi32, #tpu.memory_space<vmem>>
        %dma_start3A_517 = arith.constant 0 : i32
        %dma_start3A_518 = arith.constant 0 : i32
        %dma_start3A_519 = tpu.memref_slice %arg2[%dma_start3A_517, %dma_start3A_518] : memref<10000x64xf32, #tpu.memory_space<hbm>> -> memref<10000x64xf32, #tpu.memory_space<hbm>>
        tpu.enqueue_indirect_dma source(%dma_start3A_519 : memref<10000x64xf32, #tpu.memory_space<hbm>>) target(%arg8 : memref<128x64xf32, #tpu.memory_space<vmem>>) offsets(%dma_start3A_516 : memref<128xi32, #tpu.memory_space<vmem>>) semaphore(%arg20 : memref<!tpu.dma_semaphore, #tpu.memory_space<semaphore_mem>>)
      } else {
      }
      %dma_wait3A_295 = arith.constant 1 : i32
      %dma_wait3A_296 = arith.constant 0 : i32
      %dma_wait3A_297 = arith.constant 0 : i32
      %dma_wait3A_298 = tpu.memref_slice %arg7[%dma_wait3A_295, %dma_wait3A_296, %dma_wait3A_297] : memref<8x2x128xi32, #tpu.memory_space<vmem>> -> memref<1x1x128xi32, #tpu.memory_space<vmem>>
      %dma_wait3A_299 = tpu.memref_squeeze %dma_wait3A_298 : memref<1x1x128xi32, #tpu.memory_space<vmem>> -> memref<128xi32, #tpu.memory_space<vmem>>
      %dma_wait3A_300 = arith.constant 0 : i32
      %dma_wait3A_301 = arith.constant 0 : i32
      %dma_wait3A_302 = tpu.memref_slice %arg2[%dma_wait3A_300, %dma_wait3A_301] : memref<10000x64xf32, #tpu.memory_space<hbm>> -> memref<10000x64xf32, #tpu.memory_space<hbm>>
      tpu.wait_indirect_dma semaphore(%arg21 : memref<!tpu.dma_semaphore, #tpu.memory_space<semaphore_mem>>) src(%dma_wait3A_302 : memref<10000x64xf32, #tpu.memory_space<hbm>>) dst(%arg9 : memref<128x64xf32, #tpu.memory_space<vmem>>)
      %run_scoped3A_303 = arith.constant 1 : i32
      %run_scoped3A_304 = arith.constant 1 : i32
      "tpu.region"() ({
        %run_scoped3A_491 = tpu.sem_alloc : memref<!tpu.dma_semaphore, #tpu.memory_space<semaphore_mem>>
        %dma_start3A_492 = arith.constant 0 : i32
        %dma_start3A_493 = tpu.memref_slice %arg7[%run_scoped3A_303, %run_scoped3A_304, %dma_start3A_492] : memref<8x2x128xi32, #tpu.memory_space<vmem>> -> memref<1x1x128xi32, #tpu.memory_space<vmem>>
        %dma_start3A_494 = tpu.memref_squeeze %dma_start3A_493 : memref<1x1x128xi32, #tpu.memory_space<vmem>> -> memref<128xi32, #tpu.memory_space<vmem>>
        %dma_start3A_495 = arith.constant 0 : i32
        %dma_start3A_496 = arith.constant 0 : i32
        %dma_start3A_497 = tpu.memref_slice %arg6[%dma_start3A_495, %dma_start3A_496] : memref<10240x64xf32, #tpu.memory_space<vmem_shared>> -> memref<10240x64xf32, #tpu.memory_space<vmem_shared>>
        tpu.enqueue_indirect_dma source(%arg9 : memref<128x64xf32, #tpu.memory_space<vmem>>) target(%dma_start3A_497 : memref<10240x64xf32, #tpu.memory_space<vmem_shared>>) offsets(%dma_start3A_494 : memref<128xi32, #tpu.memory_space<vmem>>) semaphore(%run_scoped3A_491 : memref<!tpu.dma_semaphore, #tpu.memory_space<semaphore_mem>>) {add = true}
        %dma_wait3A_498 = arith.constant 0 : i32
        %dma_wait3A_499 = tpu.memref_slice %arg7[%run_scoped3A_303, %run_scoped3A_304, %dma_wait3A_498] : memref<8x2x128xi32, #tpu.memory_space<vmem>> -> memref<1x1x128xi32, #tpu.memory_space<vmem>>
        %dma_wait3A_500 = tpu.memref_squeeze %dma_wait3A_499 : memref<1x1x128xi32, #tpu.memory_space<vmem>> -> memref<128xi32, #tpu.memory_space<vmem>>
        %dma_wait3A_501 = arith.constant 0 : i32
        %dma_wait3A_502 = arith.constant 0 : i32
        %dma_wait3A_503 = tpu.memref_slice %arg6[%dma_wait3A_501, %dma_wait3A_502] : memref<10240x64xf32, #tpu.memory_space<vmem_shared>> -> memref<10240x64xf32, #tpu.memory_space<vmem_shared>>
        tpu.wait_indirect_dma semaphore(%run_scoped3A_491 : memref<!tpu.dma_semaphore, #tpu.memory_space<semaphore_mem>>) src(%arg9 : memref<128x64xf32, #tpu.memory_space<vmem>>) dst(%dma_wait3A_503 : memref<10240x64xf32, #tpu.memory_space<vmem_shared>>)
        tpu.yield
      }) : () -> ()
      %add3A_305 = arith.constant 1 : i32
      %add3A_306 = arith.addi %mul3A_270, %add3A_305 : i32
      %add3A_307 = arith.constant 8 : i32
      %add3A_308 = arith.addi %add3A_306, %add3A_307 : i32
      %lt3A_309 = arith.constant 80 : i32
      %lt3A_310 = arith.cmpi slt, %add3A_308, %lt3A_309 : i32
      %convert_element_type3A_311 = arith.extui %lt3A_310 : i1 to i32
      %cond3A_312 = arith.constant 0 : i32
      %cond3A_313 = arith.cmpi ne, %convert_element_type3A_311, %cond3A_312 : i32
      scf.if %cond3A_313 {
        %add3A_491 = arith.constant 1 : i32
        %add3A_492 = arith.addi %mul3A_270, %add3A_491 : i32
        %add3A_493 = arith.constant 8 : i32
        %add3A_494 = arith.addi %add3A_492, %add3A_493 : i32
        %dma_start3A_495 = arith.constant 1 : i32
        %dma_start3A_496 = arith.constant 0 : i32
        %dma_start3A_497 = arith.constant 0 : i32
        %dma_start3A_498 = tpu.memref_slice %arg7[%dma_start3A_495, %dma_start3A_496, %dma_start3A_497] : memref<8x2x128xi32, #tpu.memory_space<vmem>> -> memref<1x2x128xi32, #tpu.memory_space<vmem>>
        %dma_start3A_499 = tpu.memref_squeeze %dma_start3A_498 : memref<1x2x128xi32, #tpu.memory_space<vmem>> -> memref<2x128xi32, #tpu.memory_space<vmem>>
        %dma_start3A_500 = arith.constant 0 : i32
        %dma_start3A_501 = arith.constant 0 : i32
        %dma_start3A_502 = tpu.memref_slice %arg3[%add3A, %add3A_494, %dma_start3A_500, %dma_start3A_501] : memref<32x80x2x128xi32, #tpu.memory_space<hbm>> -> memref<1x1x2x128xi32, #tpu.memory_space<hbm>>
        %dma_start3A_503 = tpu.memref_squeeze %dma_start3A_502 : memref<1x1x2x128xi32, #tpu.memory_space<hbm>> -> memref<2x128xi32, #tpu.memory_space<hbm>>
        %dma_start3A_504 = arith.constant 0 : i32
        %dma_start3A_505 = arith.constant 0 : i32
        %dma_start3A_506 = tpu.memref_slice %arg7[%dma_start3A_495, %dma_start3A_504, %dma_start3A_505] : memref<8x2x128xi32, #tpu.memory_space<vmem>> -> memref<1x2x128xi32, #tpu.memory_space<vmem>>
        %dma_start3A_507 = tpu.memref_squeeze %dma_start3A_506 : memref<1x2x128xi32, #tpu.memory_space<vmem>> -> memref<2x128xi32, #tpu.memory_space<vmem>>
        %dma_start3A_508 = arith.constant 0 : i32
        %dma_start3A_509 = arith.constant 0 : i32
        %dma_start3A_510 = tpu.memref_slice %arg3[%add3A, %add3A_494, %dma_start3A_508, %dma_start3A_509] : memref<32x80x2x128xi32, #tpu.memory_space<hbm>> -> memref<1x1x2x128xi32, #tpu.memory_space<hbm>>
        %dma_start3A_511 = tpu.memref_squeeze %dma_start3A_510 : memref<1x1x2x128xi32, #tpu.memory_space<hbm>> -> memref<2x128xi32, #tpu.memory_space<hbm>>
        tpu.enqueue_dma source(%dma_start3A_511 : memref<2x128xi32, #tpu.memory_space<hbm>>) target(%dma_start3A_507 : memref<2x128xi32, #tpu.memory_space<vmem>>) target_semaphore(%arg13 : memref<!tpu.dma_semaphore, #tpu.memory_space<semaphore_mem>>)
      } else {
      }
      %add3A_314 = arith.constant 1 : i32
      %add3A_315 = arith.addi %mul3A_270, %add3A_314 : i32
      %add3A_316 = arith.constant 4 : i32
      %add3A_317 = arith.addi %add3A_315, %add3A_316 : i32
      %lt3A_318 = arith.constant 80 : i32
      %lt3A_319 = arith.cmpi slt, %add3A_317, %lt3A_318 : i32
      %convert_element_type3A_320 = arith.extui %lt3A_319 : i1 to i32
      %cond3A_321 = arith.constant 0 : i32
      %cond3A_322 = arith.cmpi ne, %convert_element_type3A_320, %cond3A_321 : i32
      scf.if %cond3A_322 {
        %add3A_491 = arith.constant 1 : i32
        %add3A_492 = arith.addi %mul3A_270, %add3A_491 : i32
        %add3A_493 = arith.constant 4 : i32
        %add3A_494 = arith.addi %add3A_492, %add3A_493 : i32
        %dma_wait3A_495 = arith.constant 5 : i32
        %dma_wait3A_496 = arith.constant 0 : i32
        %dma_wait3A_497 = arith.constant 0 : i32
        %dma_wait3A_498 = tpu.memref_slice %arg7[%dma_wait3A_495, %dma_wait3A_496, %dma_wait3A_497] : memref<8x2x128xi32, #tpu.memory_space<vmem>> -> memref<1x2x128xi32, #tpu.memory_space<vmem>>
        %dma_wait3A_499 = tpu.memref_squeeze %dma_wait3A_498 : memref<1x2x128xi32, #tpu.memory_space<vmem>> -> memref<2x128xi32, #tpu.memory_space<vmem>>
        %dma_wait3A_500 = arith.constant 0 : i32
        %dma_wait3A_501 = arith.constant 0 : i32
        %dma_wait3A_502 = tpu.memref_slice %arg3[%add3A, %add3A_494, %dma_wait3A_500, %dma_wait3A_501] : memref<32x80x2x128xi32, #tpu.memory_space<hbm>> -> memref<1x1x2x128xi32, #tpu.memory_space<hbm>>
        %dma_wait3A_503 = tpu.memref_squeeze %dma_wait3A_502 : memref<1x1x2x128xi32, #tpu.memory_space<hbm>> -> memref<2x128xi32, #tpu.memory_space<hbm>>
        %dma_wait3A_504 = arith.constant 0 : i32
        %dma_wait3A_505 = arith.constant 0 : i32
        %dma_wait3A_506 = tpu.memref_slice %arg7[%dma_wait3A_495, %dma_wait3A_504, %dma_wait3A_505] : memref<8x2x128xi32, #tpu.memory_space<vmem>> -> memref<1x2x128xi32, #tpu.memory_space<vmem>>
        %dma_wait3A_507 = tpu.memref_squeeze %dma_wait3A_506 : memref<1x2x128xi32, #tpu.memory_space<vmem>> -> memref<2x128xi32, #tpu.memory_space<vmem>>
        %dma_wait3A_508 = arith.constant 0 : i32
        %dma_wait3A_509 = arith.constant 0 : i32
        %dma_wait3A_510 = tpu.memref_slice %arg3[%add3A, %add3A_494, %dma_wait3A_508, %dma_wait3A_509] : memref<32x80x2x128xi32, #tpu.memory_space<hbm>> -> memref<1x1x2x128xi32, #tpu.memory_space<hbm>>
        %dma_wait3A_511 = tpu.memref_squeeze %dma_wait3A_510 : memref<1x1x2x128xi32, #tpu.memory_space<hbm>> -> memref<2x128xi32, #tpu.memory_space<hbm>>
        tpu.wait_dma2 semaphore(%arg17 : memref<!tpu.dma_semaphore, #tpu.memory_space<semaphore_mem>>) src(%dma_wait3A_511 : memref<2x128xi32, #tpu.memory_space<hbm>>) dst(%dma_wait3A_507 : memref<2x128xi32, #tpu.memory_space<vmem>>)
        %dma_start3A_512 = arith.constant 5 : i32
        %dma_start3A_513 = arith.constant 0 : i32
        %dma_start3A_514 = arith.constant 0 : i32
        %dma_start3A_515 = tpu.memref_slice %arg7[%dma_start3A_512, %dma_start3A_513, %dma_start3A_514] : memref<8x2x128xi32, #tpu.memory_space<vmem>> -> memref<1x1x128xi32, #tpu.memory_space<vmem>>
        %dma_start3A_516 = tpu.memref_squeeze %dma_start3A_515 : memref<1x1x128xi32, #tpu.memory_space<vmem>> -> memref<128xi32, #tpu.memory_space<vmem>>
        %dma_start3A_517 = arith.constant 0 : i32
        %dma_start3A_518 = arith.constant 0 : i32
        %dma_start3A_519 = tpu.memref_slice %arg2[%dma_start3A_517, %dma_start3A_518] : memref<10000x64xf32, #tpu.memory_space<hbm>> -> memref<10000x64xf32, #tpu.memory_space<hbm>>
        tpu.enqueue_indirect_dma source(%dma_start3A_519 : memref<10000x64xf32, #tpu.memory_space<hbm>>) target(%arg9 : memref<128x64xf32, #tpu.memory_space<vmem>>) offsets(%dma_start3A_516 : memref<128xi32, #tpu.memory_space<vmem>>) semaphore(%arg21 : memref<!tpu.dma_semaphore, #tpu.memory_space<semaphore_mem>>)
      } else {
      }
      %dma_wait3A_323 = arith.constant 2 : i32
      %dma_wait3A_324 = arith.constant 0 : i32
      %dma_wait3A_325 = arith.constant 0 : i32
      %dma_wait3A_326 = tpu.memref_slice %arg7[%dma_wait3A_323, %dma_wait3A_324, %dma_wait3A_325] : memref<8x2x128xi32, #tpu.memory_space<vmem>> -> memref<1x1x128xi32, #tpu.memory_space<vmem>>
      %dma_wait3A_327 = tpu.memref_squeeze %dma_wait3A_326 : memref<1x1x128xi32, #tpu.memory_space<vmem>> -> memref<128xi32, #tpu.memory_space<vmem>>
      %dma_wait3A_328 = arith.constant 0 : i32
      %dma_wait3A_329 = arith.constant 0 : i32
      %dma_wait3A_330 = tpu.memref_slice %arg2[%dma_wait3A_328, %dma_wait3A_329] : memref<10000x64xf32, #tpu.memory_space<hbm>> -> memref<10000x64xf32, #tpu.memory_space<hbm>>
      tpu.wait_indirect_dma semaphore(%arg22 : memref<!tpu.dma_semaphore, #tpu.memory_space<semaphore_mem>>) src(%dma_wait3A_330 : memref<10000x64xf32, #tpu.memory_space<hbm>>) dst(%arg10 : memref<128x64xf32, #tpu.memory_space<vmem>>)
      %run_scoped3A_331 = arith.constant 2 : i32
      %run_scoped3A_332 = arith.constant 1 : i32
      "tpu.region"() ({
        %run_scoped3A_491 = tpu.sem_alloc : memref<!tpu.dma_semaphore, #tpu.memory_space<semaphore_mem>>
        %dma_start3A_492 = arith.constant 0 : i32
        %dma_start3A_493 = tpu.memref_slice %arg7[%run_scoped3A_331, %run_scoped3A_332, %dma_start3A_492] : memref<8x2x128xi32, #tpu.memory_space<vmem>> -> memref<1x1x128xi32, #tpu.memory_space<vmem>>
        %dma_start3A_494 = tpu.memref_squeeze %dma_start3A_493 : memref<1x1x128xi32, #tpu.memory_space<vmem>> -> memref<128xi32, #tpu.memory_space<vmem>>
        %dma_start3A_495 = arith.constant 0 : i32
        %dma_start3A_496 = arith.constant 0 : i32
        %dma_start3A_497 = tpu.memref_slice %arg6[%dma_start3A_495, %dma_start3A_496] : memref<10240x64xf32, #tpu.memory_space<vmem_shared>> -> memref<10240x64xf32, #tpu.memory_space<vmem_shared>>
        tpu.enqueue_indirect_dma source(%arg10 : memref<128x64xf32, #tpu.memory_space<vmem>>) target(%dma_start3A_497 : memref<10240x64xf32, #tpu.memory_space<vmem_shared>>) offsets(%dma_start3A_494 : memref<128xi32, #tpu.memory_space<vmem>>) semaphore(%run_scoped3A_491 : memref<!tpu.dma_semaphore, #tpu.memory_space<semaphore_mem>>) {add = true}
        %dma_wait3A_498 = arith.constant 0 : i32
        %dma_wait3A_499 = tpu.memref_slice %arg7[%run_scoped3A_331, %run_scoped3A_332, %dma_wait3A_498] : memref<8x2x128xi32, #tpu.memory_space<vmem>> -> memref<1x1x128xi32, #tpu.memory_space<vmem>>
        %dma_wait3A_500 = tpu.memref_squeeze %dma_wait3A_499 : memref<1x1x128xi32, #tpu.memory_space<vmem>> -> memref<128xi32, #tpu.memory_space<vmem>>
        %dma_wait3A_501 = arith.constant 0 : i32
        %dma_wait3A_502 = arith.constant 0 : i32
        %dma_wait3A_503 = tpu.memref_slice %arg6[%dma_wait3A_501, %dma_wait3A_502] : memref<10240x64xf32, #tpu.memory_space<vmem_shared>> -> memref<10240x64xf32, #tpu.memory_space<vmem_shared>>
        tpu.wait_indirect_dma semaphore(%run_scoped3A_491 : memref<!tpu.dma_semaphore, #tpu.memory_space<semaphore_mem>>) src(%arg10 : memref<128x64xf32, #tpu.memory_space<vmem>>) dst(%dma_wait3A_503 : memref<10240x64xf32, #tpu.memory_space<vmem_shared>>)
        tpu.yield
      }) : () -> ()
      %add3A_333 = arith.constant 2 : i32
      %add3A_334 = arith.addi %mul3A_270, %add3A_333 : i32
      %add3A_335 = arith.constant 8 : i32
      %add3A_336 = arith.addi %add3A_334, %add3A_335 : i32
      %lt3A_337 = arith.constant 80 : i32
      %lt3A_338 = arith.cmpi slt, %add3A_336, %lt3A_337 : i32
      %convert_element_type3A_339 = arith.extui %lt3A_338 : i1 to i32
      %cond3A_340 = arith.constant 0 : i32
      %cond3A_341 = arith.cmpi ne, %convert_element_type3A_339, %cond3A_340 : i32
      scf.if %cond3A_341 {
        %add3A_491 = arith.constant 2 : i32
        %add3A_492 = arith.addi %mul3A_270, %add3A_491 : i32
        %add3A_493 = arith.constant 8 : i32
        %add3A_494 = arith.addi %add3A_492, %add3A_493 : i32
        %dma_start3A_495 = arith.constant 2 : i32
        %dma_start3A_496 = arith.constant 0 : i32
        %dma_start3A_497 = arith.constant 0 : i32
        %dma_start3A_498 = tpu.memref_slice %arg7[%dma_start3A_495, %dma_start3A_496, %dma_start3A_497] : memref<8x2x128xi32, #tpu.memory_space<vmem>> -> memref<1x2x128xi32, #tpu.memory_space<vmem>>
        %dma_start3A_499 = tpu.memref_squeeze %dma_start3A_498 : memref<1x2x128xi32, #tpu.memory_space<vmem>> -> memref<2x128xi32, #tpu.memory_space<vmem>>
        %dma_start3A_500 = arith.constant 0 : i32
        %dma_start3A_501 = arith.constant 0 : i32
        %dma_start3A_502 = tpu.memref_slice %arg3[%add3A, %add3A_494, %dma_start3A_500, %dma_start3A_501] : memref<32x80x2x128xi32, #tpu.memory_space<hbm>> -> memref<1x1x2x128xi32, #tpu.memory_space<hbm>>
        %dma_start3A_503 = tpu.memref_squeeze %dma_start3A_502 : memref<1x1x2x128xi32, #tpu.memory_space<hbm>> -> memref<2x128xi32, #tpu.memory_space<hbm>>
        %dma_start3A_504 = arith.constant 0 : i32
        %dma_start3A_505 = arith.constant 0 : i32
        %dma_start3A_506 = tpu.memref_slice %arg7[%dma_start3A_495, %dma_start3A_504, %dma_start3A_505] : memref<8x2x128xi32, #tpu.memory_space<vmem>> -> memref<1x2x128xi32, #tpu.memory_space<vmem>>
        %dma_start3A_507 = tpu.memref_squeeze %dma_start3A_506 : memref<1x2x128xi32, #tpu.memory_space<vmem>> -> memref<2x128xi32, #tpu.memory_space<vmem>>
        %dma_start3A_508 = arith.constant 0 : i32
        %dma_start3A_509 = arith.constant 0 : i32
        %dma_start3A_510 = tpu.memref_slice %arg3[%add3A, %add3A_494, %dma_start3A_508, %dma_start3A_509] : memref<32x80x2x128xi32, #tpu.memory_space<hbm>> -> memref<1x1x2x128xi32, #tpu.memory_space<hbm>>
        %dma_start3A_511 = tpu.memref_squeeze %dma_start3A_510 : memref<1x1x2x128xi32, #tpu.memory_space<hbm>> -> memref<2x128xi32, #tpu.memory_space<hbm>>
        tpu.enqueue_dma source(%dma_start3A_511 : memref<2x128xi32, #tpu.memory_space<hbm>>) target(%dma_start3A_507 : memref<2x128xi32, #tpu.memory_space<vmem>>) target_semaphore(%arg14 : memref<!tpu.dma_semaphore, #tpu.memory_space<semaphore_mem>>)
      } else {
      }
      %add3A_342 = arith.constant 2 : i32
      %add3A_343 = arith.addi %mul3A_270, %add3A_342 : i32
      %add3A_344 = arith.constant 4 : i32
      %add3A_345 = arith.addi %add3A_343, %add3A_344 : i32
      %lt3A_346 = arith.constant 80 : i32
      %lt3A_347 = arith.cmpi slt, %add3A_345, %lt3A_346 : i32
      %convert_element_type3A_348 = arith.extui %lt3A_347 : i1 to i32
      %cond3A_349 = arith.constant 0 : i32
      %cond3A_350 = arith.cmpi ne, %convert_element_type3A_348, %cond3A_349 : i32
      scf.if %cond3A_350 {
        %add3A_491 = arith.constant 2 : i32
        %add3A_492 = arith.addi %mul3A_270, %add3A_491 : i32
        %add3A_493 = arith.constant 4 : i32
        %add3A_494 = arith.addi %add3A_492, %add3A_493 : i32
        %dma_wait3A_495 = arith.constant 6 : i32
        %dma_wait3A_496 = arith.constant 0 : i32
        %dma_wait3A_497 = arith.constant 0 : i32
        %dma_wait3A_498 = tpu.memref_slice %arg7[%dma_wait3A_495, %dma_wait3A_496, %dma_wait3A_497] : memref<8x2x128xi32, #tpu.memory_space<vmem>> -> memref<1x2x128xi32, #tpu.memory_space<vmem>>
        %dma_wait3A_499 = tpu.memref_squeeze %dma_wait3A_498 : memref<1x2x128xi32, #tpu.memory_space<vmem>> -> memref<2x128xi32, #tpu.memory_space<vmem>>
        %dma_wait3A_500 = arith.constant 0 : i32
        %dma_wait3A_501 = arith.constant 0 : i32
        %dma_wait3A_502 = tpu.memref_slice %arg3[%add3A, %add3A_494, %dma_wait3A_500, %dma_wait3A_501] : memref<32x80x2x128xi32, #tpu.memory_space<hbm>> -> memref<1x1x2x128xi32, #tpu.memory_space<hbm>>
        %dma_wait3A_503 = tpu.memref_squeeze %dma_wait3A_502 : memref<1x1x2x128xi32, #tpu.memory_space<hbm>> -> memref<2x128xi32, #tpu.memory_space<hbm>>
        %dma_wait3A_504 = arith.constant 0 : i32
        %dma_wait3A_505 = arith.constant 0 : i32
        %dma_wait3A_506 = tpu.memref_slice %arg7[%dma_wait3A_495, %dma_wait3A_504, %dma_wait3A_505] : memref<8x2x128xi32, #tpu.memory_space<vmem>> -> memref<1x2x128xi32, #tpu.memory_space<vmem>>
        %dma_wait3A_507 = tpu.memref_squeeze %dma_wait3A_506 : memref<1x2x128xi32, #tpu.memory_space<vmem>> -> memref<2x128xi32, #tpu.memory_space<vmem>>
        %dma_wait3A_508 = arith.constant 0 : i32
        %dma_wait3A_509 = arith.constant 0 : i32
        %dma_wait3A_510 = tpu.memref_slice %arg3[%add3A, %add3A_494, %dma_wait3A_508, %dma_wait3A_509] : memref<32x80x2x128xi32, #tpu.memory_space<hbm>> -> memref<1x1x2x128xi32, #tpu.memory_space<hbm>>
        %dma_wait3A_511 = tpu.memref_squeeze %dma_wait3A_510 : memref<1x1x2x128xi32, #tpu.memory_space<hbm>> -> memref<2x128xi32, #tpu.memory_space<hbm>>
        tpu.wait_dma2 semaphore(%arg18 : memref<!tpu.dma_semaphore, #tpu.memory_space<semaphore_mem>>) src(%dma_wait3A_511 : memref<2x128xi32, #tpu.memory_space<hbm>>) dst(%dma_wait3A_507 : memref<2x128xi32, #tpu.memory_space<vmem>>)
        %dma_start3A_512 = arith.constant 6 : i32
        %dma_start3A_513 = arith.constant 0 : i32
        %dma_start3A_514 = arith.constant 0 : i32
        %dma_start3A_515 = tpu.memref_slice %arg7[%dma_start3A_512, %dma_start3A_513, %dma_start3A_514] : memref<8x2x128xi32, #tpu.memory_space<vmem>> -> memref<1x1x128xi32, #tpu.memory_space<vmem>>
        %dma_start3A_516 = tpu.memref_squeeze %dma_start3A_515 : memref<1x1x128xi32, #tpu.memory_space<vmem>> -> memref<128xi32, #tpu.memory_space<vmem>>
        %dma_start3A_517 = arith.constant 0 : i32
        %dma_start3A_518 = arith.constant 0 : i32
        %dma_start3A_519 = tpu.memref_slice %arg2[%dma_start3A_517, %dma_start3A_518] : memref<10000x64xf32, #tpu.memory_space<hbm>> -> memref<10000x64xf32, #tpu.memory_space<hbm>>
        tpu.enqueue_indirect_dma source(%dma_start3A_519 : memref<10000x64xf32, #tpu.memory_space<hbm>>) target(%arg10 : memref<128x64xf32, #tpu.memory_space<vmem>>) offsets(%dma_start3A_516 : memref<128xi32, #tpu.memory_space<vmem>>) semaphore(%arg22 : memref<!tpu.dma_semaphore, #tpu.memory_space<semaphore_mem>>)
      } else {
      }
      %dma_wait3A_351 = arith.constant 3 : i32
      %dma_wait3A_352 = arith.constant 0 : i32
      %dma_wait3A_353 = arith.constant 0 : i32
      %dma_wait3A_354 = tpu.memref_slice %arg7[%dma_wait3A_351, %dma_wait3A_352, %dma_wait3A_353] : memref<8x2x128xi32, #tpu.memory_space<vmem>> -> memref<1x1x128xi32, #tpu.memory_space<vmem>>
      %dma_wait3A_355 = tpu.memref_squeeze %dma_wait3A_354 : memref<1x1x128xi32, #tpu.memory_space<vmem>> -> memref<128xi32, #tpu.memory_space<vmem>>
      %dma_wait3A_356 = arith.constant 0 : i32
      %dma_wait3A_357 = arith.constant 0 : i32
      %dma_wait3A_358 = tpu.memref_slice %arg2[%dma_wait3A_356, %dma_wait3A_357] : memref<10000x64xf32, #tpu.memory_space<hbm>> -> memref<10000x64xf32, #tpu.memory_space<hbm>>
      tpu.wait_indirect_dma semaphore(%arg23 : memref<!tpu.dma_semaphore, #tpu.memory_space<semaphore_mem>>) src(%dma_wait3A_358 : memref<10000x64xf32, #tpu.memory_space<hbm>>) dst(%arg11 : memref<128x64xf32, #tpu.memory_space<vmem>>)
      %run_scoped3A_359 = arith.constant 3 : i32
      %run_scoped3A_360 = arith.constant 1 : i32
      "tpu.region"() ({
        %run_scoped3A_491 = tpu.sem_alloc : memref<!tpu.dma_semaphore, #tpu.memory_space<semaphore_mem>>
        %dma_start3A_492 = arith.constant 0 : i32
        %dma_start3A_493 = tpu.memref_slice %arg7[%run_scoped3A_359, %run_scoped3A_360, %dma_start3A_492] : memref<8x2x128xi32, #tpu.memory_space<vmem>> -> memref<1x1x128xi32, #tpu.memory_space<vmem>>
        %dma_start3A_494 = tpu.memref_squeeze %dma_start3A_493 : memref<1x1x128xi32, #tpu.memory_space<vmem>> -> memref<128xi32, #tpu.memory_space<vmem>>
        %dma_start3A_495 = arith.constant 0 : i32
        %dma_start3A_496 = arith.constant 0 : i32
        %dma_start3A_497 = tpu.memref_slice %arg6[%dma_start3A_495, %dma_start3A_496] : memref<10240x64xf32, #tpu.memory_space<vmem_shared>> -> memref<10240x64xf32, #tpu.memory_space<vmem_shared>>
        tpu.enqueue_indirect_dma source(%arg11 : memref<128x64xf32, #tpu.memory_space<vmem>>) target(%dma_start3A_497 : memref<10240x64xf32, #tpu.memory_space<vmem_shared>>) offsets(%dma_start3A_494 : memref<128xi32, #tpu.memory_space<vmem>>) semaphore(%run_scoped3A_491 : memref<!tpu.dma_semaphore, #tpu.memory_space<semaphore_mem>>) {add = true}
        %dma_wait3A_498 = arith.constant 0 : i32
        %dma_wait3A_499 = tpu.memref_slice %arg7[%run_scoped3A_359, %run_scoped3A_360, %dma_wait3A_498] : memref<8x2x128xi32, #tpu.memory_space<vmem>> -> memref<1x1x128xi32, #tpu.memory_space<vmem>>
        %dma_wait3A_500 = tpu.memref_squeeze %dma_wait3A_499 : memref<1x1x128xi32, #tpu.memory_space<vmem>> -> memref<128xi32, #tpu.memory_space<vmem>>
        %dma_wait3A_501 = arith.constant 0 : i32
        %dma_wait3A_502 = arith.constant 0 : i32
        %dma_wait3A_503 = tpu.memref_slice %arg6[%dma_wait3A_501, %dma_wait3A_502] : memref<10240x64xf32, #tpu.memory_space<vmem_shared>> -> memref<10240x64xf32, #tpu.memory_space<vmem_shared>>
        tpu.wait_indirect_dma semaphore(%run_scoped3A_491 : memref<!tpu.dma_semaphore, #tpu.memory_space<semaphore_mem>>) src(%arg11 : memref<128x64xf32, #tpu.memory_space<vmem>>) dst(%dma_wait3A_503 : memref<10240x64xf32, #tpu.memory_space<vmem_shared>>)
        tpu.yield
      }) : () -> ()
      %add3A_361 = arith.constant 3 : i32
      %add3A_362 = arith.addi %mul3A_270, %add3A_361 : i32
      %add3A_363 = arith.constant 8 : i32
      %add3A_364 = arith.addi %add3A_362, %add3A_363 : i32
      %lt3A_365 = arith.constant 80 : i32
      %lt3A_366 = arith.cmpi slt, %add3A_364, %lt3A_365 : i32
      %convert_element_type3A_367 = arith.extui %lt3A_366 : i1 to i32
      %cond3A_368 = arith.constant 0 : i32
      %cond3A_369 = arith.cmpi ne, %convert_element_type3A_367, %cond3A_368 : i32
      scf.if %cond3A_369 {
        %add3A_491 = arith.constant 3 : i32
        %add3A_492 = arith.addi %mul3A_270, %add3A_491 : i32
        %add3A_493 = arith.constant 8 : i32
        %add3A_494 = arith.addi %add3A_492, %add3A_493 : i32
        %dma_start3A_495 = arith.constant 3 : i32
        %dma_start3A_496 = arith.constant 0 : i32
        %dma_start3A_497 = arith.constant 0 : i32
        %dma_start3A_498 = tpu.memref_slice %arg7[%dma_start3A_495, %dma_start3A_496, %dma_start3A_497] : memref<8x2x128xi32, #tpu.memory_space<vmem>> -> memref<1x2x128xi32, #tpu.memory_space<vmem>>
        %dma_start3A_499 = tpu.memref_squeeze %dma_start3A_498 : memref<1x2x128xi32, #tpu.memory_space<vmem>> -> memref<2x128xi32, #tpu.memory_space<vmem>>
        %dma_start3A_500 = arith.constant 0 : i32
        %dma_start3A_501 = arith.constant 0 : i32
        %dma_start3A_502 = tpu.memref_slice %arg3[%add3A, %add3A_494, %dma_start3A_500, %dma_start3A_501] : memref<32x80x2x128xi32, #tpu.memory_space<hbm>> -> memref<1x1x2x128xi32, #tpu.memory_space<hbm>>
        %dma_start3A_503 = tpu.memref_squeeze %dma_start3A_502 : memref<1x1x2x128xi32, #tpu.memory_space<hbm>> -> memref<2x128xi32, #tpu.memory_space<hbm>>
        %dma_start3A_504 = arith.constant 0 : i32
        %dma_start3A_505 = arith.constant 0 : i32
        %dma_start3A_506 = tpu.memref_slice %arg7[%dma_start3A_495, %dma_start3A_504, %dma_start3A_505] : memref<8x2x128xi32, #tpu.memory_space<vmem>> -> memref<1x2x128xi32, #tpu.memory_space<vmem>>
        %dma_start3A_507 = tpu.memref_squeeze %dma_start3A_506 : memref<1x2x128xi32, #tpu.memory_space<vmem>> -> memref<2x128xi32, #tpu.memory_space<vmem>>
        %dma_start3A_508 = arith.constant 0 : i32
        %dma_start3A_509 = arith.constant 0 : i32
        %dma_start3A_510 = tpu.memref_slice %arg3[%add3A, %add3A_494, %dma_start3A_508, %dma_start3A_509] : memref<32x80x2x128xi32, #tpu.memory_space<hbm>> -> memref<1x1x2x128xi32, #tpu.memory_space<hbm>>
        %dma_start3A_511 = tpu.memref_squeeze %dma_start3A_510 : memref<1x1x2x128xi32, #tpu.memory_space<hbm>> -> memref<2x128xi32, #tpu.memory_space<hbm>>
        tpu.enqueue_dma source(%dma_start3A_511 : memref<2x128xi32, #tpu.memory_space<hbm>>) target(%dma_start3A_507 : memref<2x128xi32, #tpu.memory_space<vmem>>) target_semaphore(%arg15 : memref<!tpu.dma_semaphore, #tpu.memory_space<semaphore_mem>>)
      } else {
      }
      %add3A_370 = arith.constant 3 : i32
      %add3A_371 = arith.addi %mul3A_270, %add3A_370 : i32
      %add3A_372 = arith.constant 4 : i32
      %add3A_373 = arith.addi %add3A_371, %add3A_372 : i32
      %lt3A_374 = arith.constant 80 : i32
      %lt3A_375 = arith.cmpi slt, %add3A_373, %lt3A_374 : i32
      %convert_element_type3A_376 = arith.extui %lt3A_375 : i1 to i32
      %cond3A_377 = arith.constant 0 : i32
      %cond3A_378 = arith.cmpi ne, %convert_element_type3A_376, %cond3A_377 : i32
      scf.if %cond3A_378 {
        %add3A_491 = arith.constant 3 : i32
        %add3A_492 = arith.addi %mul3A_270, %add3A_491 : i32
        %add3A_493 = arith.constant 4 : i32
        %add3A_494 = arith.addi %add3A_492, %add3A_493 : i32
        %dma_wait3A_495 = arith.constant 7 : i32
        %dma_wait3A_496 = arith.constant 0 : i32
        %dma_wait3A_497 = arith.constant 0 : i32
        %dma_wait3A_498 = tpu.memref_slice %arg7[%dma_wait3A_495, %dma_wait3A_496, %dma_wait3A_497] : memref<8x2x128xi32, #tpu.memory_space<vmem>> -> memref<1x2x128xi32, #tpu.memory_space<vmem>>
        %dma_wait3A_499 = tpu.memref_squeeze %dma_wait3A_498 : memref<1x2x128xi32, #tpu.memory_space<vmem>> -> memref<2x128xi32, #tpu.memory_space<vmem>>
        %dma_wait3A_500 = arith.constant 0 : i32
        %dma_wait3A_501 = arith.constant 0 : i32
        %dma_wait3A_502 = tpu.memref_slice %arg3[%add3A, %add3A_494, %dma_wait3A_500, %dma_wait3A_501] : memref<32x80x2x128xi32, #tpu.memory_space<hbm>> -> memref<1x1x2x128xi32, #tpu.memory_space<hbm>>
        %dma_wait3A_503 = tpu.memref_squeeze %dma_wait3A_502 : memref<1x1x2x128xi32, #tpu.memory_space<hbm>> -> memref<2x128xi32, #tpu.memory_space<hbm>>
        %dma_wait3A_504 = arith.constant 0 : i32
        %dma_wait3A_505 = arith.constant 0 : i32
        %dma_wait3A_506 = tpu.memref_slice %arg7[%dma_wait3A_495, %dma_wait3A_504, %dma_wait3A_505] : memref<8x2x128xi32, #tpu.memory_space<vmem>> -> memref<1x2x128xi32, #tpu.memory_space<vmem>>
        %dma_wait3A_507 = tpu.memref_squeeze %dma_wait3A_506 : memref<1x2x128xi32, #tpu.memory_space<vmem>> -> memref<2x128xi32, #tpu.memory_space<vmem>>
        %dma_wait3A_508 = arith.constant 0 : i32
        %dma_wait3A_509 = arith.constant 0 : i32
        %dma_wait3A_510 = tpu.memref_slice %arg3[%add3A, %add3A_494, %dma_wait3A_508, %dma_wait3A_509] : memref<32x80x2x128xi32, #tpu.memory_space<hbm>> -> memref<1x1x2x128xi32, #tpu.memory_space<hbm>>
        %dma_wait3A_511 = tpu.memref_squeeze %dma_wait3A_510 : memref<1x1x2x128xi32, #tpu.memory_space<hbm>> -> memref<2x128xi32, #tpu.memory_space<hbm>>
        tpu.wait_dma2 semaphore(%arg19 : memref<!tpu.dma_semaphore, #tpu.memory_space<semaphore_mem>>) src(%dma_wait3A_511 : memref<2x128xi32, #tpu.memory_space<hbm>>) dst(%dma_wait3A_507 : memref<2x128xi32, #tpu.memory_space<vmem>>)
        %dma_start3A_512 = arith.constant 7 : i32
        %dma_start3A_513 = arith.constant 0 : i32
        %dma_start3A_514 = arith.constant 0 : i32
        %dma_start3A_515 = tpu.memref_slice %arg7[%dma_start3A_512, %dma_start3A_513, %dma_start3A_514] : memref<8x2x128xi32, #tpu.memory_space<vmem>> -> memref<1x1x128xi32, #tpu.memory_space<vmem>>
        %dma_start3A_516 = tpu.memref_squeeze %dma_start3A_515 : memref<1x1x128xi32, #tpu.memory_space<vmem>> -> memref<128xi32, #tpu.memory_space<vmem>>
        %dma_start3A_517 = arith.constant 0 : i32
        %dma_start3A_518 = arith.constant 0 : i32
        %dma_start3A_519 = tpu.memref_slice %arg2[%dma_start3A_517, %dma_start3A_518] : memref<10000x64xf32, #tpu.memory_space<hbm>> -> memref<10000x64xf32, #tpu.memory_space<hbm>>
        tpu.enqueue_indirect_dma source(%dma_start3A_519 : memref<10000x64xf32, #tpu.memory_space<hbm>>) target(%arg11 : memref<128x64xf32, #tpu.memory_space<vmem>>) offsets(%dma_start3A_516 : memref<128xi32, #tpu.memory_space<vmem>>) semaphore(%arg23 : memref<!tpu.dma_semaphore, #tpu.memory_space<semaphore_mem>>)
      } else {
      }
      %dma_wait3A_379 = arith.constant 4 : i32
      %dma_wait3A_380 = arith.constant 0 : i32
      %dma_wait3A_381 = arith.constant 0 : i32
      %dma_wait3A_382 = tpu.memref_slice %arg7[%dma_wait3A_379, %dma_wait3A_380, %dma_wait3A_381] : memref<8x2x128xi32, #tpu.memory_space<vmem>> -> memref<1x1x128xi32, #tpu.memory_space<vmem>>
      %dma_wait3A_383 = tpu.memref_squeeze %dma_wait3A_382 : memref<1x1x128xi32, #tpu.memory_space<vmem>> -> memref<128xi32, #tpu.memory_space<vmem>>
      %dma_wait3A_384 = arith.constant 0 : i32
      %dma_wait3A_385 = arith.constant 0 : i32
      %dma_wait3A_386 = tpu.memref_slice %arg2[%dma_wait3A_384, %dma_wait3A_385] : memref<10000x64xf32, #tpu.memory_space<hbm>> -> memref<10000x64xf32, #tpu.memory_space<hbm>>
      tpu.wait_indirect_dma semaphore(%arg20 : memref<!tpu.dma_semaphore, #tpu.memory_space<semaphore_mem>>) src(%dma_wait3A_386 : memref<10000x64xf32, #tpu.memory_space<hbm>>) dst(%arg8 : memref<128x64xf32, #tpu.memory_space<vmem>>)
      %run_scoped3A_387 = arith.constant 4 : i32
      %run_scoped3A_388 = arith.constant 1 : i32
      "tpu.region"() ({
        %run_scoped3A_491 = tpu.sem_alloc : memref<!tpu.dma_semaphore, #tpu.memory_space<semaphore_mem>>
        %dma_start3A_492 = arith.constant 0 : i32
        %dma_start3A_493 = tpu.memref_slice %arg7[%run_scoped3A_387, %run_scoped3A_388, %dma_start3A_492] : memref<8x2x128xi32, #tpu.memory_space<vmem>> -> memref<1x1x128xi32, #tpu.memory_space<vmem>>
        %dma_start3A_494 = tpu.memref_squeeze %dma_start3A_493 : memref<1x1x128xi32, #tpu.memory_space<vmem>> -> memref<128xi32, #tpu.memory_space<vmem>>
        %dma_start3A_495 = arith.constant 0 : i32
        %dma_start3A_496 = arith.constant 0 : i32
        %dma_start3A_497 = tpu.memref_slice %arg6[%dma_start3A_495, %dma_start3A_496] : memref<10240x64xf32, #tpu.memory_space<vmem_shared>> -> memref<10240x64xf32, #tpu.memory_space<vmem_shared>>
        tpu.enqueue_indirect_dma source(%arg8 : memref<128x64xf32, #tpu.memory_space<vmem>>) target(%dma_start3A_497 : memref<10240x64xf32, #tpu.memory_space<vmem_shared>>) offsets(%dma_start3A_494 : memref<128xi32, #tpu.memory_space<vmem>>) semaphore(%run_scoped3A_491 : memref<!tpu.dma_semaphore, #tpu.memory_space<semaphore_mem>>) {add = true}
        %dma_wait3A_498 = arith.constant 0 : i32
        %dma_wait3A_499 = tpu.memref_slice %arg7[%run_scoped3A_387, %run_scoped3A_388, %dma_wait3A_498] : memref<8x2x128xi32, #tpu.memory_space<vmem>> -> memref<1x1x128xi32, #tpu.memory_space<vmem>>
        %dma_wait3A_500 = tpu.memref_squeeze %dma_wait3A_499 : memref<1x1x128xi32, #tpu.memory_space<vmem>> -> memref<128xi32, #tpu.memory_space<vmem>>
        %dma_wait3A_501 = arith.constant 0 : i32
        %dma_wait3A_502 = arith.constant 0 : i32
        %dma_wait3A_503 = tpu.memref_slice %arg6[%dma_wait3A_501, %dma_wait3A_502] : memref<10240x64xf32, #tpu.memory_space<vmem_shared>> -> memref<10240x64xf32, #tpu.memory_space<vmem_shared>>
        tpu.wait_indirect_dma semaphore(%run_scoped3A_491 : memref<!tpu.dma_semaphore, #tpu.memory_space<semaphore_mem>>) src(%arg8 : memref<128x64xf32, #tpu.memory_space<vmem>>) dst(%dma_wait3A_503 : memref<10240x64xf32, #tpu.memory_space<vmem_shared>>)
        tpu.yield
      }) : () -> ()
      %add3A_389 = arith.constant 4 : i32
      %add3A_390 = arith.addi %mul3A_270, %add3A_389 : i32
      %add3A_391 = arith.constant 8 : i32
      %add3A_392 = arith.addi %add3A_390, %add3A_391 : i32
      %lt3A_393 = arith.constant 80 : i32
      %lt3A_394 = arith.cmpi slt, %add3A_392, %lt3A_393 : i32
      %convert_element_type3A_395 = arith.extui %lt3A_394 : i1 to i32
      %cond3A_396 = arith.constant 0 : i32
      %cond3A_397 = arith.cmpi ne, %convert_element_type3A_395, %cond3A_396 : i32
      scf.if %cond3A_397 {
        %add3A_491 = arith.constant 4 : i32
        %add3A_492 = arith.addi %mul3A_270, %add3A_491 : i32
        %add3A_493 = arith.constant 8 : i32
        %add3A_494 = arith.addi %add3A_492, %add3A_493 : i32
        %dma_start3A_495 = arith.constant 4 : i32
        %dma_start3A_496 = arith.constant 0 : i32
        %dma_start3A_497 = arith.constant 0 : i32
        %dma_start3A_498 = tpu.memref_slice %arg7[%dma_start3A_495, %dma_start3A_496, %dma_start3A_497] : memref<8x2x128xi32, #tpu.memory_space<vmem>> -> memref<1x2x128xi32, #tpu.memory_space<vmem>>
        %dma_start3A_499 = tpu.memref_squeeze %dma_start3A_498 : memref<1x2x128xi32, #tpu.memory_space<vmem>> -> memref<2x128xi32, #tpu.memory_space<vmem>>
        %dma_start3A_500 = arith.constant 0 : i32
        %dma_start3A_501 = arith.constant 0 : i32
        %dma_start3A_502 = tpu.memref_slice %arg3[%add3A, %add3A_494, %dma_start3A_500, %dma_start3A_501] : memref<32x80x2x128xi32, #tpu.memory_space<hbm>> -> memref<1x1x2x128xi32, #tpu.memory_space<hbm>>
        %dma_start3A_503 = tpu.memref_squeeze %dma_start3A_502 : memref<1x1x2x128xi32, #tpu.memory_space<hbm>> -> memref<2x128xi32, #tpu.memory_space<hbm>>
        %dma_start3A_504 = arith.constant 0 : i32
        %dma_start3A_505 = arith.constant 0 : i32
        %dma_start3A_506 = tpu.memref_slice %arg7[%dma_start3A_495, %dma_start3A_504, %dma_start3A_505] : memref<8x2x128xi32, #tpu.memory_space<vmem>> -> memref<1x2x128xi32, #tpu.memory_space<vmem>>
        %dma_start3A_507 = tpu.memref_squeeze %dma_start3A_506 : memref<1x2x128xi32, #tpu.memory_space<vmem>> -> memref<2x128xi32, #tpu.memory_space<vmem>>
        %dma_start3A_508 = arith.constant 0 : i32
        %dma_start3A_509 = arith.constant 0 : i32
        %dma_start3A_510 = tpu.memref_slice %arg3[%add3A, %add3A_494, %dma_start3A_508, %dma_start3A_509] : memref<32x80x2x128xi32, #tpu.memory_space<hbm>> -> memref<1x1x2x128xi32, #tpu.memory_space<hbm>>
        %dma_start3A_511 = tpu.memref_squeeze %dma_start3A_510 : memref<1x1x2x128xi32, #tpu.memory_space<hbm>> -> memref<2x128xi32, #tpu.memory_space<hbm>>
        tpu.enqueue_dma source(%dma_start3A_511 : memref<2x128xi32, #tpu.memory_space<hbm>>) target(%dma_start3A_507 : memref<2x128xi32, #tpu.memory_space<vmem>>) target_semaphore(%arg16 : memref<!tpu.dma_semaphore, #tpu.memory_space<semaphore_mem>>)
      } else {
      }
      %add3A_398 = arith.constant 4 : i32
      %add3A_399 = arith.addi %mul3A_270, %add3A_398 : i32
      %add3A_400 = arith.constant 4 : i32
      %add3A_401 = arith.addi %add3A_399, %add3A_400 : i32
      %lt3A_402 = arith.constant 80 : i32
      %lt3A_403 = arith.cmpi slt, %add3A_401, %lt3A_402 : i32
      %convert_element_type3A_404 = arith.extui %lt3A_403 : i1 to i32
      %cond3A_405 = arith.constant 0 : i32
      %cond3A_406 = arith.cmpi ne, %convert_element_type3A_404, %cond3A_405 : i32
      scf.if %cond3A_406 {
        %add3A_491 = arith.constant 4 : i32
        %add3A_492 = arith.addi %mul3A_270, %add3A_491 : i32
        %add3A_493 = arith.constant 4 : i32
        %add3A_494 = arith.addi %add3A_492, %add3A_493 : i32
        %dma_wait3A_495 = arith.constant 0 : i32
        %dma_wait3A_496 = arith.constant 0 : i32
        %dma_wait3A_497 = arith.constant 0 : i32
        %dma_wait3A_498 = tpu.memref_slice %arg7[%dma_wait3A_495, %dma_wait3A_496, %dma_wait3A_497] : memref<8x2x128xi32, #tpu.memory_space<vmem>> -> memref<1x2x128xi32, #tpu.memory_space<vmem>>
        %dma_wait3A_499 = tpu.memref_squeeze %dma_wait3A_498 : memref<1x2x128xi32, #tpu.memory_space<vmem>> -> memref<2x128xi32, #tpu.memory_space<vmem>>
        %dma_wait3A_500 = arith.constant 0 : i32
        %dma_wait3A_501 = arith.constant 0 : i32
        %dma_wait3A_502 = tpu.memref_slice %arg3[%add3A, %add3A_494, %dma_wait3A_500, %dma_wait3A_501] : memref<32x80x2x128xi32, #tpu.memory_space<hbm>> -> memref<1x1x2x128xi32, #tpu.memory_space<hbm>>
        %dma_wait3A_503 = tpu.memref_squeeze %dma_wait3A_502 : memref<1x1x2x128xi32, #tpu.memory_space<hbm>> -> memref<2x128xi32, #tpu.memory_space<hbm>>
        %dma_wait3A_504 = arith.constant 0 : i32
        %dma_wait3A_505 = arith.constant 0 : i32
        %dma_wait3A_506 = tpu.memref_slice %arg7[%dma_wait3A_495, %dma_wait3A_504, %dma_wait3A_505] : memref<8x2x128xi32, #tpu.memory_space<vmem>> -> memref<1x2x128xi32, #tpu.memory_space<vmem>>
        %dma_wait3A_507 = tpu.memref_squeeze %dma_wait3A_506 : memref<1x2x128xi32, #tpu.memory_space<vmem>> -> memref<2x128xi32, #tpu.memory_space<vmem>>
        %dma_wait3A_508 = arith.constant 0 : i32
        %dma_wait3A_509 = arith.constant 0 : i32
        %dma_wait3A_510 = tpu.memref_slice %arg3[%add3A, %add3A_494, %dma_wait3A_508, %dma_wait3A_509] : memref<32x80x2x128xi32, #tpu.memory_space<hbm>> -> memref<1x1x2x128xi32, #tpu.memory_space<hbm>>
        %dma_wait3A_511 = tpu.memref_squeeze %dma_wait3A_510 : memref<1x1x2x128xi32, #tpu.memory_space<hbm>> -> memref<2x128xi32, #tpu.memory_space<hbm>>
        tpu.wait_dma2 semaphore(%arg12 : memref<!tpu.dma_semaphore, #tpu.memory_space<semaphore_mem>>) src(%dma_wait3A_511 : memref<2x128xi32, #tpu.memory_space<hbm>>) dst(%dma_wait3A_507 : memref<2x128xi32, #tpu.memory_space<vmem>>)
        %dma_start3A_512 = arith.constant 0 : i32
        %dma_start3A_513 = arith.constant 0 : i32
        %dma_start3A_514 = arith.constant 0 : i32
        %dma_start3A_515 = tpu.memref_slice %arg7[%dma_start3A_512, %dma_start3A_513, %dma_start3A_514] : memref<8x2x128xi32, #tpu.memory_space<vmem>> -> memref<1x1x128xi32, #tpu.memory_space<vmem>>
        %dma_start3A_516 = tpu.memref_squeeze %dma_start3A_515 : memref<1x1x128xi32, #tpu.memory_space<vmem>> -> memref<128xi32, #tpu.memory_space<vmem>>
        %dma_start3A_517 = arith.constant 0 : i32
        %dma_start3A_518 = arith.constant 0 : i32
        %dma_start3A_519 = tpu.memref_slice %arg2[%dma_start3A_517, %dma_start3A_518] : memref<10000x64xf32, #tpu.memory_space<hbm>> -> memref<10000x64xf32, #tpu.memory_space<hbm>>
        tpu.enqueue_indirect_dma source(%dma_start3A_519 : memref<10000x64xf32, #tpu.memory_space<hbm>>) target(%arg8 : memref<128x64xf32, #tpu.memory_space<vmem>>) offsets(%dma_start3A_516 : memref<128xi32, #tpu.memory_space<vmem>>) semaphore(%arg20 : memref<!tpu.dma_semaphore, #tpu.memory_space<semaphore_mem>>)
      } else {
      }
      %dma_wait3A_407 = arith.constant 5 : i32
      %dma_wait3A_408 = arith.constant 0 : i32
      %dma_wait3A_409 = arith.constant 0 : i32
      %dma_wait3A_410 = tpu.memref_slice %arg7[%dma_wait3A_407, %dma_wait3A_408, %dma_wait3A_409] : memref<8x2x128xi32, #tpu.memory_space<vmem>> -> memref<1x1x128xi32, #tpu.memory_space<vmem>>
      %dma_wait3A_411 = tpu.memref_squeeze %dma_wait3A_410 : memref<1x1x128xi32, #tpu.memory_space<vmem>> -> memref<128xi32, #tpu.memory_space<vmem>>
      %dma_wait3A_412 = arith.constant 0 : i32
      %dma_wait3A_413 = arith.constant 0 : i32
      %dma_wait3A_414 = tpu.memref_slice %arg2[%dma_wait3A_412, %dma_wait3A_413] : memref<10000x64xf32, #tpu.memory_space<hbm>> -> memref<10000x64xf32, #tpu.memory_space<hbm>>
      tpu.wait_indirect_dma semaphore(%arg21 : memref<!tpu.dma_semaphore, #tpu.memory_space<semaphore_mem>>) src(%dma_wait3A_414 : memref<10000x64xf32, #tpu.memory_space<hbm>>) dst(%arg9 : memref<128x64xf32, #tpu.memory_space<vmem>>)
      %run_scoped3A_415 = arith.constant 5 : i32
      %run_scoped3A_416 = arith.constant 1 : i32
      "tpu.region"() ({
        %run_scoped3A_491 = tpu.sem_alloc : memref<!tpu.dma_semaphore, #tpu.memory_space<semaphore_mem>>
        %dma_start3A_492 = arith.constant 0 : i32
        %dma_start3A_493 = tpu.memref_slice %arg7[%run_scoped3A_415, %run_scoped3A_416, %dma_start3A_492] : memref<8x2x128xi32, #tpu.memory_space<vmem>> -> memref<1x1x128xi32, #tpu.memory_space<vmem>>
        %dma_start3A_494 = tpu.memref_squeeze %dma_start3A_493 : memref<1x1x128xi32, #tpu.memory_space<vmem>> -> memref<128xi32, #tpu.memory_space<vmem>>
        %dma_start3A_495 = arith.constant 0 : i32
        %dma_start3A_496 = arith.constant 0 : i32
        %dma_start3A_497 = tpu.memref_slice %arg6[%dma_start3A_495, %dma_start3A_496] : memref<10240x64xf32, #tpu.memory_space<vmem_shared>> -> memref<10240x64xf32, #tpu.memory_space<vmem_shared>>
        tpu.enqueue_indirect_dma source(%arg9 : memref<128x64xf32, #tpu.memory_space<vmem>>) target(%dma_start3A_497 : memref<10240x64xf32, #tpu.memory_space<vmem_shared>>) offsets(%dma_start3A_494 : memref<128xi32, #tpu.memory_space<vmem>>) semaphore(%run_scoped3A_491 : memref<!tpu.dma_semaphore, #tpu.memory_space<semaphore_mem>>) {add = true}
        %dma_wait3A_498 = arith.constant 0 : i32
        %dma_wait3A_499 = tpu.memref_slice %arg7[%run_scoped3A_415, %run_scoped3A_416, %dma_wait3A_498] : memref<8x2x128xi32, #tpu.memory_space<vmem>> -> memref<1x1x128xi32, #tpu.memory_space<vmem>>
        %dma_wait3A_500 = tpu.memref_squeeze %dma_wait3A_499 : memref<1x1x128xi32, #tpu.memory_space<vmem>> -> memref<128xi32, #tpu.memory_space<vmem>>
        %dma_wait3A_501 = arith.constant 0 : i32
        %dma_wait3A_502 = arith.constant 0 : i32
        %dma_wait3A_503 = tpu.memref_slice %arg6[%dma_wait3A_501, %dma_wait3A_502] : memref<10240x64xf32, #tpu.memory_space<vmem_shared>> -> memref<10240x64xf32, #tpu.memory_space<vmem_shared>>
        tpu.wait_indirect_dma semaphore(%run_scoped3A_491 : memref<!tpu.dma_semaphore, #tpu.memory_space<semaphore_mem>>) src(%arg9 : memref<128x64xf32, #tpu.memory_space<vmem>>) dst(%dma_wait3A_503 : memref<10240x64xf32, #tpu.memory_space<vmem_shared>>)
        tpu.yield
      }) : () -> ()
      %add3A_417 = arith.constant 5 : i32
      %add3A_418 = arith.addi %mul3A_270, %add3A_417 : i32
      %add3A_419 = arith.constant 8 : i32
      %add3A_420 = arith.addi %add3A_418, %add3A_419 : i32
      %lt3A_421 = arith.constant 80 : i32
      %lt3A_422 = arith.cmpi slt, %add3A_420, %lt3A_421 : i32
      %convert_element_type3A_423 = arith.extui %lt3A_422 : i1 to i32
      %cond3A_424 = arith.constant 0 : i32
      %cond3A_425 = arith.cmpi ne, %convert_element_type3A_423, %cond3A_424 : i32
      scf.if %cond3A_425 {
        %add3A_491 = arith.constant 5 : i32
        %add3A_492 = arith.addi %mul3A_270, %add3A_491 : i32
        %add3A_493 = arith.constant 8 : i32
        %add3A_494 = arith.addi %add3A_492, %add3A_493 : i32
        %dma_start3A_495 = arith.constant 5 : i32
        %dma_start3A_496 = arith.constant 0 : i32
        %dma_start3A_497 = arith.constant 0 : i32
        %dma_start3A_498 = tpu.memref_slice %arg7[%dma_start3A_495, %dma_start3A_496, %dma_start3A_497] : memref<8x2x128xi32, #tpu.memory_space<vmem>> -> memref<1x2x128xi32, #tpu.memory_space<vmem>>
        %dma_start3A_499 = tpu.memref_squeeze %dma_start3A_498 : memref<1x2x128xi32, #tpu.memory_space<vmem>> -> memref<2x128xi32, #tpu.memory_space<vmem>>
        %dma_start3A_500 = arith.constant 0 : i32
        %dma_start3A_501 = arith.constant 0 : i32
        %dma_start3A_502 = tpu.memref_slice %arg3[%add3A, %add3A_494, %dma_start3A_500, %dma_start3A_501] : memref<32x80x2x128xi32, #tpu.memory_space<hbm>> -> memref<1x1x2x128xi32, #tpu.memory_space<hbm>>
        %dma_start3A_503 = tpu.memref_squeeze %dma_start3A_502 : memref<1x1x2x128xi32, #tpu.memory_space<hbm>> -> memref<2x128xi32, #tpu.memory_space<hbm>>
        %dma_start3A_504 = arith.constant 0 : i32
        %dma_start3A_505 = arith.constant 0 : i32
        %dma_start3A_506 = tpu.memref_slice %arg7[%dma_start3A_495, %dma_start3A_504, %dma_start3A_505] : memref<8x2x128xi32, #tpu.memory_space<vmem>> -> memref<1x2x128xi32, #tpu.memory_space<vmem>>
        %dma_start3A_507 = tpu.memref_squeeze %dma_start3A_506 : memref<1x2x128xi32, #tpu.memory_space<vmem>> -> memref<2x128xi32, #tpu.memory_space<vmem>>
        %dma_start3A_508 = arith.constant 0 : i32
        %dma_start3A_509 = arith.constant 0 : i32
        %dma_start3A_510 = tpu.memref_slice %arg3[%add3A, %add3A_494, %dma_start3A_508, %dma_start3A_509] : memref<32x80x2x128xi32, #tpu.memory_space<hbm>> -> memref<1x1x2x128xi32, #tpu.memory_space<hbm>>
        %dma_start3A_511 = tpu.memref_squeeze %dma_start3A_510 : memref<1x1x2x128xi32, #tpu.memory_space<hbm>> -> memref<2x128xi32, #tpu.memory_space<hbm>>
        tpu.enqueue_dma source(%dma_start3A_511 : memref<2x128xi32, #tpu.memory_space<hbm>>) target(%dma_start3A_507 : memref<2x128xi32, #tpu.memory_space<vmem>>) target_semaphore(%arg17 : memref<!tpu.dma_semaphore, #tpu.memory_space<semaphore_mem>>)
      } else {
      }
      %add3A_426 = arith.constant 5 : i32
      %add3A_427 = arith.addi %mul3A_270, %add3A_426 : i32
      %add3A_428 = arith.constant 4 : i32
      %add3A_429 = arith.addi %add3A_427, %add3A_428 : i32
      %lt3A_430 = arith.constant 80 : i32
      %lt3A_431 = arith.cmpi slt, %add3A_429, %lt3A_430 : i32
      %convert_element_type3A_432 = arith.extui %lt3A_431 : i1 to i32
      %cond3A_433 = arith.constant 0 : i32
      %cond3A_434 = arith.cmpi ne, %convert_element_type3A_432, %cond3A_433 : i32
      scf.if %cond3A_434 {
        %add3A_491 = arith.constant 5 : i32
        %add3A_492 = arith.addi %mul3A_270, %add3A_491 : i32
        %add3A_493 = arith.constant 4 : i32
        %add3A_494 = arith.addi %add3A_492, %add3A_493 : i32
        %dma_wait3A_495 = arith.constant 1 : i32
        %dma_wait3A_496 = arith.constant 0 : i32
        %dma_wait3A_497 = arith.constant 0 : i32
        %dma_wait3A_498 = tpu.memref_slice %arg7[%dma_wait3A_495, %dma_wait3A_496, %dma_wait3A_497] : memref<8x2x128xi32, #tpu.memory_space<vmem>> -> memref<1x2x128xi32, #tpu.memory_space<vmem>>
        %dma_wait3A_499 = tpu.memref_squeeze %dma_wait3A_498 : memref<1x2x128xi32, #tpu.memory_space<vmem>> -> memref<2x128xi32, #tpu.memory_space<vmem>>
        %dma_wait3A_500 = arith.constant 0 : i32
        %dma_wait3A_501 = arith.constant 0 : i32
        %dma_wait3A_502 = tpu.memref_slice %arg3[%add3A, %add3A_494, %dma_wait3A_500, %dma_wait3A_501] : memref<32x80x2x128xi32, #tpu.memory_space<hbm>> -> memref<1x1x2x128xi32, #tpu.memory_space<hbm>>
        %dma_wait3A_503 = tpu.memref_squeeze %dma_wait3A_502 : memref<1x1x2x128xi32, #tpu.memory_space<hbm>> -> memref<2x128xi32, #tpu.memory_space<hbm>>
        %dma_wait3A_504 = arith.constant 0 : i32
        %dma_wait3A_505 = arith.constant 0 : i32
        %dma_wait3A_506 = tpu.memref_slice %arg7[%dma_wait3A_495, %dma_wait3A_504, %dma_wait3A_505] : memref<8x2x128xi32, #tpu.memory_space<vmem>> -> memref<1x2x128xi32, #tpu.memory_space<vmem>>
        %dma_wait3A_507 = tpu.memref_squeeze %dma_wait3A_506 : memref<1x2x128xi32, #tpu.memory_space<vmem>> -> memref<2x128xi32, #tpu.memory_space<vmem>>
        %dma_wait3A_508 = arith.constant 0 : i32
        %dma_wait3A_509 = arith.constant 0 : i32
        %dma_wait3A_510 = tpu.memref_slice %arg3[%add3A, %add3A_494, %dma_wait3A_508, %dma_wait3A_509] : memref<32x80x2x128xi32, #tpu.memory_space<hbm>> -> memref<1x1x2x128xi32, #tpu.memory_space<hbm>>
        %dma_wait3A_511 = tpu.memref_squeeze %dma_wait3A_510 : memref<1x1x2x128xi32, #tpu.memory_space<hbm>> -> memref<2x128xi32, #tpu.memory_space<hbm>>
        tpu.wait_dma2 semaphore(%arg13 : memref<!tpu.dma_semaphore, #tpu.memory_space<semaphore_mem>>) src(%dma_wait3A_511 : memref<2x128xi32, #tpu.memory_space<hbm>>) dst(%dma_wait3A_507 : memref<2x128xi32, #tpu.memory_space<vmem>>)
        %dma_start3A_512 = arith.constant 1 : i32
        %dma_start3A_513 = arith.constant 0 : i32
        %dma_start3A_514 = arith.constant 0 : i32
        %dma_start3A_515 = tpu.memref_slice %arg7[%dma_start3A_512, %dma_start3A_513, %dma_start3A_514] : memref<8x2x128xi32, #tpu.memory_space<vmem>> -> memref<1x1x128xi32, #tpu.memory_space<vmem>>
        %dma_start3A_516 = tpu.memref_squeeze %dma_start3A_515 : memref<1x1x128xi32, #tpu.memory_space<vmem>> -> memref<128xi32, #tpu.memory_space<vmem>>
        %dma_start3A_517 = arith.constant 0 : i32
        %dma_start3A_518 = arith.constant 0 : i32
        %dma_start3A_519 = tpu.memref_slice %arg2[%dma_start3A_517, %dma_start3A_518] : memref<10000x64xf32, #tpu.memory_space<hbm>> -> memref<10000x64xf32, #tpu.memory_space<hbm>>
        tpu.enqueue_indirect_dma source(%dma_start3A_519 : memref<10000x64xf32, #tpu.memory_space<hbm>>) target(%arg9 : memref<128x64xf32, #tpu.memory_space<vmem>>) offsets(%dma_start3A_516 : memref<128xi32, #tpu.memory_space<vmem>>) semaphore(%arg21 : memref<!tpu.dma_semaphore, #tpu.memory_space<semaphore_mem>>)
      } else {
      }
      %dma_wait3A_435 = arith.constant 6 : i32
      %dma_wait3A_436 = arith.constant 0 : i32
      %dma_wait3A_437 = arith.constant 0 : i32
      %dma_wait3A_438 = tpu.memref_slice %arg7[%dma_wait3A_435, %dma_wait3A_436, %dma_wait3A_437] : memref<8x2x128xi32, #tpu.memory_space<vmem>> -> memref<1x1x128xi32, #tpu.memory_space<vmem>>
      %dma_wait3A_439 = tpu.memref_squeeze %dma_wait3A_438 : memref<1x1x128xi32, #tpu.memory_space<vmem>> -> memref<128xi32, #tpu.memory_space<vmem>>
      %dma_wait3A_440 = arith.constant 0 : i32
      %dma_wait3A_441 = arith.constant 0 : i32
      %dma_wait3A_442 = tpu.memref_slice %arg2[%dma_wait3A_440, %dma_wait3A_441] : memref<10000x64xf32, #tpu.memory_space<hbm>> -> memref<10000x64xf32, #tpu.memory_space<hbm>>
      tpu.wait_indirect_dma semaphore(%arg22 : memref<!tpu.dma_semaphore, #tpu.memory_space<semaphore_mem>>) src(%dma_wait3A_442 : memref<10000x64xf32, #tpu.memory_space<hbm>>) dst(%arg10 : memref<128x64xf32, #tpu.memory_space<vmem>>)
      %run_scoped3A_443 = arith.constant 6 : i32
      %run_scoped3A_444 = arith.constant 1 : i32
      "tpu.region"() ({
        %run_scoped3A_491 = tpu.sem_alloc : memref<!tpu.dma_semaphore, #tpu.memory_space<semaphore_mem>>
        %dma_start3A_492 = arith.constant 0 : i32
        %dma_start3A_493 = tpu.memref_slice %arg7[%run_scoped3A_443, %run_scoped3A_444, %dma_start3A_492] : memref<8x2x128xi32, #tpu.memory_space<vmem>> -> memref<1x1x128xi32, #tpu.memory_space<vmem>>
        %dma_start3A_494 = tpu.memref_squeeze %dma_start3A_493 : memref<1x1x128xi32, #tpu.memory_space<vmem>> -> memref<128xi32, #tpu.memory_space<vmem>>
        %dma_start3A_495 = arith.constant 0 : i32
        %dma_start3A_496 = arith.constant 0 : i32
        %dma_start3A_497 = tpu.memref_slice %arg6[%dma_start3A_495, %dma_start3A_496] : memref<10240x64xf32, #tpu.memory_space<vmem_shared>> -> memref<10240x64xf32, #tpu.memory_space<vmem_shared>>
        tpu.enqueue_indirect_dma source(%arg10 : memref<128x64xf32, #tpu.memory_space<vmem>>) target(%dma_start3A_497 : memref<10240x64xf32, #tpu.memory_space<vmem_shared>>) offsets(%dma_start3A_494 : memref<128xi32, #tpu.memory_space<vmem>>) semaphore(%run_scoped3A_491 : memref<!tpu.dma_semaphore, #tpu.memory_space<semaphore_mem>>) {add = true}
        %dma_wait3A_498 = arith.constant 0 : i32
        %dma_wait3A_499 = tpu.memref_slice %arg7[%run_scoped3A_443, %run_scoped3A_444, %dma_wait3A_498] : memref<8x2x128xi32, #tpu.memory_space<vmem>> -> memref<1x1x128xi32, #tpu.memory_space<vmem>>
        %dma_wait3A_500 = tpu.memref_squeeze %dma_wait3A_499 : memref<1x1x128xi32, #tpu.memory_space<vmem>> -> memref<128xi32, #tpu.memory_space<vmem>>
        %dma_wait3A_501 = arith.constant 0 : i32
        %dma_wait3A_502 = arith.constant 0 : i32
        %dma_wait3A_503 = tpu.memref_slice %arg6[%dma_wait3A_501, %dma_wait3A_502] : memref<10240x64xf32, #tpu.memory_space<vmem_shared>> -> memref<10240x64xf32, #tpu.memory_space<vmem_shared>>
        tpu.wait_indirect_dma semaphore(%run_scoped3A_491 : memref<!tpu.dma_semaphore, #tpu.memory_space<semaphore_mem>>) src(%arg10 : memref<128x64xf32, #tpu.memory_space<vmem>>) dst(%dma_wait3A_503 : memref<10240x64xf32, #tpu.memory_space<vmem_shared>>)
        tpu.yield
      }) : () -> ()
      %add3A_445 = arith.constant 6 : i32
      %add3A_446 = arith.addi %mul3A_270, %add3A_445 : i32
      %add3A_447 = arith.constant 8 : i32
      %add3A_448 = arith.addi %add3A_446, %add3A_447 : i32
      %lt3A_449 = arith.constant 80 : i32
      %lt3A_450 = arith.cmpi slt, %add3A_448, %lt3A_449 : i32
      %convert_element_type3A_451 = arith.extui %lt3A_450 : i1 to i32
      %cond3A_452 = arith.constant 0 : i32
      %cond3A_453 = arith.cmpi ne, %convert_element_type3A_451, %cond3A_452 : i32
      scf.if %cond3A_453 {
        %add3A_491 = arith.constant 6 : i32
        %add3A_492 = arith.addi %mul3A_270, %add3A_491 : i32
        %add3A_493 = arith.constant 8 : i32
        %add3A_494 = arith.addi %add3A_492, %add3A_493 : i32
        %dma_start3A_495 = arith.constant 6 : i32
        %dma_start3A_496 = arith.constant 0 : i32
        %dma_start3A_497 = arith.constant 0 : i32
        %dma_start3A_498 = tpu.memref_slice %arg7[%dma_start3A_495, %dma_start3A_496, %dma_start3A_497] : memref<8x2x128xi32, #tpu.memory_space<vmem>> -> memref<1x2x128xi32, #tpu.memory_space<vmem>>
        %dma_start3A_499 = tpu.memref_squeeze %dma_start3A_498 : memref<1x2x128xi32, #tpu.memory_space<vmem>> -> memref<2x128xi32, #tpu.memory_space<vmem>>
        %dma_start3A_500 = arith.constant 0 : i32
        %dma_start3A_501 = arith.constant 0 : i32
        %dma_start3A_502 = tpu.memref_slice %arg3[%add3A, %add3A_494, %dma_start3A_500, %dma_start3A_501] : memref<32x80x2x128xi32, #tpu.memory_space<hbm>> -> memref<1x1x2x128xi32, #tpu.memory_space<hbm>>
        %dma_start3A_503 = tpu.memref_squeeze %dma_start3A_502 : memref<1x1x2x128xi32, #tpu.memory_space<hbm>> -> memref<2x128xi32, #tpu.memory_space<hbm>>
        %dma_start3A_504 = arith.constant 0 : i32
        %dma_start3A_505 = arith.constant 0 : i32
        %dma_start3A_506 = tpu.memref_slice %arg7[%dma_start3A_495, %dma_start3A_504, %dma_start3A_505] : memref<8x2x128xi32, #tpu.memory_space<vmem>> -> memref<1x2x128xi32, #tpu.memory_space<vmem>>
        %dma_start3A_507 = tpu.memref_squeeze %dma_start3A_506 : memref<1x2x128xi32, #tpu.memory_space<vmem>> -> memref<2x128xi32, #tpu.memory_space<vmem>>
        %dma_start3A_508 = arith.constant 0 : i32
        %dma_start3A_509 = arith.constant 0 : i32
        %dma_start3A_510 = tpu.memref_slice %arg3[%add3A, %add3A_494, %dma_start3A_508, %dma_start3A_509] : memref<32x80x2x128xi32, #tpu.memory_space<hbm>> -> memref<1x1x2x128xi32, #tpu.memory_space<hbm>>
        %dma_start3A_511 = tpu.memref_squeeze %dma_start3A_510 : memref<1x1x2x128xi32, #tpu.memory_space<hbm>> -> memref<2x128xi32, #tpu.memory_space<hbm>>
        tpu.enqueue_dma source(%dma_start3A_511 : memref<2x128xi32, #tpu.memory_space<hbm>>) target(%dma_start3A_507 : memref<2x128xi32, #tpu.memory_space<vmem>>) target_semaphore(%arg18 : memref<!tpu.dma_semaphore, #tpu.memory_space<semaphore_mem>>)
      } else {
      }
      %add3A_454 = arith.constant 6 : i32
      %add3A_455 = arith.addi %mul3A_270, %add3A_454 : i32
      %add3A_456 = arith.constant 4 : i32
      %add3A_457 = arith.addi %add3A_455, %add3A_456 : i32
      %lt3A_458 = arith.constant 80 : i32
      %lt3A_459 = arith.cmpi slt, %add3A_457, %lt3A_458 : i32
      %convert_element_type3A_460 = arith.extui %lt3A_459 : i1 to i32
      %cond3A_461 = arith.constant 0 : i32
      %cond3A_462 = arith.cmpi ne, %convert_element_type3A_460, %cond3A_461 : i32
      scf.if %cond3A_462 {
        %add3A_491 = arith.constant 6 : i32
        %add3A_492 = arith.addi %mul3A_270, %add3A_491 : i32
        %add3A_493 = arith.constant 4 : i32
        %add3A_494 = arith.addi %add3A_492, %add3A_493 : i32
        %dma_wait3A_495 = arith.constant 2 : i32
        %dma_wait3A_496 = arith.constant 0 : i32
        %dma_wait3A_497 = arith.constant 0 : i32
        %dma_wait3A_498 = tpu.memref_slice %arg7[%dma_wait3A_495, %dma_wait3A_496, %dma_wait3A_497] : memref<8x2x128xi32, #tpu.memory_space<vmem>> -> memref<1x2x128xi32, #tpu.memory_space<vmem>>
        %dma_wait3A_499 = tpu.memref_squeeze %dma_wait3A_498 : memref<1x2x128xi32, #tpu.memory_space<vmem>> -> memref<2x128xi32, #tpu.memory_space<vmem>>
        %dma_wait3A_500 = arith.constant 0 : i32
        %dma_wait3A_501 = arith.constant 0 : i32
        %dma_wait3A_502 = tpu.memref_slice %arg3[%add3A, %add3A_494, %dma_wait3A_500, %dma_wait3A_501] : memref<32x80x2x128xi32, #tpu.memory_space<hbm>> -> memref<1x1x2x128xi32, #tpu.memory_space<hbm>>
        %dma_wait3A_503 = tpu.memref_squeeze %dma_wait3A_502 : memref<1x1x2x128xi32, #tpu.memory_space<hbm>> -> memref<2x128xi32, #tpu.memory_space<hbm>>
        %dma_wait3A_504 = arith.constant 0 : i32
        %dma_wait3A_505 = arith.constant 0 : i32
        %dma_wait3A_506 = tpu.memref_slice %arg7[%dma_wait3A_495, %dma_wait3A_504, %dma_wait3A_505] : memref<8x2x128xi32, #tpu.memory_space<vmem>> -> memref<1x2x128xi32, #tpu.memory_space<vmem>>
        %dma_wait3A_507 = tpu.memref_squeeze %dma_wait3A_506 : memref<1x2x128xi32, #tpu.memory_space<vmem>> -> memref<2x128xi32, #tpu.memory_space<vmem>>
        %dma_wait3A_508 = arith.constant 0 : i32
        %dma_wait3A_509 = arith.constant 0 : i32
        %dma_wait3A_510 = tpu.memref_slice %arg3[%add3A, %add3A_494, %dma_wait3A_508, %dma_wait3A_509] : memref<32x80x2x128xi32, #tpu.memory_space<hbm>> -> memref<1x1x2x128xi32, #tpu.memory_space<hbm>>
        %dma_wait3A_511 = tpu.memref_squeeze %dma_wait3A_510 : memref<1x1x2x128xi32, #tpu.memory_space<hbm>> -> memref<2x128xi32, #tpu.memory_space<hbm>>
        tpu.wait_dma2 semaphore(%arg14 : memref<!tpu.dma_semaphore, #tpu.memory_space<semaphore_mem>>) src(%dma_wait3A_511 : memref<2x128xi32, #tpu.memory_space<hbm>>) dst(%dma_wait3A_507 : memref<2x128xi32, #tpu.memory_space<vmem>>)
        %dma_start3A_512 = arith.constant 2 : i32
        %dma_start3A_513 = arith.constant 0 : i32
        %dma_start3A_514 = arith.constant 0 : i32
        %dma_start3A_515 = tpu.memref_slice %arg7[%dma_start3A_512, %dma_start3A_513, %dma_start3A_514] : memref<8x2x128xi32, #tpu.memory_space<vmem>> -> memref<1x1x128xi32, #tpu.memory_space<vmem>>
        %dma_start3A_516 = tpu.memref_squeeze %dma_start3A_515 : memref<1x1x128xi32, #tpu.memory_space<vmem>> -> memref<128xi32, #tpu.memory_space<vmem>>
        %dma_start3A_517 = arith.constant 0 : i32
        %dma_start3A_518 = arith.constant 0 : i32
        %dma_start3A_519 = tpu.memref_slice %arg2[%dma_start3A_517, %dma_start3A_518] : memref<10000x64xf32, #tpu.memory_space<hbm>> -> memref<10000x64xf32, #tpu.memory_space<hbm>>
        tpu.enqueue_indirect_dma source(%dma_start3A_519 : memref<10000x64xf32, #tpu.memory_space<hbm>>) target(%arg10 : memref<128x64xf32, #tpu.memory_space<vmem>>) offsets(%dma_start3A_516 : memref<128xi32, #tpu.memory_space<vmem>>) semaphore(%arg22 : memref<!tpu.dma_semaphore, #tpu.memory_space<semaphore_mem>>)
      } else {
      }
      %dma_wait3A_463 = arith.constant 7 : i32
      %dma_wait3A_464 = arith.constant 0 : i32
      %dma_wait3A_465 = arith.constant 0 : i32
      %dma_wait3A_466 = tpu.memref_slice %arg7[%dma_wait3A_463, %dma_wait3A_464, %dma_wait3A_465] : memref<8x2x128xi32, #tpu.memory_space<vmem>> -> memref<1x1x128xi32, #tpu.memory_space<vmem>>
      %dma_wait3A_467 = tpu.memref_squeeze %dma_wait3A_466 : memref<1x1x128xi32, #tpu.memory_space<vmem>> -> memref<128xi32, #tpu.memory_space<vmem>>
      %dma_wait3A_468 = arith.constant 0 : i32
      %dma_wait3A_469 = arith.constant 0 : i32
      %dma_wait3A_470 = tpu.memref_slice %arg2[%dma_wait3A_468, %dma_wait3A_469] : memref<10000x64xf32, #tpu.memory_space<hbm>> -> memref<10000x64xf32, #tpu.memory_space<hbm>>
      tpu.wait_indirect_dma semaphore(%arg23 : memref<!tpu.dma_semaphore, #tpu.memory_space<semaphore_mem>>) src(%dma_wait3A_470 : memref<10000x64xf32, #tpu.memory_space<hbm>>) dst(%arg11 : memref<128x64xf32, #tpu.memory_space<vmem>>)
      %run_scoped3A_471 = arith.constant 7 : i32
      %run_scoped3A_472 = arith.constant 1 : i32
      "tpu.region"() ({
        %run_scoped3A_491 = tpu.sem_alloc : memref<!tpu.dma_semaphore, #tpu.memory_space<semaphore_mem>>
        %dma_start3A_492 = arith.constant 0 : i32
        %dma_start3A_493 = tpu.memref_slice %arg7[%run_scoped3A_471, %run_scoped3A_472, %dma_start3A_492] : memref<8x2x128xi32, #tpu.memory_space<vmem>> -> memref<1x1x128xi32, #tpu.memory_space<vmem>>
        %dma_start3A_494 = tpu.memref_squeeze %dma_start3A_493 : memref<1x1x128xi32, #tpu.memory_space<vmem>> -> memref<128xi32, #tpu.memory_space<vmem>>
        %dma_start3A_495 = arith.constant 0 : i32
        %dma_start3A_496 = arith.constant 0 : i32
        %dma_start3A_497 = tpu.memref_slice %arg6[%dma_start3A_495, %dma_start3A_496] : memref<10240x64xf32, #tpu.memory_space<vmem_shared>> -> memref<10240x64xf32, #tpu.memory_space<vmem_shared>>
        tpu.enqueue_indirect_dma source(%arg11 : memref<128x64xf32, #tpu.memory_space<vmem>>) target(%dma_start3A_497 : memref<10240x64xf32, #tpu.memory_space<vmem_shared>>) offsets(%dma_start3A_494 : memref<128xi32, #tpu.memory_space<vmem>>) semaphore(%run_scoped3A_491 : memref<!tpu.dma_semaphore, #tpu.memory_space<semaphore_mem>>) {add = true}
        %dma_wait3A_498 = arith.constant 0 : i32
        %dma_wait3A_499 = tpu.memref_slice %arg7[%run_scoped3A_471, %run_scoped3A_472, %dma_wait3A_498] : memref<8x2x128xi32, #tpu.memory_space<vmem>> -> memref<1x1x128xi32, #tpu.memory_space<vmem>>
        %dma_wait3A_500 = tpu.memref_squeeze %dma_wait3A_499 : memref<1x1x128xi32, #tpu.memory_space<vmem>> -> memref<128xi32, #tpu.memory_space<vmem>>
        %dma_wait3A_501 = arith.constant 0 : i32
        %dma_wait3A_502 = arith.constant 0 : i32
        %dma_wait3A_503 = tpu.memref_slice %arg6[%dma_wait3A_501, %dma_wait3A_502] : memref<10240x64xf32, #tpu.memory_space<vmem_shared>> -> memref<10240x64xf32, #tpu.memory_space<vmem_shared>>
        tpu.wait_indirect_dma semaphore(%run_scoped3A_491 : memref<!tpu.dma_semaphore, #tpu.memory_space<semaphore_mem>>) src(%arg11 : memref<128x64xf32, #tpu.memory_space<vmem>>) dst(%dma_wait3A_503 : memref<10240x64xf32, #tpu.memory_space<vmem_shared>>)
        tpu.yield
      }) : () -> ()
      %add3A_473 = arith.constant 7 : i32
      %add3A_474 = arith.addi %mul3A_270, %add3A_473 : i32
      %add3A_475 = arith.constant 8 : i32
      %add3A_476 = arith.addi %add3A_474, %add3A_475 : i32
      %lt3A_477 = arith.constant 80 : i32
      %lt3A_478 = arith.cmpi slt, %add3A_476, %lt3A_477 : i32
      %convert_element_type3A_479 = arith.extui %lt3A_478 : i1 to i32
      %cond3A_480 = arith.constant 0 : i32
      %cond3A_481 = arith.cmpi ne, %convert_element_type3A_479, %cond3A_480 : i32
      scf.if %cond3A_481 {
        %add3A_491 = arith.constant 7 : i32
        %add3A_492 = arith.addi %mul3A_270, %add3A_491 : i32
        %add3A_493 = arith.constant 8 : i32
        %add3A_494 = arith.addi %add3A_492, %add3A_493 : i32
        %dma_start3A_495 = arith.constant 7 : i32
        %dma_start3A_496 = arith.constant 0 : i32
        %dma_start3A_497 = arith.constant 0 : i32
        %dma_start3A_498 = tpu.memref_slice %arg7[%dma_start3A_495, %dma_start3A_496, %dma_start3A_497] : memref<8x2x128xi32, #tpu.memory_space<vmem>> -> memref<1x2x128xi32, #tpu.memory_space<vmem>>
        %dma_start3A_499 = tpu.memref_squeeze %dma_start3A_498 : memref<1x2x128xi32, #tpu.memory_space<vmem>> -> memref<2x128xi32, #tpu.memory_space<vmem>>
        %dma_start3A_500 = arith.constant 0 : i32
        %dma_start3A_501 = arith.constant 0 : i32
        %dma_start3A_502 = tpu.memref_slice %arg3[%add3A, %add3A_494, %dma_start3A_500, %dma_start3A_501] : memref<32x80x2x128xi32, #tpu.memory_space<hbm>> -> memref<1x1x2x128xi32, #tpu.memory_space<hbm>>
        %dma_start3A_503 = tpu.memref_squeeze %dma_start3A_502 : memref<1x1x2x128xi32, #tpu.memory_space<hbm>> -> memref<2x128xi32, #tpu.memory_space<hbm>>
        %dma_start3A_504 = arith.constant 0 : i32
        %dma_start3A_505 = arith.constant 0 : i32
        %dma_start3A_506 = tpu.memref_slice %arg7[%dma_start3A_495, %dma_start3A_504, %dma_start3A_505] : memref<8x2x128xi32, #tpu.memory_space<vmem>> -> memref<1x2x128xi32, #tpu.memory_space<vmem>>
        %dma_start3A_507 = tpu.memref_squeeze %dma_start3A_506 : memref<1x2x128xi32, #tpu.memory_space<vmem>> -> memref<2x128xi32, #tpu.memory_space<vmem>>
        %dma_start3A_508 = arith.constant 0 : i32
        %dma_start3A_509 = arith.constant 0 : i32
        %dma_start3A_510 = tpu.memref_slice %arg3[%add3A, %add3A_494, %dma_start3A_508, %dma_start3A_509] : memref<32x80x2x128xi32, #tpu.memory_space<hbm>> -> memref<1x1x2x128xi32, #tpu.memory_space<hbm>>
        %dma_start3A_511 = tpu.memref_squeeze %dma_start3A_510 : memref<1x1x2x128xi32, #tpu.memory_space<hbm>> -> memref<2x128xi32, #tpu.memory_space<hbm>>
        tpu.enqueue_dma source(%dma_start3A_511 : memref<2x128xi32, #tpu.memory_space<hbm>>) target(%dma_start3A_507 : memref<2x128xi32, #tpu.memory_space<vmem>>) target_semaphore(%arg19 : memref<!tpu.dma_semaphore, #tpu.memory_space<semaphore_mem>>)
      } else {
      }
      %add3A_482 = arith.constant 7 : i32
      %add3A_483 = arith.addi %mul3A_270, %add3A_482 : i32
      %add3A_484 = arith.constant 4 : i32
      %add3A_485 = arith.addi %add3A_483, %add3A_484 : i32
      %lt3A_486 = arith.constant 80 : i32
      %lt3A_487 = arith.cmpi slt, %add3A_485, %lt3A_486 : i32
      %convert_element_type3A_488 = arith.extui %lt3A_487 : i1 to i32
      %cond3A_489 = arith.constant 0 : i32
      %cond3A_490 = arith.cmpi ne, %convert_element_type3A_488, %cond3A_489 : i32
      scf.if %cond3A_490 {
        %add3A_491 = arith.constant 7 : i32
        %add3A_492 = arith.addi %mul3A_270, %add3A_491 : i32
        %add3A_493 = arith.constant 4 : i32
        %add3A_494 = arith.addi %add3A_492, %add3A_493 : i32
        %dma_wait3A_495 = arith.constant 3 : i32
        %dma_wait3A_496 = arith.constant 0 : i32
        %dma_wait3A_497 = arith.constant 0 : i32
        %dma_wait3A_498 = tpu.memref_slice %arg7[%dma_wait3A_495, %dma_wait3A_496, %dma_wait3A_497] : memref<8x2x128xi32, #tpu.memory_space<vmem>> -> memref<1x2x128xi32, #tpu.memory_space<vmem>>
        %dma_wait3A_499 = tpu.memref_squeeze %dma_wait3A_498 : memref<1x2x128xi32, #tpu.memory_space<vmem>> -> memref<2x128xi32, #tpu.memory_space<vmem>>
        %dma_wait3A_500 = arith.constant 0 : i32
        %dma_wait3A_501 = arith.constant 0 : i32
        %dma_wait3A_502 = tpu.memref_slice %arg3[%add3A, %add3A_494, %dma_wait3A_500, %dma_wait3A_501] : memref<32x80x2x128xi32, #tpu.memory_space<hbm>> -> memref<1x1x2x128xi32, #tpu.memory_space<hbm>>
        %dma_wait3A_503 = tpu.memref_squeeze %dma_wait3A_502 : memref<1x1x2x128xi32, #tpu.memory_space<hbm>> -> memref<2x128xi32, #tpu.memory_space<hbm>>
        %dma_wait3A_504 = arith.constant 0 : i32
        %dma_wait3A_505 = arith.constant 0 : i32
        %dma_wait3A_506 = tpu.memref_slice %arg7[%dma_wait3A_495, %dma_wait3A_504, %dma_wait3A_505] : memref<8x2x128xi32, #tpu.memory_space<vmem>> -> memref<1x2x128xi32, #tpu.memory_space<vmem>>
        %dma_wait3A_507 = tpu.memref_squeeze %dma_wait3A_506 : memref<1x2x128xi32, #tpu.memory_space<vmem>> -> memref<2x128xi32, #tpu.memory_space<vmem>>
        %dma_wait3A_508 = arith.constant 0 : i32
        %dma_wait3A_509 = arith.constant 0 : i32
        %dma_wait3A_510 = tpu.memref_slice %arg3[%add3A, %add3A_494, %dma_wait3A_508, %dma_wait3A_509] : memref<32x80x2x128xi32, #tpu.memory_space<hbm>> -> memref<1x1x2x128xi32, #tpu.memory_space<hbm>>
        %dma_wait3A_511 = tpu.memref_squeeze %dma_wait3A_510 : memref<1x1x2x128xi32, #tpu.memory_space<hbm>> -> memref<2x128xi32, #tpu.memory_space<hbm>>
        tpu.wait_dma2 semaphore(%arg15 : memref<!tpu.dma_semaphore, #tpu.memory_space<semaphore_mem>>) src(%dma_wait3A_511 : memref<2x128xi32, #tpu.memory_space<hbm>>) dst(%dma_wait3A_507 : memref<2x128xi32, #tpu.memory_space<vmem>>)
        %dma_start3A_512 = arith.constant 3 : i32
        %dma_start3A_513 = arith.constant 0 : i32
        %dma_start3A_514 = arith.constant 0 : i32
        %dma_start3A_515 = tpu.memref_slice %arg7[%dma_start3A_512, %dma_start3A_513, %dma_start3A_514] : memref<8x2x128xi32, #tpu.memory_space<vmem>> -> memref<1x1x128xi32, #tpu.memory_space<vmem>>
        %dma_start3A_516 = tpu.memref_squeeze %dma_start3A_515 : memref<1x1x128xi32, #tpu.memory_space<vmem>> -> memref<128xi32, #tpu.memory_space<vmem>>
        %dma_start3A_517 = arith.constant 0 : i32
        %dma_start3A_518 = arith.constant 0 : i32
        %dma_start3A_519 = tpu.memref_slice %arg2[%dma_start3A_517, %dma_start3A_518] : memref<10000x64xf32, #tpu.memory_space<hbm>> -> memref<10000x64xf32, #tpu.memory_space<hbm>>
        tpu.enqueue_indirect_dma source(%dma_start3A_519 : memref<10000x64xf32, #tpu.memory_space<hbm>>) target(%arg11 : memref<128x64xf32, #tpu.memory_space<vmem>>) offsets(%dma_start3A_516 : memref<128xi32, #tpu.memory_space<vmem>>) semaphore(%arg23 : memref<!tpu.dma_semaphore, #tpu.memory_space<semaphore_mem>>)
      } else {
      }
    }
    %scan3A_259 = arith.constant 10 : i32
    %barrier3A_260 = arith.constant 0 : index
    tpu.barrier barrier_id(%barrier3A_260)
    %mul3A_261 = arith.constant 640 : i32
    %mul3A_262 = arith.muli %arg1, %mul3A_261 : i32
    %mul3A_263 = arith.constant 10240 : i32
    %mul3A_264 = arith.muli %arg0, %mul3A_263 : i32
    %mul3A_265 = arith.constant 640 : i32
    %mul3A_266 = arith.muli %arg1, %mul3A_265 : i32
    %add3A_267 = arith.addi %mul3A_264, %mul3A_266 : i32
    "tpu.region"() ({
      %run_scoped3A = tpu.sem_alloc : memref<!tpu.dma_semaphore, #tpu.memory_space<semaphore_mem>>
      %dma_start3A_268 = arith.constant 0 : i32
      %dma_start3A_269 = tpu.memref_slice %arg5[%add3A_267, %dma_start3A_268] : memref<20480x64xf32, #tpu.memory_space<hbm>> -> memref<640x64xf32, #tpu.memory_space<hbm>>
      %dma_start3A_270 = arith.constant 0 : i32
      %dma_start3A_271 = tpu.memref_slice %arg6[%mul3A_262, %dma_start3A_270] : memref<10240x64xf32, #tpu.memory_space<vmem_shared>> -> memref<640x64xf32, #tpu.memory_space<vmem_shared>>
      tpu.enqueue_dma source(%dma_start3A_271 : memref<640x64xf32, #tpu.memory_space<vmem_shared>>) target(%dma_start3A_269 : memref<640x64xf32, #tpu.memory_space<hbm>>) target_semaphore(%run_scoped3A : memref<!tpu.dma_semaphore, #tpu.memory_space<semaphore_mem>>)
      %dma_wait3A_272 = arith.constant 0 : i32
      %dma_wait3A_273 = tpu.memref_slice %arg5[%add3A_267, %dma_wait3A_272] : memref<20480x64xf32, #tpu.memory_space<hbm>> -> memref<640x64xf32, #tpu.memory_space<hbm>>
      %dma_wait3A_274 = arith.constant 0 : i32
      %dma_wait3A_275 = tpu.memref_slice %arg6[%mul3A_262, %dma_wait3A_274] : memref<10240x64xf32, #tpu.memory_space<vmem_shared>> -> memref<640x64xf32, #tpu.memory_space<vmem_shared>>
      tpu.wait_dma2 semaphore(%run_scoped3A : memref<!tpu.dma_semaphore, #tpu.memory_space<semaphore_mem>>) src(%dma_wait3A_275 : memref<640x64xf32, #tpu.memory_space<vmem_shared>>) dst(%dma_wait3A_273 : memref<640x64xf32, #tpu.memory_space<hbm>>)
      tpu.yield
    }) : () -> ()
    return
  }
}

module attributes {stable_mosaic.version = 14 : i64} {
  func.func @body(%arg0: i32, %arg1: memref<2000x128xf32, #tpu.memory_space<vmem>>, %arg2: memref<128x64xf32, #tpu.memory_space<vmem>>, %arg3: memref<2000x64xf32, #tpu.memory_space<vmem>>) attributes {dimension_semantics = [#tpu.dimension_semantics<arbitrary>], iteration_bounds = array<i64: 5>, scalar_prefetch = 0 : i64, scratch_operands = 0 : i64, tpu.core_type = #tpu.core_type<tc>, window_params = [{transform_indices = @transform_0, window_bounds = array<i64: 2000, 128>}, {pipeline_mode = #tpu.pipeline_mode<synchronous>, transform_indices = @transform_1, window_bounds = array<i64: 128, 64>}, {transform_indices = @transform_2, window_bounds = array<i64: 2000, 64>}]} {
    %get3A = arith.constant 0 : index
    %get3A_0 = arith.constant 0 : index
    %get3A_1 = vector.load %arg1[%get3A, %get3A_0] : memref<2000x128xf32, #tpu.memory_space<vmem>>, vector<2000x128xf32>
    %get3A_2 = arith.constant 0 : index
    %get3A_3 = arith.constant 0 : index
    %get3A_4 = vector.load %arg2[%get3A_2, %get3A_3] : memref<128x64xf32, #tpu.memory_space<vmem>>, vector<128x64xf32>
    %dot_general3A = arith.constant dense<0.000000e+00> : vector<2000x64xf32>
    %dot_general3A_5 = tpu.matmul %get3A_1, %get3A_4, %dot_general3A {dimension_numbers = #tpu.dot_dimension_numbers<[1], [0], [0], [1], [0, 0, 1, 1], [], []>, transpose_lhs_hint = false} : vector<2000x128xf32>, vector<128x64xf32>, vector<2000x64xf32> -> vector<2000x64xf32>
    %swap3A = arith.constant 0 : index
    %swap3A_6 = arith.constant 0 : index
    %swap3A_7 = vector.load %arg3[%swap3A, %swap3A_6] : memref<2000x64xf32, #tpu.memory_space<vmem>>, vector<2000x64xf32>
    tpu.vector_store %arg3[%swap3A, %swap3A_6], %dot_general3A_5 {strides = array<i32>} : memref<2000x64xf32, #tpu.memory_space<vmem>>, vector<2000x64xf32>,
    return
  }
  func.func @transform_0(%arg0: i32) -> (i32, i32) {
    %c0_i32 = arith.constant 0 : i32
    %c0_i32_0 = arith.constant 0 : i32
    return %arg0, %c0_i32 : i32, i32
  }
  func.func @transform_1(%arg0: i32) -> (i32, i32) {
    %c0_i32 = arith.constant 0 : i32
    %c0_i32_0 = arith.constant 0 : i32
    %c0_i32_1 = arith.constant 0 : i32
    return %c0_i32, %c0_i32_0 : i32, i32
  }
  func.func @transform_2(%arg0: i32) -> (i32, i32) {
    %c0_i32 = arith.constant 0 : i32
    %c0_i32_0 = arith.constant 0 : i32
    return %arg0, %c0_i32 : i32, i32
  }
}

module attributes {stable_mosaic.version = 14 : i64} {
  func.func @body(%arg0: i32, %arg1: memref<2000x64xf32, #tpu.memory_space<vmem>>, %arg2: memref<2x2000x64xf32, #tpu.memory_space<vmem>>, %arg3: memref<1x64xf32, #tpu.memory_space<vmem>>, %arg4: memref<64x128xf32, #tpu.memory_space<vmem>>, %arg5: memref<1x128xf32, #tpu.memory_space<vmem>>, %arg6: memref<128x128xf32, #tpu.memory_space<vmem>>, %arg7: memref<2000x128xf32, #tpu.memory_space<vmem>>) attributes {dimension_semantics = [#tpu.dimension_semantics<arbitrary>], iteration_bounds = array<i64: 5>, scalar_prefetch = 0 : i64, scratch_operands = 0 : i64, tpu.core_type = #tpu.core_type<tc>, window_params = [{transform_indices = @transform_0, window_bounds = array<i64: 2000, 64>}, {transform_indices = @transform_1, window_bounds = array<i64: 2, 2000, 64>}, {pipeline_mode = #tpu.pipeline_mode<synchronous>, transform_indices = @transform_2, window_bounds = array<i64: 1, 64>}, {pipeline_mode = #tpu.pipeline_mode<synchronous>, transform_indices = @transform_3, window_bounds = array<i64: 64, 128>}, {pipeline_mode = #tpu.pipeline_mode<synchronous>, transform_indices = @transform_4, window_bounds = array<i64: 1, 128>}, {pipeline_mode = #tpu.pipeline_mode<synchronous>, transform_indices = @transform_5, window_bounds = array<i64: 128, 128>}, {transform_indices = @transform_6, window_bounds = array<i64: 2000, 128>}]} {
    %get3A = arith.constant 0 : index
    %get3A_0 = arith.constant 0 : index
    %get3A_1 = vector.load %arg1[%get3A, %get3A_0] : memref<2000x64xf32, #tpu.memory_space<vmem>>, vector<2000x64xf32>
    %get3A_2 = arith.constant 0 : index
    %get3A_3 = arith.constant 0 : index
    %get3A_4 = arith.constant 0 : index
    %get3A_5 = vector.load %arg2[%get3A_2, %get3A_3, %get3A_4] : memref<2x2000x64xf32, #tpu.memory_space<vmem>>, vector<1x2000x64xf32>
    %get3A_6 = vector.shape_cast %get3A_5 : vector<1x2000x64xf32> to vector<2000x64xf32>
    %add3A = arith.addf %get3A_1, %get3A_6 : vector<2000x64xf32>
    %get3A_7 = arith.constant 1 : index
    %get3A_8 = arith.constant 0 : index
    %get3A_9 = arith.constant 0 : index
    %get3A_10 = vector.load %arg2[%get3A_7, %get3A_8, %get3A_9] : memref<2x2000x64xf32, #tpu.memory_space<vmem>>, vector<1x2000x64xf32>
    %get3A_11 = vector.shape_cast %get3A_10 : vector<1x2000x64xf32> to vector<2000x64xf32>
    %add3A_12 = arith.addf %add3A, %get3A_11 : vector<2000x64xf32>
    %get3A_13 = arith.constant 0 : index
    %get3A_14 = arith.constant 0 : index
    %get3A_15 = vector.load %arg3[%get3A_13, %get3A_14] : memref<1x64xf32, #tpu.memory_space<vmem>>, vector<1x64xf32>
    %add3A_16 = vector.broadcast %get3A_15 : vector<1x64xf32> to vector<2000x64xf32>
    %add3A_17 = arith.addf %add3A_12, %add3A_16 : vector<2000x64xf32>
    %max3A = arith.constant 0.000000e+00 : f32
    %max3A_18 = vector.broadcast %max3A : f32 to vector<2000x64xf32>
    %max3A_19 = arith.maximumf %add3A_17, %max3A_18 : vector<2000x64xf32>
    %get3A_20 = arith.constant 0 : index
    %get3A_21 = arith.constant 0 : index
    %get3A_22 = vector.load %arg4[%get3A_20, %get3A_21] : memref<64x128xf32, #tpu.memory_space<vmem>>, vector<64x128xf32>
    %dot_general3A = arith.constant dense<0.000000e+00> : vector<2000x128xf32>
    %dot_general3A_23 = tpu.matmul %max3A_19, %get3A_22, %dot_general3A {dimension_numbers = #tpu.dot_dimension_numbers<[1], [0], [0], [1], [0, 0, 1, 1], [], []>, transpose_lhs_hint = false} : vector<2000x64xf32>, vector<64x128xf32>, vector<2000x128xf32> -> vector<2000x128xf32>
    %get3A_24 = arith.constant 0 : index
    %get3A_25 = arith.constant 0 : index
    %get3A_26 = vector.load %arg5[%get3A_24, %get3A_25] : memref<1x128xf32, #tpu.memory_space<vmem>>, vector<1x128xf32>
    %add3A_27 = vector.broadcast %get3A_26 : vector<1x128xf32> to vector<2000x128xf32>
    %add3A_28 = arith.addf %dot_general3A_23, %add3A_27 : vector<2000x128xf32>
    %max3A_29 = arith.constant 0.000000e+00 : f32
    %max3A_30 = vector.broadcast %max3A_29 : f32 to vector<2000x128xf32>
    %max3A_31 = arith.maximumf %add3A_28, %max3A_30 : vector<2000x128xf32>
    %get3A_32 = arith.constant 0 : index
    %get3A_33 = arith.constant 0 : index
    %get3A_34 = vector.load %arg6[%get3A_32, %get3A_33] : memref<128x128xf32, #tpu.memory_space<vmem>>, vector<128x128xf32>
    %dot_general3A_35 = arith.constant dense<0.000000e+00> : vector<2000x128xf32>
    %dot_general3A_36 = tpu.matmul %max3A_31, %get3A_34, %dot_general3A_35 {dimension_numbers = #tpu.dot_dimension_numbers<[1], [0], [0], [1], [0, 0, 1, 1], [], []>, transpose_lhs_hint = false} : vector<2000x128xf32>, vector<128x128xf32>, vector<2000x128xf32> -> vector<2000x128xf32>
    %swap3A = arith.constant 0 : index
    %swap3A_37 = arith.constant 0 : index
    %swap3A_38 = vector.load %arg7[%swap3A, %swap3A_37] : memref<2000x128xf32, #tpu.memory_space<vmem>>, vector<2000x128xf32>
    tpu.vector_store %arg7[%swap3A, %swap3A_37], %dot_general3A_36 {strides = array<i32>} : memref<2000x128xf32, #tpu.memory_space<vmem>>, vector<2000x128xf32>,
    return
  }
  func.func @transform_0(%arg0: i32) -> (i32, i32) {
    %c0_i32 = arith.constant 0 : i32
    %c0_i32_0 = arith.constant 0 : i32
    return %arg0, %c0_i32 : i32, i32
  }
  func.func @transform_1(%arg0: i32) -> (i32, i32, i32) {
    %c0_i32 = arith.constant 0 : i32
    %c0_i32_0 = arith.constant 0 : i32
    %c0_i32_1 = arith.constant 0 : i32
    return %c0_i32, %arg0, %c0_i32_0 : i32, i32, i32
  }
  func.func @transform_2(%arg0: i32) -> (i32, i32) {
    %c0_i32 = arith.constant 0 : i32
    %c0_i32_0 = arith.constant 0 : i32
    %c0_i32_1 = arith.constant 0 : i32
    return %c0_i32, %c0_i32_0 : i32, i32
  }
  func.func @transform_3(%arg0: i32) -> (i32, i32) {
    %c0_i32 = arith.constant 0 : i32
    %c0_i32_0 = arith.constant 0 : i32
    %c0_i32_1 = arith.constant 0 : i32
    return %c0_i32, %c0_i32_0 : i32, i32
  }
  func.func @transform_4(%arg0: i32) -> (i32, i32) {
    %c0_i32 = arith.constant 0 : i32
    %c0_i32_0 = arith.constant 0 : i32
    %c0_i32_1 = arith.constant 0 : i32
    return %c0_i32, %c0_i32_0 : i32, i32
  }
  func.func @transform_5(%arg0: i32) -> (i32, i32) {
    %c0_i32 = arith.constant 0 : i32
    %c0_i32_0 = arith.constant 0 : i32
    %c0_i32_1 = arith.constant 0 : i32
    return %c0_i32, %c0_i32_0 : i32, i32
  }
  func.func @transform_6(%arg0: i32) -> (i32, i32) {
    %c0_i32 = arith.constant 0 : i32
    %c0_i32_0 = arith.constant 0 : i32
    return %arg0, %c0_i32 : i32, i32
  }
}

module attributes {stable_mosaic.version = 14 : i64} {
  func.func @body(%arg0: i32, %arg1: memref<2000x128xf32, #tpu.memory_space<vmem>>, %arg2: memref<2x2000x128xf32, #tpu.memory_space<vmem>>, %arg3: memref<1x128xf32, #tpu.memory_space<vmem>>, %arg4: memref<128x64xf32, #tpu.memory_space<vmem>>, %arg5: memref<1x64xf32, #tpu.memory_space<vmem>>, %arg6: memref<64x64xf32, #tpu.memory_space<vmem>>, %arg7: memref<2000x64xf32, #tpu.memory_space<vmem>>) attributes {dimension_semantics = [#tpu.dimension_semantics<arbitrary>], iteration_bounds = array<i64: 5>, scalar_prefetch = 0 : i64, scratch_operands = 0 : i64, tpu.core_type = #tpu.core_type<tc>, window_params = [{transform_indices = @transform_0, window_bounds = array<i64: 2000, 128>}, {transform_indices = @transform_1, window_bounds = array<i64: 2, 2000, 128>}, {pipeline_mode = #tpu.pipeline_mode<synchronous>, transform_indices = @transform_2, window_bounds = array<i64: 1, 128>}, {pipeline_mode = #tpu.pipeline_mode<synchronous>, transform_indices = @transform_3, window_bounds = array<i64: 128, 64>}, {pipeline_mode = #tpu.pipeline_mode<synchronous>, transform_indices = @transform_4, window_bounds = array<i64: 1, 64>}, {pipeline_mode = #tpu.pipeline_mode<synchronous>, transform_indices = @transform_5, window_bounds = array<i64: 64, 64>}, {transform_indices = @transform_6, window_bounds = array<i64: 2000, 64>}]} {
    %get3A = arith.constant 0 : index
    %get3A_0 = arith.constant 0 : index
    %get3A_1 = vector.load %arg1[%get3A, %get3A_0] : memref<2000x128xf32, #tpu.memory_space<vmem>>, vector<2000x128xf32>
    %get3A_2 = arith.constant 0 : index
    %get3A_3 = arith.constant 0 : index
    %get3A_4 = arith.constant 0 : index
    %get3A_5 = vector.load %arg2[%get3A_2, %get3A_3, %get3A_4] : memref<2x2000x128xf32, #tpu.memory_space<vmem>>, vector<1x2000x128xf32>
    %get3A_6 = vector.shape_cast %get3A_5 : vector<1x2000x128xf32> to vector<2000x128xf32>
    %add3A = arith.addf %get3A_1, %get3A_6 : vector<2000x128xf32>
    %get3A_7 = arith.constant 1 : index
    %get3A_8 = arith.constant 0 : index
    %get3A_9 = arith.constant 0 : index
    %get3A_10 = vector.load %arg2[%get3A_7, %get3A_8, %get3A_9] : memref<2x2000x128xf32, #tpu.memory_space<vmem>>, vector<1x2000x128xf32>
    %get3A_11 = vector.shape_cast %get3A_10 : vector<1x2000x128xf32> to vector<2000x128xf32>
    %add3A_12 = arith.addf %add3A, %get3A_11 : vector<2000x128xf32>
    %get3A_13 = arith.constant 0 : index
    %get3A_14 = arith.constant 0 : index
    %get3A_15 = vector.load %arg3[%get3A_13, %get3A_14] : memref<1x128xf32, #tpu.memory_space<vmem>>, vector<1x128xf32>
    %add3A_16 = vector.broadcast %get3A_15 : vector<1x128xf32> to vector<2000x128xf32>
    %add3A_17 = arith.addf %add3A_12, %add3A_16 : vector<2000x128xf32>
    %max3A = arith.constant 0.000000e+00 : f32
    %max3A_18 = vector.broadcast %max3A : f32 to vector<2000x128xf32>
    %max3A_19 = arith.maximumf %add3A_17, %max3A_18 : vector<2000x128xf32>
    %get3A_20 = arith.constant 0 : index
    %get3A_21 = arith.constant 0 : index
    %get3A_22 = vector.load %arg4[%get3A_20, %get3A_21] : memref<128x64xf32, #tpu.memory_space<vmem>>, vector<128x64xf32>
    %dot_general3A = arith.constant dense<0.000000e+00> : vector<2000x64xf32>
    %dot_general3A_23 = tpu.matmul %max3A_19, %get3A_22, %dot_general3A {dimension_numbers = #tpu.dot_dimension_numbers<[1], [0], [0], [1], [0, 0, 1, 1], [], []>, transpose_lhs_hint = false} : vector<2000x128xf32>, vector<128x64xf32>, vector<2000x64xf32> -> vector<2000x64xf32>
    %get3A_24 = arith.constant 0 : index
    %get3A_25 = arith.constant 0 : index
    %get3A_26 = vector.load %arg5[%get3A_24, %get3A_25] : memref<1x64xf32, #tpu.memory_space<vmem>>, vector<1x64xf32>
    %add3A_27 = vector.broadcast %get3A_26 : vector<1x64xf32> to vector<2000x64xf32>
    %add3A_28 = arith.addf %dot_general3A_23, %add3A_27 : vector<2000x64xf32>
    %max3A_29 = arith.constant 0.000000e+00 : f32
    %max3A_30 = vector.broadcast %max3A_29 : f32 to vector<2000x64xf32>
    %max3A_31 = arith.maximumf %add3A_28, %max3A_30 : vector<2000x64xf32>
    %get3A_32 = arith.constant 0 : index
    %get3A_33 = arith.constant 0 : index
    %get3A_34 = vector.load %arg6[%get3A_32, %get3A_33] : memref<64x64xf32, #tpu.memory_space<vmem>>, vector<64x64xf32>
    %dot_general3A_35 = arith.constant dense<0.000000e+00> : vector<2000x64xf32>
    %dot_general3A_36 = tpu.matmul %max3A_31, %get3A_34, %dot_general3A_35 {dimension_numbers = #tpu.dot_dimension_numbers<[1], [0], [0], [1], [0, 0, 1, 1], [], []>, transpose_lhs_hint = false} : vector<2000x64xf32>, vector<64x64xf32>, vector<2000x64xf32> -> vector<2000x64xf32>
    %swap3A = arith.constant 0 : index
    %swap3A_37 = arith.constant 0 : index
    %swap3A_38 = vector.load %arg7[%swap3A, %swap3A_37] : memref<2000x64xf32, #tpu.memory_space<vmem>>, vector<2000x64xf32>
    tpu.vector_store %arg7[%swap3A, %swap3A_37], %dot_general3A_36 {strides = array<i32>} : memref<2000x64xf32, #tpu.memory_space<vmem>>, vector<2000x64xf32>,
    return
  }
  func.func @transform_0(%arg0: i32) -> (i32, i32) {
    %c0_i32 = arith.constant 0 : i32
    %c0_i32_0 = arith.constant 0 : i32
    return %arg0, %c0_i32 : i32, i32
  }
  func.func @transform_1(%arg0: i32) -> (i32, i32, i32) {
    %c0_i32 = arith.constant 0 : i32
    %c0_i32_0 = arith.constant 0 : i32
    %c0_i32_1 = arith.constant 0 : i32
    return %c0_i32, %arg0, %c0_i32_0 : i32, i32, i32
  }
  func.func @transform_2(%arg0: i32) -> (i32, i32) {
    %c0_i32 = arith.constant 0 : i32
    %c0_i32_0 = arith.constant 0 : i32
    %c0_i32_1 = arith.constant 0 : i32
    return %c0_i32, %c0_i32_0 : i32, i32
  }
  func.func @transform_3(%arg0: i32) -> (i32, i32) {
    %c0_i32 = arith.constant 0 : i32
    %c0_i32_0 = arith.constant 0 : i32
    %c0_i32_1 = arith.constant 0 : i32
    return %c0_i32, %c0_i32_0 : i32, i32
  }
  func.func @transform_4(%arg0: i32) -> (i32, i32) {
    %c0_i32 = arith.constant 0 : i32
    %c0_i32_0 = arith.constant 0 : i32
    %c0_i32_1 = arith.constant 0 : i32
    return %c0_i32, %c0_i32_0 : i32, i32
  }
  func.func @transform_5(%arg0: i32) -> (i32, i32) {
    %c0_i32 = arith.constant 0 : i32
    %c0_i32_0 = arith.constant 0 : i32
    %c0_i32_1 = arith.constant 0 : i32
    return %c0_i32, %c0_i32_0 : i32, i32
  }
  func.func @transform_6(%arg0: i32) -> (i32, i32) {
    %c0_i32 = arith.constant 0 : i32
    %c0_i32_0 = arith.constant 0 : i32
    return %arg0, %c0_i32 : i32, i32
  }
}

module attributes {stable_mosaic.version = 14 : i64} {
  func.func @body(%arg0: i32, %arg1: memref<2000x64xf32, #tpu.memory_space<vmem>>, %arg2: memref<2x2000x64xf32, #tpu.memory_space<vmem>>, %arg3: memref<1x64xf32, #tpu.memory_space<vmem>>, %arg4: memref<64x128xf32, #tpu.memory_space<vmem>>, %arg5: memref<1x128xf32, #tpu.memory_space<vmem>>, %arg6: memref<2000x128xf32, #tpu.memory_space<vmem>>) attributes {dimension_semantics = [#tpu.dimension_semantics<arbitrary>], iteration_bounds = array<i64: 5>, scalar_prefetch = 0 : i64, scratch_operands = 0 : i64, tpu.core_type = #tpu.core_type<tc>, window_params = [{transform_indices = @transform_0, window_bounds = array<i64: 2000, 64>}, {transform_indices = @transform_1, window_bounds = array<i64: 2, 2000, 64>}, {pipeline_mode = #tpu.pipeline_mode<synchronous>, transform_indices = @transform_2, window_bounds = array<i64: 1, 64>}, {pipeline_mode = #tpu.pipeline_mode<synchronous>, transform_indices = @transform_3, window_bounds = array<i64: 64, 128>}, {pipeline_mode = #tpu.pipeline_mode<synchronous>, transform_indices = @transform_4, window_bounds = array<i64: 1, 128>}, {transform_indices = @transform_5, window_bounds = array<i64: 2000, 128>}]} {
    %get3A = arith.constant 0 : index
    %get3A_0 = arith.constant 0 : index
    %get3A_1 = vector.load %arg1[%get3A, %get3A_0] : memref<2000x64xf32, #tpu.memory_space<vmem>>, vector<2000x64xf32>
    %get3A_2 = arith.constant 0 : index
    %get3A_3 = arith.constant 0 : index
    %get3A_4 = arith.constant 0 : index
    %get3A_5 = vector.load %arg2[%get3A_2, %get3A_3, %get3A_4] : memref<2x2000x64xf32, #tpu.memory_space<vmem>>, vector<1x2000x64xf32>
    %get3A_6 = vector.shape_cast %get3A_5 : vector<1x2000x64xf32> to vector<2000x64xf32>
    %add3A = arith.addf %get3A_1, %get3A_6 : vector<2000x64xf32>
    %get3A_7 = arith.constant 1 : index
    %get3A_8 = arith.constant 0 : index
    %get3A_9 = arith.constant 0 : index
    %get3A_10 = vector.load %arg2[%get3A_7, %get3A_8, %get3A_9] : memref<2x2000x64xf32, #tpu.memory_space<vmem>>, vector<1x2000x64xf32>
    %get3A_11 = vector.shape_cast %get3A_10 : vector<1x2000x64xf32> to vector<2000x64xf32>
    %add3A_12 = arith.addf %add3A, %get3A_11 : vector<2000x64xf32>
    %get3A_13 = arith.constant 0 : index
    %get3A_14 = arith.constant 0 : index
    %get3A_15 = vector.load %arg3[%get3A_13, %get3A_14] : memref<1x64xf32, #tpu.memory_space<vmem>>, vector<1x64xf32>
    %add3A_16 = vector.broadcast %get3A_15 : vector<1x64xf32> to vector<2000x64xf32>
    %add3A_17 = arith.addf %add3A_12, %add3A_16 : vector<2000x64xf32>
    %max3A = arith.constant 0.000000e+00 : f32
    %max3A_18 = vector.broadcast %max3A : f32 to vector<2000x64xf32>
    %max3A_19 = arith.maximumf %add3A_17, %max3A_18 : vector<2000x64xf32>
    %get3A_20 = arith.constant 0 : index
    %get3A_21 = arith.constant 0 : index
    %get3A_22 = vector.load %arg4[%get3A_20, %get3A_21] : memref<64x128xf32, #tpu.memory_space<vmem>>, vector<64x128xf32>
    %dot_general3A = arith.constant dense<0.000000e+00> : vector<2000x128xf32>
    %dot_general3A_23 = tpu.matmul %max3A_19, %get3A_22, %dot_general3A {dimension_numbers = #tpu.dot_dimension_numbers<[1], [0], [0], [1], [0, 0, 1, 1], [], []>, transpose_lhs_hint = false} : vector<2000x64xf32>, vector<64x128xf32>, vector<2000x128xf32> -> vector<2000x128xf32>
    %get3A_24 = arith.constant 0 : index
    %get3A_25 = arith.constant 0 : index
    %get3A_26 = vector.load %arg5[%get3A_24, %get3A_25] : memref<1x128xf32, #tpu.memory_space<vmem>>, vector<1x128xf32>
    %add3A_27 = vector.broadcast %get3A_26 : vector<1x128xf32> to vector<2000x128xf32>
    %add3A_28 = arith.addf %dot_general3A_23, %add3A_27 : vector<2000x128xf32>
    %swap3A = arith.constant 0 : index
    %swap3A_29 = arith.constant 0 : index
    %swap3A_30 = vector.load %arg6[%swap3A, %swap3A_29] : memref<2000x128xf32, #tpu.memory_space<vmem>>, vector<2000x128xf32>
    tpu.vector_store %arg6[%swap3A, %swap3A_29], %add3A_28 {strides = array<i32>} : memref<2000x128xf32, #tpu.memory_space<vmem>>, vector<2000x128xf32>,
    return
  }
  func.func @transform_0(%arg0: i32) -> (i32, i32) {
    %c0_i32 = arith.constant 0 : i32
    %c0_i32_0 = arith.constant 0 : i32
    return %arg0, %c0_i32 : i32, i32
  }
  func.func @transform_1(%arg0: i32) -> (i32, i32, i32) {
    %c0_i32 = arith.constant 0 : i32
    %c0_i32_0 = arith.constant 0 : i32
    %c0_i32_1 = arith.constant 0 : i32
    return %c0_i32, %arg0, %c0_i32_0 : i32, i32, i32
  }
  func.func @transform_2(%arg0: i32) -> (i32, i32) {
    %c0_i32 = arith.constant 0 : i32
    %c0_i32_0 = arith.constant 0 : i32
    %c0_i32_1 = arith.constant 0 : i32
    return %c0_i32, %c0_i32_0 : i32, i32
  }
  func.func @transform_3(%arg0: i32) -> (i32, i32) {
    %c0_i32 = arith.constant 0 : i32
    %c0_i32_0 = arith.constant 0 : i32
    %c0_i32_1 = arith.constant 0 : i32
    return %c0_i32, %c0_i32_0 : i32, i32
  }
  func.func @transform_4(%arg0: i32) -> (i32, i32) {
    %c0_i32 = arith.constant 0 : i32
    %c0_i32_0 = arith.constant 0 : i32
    %c0_i32_1 = arith.constant 0 : i32
    return %c0_i32, %c0_i32_0 : i32, i32
  }
  func.func @transform_5(%arg0: i32) -> (i32, i32) {
    %c0_i32 = arith.constant 0 : i32
    %c0_i32_0 = arith.constant 0 : i32
    return %arg0, %c0_i32 : i32, i32
  }
}

</mosaic_0001>

<sc_bundles>
// kernel: kernel.12.cloned.1.call-start
scs
__scs_entry_jumppad:
0x0: {  	(pc) =	sbr.rel $0x88, $3  }
0x1: {  	(tag) =	ssettag $0x0;
	lr =	simm.s32 $0x1  }
0x2: {  	[smem:$0x3F93] =	sst lr;
	_ =	strace $0xD0000000  }
0x3: {  	_ = 	snop  }
0x4: {  	_ = 	snop  }
0x5: {  	_ = 	snop  }
0x6: {  	_ = 	snop  }
0x7: {  	_ = 	snop  }
__scs_overlays_trampoline_lowered:
0x8: {  	[smem:$0x3FA2] =	sst s0  }
0x9: {  	[smem:$0x3FA3] =	sst s1  }
0xa: {  	[smem:$0x3FA4] =	sst s2  }
0xb: {  	[smem:$0x3FA5] =	sst s3  }
0xc: {  	[smem:$0x3FA6] =	sst s4  }
0xd: {  	[smem:$0x3FA7] =	sst s5  }
0xe: {  	[smem:$0x3FA8] =	sst s6  }
0xf: {  	[smem:$0x3FA9] =	sst s7  }
0x10: {  	[smem:$0x3FAA] =	sst s8  }
0x11: {  	[smem:$0x3FAB] =	sst s9;
	s0 =	simm.s32 @!p0 $0x0  }
0x12: {  	s1 =	sld [smem:$0x3F91];
	s0 =	simm.s32 @p0 $0x1  }
0x13: {  	[smem:$0x3FAC] =	sst s0;
	s0 =	simm.s32 @!p1 $0x0  }
0x14: {  	s2 =	sld [smem:$0x3F90];
	s0 =	simm.s32 @p1 $0x1  }
0x15: {  	[smem:$0x3FAD] =	sst s0;
	s0 =	simm.s32 @!p2 $0x0  }
0x16: {  	s3 =	sld [smem:$0x3FDB];
	s0 =	simm.s32 @p2 $0x1  }
0x17: {  	s4 =	simm.s32 $0x1BF5;
	[smem:$0x3FAF] =	sst s0  }
0x18: {  	s0 =	sld [smem:$0x3F92];
	_ =	swait.ge [sflag:s4], $0x0  }
0x19: {  	s7 =	sld [smem:$0x3F93]  }
0x1a: {  	s8 =	sadd.s32 $0xFFFFE003, lr  }
0x1b: {  	s9 =	sadd.s32 $0xFFFFFEF7, lr;
	s5 =	simm.s32 $0xFFFFFFFF;
	p2 =	slt.u32 s8, $0xFFFFF086  }
0x1c: {  	p1 =	slt.u32 s9, $0xF7A;
	s5 =	simm.s32 @!p2 $0x0  }
0x1d: {  	s5 =	simm.s32 @p1 $0x1;
	p0 =	seq.s32 s7, s2  }
0x1e: {  	s7 =	smul.u32 @!p0 $0xF7A, s2;
	p2 =	seq.s32 @!p0 s5, $0x0  }
0x1f: {  	s9 =	smul.u32 $0xF7A, s1;
	s8 =	simm.s32 @!p0 $0x1BF5;
	p2 =	por !p2, p0  }
0x20: {  	[sflag:s8] =	ssyncset.s32 @!p0 $0xFFFFF086;
	s6 =	sadd.s32 @!p0 s3, s7;
	s7 =	simm.s32 @!p0 $0x108  }
0x21: {  	s3 =	sadd.s32 s3, s9;
	s6 =	sadd.s32 @!p0 $0x88, s6;
	s7 =	simm.s32 @p2 $0x1082  }
0x22: {  	[simem:s7], [sflag:s8] =	dma.local @!p0 [hbm:s6], $0xF7A  }
0x23: {  	s9 =	sor.u32 $0xD0000000, s2;
	s6 =	simm.s32 $0x108;
	_ =	swait.ge @!p0 [sflag:s8], $0x0  }
0x24: {  	s3 =	sadd.s32 $0x88, s3;
	s6 =	simm.s32 @!p1 $0x1082;
	[sflag:s4] =	ssyncset.s32 $0xFFFFF086  }
0x25: {  	[simem:s6], [sflag:s4] =	dma.local [hbm:s3], $0xF7A  }
0x26: {  	[smem:$0x3F93] =	sst s1;
	(tag) =	ssettag s2;
	_ =	strace s9  }
0x27: {  	s1 =	sld [smem:$0x3FA3]  }
0x28: {  	s2 =	sld [smem:$0x3FA4]  }
0x29: {  	s4 =	sld [smem:$0x3FA6]  }
0x2a: {  	p0 =	seq.s32 s5, $0x0;
	s5 =	sld [smem:$0x3FA7]  }
0x2b: {  	s6 =	sld [smem:$0x3FA8]  }
0x2c: {  	s7 =	sld [smem:$0x3FA9]  }
0x2d: {  	s3 =	simm.s32 $0x108;
	s8 =	sld [smem:$0x3FAA]  }
0x2e: {  	s3 =	simm.s32 @!p0 $0x1082;
	s9 =	sld [smem:$0x3FAB]  }
0x2f: {  	lr =	sadd.s32 s0, s3;
	s0 =	sld [smem:$0x3FA2]  }
0x30: {  	s3 =	sld [smem:$0x3FA5]  }
0x31: {  	[smem:$0x3FAE] =	sst s10  }
0x32: {  	s10 =	sld [smem:$0x3FAC];
	_ =	sdelay $0x3  }
0x33: {  	p0 =	seq.s32 s10, $0x1;
	s10 =	sld [smem:$0x3FAE];
	_ =	sdelay $0x3  }
0x34: {  	[smem:$0x3FAE] =	sst s10  }
0x35: {  	s10 =	sld [smem:$0x3FAD];
	_ =	sdelay $0x3  }
0x36: {  	p1 =	seq.s32 s10, $0x1;
	s10 =	sld [smem:$0x3FAE];
	_ =	sdelay $0x3  }
0x37: {  	[smem:$0x3FAE] =	sst s10  }
0x38: {  	s10 =	sld [smem:$0x3FAF]  }
0x39: {  	_ = 	snop;
	(pc) =	sbr.ind lr, $3  }
0x3a: {  	_ = 	snop  }
0x3b: {  	_ = 	snop  }
0x3c: {  	p2 =	seq.s32 s10, $0x1;
	s10 =	sld [smem:$0x3FAE]  }
0x3d: {  	_ =	shalt  }
0x3e: {  	_ =	shalt  }
0x3f: {  	_ =	shalt  }
0x40: {  	_ =	shalt  }
0x41: {  	_ =	shalt  }
0x42: {  	_ =	shalt  }
0x43: {  	_ =	shalt  }
0x44: {  	_ =	shalt  }
0x45: {  	_ =	shalt  }
0x46: {  	_ =	shalt  }
0x47: {  	_ =	shalt  }
0x48: {  	_ =	shalt  }
0x49: {  	_ =	shalt  }
0x4a: {  	_ =	shalt  }
0x4b: {  	_ =	shalt  }
0x4c: {  	_ =	shalt  }
0x4d: {  	_ =	shalt  }
0x4e: {  	_ =	shalt  }
0x4f: {  	_ =	shalt  }
0x50: {  	_ =	shalt  }
0x51: {  	_ =	shalt  }
0x52: {  	_ =	shalt  }
0x53: {  	_ =	shalt  }
0x54: {  	_ =	shalt  }
0x55: {  	_ =	shalt  }
0x56: {  	_ =	shalt  }
0x57: {  	_ =	shalt  }
0x58: {  	_ =	shalt  }
0x59: {  	_ =	shalt  }
0x5a: {  	_ =	shalt  }
0x5b: {  	_ =	shalt  }
0x5c: {  	_ =	shalt  }
0x5d: {  	_ =	shalt  }
0x5e: {  	_ =	shalt  }
0x5f: {  	_ =	shalt  }
0x60: {  	_ =	shalt  }
0x61: {  	_ =	shalt  }
0x62: {  	_ =	shalt  }
0x63: {  	_ =	shalt  }
0x64: {  	_ =	shalt  }
0x65: {  	_ =	shalt  }
0x66: {  	_ =	shalt  }
0x67: {  	_ =	shalt  }
0x68: {  	_ =	shalt  }
0x69: {  	_ =	shalt  }
0x6a: {  	_ =	shalt  }
0x6b: {  	_ =	shalt  }
0x6c: {  	_ =	shalt  }
0x6d: {  	_ =	shalt  }
0x6e: {  	_ =	shalt  }
0x6f: {  	_ =	shalt  }
0x70: {  	_ =	shalt  }
0x71: {  	_ =	shalt  }
0x72: {  	_ =	shalt  }
0x73: {  	_ =	shalt  }
0x74: {  	_ =	shalt  }
0x75: {  	_ =	shalt  }
0x76: {  	_ =	shalt  }
0x77: {  	_ =	shalt  }
0x78: {  	_ =	shalt  }
0x79: {  	_ =	shalt  }
0x7a: {  	_ =	shalt  }
0x7b: {  	_ =	shalt  }
0x7c: {  	_ =	shalt  }
0x7d: {  	_ =	shalt  }
0x7e: {  	_ =	shalt  }
0x7f: {  	_ =	shalt  }
0x80: {  	_ =	shalt  }
0x81: {  	_ =	shalt  }
0x82: {  	_ =	shalt  }
0x83: {  	_ =	shalt  }
0x84: {  	_ =	shalt  }
0x85: {  	_ =	shalt  }
0x86: {  	_ =	shalt  }
0x87: {  	_ =	shalt  }
.Lfunc_end0:
.L_simem_size_0:
called_computation.1_lowered:
.L_overlay_start_0:
0x88: {  	s2 =	sld [smem:$0x3FD9]  }
0x89: {  	s3 =	sld [smem:$0x3FFE];
	_ =	sdelay $0x1  }
0x8a: {  	s1 =	srdreg.scid  }
0x8b: {  	s0 =	sand.u32 $0x1, s1  }
0x8c: {  	s17 =	sshll.u32 s0, $0xA;
	s2 =	sadd.s32 s3, s2  }
0x8d: {  	s2 =	sadd.s32 s2, s17  }
0x8e: {  	[smem:$0x3FBA] =	sst s2  }
0x8f: {  	_ = 	snop  }
0x90: {  	s2 =	sld [smem:$0x3FD0];
	(tm) =	ssettm $0x1  }
0x91: {  	s18 =	sld [smem:$0x3FFB];
	_ =	sdelay $0x3  }
0x92: {  	_ =	strace s18  }
0x93: {  	s3 =	sld [smem:$0x3FFC];
	_ =	sdelay $0x3  }
0x94: {  	_ =	strace s3  }
0x95: {  	s3 =	sld [smem:$0x3FFD];
	_ =	sdelay $0x3  }
0x96: {  	_ =	strace s3  }
0x97: {  	_ =	strace $0x8FFFFFFF  }
0x98: {  	s19 =	sld [smem:$0x3FDB];
	_ =	sdelay $0x1  }
0x99: {  	s4 =	simm.s32 $_scs_section_size  }
0x9a: {  	s5 =	simm.s32 $_size__tile_overlayer_lowered;
	s6 =	simm.s32 $_tile_overlayer_lowered  }
0x9b: {  	s22 =	simm.s32 $0x1BFF;
	s21 =	sshll.u32 s6, $0x1;
	s3 =	sadd.s32 s4, s19  }
0x9c: {  	s7 =	simm.s32 $0x0;
	s20 =	sshll.u32 s5, $0x1;
	s5 =	sadd.s32 s21, s3  }
0x9d: {  	[timem:s7], [sflag:s22] =	dma.local [hbm:s5], s20  }
0x9e: {  	_ =	swait.ge [sflag:s22], s20  }
0x9f: {  	s4 =	ssub.s32 $0x0, s20;
	[sflag:s22] =	ssyncset.done $0x0  }
0xa0: {  	[sflag:s22] =	ssyncadd.s32 s4;
	_ =	sdelay $0x1  }
0xa1: {  	s23 =	simm.s32 $0x1B8B  }
0xa2: {  	_ =	swait.ge [sflag:s23], $0x1  }
0xa3: {  	[sflag:s23] =	ssyncset.done $0x0  }
0xa4: {  	s25 =	simm.s32 $0x1B8E;
	s24 =	sld [smem:$0x3FFE];
	[sflag:s23] =	ssyncadd.s32 $0xFFFFFFFF  }
0xa5: {  	s26 =	simm.s32 $execute0_lowered;
	[smem:$0x3FD2] =	sst s25  }
0xa6: {  	s5 =	sshll.u32 s26, $0x1;
	_ =	strace $0x80000049;
	[dreg:$0x1] =	wrdreg $0xFFFFFFFF  }
0xa7: {  	s28 =	simm.s32 $_size_execute0_lowered;
	s3 =	sadd.s32 s3, s5;
	[dreg:$0x0] =	wrdreg $0x0  }
0xa8: {  	s5 =	sshll.u32 s28, $0x1;
	[dreg:$0x2] =	wrdreg s3  }
0xa9: {  	[dreg:$0x3] =	wrdreg s5  }
0xaa: {  	[dreg:$0x4] =	wrdreg $0xC0  }
0xab: {  	_ =	task [dreg:s7], $0x5FFFF  }
0xac: {  	[dreg:$0x1] =	wrdreg $0xFFFFFFFF  }
0xad: {  	[dreg:$0x0] =	wrdreg $0x60  }
0xae: {  	[dreg:$0x2] =	wrdreg s2  }
0xaf: {  	[dreg:$0x3] =	wrdreg s24  }
0xb0: {  	[dreg:$0x4] =	wrdreg $0x0  }
0xb1: {  	[dreg:$0x5] =	wrdreg $0x9  }
0xb2: {  	_ =	task.clear_ibuf [dreg:s7], $0x6FFFF;
	_ =	strace $0x90000049  }
0xb3: {  	s29 =	simm.s32 $0x9;
	_ =	strace $0x8000004B  }
0xb4: {  	_ =	swait.ge [sflag:s29], $0x1  }
0xb5: {  	[sflag:s29] =	ssyncadd.s32 $0xFFFFFFFF  }
0xb6: {  	_ =	strace $0x9000004B  }
0xb7: {  	_ =	sfence  }
0xb8: {  	s30 =	sld [smem:$0x0];
	_ =	sdelay $0x2  }
0xb9: {  	s31 =	sshll.u32 s1, $0xD;
	s1 =	sshrl.u32 s1, $0x2  }
0xba: {  	s3 =	sand.u32 $0x4000, s31;
	s1 =	sadd.s32 s1, s30  }
0xbb: {  	s0 =	sor.u32 s3, s0;
	s1 =	sshll.u32 s1, $0x11  }
0xbc: {  	s0 =	sor.u32 s1, s0  }
0xbd: {  	s0 =	sadd.s32 $0x8F2B, s0  }
0xbe: {  	[sflag:s0] =	ssyncadd.remote.s32 $0x1  }
0xbf: {  	_ =	sfence.sel $0xFFFF  }
0xc0: {  	[dreg:$0x0] =	wrdreg $0xFFFFFFFF;
	(pc) =	sbr.abs _section_cstart, $3  }
0xc1: {  	[dreg:$0x1] =	wrdreg $0xFFFFFFFF  }
0xc2: {  	_ =	task.clear_ibuf [dreg:s7], $0x2FFFF;
	_ =	strace $0x9FFFFFFF  }
0xc3: {  	(tm) =	ssettm $0x7FFFFFFF  }
tec
execute0_lowered:
.L_overlay_start_1:
0x0: {  	(tag) =	ssettag $0x1  }
0x1: {  	s1 =	rddreg [dreg:$0x0]  }
0x2: {  	s0 =	rddreg [dreg:$0x1]  }
0x3: {  	s3 =	rddreg [dreg:$0x2]  }
0x4: {  	s2 =	srdreg.scid;
	s10 =	stileid.u32;
	s4 =	simm.s32 $0x0  }
0x5: {  	s29 =	simm.s32 $0x5;
	s31 =	simm.s32 $0x6;
	s5 =	smul.u32 $0x2800, s10  }
0x6: {  	s2 =	sand.u32 $0x1, s2;
	[smem:$0x7FF] =	sst s4;
	s9 =	smul.u32 $0x50000, s10  }
0x7: {  	s7 =	sadd.s32 $0x2A00, s0;
	s8 =	sadd.s32 $0x17E00, s0;
	s12 =	smul.u32 $0x5000, s10  }
0x8: {  	s11 =	sshll.u32 s10, $0x6;
	s6 =	smul.u32 $0x28000, s2;
	_ =	strace $0x8000004A  }
0x9: {  	[dreg:$0x4] =	wrdreg s8;
	s26 =	sshll.u32 s2, $0x4;
	s28 =	ssub.s32 $0x2, s2  }
0xa: {  	s2 =	smul.u32 $0x50000, s2;
	[dreg:$0x5] =	wrdreg s11;
	s13 =	sor.u32 $0x1C0B, s11  }
0xb: {  	s11 =	simm.s32 $0x14800;
	s30 =	sshrl.u32 s28, $0x1;
	s9 =	sshrl.u32 s9, $0x2  }
0xc: {  	[dreg:$0x7] =	wrdreg s13;
	s13 =	simm.s32 $0x4;
	s5 =	sadd.s32 s5, s6  }
0xd: {  	s6 =	sor.u32 s10, s26;
	s8 =	sadd.s32 s9, s3;
	s2 =	sadd.s32 s12, s2  }
0xe: {  	s10 =	simm.s32 $0x80;
	s12 =	simm.s32 $0x18800;
	s0 =	sadd.s32 s5, s0  }
0xf: {  	s6 =	smul.u32 $0x5000, s6;
	s5 =	ssub.s32 s28, s30;
	[dreg:$0x6] =	wrdreg s8  }
0x10: {  	s17 =	sor.u32 $0xF00, s2;
	s18 =	sor.u32 $0xE00, s2;
	s21 =	sor.u32 $0xD00, s2  }
0x11: {  	s22 =	sor.u32 $0xC00, s2;
	s23 =	sor.u32 $0xB00, s2;
	s24 =	sor.u32 $0xA00, s2  }
0x12: {  	s25 =	sor.u32 $0x900, s2;
	s2 =	sor.u32 $0x800, s2;
	s8 =	sshrl.u32 s18, $0x3  }
0x13: {  	s9 =	sshrl.u32 s23, $0x3;
	s2 =	sshrl.u32 s2, $0x3;
	s0 =	sadd.s32 $0x1A600, s0  }
0x14: {  	s28 =	smax.u32 s5, $0x1;
	s6 =	sshrl.u32 s6, $0x3;
	[dreg:$0xf] =	wrdreg s0  }
0x15: {  	s5 =	simm.s32 $0x14600;
	[dreg:$0x10] =	wrdreg s28;
	s14 =	sadd.s32 s7, s6  }
0x16: {  	s23 =	simm.s32 $0x0;
	s6 =	sadd.s32 $0x20, s14;
	[dreg:$0x8] =	wrdreg s14  }
0x17: {  	s15 =	sadd.s32 $0x40, s14;
	s16 =	sadd.s32 $0x60, s14;
	[dreg:$0x9] =	wrdreg s6  }
0x18: {  	s19 =	sadd.s32 $0x80, s14;
	s20 =	sadd.s32 $0xA0, s14;
	[dreg:$0xa] =	wrdreg s15  }
0x19: {  	s26 =	sadd.s32 $0xC0, s14;
	s30 =	sadd.s32 $0xE0, s14;
	[dreg:$0xb] =	wrdreg s16  }
0x1a: {  	s14 =	simm.s32 $0x9;
	[dreg:$0xc] =	wrdreg s19;
	s6 =	sshrl.u32 s17, $0x3  }
0x1b: {  	[dreg:$0xd] =	wrdreg s20;
	s16 =	sadd.s32 s8, s7;
	s8 =	sshrl.u32 s22, $0x3  }
0x1c: {  	s19 =	sadd.s32 s9, s7;
	s22 =	sadd.s32 s2, s7;
	[dreg:$0xe] =	wrdreg s26  }
0x1d: {  	[dreg:$0x11] =	wrdreg s30;
	s26 =	simm.s32 $0xA;
	s2 =	simm.s32 $0x7  }
.Ltmp0:
0x1e: {  	s9 =	simm.s32 $0x8;
	s15 =	sadd.s32 s6, s7;
	(pc) =	sbr.rel .LBB2_1-.Ltmp0, $4  }
0x1f: {  	s6 =	sshrl.u32 s21, $0x3;
	s18 =	sadd.s32 s8, s7;
	s8 =	sshrl.u32 s25, $0x3  }
0x20: {  	s25 =	simm.s32 $0x3;
	s17 =	sadd.s32 s6, s7;
	s6 =	sshrl.u32 s24, $0x3  }
0x21: {  	s21 =	sadd.s32 s8, s7;
	s8 =	simm.s32 $0x1;
	s24 =	simm.s32 $0xC  }
0x22: {  	s20 =	sadd.s32 s6, s7;
	s7 =	simm.s32 $0x14700;
	s6 =	simm.s32 $0x2  }
.LBB2_4:
0x23: {  	_ =	swait.ge [sflag:s26], $0x4000  }
0x24: {  	[sflag:s26] =	ssyncset.done $0x0  }
0x25: {  	s0 =	simm.s32 $0x14780;
	[sflag:s26] =	ssyncadd.s32 $0xFFFFC000  }
0x26: {  	[spmem:s3] =	stream.indirect.scatter.add.f32 [tilespmem:s12], [sflag:$0xC], $0x80, s0, s10, $0xb8;
	[tilespmem:$0x1C800] =	vst v63  }
0x27: {  	_ =	swait.ge [sflag:s24], $0x4000  }
0x28: {  	[sflag:s24] =	ssyncset.done $0x0  }
0x29: {  	[sflag:s24] =	ssyncadd.s32 $0xFFFFC000  }
0x2a: {  	[bflag:$0x0] =	sbarrier.arrive $0xFFFF  }
0x2b: {  	s23 =	rddreg [dreg:$0x5]  }
0x2c: {  	s28 =	rddreg [dreg:$0x13]  }
0x2d: {  	s0 =	sor.u32 $0x1C0C, s23;
	s23 =	rddreg [dreg:$0xf]  }
0x2e: {  	[hbm:s23], [sflag:s0] =	dma.local [spmem:s28], $0x2800  }
0x2f: {  	_ =	swait.ge [sflag:s24], $0x2800  }
0x30: {  	s28 =	rddreg [dreg:$0x12]  }
0x31: {  	s30 =	rddreg [dreg:$0x10];
	s23 =	sadd.s32 $0x1, s28  }
0x32: {  	p0 =	sne.s32 s23, s30  }
.Ltmp1:
0x33: {  	_ = 	snop;
	(pc) =	sbr.rel @!p0 .LBB2_5-.Ltmp1, $3  }
0x34: {  	_ =	sdelay $0x1  }
0x35: {  	[sflag:s24] =	ssyncset.done $0x0  }
0x36: {  	[sflag:s24] =	ssyncadd.s32 $0xFFFFD800  }
.LBB2_1:
0x37: {  	[dreg:$0x12] =	wrdreg s23  }
0x38: {  	s0 =	rddreg [dreg:$0x6]  }
0x39: {  	s23 =	rddreg [dreg:$0x4]  }
0x3a: {  	s30 =	rddreg [dreg:$0x7];
	s28 =	sshrl.u32 s0, $0x3  }
0x3b: {  	[dreg:$0x13] =	wrdreg s28  }
0x3c: {  	[spmem:s28], [sflag:s30] =	dma.local [hbm:s23], $0x2800  }
0x3d: {  	s23 =	simm.s32 $0x14000;
	s0 =	rddreg [dreg:$0x8]  }
0x3e: {  	[tilespmem:s23], [sflag:$0x1] =	stream.linear.gather [hbm4b:s0+s4], $0x100, $0x38;
	[tilespmem:$0x1C800] =	vst v63  }
0x3f: {  	s28 =	simm.s32 $0x14100;
	s30 =	rddreg [dreg:$0x9]  }
0x40: {  	[tilespmem:s28], [sflag:$0x2] =	stream.linear.gather [hbm4b:s30+s4], $0x100, $0x38;
	[tilespmem:$0x1C800] =	vst v63  }
0x41: {  	s0 =	rddreg [dreg:$0xa];
	s30 =	simm.s32 $0x14200  }
0x42: {  	[tilespmem:s30], [sflag:$0x3] =	stream.linear.gather [hbm4b:s0+s4], $0x100, $0x38;
	[tilespmem:$0x1C800] =	vst v63  }
0x43: {  	s0 =	rddreg [dreg:$0xb];
	s30 =	simm.s32 $0x14300  }
0x44: {  	[tilespmem:s30], [sflag:$0x4] =	stream.linear.gather [hbm4b:s0+s4], $0x100, $0x38;
	[tilespmem:$0x1C800] =	vst v63  }
0x45: {  	s0 =	rddreg [dreg:$0xc];
	s30 =	simm.s32 $0x14400  }
0x46: {  	[tilespmem:s30], [sflag:$0x5] =	stream.linear.gather [hbm4b:s0+s4], $0x100, $0x38;
	[tilespmem:$0x1C800] =	vst v63  }
0x47: {  	s0 =	rddreg [dreg:$0xd];
	s30 =	simm.s32 $0x14500  }
0x48: {  	[tilespmem:s30], [sflag:$0x6] =	stream.linear.gather [hbm4b:s0+s4], $0x100, $0x38;
	[tilespmem:$0x1C800] =	vst v63  }
0x49: {  	s30 =	rddreg [dreg:$0xe]  }
0x4a: {  	[tilespmem:s5], [sflag:$0x7] =	stream.linear.gather [hbm4b:s30+s4], $0x100, $0x38;
	[tilespmem:$0x1C800] =	vst v63  }
0x4b: {  	s30 =	rddreg [dreg:$0x11]  }
0x4c: {  	[tilespmem:s7], [sflag:$0x8] =	stream.linear.gather [hbm4b:s30+s4], $0x100, $0x38;
	[tilespmem:$0x1C800] =	vst v63  }
0x4d: {  	_ =	swait.ge [sflag:s8], $0x100  }
0x4e: {  	[sflag:s8] =	ssyncset.done $0x0  }
0x4f: {  	[sflag:s8] =	ssyncadd.s32 $0xFFFFFF00  }
0x50: {  	[tilespmem:s11], [sflag:$0x9] =	stream.indirect.gather [hbm4b:s1+s10], $0x80, s23, s10, $0xb8;
	[tilespmem:$0x1C800] =	vst v63  }
0x51: {  	_ =	swait.ge [sflag:s6], $0x100  }
0x52: {  	[sflag:s6] =	ssyncset.done $0x0  }
0x53: {  	s30 =	simm.s32 $0xB;
	[sflag:s6] =	ssyncadd.s32 $0xFFFFFF00  }
0x54: {  	[tilespmem:s12], [sflag:$0xA] =	stream.indirect.gather [hbm4b:s1+s10], $0x80, s28, s10, $0xb8;
	[tilespmem:$0x1C800] =	vst v63  }
0x55: {  	_ =	swait.ge [sflag:s30], $0x2800  }
0x56: {  	[sflag:s30] =	ssyncset.done $0x0  }
0x57: {  	[sflag:s30] =	ssyncadd.s32 $0xFFFFD800  }
0x58: {  	s0 =	simm.s32 $0x0;
	[bflag:$0x0] =	sbarrier.arrive $0xFFFF  }
.LBB2_2:
0x59: {  	_ =	swait.ge [sflag:s14], $0x4000  }
0x5a: {  	[sflag:s14] =	ssyncset.done $0x0  }
0x5b: {  	s23 =	simm.s32 $0x14080;
	[sflag:s14] =	ssyncadd.s32 $0xFFFFC000  }
0x5c: {  	[spmem:s3] =	stream.indirect.scatter.add.f32 [tilespmem:s11], [sflag:$0xC], $0x80, s23, s10, $0xb8;
	[tilespmem:$0x1C800] =	vst v63  }
0x5d: {  	p0 =	seq.s32 s0, $0x900;
	_ =	swait.ge [sflag:s24], $0x4000  }
0x5e: {  	s28 =	sadd.s32 @!p0 s0, s22;
	[sflag:s24] =	ssyncset.done $0x0  }
0x5f: {  	s30 =	simm.s32 @!p0 $0x14000;
	s23 =	simm.s32 @!p0 $0x0;
	[sflag:s24] =	ssyncadd.s32 $0xFFFFC000  }
0x60: {  	[tilespmem:s30], [sflag:$0x1] =	stream.linear.gather @!p0 [hbm4b:s28+s23], $0x100, $0x38;
	[tilespmem:$0x1C800] =	vst v63  }
0x61: {  	_ =	swait.ge [sflag:s25], $0x100  }
0x62: {  	[sflag:s25] =	ssyncset.done $0x0  }
0x63: {  	s30 =	simm.s32 $0x14200;
	[sflag:s25] =	ssyncadd.s32 $0xFFFFFF00  }
0x64: {  	[tilespmem:s11], [sflag:$0x9] =	stream.indirect.gather [hbm4b:s1+s10], $0x80, s30, s10, $0xb8;
	[tilespmem:$0x1C800] =	vst v63  }
0x65: {  	_ =	swait.ge [sflag:s26], $0x4000  }
0x66: {  	[sflag:s26] =	ssyncset.done $0x0  }
0x67: {  	s30 =	simm.s32 $0x14180;
	[sflag:s26] =	ssyncadd.s32 $0xFFFFC000  }
0x68: {  	[spmem:s3] =	stream.indirect.scatter.add.f32 [tilespmem:s12], [sflag:$0xC], $0x80, s30, s10, $0xb8;
	[tilespmem:$0x1C800] =	vst v63  }
0x69: {  	_ =	swait.ge [sflag:s24], $0x4000  }
0x6a: {  	[sflag:s24] =	ssyncset.done $0x0  }
0x6b: {  	s28 =	sadd.s32 @!p0 s0, s21;
	s30 =	simm.s32 @!p0 $0x14100;
	[sflag:s24] =	ssyncadd.s32 $0xFFFFC000  }
0x6c: {  	[tilespmem:s30], [sflag:$0x2] =	stream.linear.gather @!p0 [hbm4b:s28+s23], $0x100, $0x38;
	[tilespmem:$0x1C800] =	vst v63  }
0x6d: {  	_ =	swait.ge [sflag:s13], $0x100  }
0x6e: {  	[sflag:s13] =	ssyncset.done $0x0  }
0x6f: {  	s30 =	simm.s32 $0x14300;
	[sflag:s13] =	ssyncadd.s32 $0xFFFFFF00  }
0x70: {  	[tilespmem:s12], [sflag:$0xA] =	stream.indirect.gather [hbm4b:s1+s10], $0x80, s30, s10, $0xb8;
	[tilespmem:$0x1C800] =	vst v63  }
0x71: {  	_ =	swait.ge [sflag:s14], $0x4000  }
0x72: {  	[sflag:s14] =	ssyncset.done $0x0  }
0x73: {  	s30 =	simm.s32 $0x14280;
	[sflag:s14] =	ssyncadd.s32 $0xFFFFC000  }
0x74: {  	[spmem:s3] =	stream.indirect.scatter.add.f32 [tilespmem:s11], [sflag:$0xC], $0x80, s30, s10, $0xb8;
	[tilespmem:$0x1C800] =	vst v63  }
0x75: {  	_ =	swait.ge [sflag:s24], $0x4000  }
0x76: {  	[sflag:s24] =	ssyncset.done $0x0  }
0x77: {  	s28 =	sadd.s32 @!p0 s0, s20;
	s30 =	simm.s32 @!p0 $0x14200;
	[sflag:s24] =	ssyncadd.s32 $0xFFFFC000  }
0x78: {  	[tilespmem:s30], [sflag:$0x3] =	stream.linear.gather @!p0 [hbm4b:s28+s23], $0x100, $0x38;
	[tilespmem:$0x1C800] =	vst v63  }
0x79: {  	_ =	swait.ge [sflag:s29], $0x100  }
0x7a: {  	[sflag:s29] =	ssyncset.done $0x0  }
0x7b: {  	s30 =	simm.s32 $0x14400;
	[sflag:s29] =	ssyncadd.s32 $0xFFFFFF00  }
0x7c: {  	[tilespmem:s11], [sflag:$0x9] =	stream.indirect.gather [hbm4b:s1+s10], $0x80, s30, s10, $0xb8;
	[tilespmem:$0x1C800] =	vst v63  }
0x7d: {  	_ =	swait.ge [sflag:s26], $0x4000  }
0x7e: {  	[sflag:s26] =	ssyncset.done $0x0  }
0x7f: {  	s30 =	simm.s32 $0x14380;
	[sflag:s26] =	ssyncadd.s32 $0xFFFFC000  }
0x80: {  	[spmem:s3] =	stream.indirect.scatter.add.f32 [tilespmem:s12], [sflag:$0xC], $0x80, s30, s10, $0xb8;
	[tilespmem:$0x1C800] =	vst v63  }
0x81: {  	_ =	swait.ge [sflag:s24], $0x4000  }
0x82: {  	[sflag:s24] =	ssyncset.done $0x0  }
0x83: {  	s28 =	sadd.s32 @!p0 s0, s19;
	s30 =	simm.s32 @!p0 $0x14300;
	[sflag:s24] =	ssyncadd.s32 $0xFFFFC000  }
0x84: {  	[tilespmem:s30], [sflag:$0x4] =	stream.linear.gather @!p0 [hbm4b:s28+s23], $0x100, $0x38;
	[tilespmem:$0x1C800] =	vst v63  }
0x85: {  	_ =	swait.ge [sflag:s31], $0x100  }
0x86: {  	[sflag:s31] =	ssyncset.done $0x0  }
0x87: {  	s30 =	simm.s32 $0x14500;
	[sflag:s31] =	ssyncadd.s32 $0xFFFFFF00  }
0x88: {  	[tilespmem:s12], [sflag:$0xA] =	stream.indirect.gather [hbm4b:s1+s10], $0x80, s30, s10, $0xb8;
	[tilespmem:$0x1C800] =	vst v63  }
0x89: {  	_ =	swait.ge [sflag:s14], $0x4000  }
0x8a: {  	[sflag:s14] =	ssyncset.done $0x0  }
0x8b: {  	s30 =	simm.s32 $0x14480;
	[sflag:s14] =	ssyncadd.s32 $0xFFFFC000  }
0x8c: {  	[spmem:s3] =	stream.indirect.scatter.add.f32 [tilespmem:s11], [sflag:$0xC], $0x80, s30, s10, $0xb8;
	[tilespmem:$0x1C800] =	vst v63  }
0x8d: {  	_ =	swait.ge [sflag:s24], $0x4000  }
0x8e: {  	[sflag:s24] =	ssyncset.done $0x0  }
0x8f: {  	s28 =	sadd.s32 @!p0 s0, s18;
	s30 =	simm.s32 @!p0 $0x14400;
	[sflag:s24] =	ssyncadd.s32 $0xFFFFC000  }
0x90: {  	[tilespmem:s30], [sflag:$0x5] =	stream.linear.gather @!p0 [hbm4b:s28+s23], $0x100, $0x38;
	[tilespmem:$0x1C800] =	vst v63  }
0x91: {  	_ =	swait.ge [sflag:s2], $0x100  }
0x92: {  	[sflag:s2] =	ssyncset.done $0x0  }
0x93: {  	[sflag:s2] =	ssyncadd.s32 $0xFFFFFF00  }
0x94: {  	[tilespmem:s11], [sflag:$0x9] =	stream.indirect.gather [hbm4b:s1+s10], $0x80, s5, s10, $0xb8;
	[tilespmem:$0x1C800] =	vst v63  }
0x95: {  	_ =	swait.ge [sflag:s26], $0x4000  }
0x96: {  	[sflag:s26] =	ssyncset.done $0x0  }
0x97: {  	s30 =	simm.s32 $0x14580;
	[sflag:s26] =	ssyncadd.s32 $0xFFFFC000  }
0x98: {  	[spmem:s3] =	stream.indirect.scatter.add.f32 [tilespmem:s12], [sflag:$0xC], $0x80, s30, s10, $0xb8;
	[tilespmem:$0x1C800] =	vst v63  }
0x99: {  	_ =	swait.ge [sflag:s24], $0x4000  }
0x9a: {  	[sflag:s24] =	ssyncset.done $0x0  }
0x9b: {  	s28 =	sadd.s32 @!p0 s0, s17;
	s30 =	simm.s32 @!p0 $0x14500;
	[sflag:s24] =	ssyncadd.s32 $0xFFFFC000  }
0x9c: {  	[tilespmem:s30], [sflag:$0x6] =	stream.linear.gather @!p0 [hbm4b:s28+s23], $0x100, $0x38;
	[tilespmem:$0x1C800] =	vst v63  }
0x9d: {  	_ =	swait.ge [sflag:s9], $0x100  }
0x9e: {  	[sflag:s9] =	ssyncset.done $0x0  }
0x9f: {  	[sflag:s9] =	ssyncadd.s32 $0xFFFFFF00  }
0xa0: {  	[tilespmem:s12], [sflag:$0xA] =	stream.indirect.gather [hbm4b:s1+s10], $0x80, s7, s10, $0xb8;
	[tilespmem:$0x1C800] =	vst v63  }
0xa1: {  	_ =	swait.ge [sflag:s14], $0x4000  }
0xa2: {  	[sflag:s14] =	ssyncset.done $0x0  }
.Ltmp2:
0xa3: {  	s30 =	simm.s32 $0x14680;
	[sflag:s14] =	ssyncadd.s32 $0xFFFFC000;
	(pc) =	sbr.rel @p0 .LBB2_4-.Ltmp2, $4  }
0xa4: {  	[spmem:s3] =	stream.indirect.scatter.add.f32 [tilespmem:s11], [sflag:$0xC], $0x80, s30, s10, $0xb8;
	[tilespmem:$0x1C800] =	vst v63  }
0xa5: {  	_ =	swait.ge [sflag:s24], $0x4000  }
0xa6: {  	[sflag:s24] =	ssyncset.done $0x0  }
0xa7: {  	[sflag:s24] =	ssyncadd.s32 $0xFFFFC000  }
0xa8: {  	s23 =	sadd.s32 s0, s16  }
0xa9: {  	[tilespmem:s5], [sflag:$0x7] =	stream.linear.gather [hbm4b:s23+s4], $0x100, $0x38;
	[tilespmem:$0x1C800] =	vst v63  }
0xaa: {  	_ =	swait.ge [sflag:s8], $0x100  }
0xab: {  	[sflag:s8] =	ssyncset.done $0x0  }
0xac: {  	s28 =	simm.s32 $0x14000;
	[sflag:s8] =	ssyncadd.s32 $0xFFFFFF00  }
0xad: {  	[tilespmem:s11], [sflag:$0x9] =	stream.indirect.gather [hbm4b:s1+s10], $0x80, s28, s10, $0xb8;
	[tilespmem:$0x1C800] =	vst v63  }
0xae: {  	_ =	swait.ge [sflag:s26], $0x4000  }
0xaf: {  	[sflag:s26] =	ssyncset.done $0x0  }
0xb0: {  	s30 =	simm.s32 $0x14780;
	[sflag:s26] =	ssyncadd.s32 $0xFFFFC000  }
0xb1: {  	[spmem:s3] =	stream.indirect.scatter.add.f32 [tilespmem:s12], [sflag:$0xC], $0x80, s30, s10, $0xb8;
	[tilespmem:$0x1C800] =	vst v63  }
0xb2: {  	_ =	swait.ge [sflag:s24], $0x4000  }
0xb3: {  	[sflag:s24] =	ssyncset.done $0x0  }
0xb4: {  	s28 =	sadd.s32 s0, s15;
	[sflag:s24] =	ssyncadd.s32 $0xFFFFC000  }
0xb5: {  	[tilespmem:s7], [sflag:$0x8] =	stream.linear.gather [hbm4b:s28+s4], $0x100, $0x38;
	[tilespmem:$0x1C800] =	vst v63  }
.Ltmp3:
0xb6: {  	_ = 	snop;
	(pc) =	sbr.rel .LBB2_2-.Ltmp3, $4  }
0xb7: {  	_ =	swait.ge [sflag:s6], $0x100  }
0xb8: {  	[sflag:s6] =	ssyncset.done $0x0  }
0xb9: {  	s0 =	sadd.s32 $0x100, s0;
	s30 =	simm.s32 $0x14100;
	[sflag:s6] =	ssyncadd.s32 $0xFFFFFF00  }
0xba: {  	[tilespmem:s12], [sflag:$0xA] =	stream.indirect.gather [hbm4b:s1+s10], $0x80, s30, s10, $0xb8;
	[tilespmem:$0x1C800] =	vst v63  }
.LBB2_5:
0xbb: {  	_ =	sfence.sel $0x180000  }
0xbc: {  	[bflag:$0x0] =	sbarrier.arrive $0xFFFF  }
0xbd: {  	_ =	strace $0x9000004A  }
0xbe: {  	s0 =	stileid.u32;
	[bflag:$0x2] =	sbarrier.arrive $0xFFFF  }
0xbf: {  	p0 =	sne.s32 s0, $0x0;
	s0 =	rddreg [dreg:$0x3]  }
0xc0: {  	s0 =	sadd.s32 @!p0 $0x100000, s0  }
0xc1: {  	[sflag:s0] =	ssyncadd.tile.s32 @!p0 $0x1;
	_ =	shalt  }
.Lfunc_end2:
_tile_overlayer_lowered:
.L_overlay_start_2:
0xc2: {  	(tag) =	ssettag $0x2  }
0xc3: {  	s0 =	rddreg [dreg:$0x0];
	s2 =	stileid.u32  }
0xc4: {  	s1 =	rddreg [dreg:$0x1];
	p0 =	sne.s32 s2, $0x0  }
0xc5: {  	s3 =	rddreg [dreg:$0x2];
	[bflag:$0x3] =	sbarrier.arrive $0xFFFF;
	s2 =	simm.s32 @!p0 $0x1C0C  }
0xc6: {  	[timem:s3], [sflag:s2] =	dma.local @!p0 [hbm:s0], s1  }
0xc7: {  	s0 =	simm.s32 @!p0 $0xC  }
0xc8: {  	_ =	swait.ge @!p0 [sflag:s0], s1  }
0xc9: {  	s1 =	ssub.s32 @!p0 $0x0, s1;
	[sflag:s0] =	ssyncset.done @!p0 $0x0  }
0xca: {  	[sflag:s0] =	ssyncadd.s32 @!p0 s1  }
0xcb: {  	[bflag:$0x3] =	sbarrier.arrive $0xFFFF  }
0xcc: {  	_ =	shalt  }

// kernel: kernel.15.cloned.1.call-start
scs
__scs_entry_jumppad:
0x0: {  	(pc) =	sbr.rel $0x88, $3  }
0x1: {  	(tag) =	ssettag $0x0;
	lr =	simm.s32 $0x1  }
0x2: {  	[smem:$0x3F93] =	sst lr;
	_ =	strace $0xD0000000  }
0x3: {  	_ = 	snop  }
0x4: {  	_ = 	snop  }
0x5: {  	_ = 	snop  }
0x6: {  	_ = 	snop  }
0x7: {  	_ = 	snop  }
__scs_overlays_trampoline_lowered:
0x8: {  	[smem:$0x3FA2] =	sst s0  }
0x9: {  	[smem:$0x3FA3] =	sst s1  }
0xa: {  	[smem:$0x3FA4] =	sst s2  }
0xb: {  	[smem:$0x3FA5] =	sst s3  }
0xc: {  	[smem:$0x3FA6] =	sst s4  }
0xd: {  	[smem:$0x3FA7] =	sst s5  }
0xe: {  	[smem:$0x3FA8] =	sst s6  }
0xf: {  	[smem:$0x3FA9] =	sst s7  }
0x10: {  	[smem:$0x3FAA] =	sst s8  }
0x11: {  	[smem:$0x3FAB] =	sst s9;
	s0 =	simm.s32 @!p0 $0x0  }
0x12: {  	s1 =	sld [smem:$0x3F91];
	s0 =	simm.s32 @p0 $0x1  }
0x13: {  	[smem:$0x3FAC] =	sst s0;
	s0 =	simm.s32 @!p1 $0x0  }
0x14: {  	s2 =	sld [smem:$0x3F90];
	s0 =	simm.s32 @p1 $0x1  }
0x15: {  	[smem:$0x3FAD] =	sst s0;
	s0 =	simm.s32 @!p2 $0x0  }
0x16: {  	s3 =	sld [smem:$0x3FDB];
	s0 =	simm.s32 @p2 $0x1  }
0x17: {  	s4 =	simm.s32 $0x1BF5;
	[smem:$0x3FAF] =	sst s0  }
0x18: {  	s0 =	sld [smem:$0x3F92];
	_ =	swait.ge [sflag:s4], $0x0  }
0x19: {  	s7 =	sld [smem:$0x3F93]  }
0x1a: {  	s8 =	sadd.s32 $0xFFFFE003, lr  }
0x1b: {  	s9 =	sadd.s32 $0xFFFFFEF7, lr;
	s5 =	simm.s32 $0xFFFFFFFF;
	p2 =	slt.u32 s8, $0xFFFFF086  }
0x1c: {  	p1 =	slt.u32 s9, $0xF7A;
	s5 =	simm.s32 @!p2 $0x0  }
0x1d: {  	s5 =	simm.s32 @p1 $0x1;
	p0 =	seq.s32 s7, s2  }
0x1e: {  	s7 =	smul.u32 @!p0 $0xF7A, s2;
	p2 =	seq.s32 @!p0 s5, $0x0  }
0x1f: {  	s9 =	smul.u32 $0xF7A, s1;
	s8 =	simm.s32 @!p0 $0x1BF5;
	p2 =	por !p2, p0  }
0x20: {  	[sflag:s8] =	ssyncset.s32 @!p0 $0xFFFFF086;
	s6 =	sadd.s32 @!p0 s3, s7;
	s7 =	simm.s32 @!p0 $0x108  }
0x21: {  	s3 =	sadd.s32 s3, s9;
	s6 =	sadd.s32 @!p0 $0x88, s6;
	s7 =	simm.s32 @p2 $0x1082  }
0x22: {  	[simem:s7], [sflag:s8] =	dma.local @!p0 [hbm:s6], $0xF7A  }
0x23: {  	s9 =	sor.u32 $0xD0000000, s2;
	s6 =	simm.s32 $0x108;
	_ =	swait.ge @!p0 [sflag:s8], $0x0  }
0x24: {  	s3 =	sadd.s32 $0x88, s3;
	s6 =	simm.s32 @!p1 $0x1082;
	[sflag:s4] =	ssyncset.s32 $0xFFFFF086  }
0x25: {  	[simem:s6], [sflag:s4] =	dma.local [hbm:s3], $0xF7A  }
0x26: {  	[smem:$0x3F93] =	sst s1;
	(tag) =	ssettag s2;
	_ =	strace s9  }
0x27: {  	s1 =	sld [smem:$0x3FA3]  }
0x28: {  	s2 =	sld [smem:$0x3FA4]  }
0x29: {  	s4 =	sld [smem:$0x3FA6]  }
0x2a: {  	p0 =	seq.s32 s5, $0x0;
	s5 =	sld [smem:$0x3FA7]  }
0x2b: {  	s6 =	sld [smem:$0x3FA8]  }
0x2c: {  	s7 =	sld [smem:$0x3FA9]  }
0x2d: {  	s3 =	simm.s32 $0x108;
	s8 =	sld [smem:$0x3FAA]  }
0x2e: {  	s3 =	simm.s32 @!p0 $0x1082;
	s9 =	sld [smem:$0x3FAB]  }
0x2f: {  	lr =	sadd.s32 s0, s3;
	s0 =	sld [smem:$0x3FA2]  }
0x30: {  	s3 =	sld [smem:$0x3FA5]  }
0x31: {  	[smem:$0x3FAE] =	sst s10  }
0x32: {  	s10 =	sld [smem:$0x3FAC];
	_ =	sdelay $0x3  }
0x33: {  	p0 =	seq.s32 s10, $0x1;
	s10 =	sld [smem:$0x3FAE];
	_ =	sdelay $0x3  }
0x34: {  	[smem:$0x3FAE] =	sst s10  }
0x35: {  	s10 =	sld [smem:$0x3FAD];
	_ =	sdelay $0x3  }
0x36: {  	p1 =	seq.s32 s10, $0x1;
	s10 =	sld [smem:$0x3FAE];
	_ =	sdelay $0x3  }
0x37: {  	[smem:$0x3FAE] =	sst s10  }
0x38: {  	s10 =	sld [smem:$0x3FAF]  }
0x39: {  	_ = 	snop;
	(pc) =	sbr.ind lr, $3  }
0x3a: {  	_ = 	snop  }
0x3b: {  	_ = 	snop  }
0x3c: {  	p2 =	seq.s32 s10, $0x1;
	s10 =	sld [smem:$0x3FAE]  }
0x3d: {  	_ =	shalt  }
0x3e: {  	_ =	shalt  }
0x3f: {  	_ =	shalt  }
0x40: {  	_ =	shalt  }
0x41: {  	_ =	shalt  }
0x42: {  	_ =	shalt  }
0x43: {  	_ =	shalt  }
0x44: {  	_ =	shalt  }
0x45: {  	_ =	shalt  }
0x46: {  	_ =	shalt  }
0x47: {  	_ =	shalt  }
0x48: {  	_ =	shalt  }
0x49: {  	_ =	shalt  }
0x4a: {  	_ =	shalt  }
0x4b: {  	_ =	shalt  }
0x4c: {  	_ =	shalt  }
0x4d: {  	_ =	shalt  }
0x4e: {  	_ =	shalt  }
0x4f: {  	_ =	shalt  }
0x50: {  	_ =	shalt  }
0x51: {  	_ =	shalt  }
0x52: {  	_ =	shalt  }
0x53: {  	_ =	shalt  }
0x54: {  	_ =	shalt  }
0x55: {  	_ =	shalt  }
0x56: {  	_ =	shalt  }
0x57: {  	_ =	shalt  }
0x58: {  	_ =	shalt  }
0x59: {  	_ =	shalt  }
0x5a: {  	_ =	shalt  }
0x5b: {  	_ =	shalt  }
0x5c: {  	_ =	shalt  }
0x5d: {  	_ =	shalt  }
0x5e: {  	_ =	shalt  }
0x5f: {  	_ =	shalt  }
0x60: {  	_ =	shalt  }
0x61: {  	_ =	shalt  }
0x62: {  	_ =	shalt  }
0x63: {  	_ =	shalt  }
0x64: {  	_ =	shalt  }
0x65: {  	_ =	shalt  }
0x66: {  	_ =	shalt  }
0x67: {  	_ =	shalt  }
0x68: {  	_ =	shalt  }
0x69: {  	_ =	shalt  }
0x6a: {  	_ =	shalt  }
0x6b: {  	_ =	shalt  }
0x6c: {  	_ =	shalt  }
0x6d: {  	_ =	shalt  }
0x6e: {  	_ =	shalt  }
0x6f: {  	_ =	shalt  }
0x70: {  	_ =	shalt  }
0x71: {  	_ =	shalt  }
0x72: {  	_ =	shalt  }
0x73: {  	_ =	shalt  }
0x74: {  	_ =	shalt  }
0x75: {  	_ =	shalt  }
0x76: {  	_ =	shalt  }
0x77: {  	_ =	shalt  }
0x78: {  	_ =	shalt  }
0x79: {  	_ =	shalt  }
0x7a: {  	_ =	shalt  }
0x7b: {  	_ =	shalt  }
0x7c: {  	_ =	shalt  }
0x7d: {  	_ =	shalt  }
0x7e: {  	_ =	shalt  }
0x7f: {  	_ =	shalt  }
0x80: {  	_ =	shalt  }
0x81: {  	_ =	shalt  }
0x82: {  	_ =	shalt  }
0x83: {  	_ =	shalt  }
0x84: {  	_ =	shalt  }
0x85: {  	_ =	shalt  }
0x86: {  	_ =	shalt  }
0x87: {  	_ =	shalt  }
.Lfunc_end0:
.L_simem_size_0:
called_computation.2_lowered:
.L_overlay_start_0:
0x88: {  	s2 =	sld [smem:$0x3FD9]  }
0x89: {  	s3 =	sld [smem:$0x3FFE];
	_ =	sdelay $0x1  }
0x8a: {  	s1 =	srdreg.scid  }
0x8b: {  	s0 =	sand.u32 $0x1, s1  }
0x8c: {  	s17 =	sshll.u32 s0, $0xA;
	s2 =	sadd.s32 s3, s2  }
0x8d: {  	s2 =	sadd.s32 s2, s17  }
0x8e: {  	[smem:$0x3FBA] =	sst s2  }
0x8f: {  	_ = 	snop  }
0x90: {  	s2 =	sld [smem:$0x3FD0];
	(tm) =	ssettm $0x1  }
0x91: {  	s18 =	sld [smem:$0x3FFB];
	_ =	sdelay $0x3  }
0x92: {  	_ =	strace s18  }
0x93: {  	s3 =	sld [smem:$0x3FFC];
	_ =	sdelay $0x3  }
0x94: {  	_ =	strace s3  }
0x95: {  	s3 =	sld [smem:$0x3FFD];
	_ =	sdelay $0x3  }
0x96: {  	_ =	strace s3  }
0x97: {  	_ =	strace $0x8FFFFFFF  }
0x98: {  	s19 =	sld [smem:$0x3FDB];
	_ =	sdelay $0x1  }
0x99: {  	s4 =	simm.s32 $_scs_section_size  }
0x9a: {  	s5 =	simm.s32 $_size__tile_overlayer_lowered;
	s6 =	simm.s32 $_tile_overlayer_lowered  }
0x9b: {  	s22 =	simm.s32 $0x1BFF;
	s21 =	sshll.u32 s6, $0x1;
	s3 =	sadd.s32 s4, s19  }
0x9c: {  	s7 =	simm.s32 $0x0;
	s20 =	sshll.u32 s5, $0x1;
	s5 =	sadd.s32 s21, s3  }
0x9d: {  	[timem:s7], [sflag:s22] =	dma.local [hbm:s5], s20  }
0x9e: {  	_ =	swait.ge [sflag:s22], s20  }
0x9f: {  	s4 =	ssub.s32 $0x0, s20;
	[sflag:s22] =	ssyncset.done $0x0  }
0xa0: {  	[sflag:s22] =	ssyncadd.s32 s4;
	_ =	sdelay $0x1  }
0xa1: {  	s23 =	simm.s32 $0x1B8B  }
0xa2: {  	_ =	swait.ge [sflag:s23], $0x1  }
0xa3: {  	[sflag:s23] =	ssyncset.done $0x0  }
0xa4: {  	s25 =	simm.s32 $0x1B8E;
	s24 =	sld [smem:$0x3FFE];
	[sflag:s23] =	ssyncadd.s32 $0xFFFFFFFF  }
0xa5: {  	s26 =	simm.s32 $execute0_lowered;
	[smem:$0x3FD2] =	sst s25  }
0xa6: {  	s5 =	sshll.u32 s26, $0x1;
	_ =	strace $0x8000004C;
	[dreg:$0x1] =	wrdreg $0xFFFFFFFF  }
0xa7: {  	s28 =	simm.s32 $_size_execute0_lowered;
	s3 =	sadd.s32 s3, s5;
	[dreg:$0x0] =	wrdreg $0x0  }
0xa8: {  	s5 =	sshll.u32 s28, $0x1;
	[dreg:$0x2] =	wrdreg s3  }
0xa9: {  	[dreg:$0x3] =	wrdreg s5  }
0xaa: {  	[dreg:$0x4] =	wrdreg $0xC0  }
0xab: {  	_ =	task [dreg:s7], $0x5FFFF  }
0xac: {  	[dreg:$0x1] =	wrdreg $0xFFFFFFFF  }
0xad: {  	[dreg:$0x0] =	wrdreg $0x60  }
0xae: {  	[dreg:$0x2] =	wrdreg s2  }
0xaf: {  	[dreg:$0x3] =	wrdreg s24  }
0xb0: {  	[dreg:$0x4] =	wrdreg $0x0  }
0xb1: {  	[dreg:$0x5] =	wrdreg $0x9  }
0xb2: {  	_ =	task.clear_ibuf [dreg:s7], $0x6FFFF;
	_ =	strace $0x9000004C  }
0xb3: {  	s29 =	simm.s32 $0x9;
	_ =	strace $0x8000004E  }
0xb4: {  	_ =	swait.ge [sflag:s29], $0x1  }
0xb5: {  	[sflag:s29] =	ssyncadd.s32 $0xFFFFFFFF  }
0xb6: {  	_ =	strace $0x9000004E  }
0xb7: {  	_ =	sfence  }
0xb8: {  	s30 =	sld [smem:$0x0];
	_ =	sdelay $0x2  }
0xb9: {  	s31 =	sshll.u32 s1, $0xD;
	s1 =	sshrl.u32 s1, $0x2  }
0xba: {  	s3 =	sand.u32 $0x4000, s31;
	s1 =	sadd.s32 s1, s30  }
0xbb: {  	s0 =	sor.u32 s3, s0;
	s1 =	sshll.u32 s1, $0x11  }
0xbc: {  	s0 =	sor.u32 s1, s0  }
0xbd: {  	s0 =	sadd.s32 $0x8F2B, s0  }
0xbe: {  	[sflag:s0] =	ssyncadd.remote.s32 $0x1  }
0xbf: {  	_ =	sfence.sel $0xFFFF  }
0xc0: {  	[dreg:$0x0] =	wrdreg $0xFFFFFFFF;
	(pc) =	sbr.abs _section_cstart, $3  }
0xc1: {  	[dreg:$0x1] =	wrdreg $0xFFFFFFFF  }
0xc2: {  	_ =	task.clear_ibuf [dreg:s7], $0x2FFFF;
	_ =	strace $0x9FFFFFFF  }
0xc3: {  	(tm) =	ssettm $0x7FFFFFFF  }
tec
execute0_lowered:
.L_overlay_start_1:
0x0: {  	(tag) =	ssettag $0x1  }
0x1: {  	s1 =	rddreg [dreg:$0x0]  }
0x2: {  	s0 =	rddreg [dreg:$0x1]  }
0x3: {  	s3 =	rddreg [dreg:$0x2]  }
0x4: {  	s2 =	srdreg.scid;
	s9 =	stileid.u32;
	s5 =	simm.s32 $0x0  }
0x5: {  	s28 =	simm.s32 $0x10800;
	s29 =	simm.s32 $0x9;
	s30 =	simm.s32 $0xB  }
0x6: {  	s2 =	sand.u32 $0x1, s2;
	s4 =	smul.u32 $0x1400, s9;
	[smem:$0x7FF] =	sst s5  }
0x7: {  	s6 =	sadd.s32 $0x2A00, s0;
	s7 =	sadd.s32 $0x16A00, s0;
	s8 =	smul.u32 $0x28000, s9  }
0x8: {  	s10 =	sshll.u32 s9, $0x6;
	s24 =	smul.u32 $0x14000, s2;
	_ =	strace $0x8000004D  }
0x9: {  	[dreg:$0x4] =	wrdreg s7;
	s25 =	sshll.u32 s2, $0x4;
	s26 =	ssub.s32 $0x2, s2  }
0xa: {  	s2 =	smul.u32 $0x50000, s2;
	[dreg:$0x5] =	wrdreg s10;
	s10 =	sor.u32 $0x1C0D, s10  }
0xb: {  	s5 =	sor.u32 s9, s25;
	s31 =	sshrl.u32 s26, $0x1;
	s8 =	sshrl.u32 s8, $0x2  }
0xc: {  	s9 =	smul.u32 $0x5000, s9;
	[dreg:$0x7] =	wrdreg s10;
	s10 =	simm.s32 $0x80  }
0xd: {  	s4 =	sadd.s32 s4, s24;
	s5 =	smul.u32 $0x5000, s5;
	s7 =	sadd.s32 s8, s3  }
0xe: {  	s0 =	sadd.s32 s4, s0;
	s4 =	ssub.s32 s26, s31;
	[dreg:$0x6] =	wrdreg s7  }
0xf: {  	s2 =	sadd.s32 s9, s2;
	s9 =	simm.s32 $0x5;
	s5 =	sshrl.u32 s5, $0x3  }
0x10: {  	s14 =	sor.u32 $0xF00, s2;
	s15 =	sor.u32 $0xE00, s2;
	s19 =	sor.u32 $0xD00, s2  }
0x11: {  	s20 =	sor.u32 $0xC00, s2;
	s21 =	sor.u32 $0xB00, s2;
	s23 =	sor.u32 $0xA00, s2  }
0x12: {  	s24 =	sor.u32 $0x900, s2;
	s2 =	sor.u32 $0x800, s2;
	s0 =	sadd.s32 $0x17E00, s0  }
0x13: {  	s26 =	smax.u32 s4, $0x1;
	s11 =	sadd.s32 s6, s5;
	[dreg:$0x13] =	wrdreg s0  }
0x14: {  	s7 =	sshrl.u32 s15, $0x3;
	s8 =	sshrl.u32 s21, $0x3;
	[dreg:$0x14] =	wrdreg s26  }
0x15: {  	s2 =	sshrl.u32 s2, $0x3;
	s5 =	sadd.s32 $0x20, s11;
	[dreg:$0x8] =	wrdreg s11  }
0x16: {  	s26 =	simm.s32 $0xE;
	s12 =	sadd.s32 $0x40, s11;
	[dreg:$0x9] =	wrdreg s5  }
0x17: {  	s0 =	simm.s32 $0x7;
	s13 =	sadd.s32 $0x60, s11;
	[dreg:$0xa] =	wrdreg s12  }
0x18: {  	s15 =	simm.s32 $0x0;
	s16 =	sadd.s32 $0x80, s11;
	[dreg:$0xb] =	wrdreg s13  }
0x19: {  	s17 =	sadd.s32 $0xA0, s11;
	s18 =	sadd.s32 s7, s6;
	[dreg:$0xc] =	wrdreg s16  }
0x1a: {  	s7 =	sshrl.u32 s20, $0x3;
	s25 =	sadd.s32 $0xC0, s11;
	[dreg:$0xd] =	wrdreg s17  }
0x1b: {  	s31 =	sadd.s32 $0xE0, s11;
	s11 =	simm.s32 $0xA800;
	[dreg:$0xf] =	wrdreg s18  }
0x1c: {  	s5 =	sshrl.u32 s14, $0x3;
	s22 =	sadd.s32 s7, s6;
	[dreg:$0x12] =	wrdreg s25  }
0x1d: {  	s7 =	sshrl.u32 s24, $0x3;
	[dreg:$0x15] =	wrdreg s31;
	s12 =	simm.s32 $0xC800  }
0x1e: {  	s13 =	simm.s32 $0x3;
	s14 =	simm.s32 $0xE800;
	s24 =	simm.s32 $0x6  }
0x1f: {  	s5 =	sadd.s32 s5, s6;
	[dreg:$0x11] =	wrdreg s22;
	s21 =	sadd.s32 s7, s6  }
.Ltmp0:
0x20: {  	s22 =	sadd.s32 s2, s6;
	s7 =	simm.s32 $0xA700;
	(pc) =	sbr.rel .LBB2_1-.Ltmp0, $4  }
0x21: {  	s2 =	simm.s32 $0xC;
	[dreg:$0xe] =	wrdreg s5;
	s5 =	sshrl.u32 s19, $0x3  }
0x22: {  	s19 =	sadd.s32 s8, s6;
	s8 =	simm.s32 $0xA;
	s5 =	sadd.s32 s5, s6  }
0x23: {  	[dreg:$0x10] =	wrdreg s5;
	s5 =	sshrl.u32 s23, $0x3;
	s23 =	simm.s32 $0x4  }
0x24: {  	s20 =	sadd.s32 s5, s6;
	s5 =	simm.s32 $0xA600;
	s6 =	simm.s32 $0x8  }
.LBB2_4:
0x25: {  	_ =	swait.ge [sflag:s2], $0x2000  }
0x26: {  	[sflag:s2] =	ssyncset.done $0x0  }
0x27: {  	s4 =	simm.s32 $0xA780;
	[sflag:s2] =	ssyncadd.s32 $0xFFFFE000  }
0x28: {  	[spmem:s3] =	stream.indirect.scatter.add.f32 [tilespmem:s28], [sflag:$0xE], $0x40, s4, s10, $0xb8;
	[tilespmem:$0x12800] =	vst v63  }
0x29: {  	_ =	swait.ge [sflag:s26], $0x2000  }
0x2a: {  	[sflag:s26] =	ssyncset.done $0x0  }
0x2b: {  	[sflag:s26] =	ssyncadd.s32 $0xFFFFE000  }
0x2c: {  	[bflag:$0x0] =	sbarrier.arrive $0xFFFF  }
0x2d: {  	s18 =	rddreg [dreg:$0x5]  }
0x2e: {  	s15 =	rddreg [dreg:$0x13]  }
0x2f: {  	s16 =	rddreg [dreg:$0x17];
	s4 =	sor.u32 $0x1C0E, s18  }
0x30: {  	[hbm:s15], [sflag:s4] =	dma.local [spmem:s16], $0x1400  }
0x31: {  	_ =	swait.ge [sflag:s26], $0x1400  }
0x32: {  	s25 =	rddreg [dreg:$0x16]  }
0x33: {  	s31 =	rddreg [dreg:$0x14];
	s15 =	sadd.s32 $0x1, s25  }
0x34: {  	p0 =	sne.s32 s15, s31  }
.Ltmp1:
0x35: {  	_ = 	snop;
	(pc) =	sbr.rel @!p0 .LBB2_5-.Ltmp1, $3  }
0x36: {  	_ =	sdelay $0x1  }
0x37: {  	[sflag:s26] =	ssyncset.done $0x0  }
0x38: {  	[sflag:s26] =	ssyncadd.s32 $0xFFFFEC00  }
.LBB2_1:
0x39: {  	[dreg:$0x16] =	wrdreg s15  }
0x3a: {  	s4 =	rddreg [dreg:$0x6]  }
0x3b: {  	s15 =	rddreg [dreg:$0x4]  }
0x3c: {  	s17 =	rddreg [dreg:$0x7];
	s16 =	sshrl.u32 s4, $0x3  }
0x3d: {  	[dreg:$0x17] =	wrdreg s16  }
0x3e: {  	[spmem:s16], [sflag:s17] =	dma.local [hbm:s15], $0x1400  }
0x3f: {  	s4 =	simm.s32 $0x0;
	s16 =	simm.s32 $0xA000;
	s15 =	rddreg [dreg:$0x8]  }
0x40: {  	[tilespmem:s16], [sflag:$0x1] =	stream.linear.gather [hbm4b:s15+s4], $0x100, $0x38;
	[tilespmem:$0x12800] =	vst v63  }
0x41: {  	s17 =	simm.s32 $0xA100;
	s18 =	rddreg [dreg:$0x9]  }
0x42: {  	[tilespmem:s17], [sflag:$0x2] =	stream.linear.gather [hbm4b:s18+s4], $0x100, $0x38;
	[tilespmem:$0x12800] =	vst v63  }
0x43: {  	s25 =	rddreg [dreg:$0xa];
	s18 =	simm.s32 $0xA200  }
0x44: {  	[tilespmem:s18], [sflag:$0x3] =	stream.linear.gather [hbm4b:s25+s4], $0x100, $0x38;
	[tilespmem:$0x12800] =	vst v63  }
0x45: {  	s31 =	rddreg [dreg:$0xb];
	s25 =	simm.s32 $0xA300  }
0x46: {  	[tilespmem:s25], [sflag:$0x4] =	stream.linear.gather [hbm4b:s31+s4], $0x100, $0x38;
	[tilespmem:$0x12800] =	vst v63  }
0x47: {  	s15 =	rddreg [dreg:$0xc];
	s31 =	simm.s32 $0xA400  }
0x48: {  	[tilespmem:s31], [sflag:$0x5] =	stream.linear.gather [hbm4b:s15+s4], $0x100, $0x38;
	[tilespmem:$0x12800] =	vst v63  }
0x49: {  	s15 =	rddreg [dreg:$0xd];
	s31 =	simm.s32 $0xA500  }
0x4a: {  	[tilespmem:s31], [sflag:$0x6] =	stream.linear.gather [hbm4b:s15+s4], $0x100, $0x38;
	[tilespmem:$0x12800] =	vst v63  }
0x4b: {  	s31 =	rddreg [dreg:$0x12]  }
0x4c: {  	[tilespmem:s5], [sflag:$0x7] =	stream.linear.gather [hbm4b:s31+s4], $0x100, $0x38;
	[tilespmem:$0x12800] =	vst v63  }
0x4d: {  	s15 =	simm.s32 $0x1;
	s31 =	rddreg [dreg:$0x15]  }
0x4e: {  	[tilespmem:s7], [sflag:$0x8] =	stream.linear.gather [hbm4b:s31+s4], $0x100, $0x38;
	[tilespmem:$0x12800] =	vst v63  }
0x4f: {  	_ =	swait.ge [sflag:s15], $0x100  }
0x50: {  	[sflag:s15] =	ssyncset.done $0x0  }
0x51: {  	[sflag:s15] =	ssyncadd.s32 $0xFFFFFF00  }
0x52: {  	[tilespmem:s11], [sflag:$0x9] =	stream.indirect.gather [hbm4b:s1+s10], $0x40, s16, s10, $0xb8;
	[tilespmem:$0x12800] =	vst v63  }
0x53: {  	s16 =	simm.s32 $0x2  }
0x54: {  	_ =	swait.ge [sflag:s16], $0x100  }
0x55: {  	[sflag:s16] =	ssyncset.done $0x0  }
0x56: {  	[sflag:s16] =	ssyncadd.s32 $0xFFFFFF00  }
0x57: {  	[tilespmem:s12], [sflag:$0xA] =	stream.indirect.gather [hbm4b:s1+s10], $0x40, s17, s10, $0xb8;
	[tilespmem:$0x12800] =	vst v63  }
0x58: {  	_ =	swait.ge [sflag:s13], $0x100  }
0x59: {  	[sflag:s13] =	ssyncset.done $0x0  }
0x5a: {  	[sflag:s13] =	ssyncadd.s32 $0xFFFFFF00  }
0x5b: {  	[tilespmem:s14], [sflag:$0xB] =	stream.indirect.gather [hbm4b:s1+s10], $0x40, s18, s10, $0xb8;
	[tilespmem:$0x12800] =	vst v63  }
0x5c: {  	_ =	swait.ge [sflag:s23], $0x100  }
0x5d: {  	[sflag:s23] =	ssyncset.done $0x0  }
0x5e: {  	s31 =	simm.s32 $0xD;
	[sflag:s23] =	ssyncadd.s32 $0xFFFFFF00  }
0x5f: {  	[tilespmem:s28], [sflag:$0xC] =	stream.indirect.gather [hbm4b:s1+s10], $0x40, s25, s10, $0xb8;
	[tilespmem:$0x12800] =	vst v63  }
0x60: {  	_ =	swait.ge [sflag:s31], $0x1400  }
0x61: {  	[sflag:s31] =	ssyncset.done $0x0  }
0x62: {  	[sflag:s31] =	ssyncadd.s32 $0xFFFFEC00  }
0x63: {  	s25 =	simm.s32 $0x0;
	[bflag:$0x0] =	sbarrier.arrive $0xFFFF  }
.LBB2_2:
0x64: {  	_ =	swait.ge [sflag:s29], $0x2000  }
0x65: {  	[sflag:s29] =	ssyncset.done $0x0  }
0x66: {  	s4 =	simm.s32 $0xA080;
	[sflag:s29] =	ssyncadd.s32 $0xFFFFE000  }
0x67: {  	[spmem:s3] =	stream.indirect.scatter.add.f32 [tilespmem:s11], [sflag:$0xE], $0x40, s4, s10, $0xb8;
	[tilespmem:$0x12800] =	vst v63  }
0x68: {  	p0 =	seq.s32 s25, $0x900;
	_ =	swait.ge [sflag:s26], $0x2000  }
0x69: {  	s15 =	sadd.s32 @!p0 s25, s22;
	[sflag:s26] =	ssyncset.done $0x0  }
0x6a: {  	s31 =	simm.s32 @!p0 $0x0;
	s4 =	simm.s32 @!p0 $0xA000;
	[sflag:s26] =	ssyncadd.s32 $0xFFFFE000  }
0x6b: {  	[tilespmem:s4], [sflag:$0x1] =	stream.linear.gather @!p0 [hbm4b:s15+s31], $0x100, $0x38;
	[tilespmem:$0x12800] =	vst v63  }
0x6c: {  	_ =	swait.ge [sflag:s9], $0x100  }
0x6d: {  	[sflag:s9] =	ssyncset.done $0x0  }
0x6e: {  	s18 =	simm.s32 $0xA400;
	[sflag:s9] =	ssyncadd.s32 $0xFFFFFF00  }
0x6f: {  	[tilespmem:s11], [sflag:$0x9] =	stream.indirect.gather [hbm4b:s1+s10], $0x40, s18, s10, $0xb8;
	[tilespmem:$0x12800] =	vst v63  }
0x70: {  	_ =	swait.ge [sflag:s8], $0x2000  }
0x71: {  	[sflag:s8] =	ssyncset.done $0x0  }
0x72: {  	s16 =	simm.s32 $0xA180;
	[sflag:s8] =	ssyncadd.s32 $0xFFFFE000  }
0x73: {  	[spmem:s3] =	stream.indirect.scatter.add.f32 [tilespmem:s12], [sflag:$0xE], $0x40, s16, s10, $0xb8;
	[tilespmem:$0x12800] =	vst v63  }
0x74: {  	_ =	swait.ge [sflag:s26], $0x2000  }
0x75: {  	[sflag:s26] =	ssyncset.done $0x0  }
0x76: {  	s15 =	simm.s32 @!p0 $0xA100;
	s16 =	sadd.s32 @!p0 s25, s21;
	[sflag:s26] =	ssyncadd.s32 $0xFFFFE000  }
0x77: {  	[tilespmem:s15], [sflag:$0x2] =	stream.linear.gather @!p0 [hbm4b:s16+s31], $0x100, $0x38;
	[tilespmem:$0x12800] =	vst v63  }
0x78: {  	_ =	swait.ge [sflag:s24], $0x100  }
0x79: {  	[sflag:s24] =	ssyncset.done $0x0  }
0x7a: {  	s17 =	simm.s32 $0xA500;
	[sflag:s24] =	ssyncadd.s32 $0xFFFFFF00  }
0x7b: {  	[tilespmem:s12], [sflag:$0xA] =	stream.indirect.gather [hbm4b:s1+s10], $0x40, s17, s10, $0xb8;
	[tilespmem:$0x12800] =	vst v63  }
0x7c: {  	_ =	swait.ge [sflag:s30], $0x2000  }
0x7d: {  	[sflag:s30] =	ssyncset.done $0x0  }
0x7e: {  	s18 =	simm.s32 $0xA280;
	[sflag:s30] =	ssyncadd.s32 $0xFFFFE000  }
0x7f: {  	[spmem:s3] =	stream.indirect.scatter.add.f32 [tilespmem:s14], [sflag:$0xE], $0x40, s18, s10, $0xb8;
	[tilespmem:$0x12800] =	vst v63  }
0x80: {  	_ =	swait.ge [sflag:s26], $0x2000  }
0x81: {  	[sflag:s26] =	ssyncset.done $0x0  }
0x82: {  	s16 =	sadd.s32 @!p0 s25, s20;
	s17 =	simm.s32 @!p0 $0xA200;
	[sflag:s26] =	ssyncadd.s32 $0xFFFFE000  }
0x83: {  	[tilespmem:s17], [sflag:$0x3] =	stream.linear.gather @!p0 [hbm4b:s16+s31], $0x100, $0x38;
	[tilespmem:$0x12800] =	vst v63  }
0x84: {  	_ =	swait.ge [sflag:s0], $0x100  }
0x85: {  	[sflag:s0] =	ssyncset.done $0x0  }
0x86: {  	[sflag:s0] =	ssyncadd.s32 $0xFFFFFF00  }
0x87: {  	[tilespmem:s14], [sflag:$0xB] =	stream.indirect.gather [hbm4b:s1+s10], $0x40, s5, s10, $0xb8;
	[tilespmem:$0x12800] =	vst v63  }
0x88: {  	_ =	swait.ge [sflag:s2], $0x2000  }
0x89: {  	[sflag:s2] =	ssyncset.done $0x0  }
0x8a: {  	s17 =	simm.s32 $0xA380;
	[sflag:s2] =	ssyncadd.s32 $0xFFFFE000  }
0x8b: {  	[spmem:s3] =	stream.indirect.scatter.add.f32 [tilespmem:s28], [sflag:$0xE], $0x40, s17, s10, $0xb8;
	[tilespmem:$0x12800] =	vst v63  }
0x8c: {  	_ =	swait.ge [sflag:s26], $0x2000  }
0x8d: {  	[sflag:s26] =	ssyncset.done $0x0  }
0x8e: {  	s16 =	sadd.s32 @!p0 s25, s19;
	s17 =	simm.s32 @!p0 $0xA300;
	[sflag:s26] =	ssyncadd.s32 $0xFFFFE000  }
0x8f: {  	[tilespmem:s17], [sflag:$0x4] =	stream.linear.gather @!p0 [hbm4b:s16+s31], $0x100, $0x38;
	[tilespmem:$0x12800] =	vst v63  }
0x90: {  	_ =	swait.ge [sflag:s6], $0x100  }
0x91: {  	[sflag:s6] =	ssyncset.done $0x0  }
0x92: {  	[sflag:s6] =	ssyncadd.s32 $0xFFFFFF00  }
0x93: {  	[tilespmem:s28], [sflag:$0xC] =	stream.indirect.gather [hbm4b:s1+s10], $0x40, s7, s10, $0xb8;
	[tilespmem:$0x12800] =	vst v63  }
0x94: {  	_ =	swait.ge [sflag:s29], $0x2000  }
0x95: {  	[sflag:s29] =	ssyncset.done $0x0  }
0x96: {  	s18 =	simm.s32 $0xA480;
	[sflag:s29] =	ssyncadd.s32 $0xFFFFE000  }
0x97: {  	[spmem:s3] =	stream.indirect.scatter.add.f32 [tilespmem:s11], [sflag:$0xE], $0x40, s18, s10, $0xb8;
	[tilespmem:$0x12800] =	vst v63  }
0x98: {  	_ =	swait.ge [sflag:s26], $0x2000  }
0x99: {  	[sflag:s26] =	ssyncset.done $0x0  }
0x9a: {  	s16 =	simm.s32 @p0 $0xA;
	[sflag:s26] =	ssyncadd.s32 $0xFFFFE000  }
0x9b: {  	_ =	swait.ge @p0 [sflag:s16], $0x2000  }
0x9c: {  	s17 =	simm.s32 @p0 $0xA580;
	[sflag:s16] =	ssyncset.done @p0 $0x0  }
0x9d: {  	s18 =	simm.s32 @p0 $0xC800;
	[sflag:s16] =	ssyncadd.s32 @p0 $0xFFFFE000;
	s16 =	simm.s32 @p0 $0x80  }
0x9e: {  	[spmem:s3] =	stream.indirect.scatter.add.f32 @p0 [tilespmem:s18], [sflag:$0xE], $0x40, s17, s16, $0xb8;
	[tilespmem:$0x12800] =	vst v63  }
0x9f: {  	s16 =	simm.s32 @p0 $0xE  }
0xa0: {  	_ =	swait.ge @p0 [sflag:s16], $0x2000  }
0xa1: {  	[sflag:s16] =	ssyncset.done @p0 $0x0  }
0xa2: {  	[sflag:s16] =	ssyncadd.s32 @p0 $0xFFFFE000;
	s16 =	rddreg [dreg:$0x11]  }
0xa3: {  	s17 =	simm.s32 @!p0 $0xA400;
	s16 =	sadd.s32 @!p0 s25, s16  }
0xa4: {  	[tilespmem:s17], [sflag:$0x5] =	stream.linear.gather @!p0 [hbm4b:s16+s31], $0x100, $0x38;
	[tilespmem:$0x12800] =	vst v63  }
0xa5: {  	s16 =	simm.s32 @!p0 $0x1  }
0xa6: {  	_ =	swait.ge @!p0 [sflag:s16], $0x100  }
0xa7: {  	[sflag:s16] =	ssyncset.done @!p0 $0x0  }
0xa8: {  	s17 =	simm.s32 @!p0 $0xA800;
	[sflag:s16] =	ssyncadd.s32 @!p0 $0xFFFFFF00;
	s16 =	simm.s32 @!p0 $0x80  }
0xa9: {  	[tilespmem:s17], [sflag:$0x9] =	stream.indirect.gather @!p0 [hbm4b:s1+s16], $0x40, s4, s16, $0xb8;
	[tilespmem:$0x12800] =	vst v63  }
0xaa: {  	s4 =	simm.s32 @!p0 $0xA  }
0xab: {  	_ =	swait.ge @!p0 [sflag:s4], $0x2000  }
0xac: {  	[sflag:s4] =	ssyncset.done @!p0 $0x0  }
0xad: {  	s17 =	simm.s32 @!p0 $0xC800;
	[sflag:s4] =	ssyncadd.s32 @!p0 $0xFFFFE000;
	s4 =	simm.s32 @!p0 $0xA580  }
0xae: {  	[spmem:s3] =	stream.indirect.scatter.add.f32 @!p0 [tilespmem:s17], [sflag:$0xE], $0x40, s4, s16, $0xb8;
	[tilespmem:$0x12800] =	vst v63  }
0xaf: {  	s4 =	simm.s32 @!p0 $0xE  }
0xb0: {  	_ =	swait.ge @!p0 [sflag:s4], $0x2000  }
0xb1: {  	[sflag:s4] =	ssyncset.done @!p0 $0x0  }
0xb2: {  	[sflag:s4] =	ssyncadd.s32 @!p0 $0xFFFFE000;
	s4 =	rddreg [dreg:$0x10]  }
0xb3: {  	s18 =	simm.s32 @!p0 $0xA500;
	s4 =	sadd.s32 @!p0 s25, s4  }
0xb4: {  	[tilespmem:s18], [sflag:$0x6] =	stream.linear.gather @!p0 [hbm4b:s4+s31], $0x100, $0x38;
	[tilespmem:$0x12800] =	vst v63  }
0xb5: {  	s4 =	simm.s32 @!p0 $0x2  }
0xb6: {  	_ =	swait.ge @!p0 [sflag:s4], $0x100  }
0xb7: {  	[sflag:s4] =	ssyncset.done @!p0 $0x0  }
0xb8: {  	[sflag:s4] =	ssyncadd.s32 @!p0 $0xFFFFFF00  }
0xb9: {  	[tilespmem:s17], [sflag:$0xA] =	stream.indirect.gather @!p0 [hbm4b:s1+s16], $0x40, s15, s16, $0xb8;
	[tilespmem:$0x12800] =	vst v63  }
0xba: {  	_ =	swait.ge [sflag:s30], $0x2000  }
0xbb: {  	[sflag:s30] =	ssyncset.done $0x0  }
.Ltmp2:
0xbc: {  	s31 =	simm.s32 $0xA680;
	[sflag:s30] =	ssyncadd.s32 $0xFFFFE000;
	(pc) =	sbr.rel @p0 .LBB2_4-.Ltmp2, $4  }
0xbd: {  	[spmem:s3] =	stream.indirect.scatter.add.f32 [tilespmem:s14], [sflag:$0xE], $0x40, s31, s10, $0xb8;
	[tilespmem:$0x12800] =	vst v63  }
0xbe: {  	_ =	swait.ge [sflag:s26], $0x2000  }
0xbf: {  	[sflag:s26] =	ssyncset.done $0x0  }
0xc0: {  	[sflag:s26] =	ssyncadd.s32 $0xFFFFE000  }
0xc1: {  	s4 =	rddreg [dreg:$0xf]  }
0xc2: {  	s15 =	simm.s32 $0x0;
	s4 =	sadd.s32 s25, s4  }
0xc3: {  	[tilespmem:s5], [sflag:$0x7] =	stream.linear.gather [hbm4b:s4+s15], $0x100, $0x38;
	[tilespmem:$0x12800] =	vst v63  }
0xc4: {  	_ =	swait.ge [sflag:s13], $0x100  }
0xc5: {  	[sflag:s13] =	ssyncset.done $0x0  }
0xc6: {  	s16 =	simm.s32 $0xA200;
	[sflag:s13] =	ssyncadd.s32 $0xFFFFFF00  }
0xc7: {  	[tilespmem:s14], [sflag:$0xB] =	stream.indirect.gather [hbm4b:s1+s10], $0x40, s16, s10, $0xb8;
	[tilespmem:$0x12800] =	vst v63  }
0xc8: {  	_ =	swait.ge [sflag:s2], $0x2000  }
0xc9: {  	[sflag:s2] =	ssyncset.done $0x0  }
0xca: {  	s17 =	simm.s32 $0xA780;
	[sflag:s2] =	ssyncadd.s32 $0xFFFFE000  }
0xcb: {  	[spmem:s3] =	stream.indirect.scatter.add.f32 [tilespmem:s28], [sflag:$0xE], $0x40, s17, s10, $0xb8;
	[tilespmem:$0x12800] =	vst v63  }
0xcc: {  	_ =	swait.ge [sflag:s26], $0x2000  }
0xcd: {  	[sflag:s26] =	ssyncset.done $0x0;
	s18 =	rddreg [dreg:$0xe]  }
0xce: {  	[sflag:s26] =	ssyncadd.s32 $0xFFFFE000;
	s4 =	sadd.s32 s25, s18  }
0xcf: {  	[tilespmem:s7], [sflag:$0x8] =	stream.linear.gather [hbm4b:s4+s15], $0x100, $0x38;
	[tilespmem:$0x12800] =	vst v63  }
.Ltmp3:
0xd0: {  	_ = 	snop;
	(pc) =	sbr.rel .LBB2_2-.Ltmp3, $4  }
0xd1: {  	_ =	swait.ge [sflag:s23], $0x100  }
0xd2: {  	[sflag:s23] =	ssyncset.done $0x0  }
0xd3: {  	s31 =	simm.s32 $0xA300;
	s25 =	sadd.s32 $0x100, s25;
	[sflag:s23] =	ssyncadd.s32 $0xFFFFFF00  }
0xd4: {  	[tilespmem:s28], [sflag:$0xC] =	stream.indirect.gather [hbm4b:s1+s10], $0x40, s31, s10, $0xb8;
	[tilespmem:$0x12800] =	vst v63  }
.LBB2_5:
0xd5: {  	_ =	sfence.sel $0x180000  }
0xd6: {  	[bflag:$0x0] =	sbarrier.arrive $0xFFFF  }
0xd7: {  	_ =	strace $0x9000004D  }
0xd8: {  	s0 =	stileid.u32;
	[bflag:$0x2] =	sbarrier.arrive $0xFFFF  }
0xd9: {  	p0 =	sne.s32 s0, $0x0;
	s0 =	rddreg [dreg:$0x3]  }
0xda: {  	s0 =	sadd.s32 @!p0 $0x100000, s0  }
0xdb: {  	[sflag:s0] =	ssyncadd.tile.s32 @!p0 $0x1;
	_ =	shalt  }
.Lfunc_end2:
_tile_overlayer_lowered:
.L_overlay_start_2:
0xdc: {  	(tag) =	ssettag $0x2  }
0xdd: {  	s0 =	rddreg [dreg:$0x0];
	s2 =	stileid.u32  }
0xde: {  	s1 =	rddreg [dreg:$0x1];
	p0 =	sne.s32 s2, $0x0  }
0xdf: {  	s3 =	rddreg [dreg:$0x2];
	[bflag:$0x3] =	sbarrier.arrive $0xFFFF;
	s2 =	simm.s32 @!p0 $0x1C0E  }
0xe0: {  	[timem:s3], [sflag:s2] =	dma.local @!p0 [hbm:s0], s1  }
0xe1: {  	s0 =	simm.s32 @!p0 $0xE  }
0xe2: {  	_ =	swait.ge @!p0 [sflag:s0], s1  }
0xe3: {  	s1 =	ssub.s32 @!p0 $0x0, s1;
	[sflag:s0] =	ssyncset.done @!p0 $0x0  }
0xe4: {  	[sflag:s0] =	ssyncadd.s32 @!p0 s1  }
0xe5: {  	[bflag:$0x3] =	sbarrier.arrive $0xFFFF  }
0xe6: {  	_ =	shalt  }

// kernel: kernel.9.cloned.1.call-start
scs
__scs_entry_jumppad:
0x0: {  	(pc) =	sbr.rel $0x88, $3  }
0x1: {  	(tag) =	ssettag $0x0;
	lr =	simm.s32 $0x1  }
0x2: {  	[smem:$0x3F93] =	sst lr;
	_ =	strace $0xD0000000  }
0x3: {  	_ = 	snop  }
0x4: {  	_ = 	snop  }
0x5: {  	_ = 	snop  }
0x6: {  	_ = 	snop  }
0x7: {  	_ = 	snop  }
__scs_overlays_trampoline_lowered:
0x8: {  	[smem:$0x3FA2] =	sst s0  }
0x9: {  	[smem:$0x3FA3] =	sst s1  }
0xa: {  	[smem:$0x3FA4] =	sst s2  }
0xb: {  	[smem:$0x3FA5] =	sst s3  }
0xc: {  	[smem:$0x3FA6] =	sst s4  }
0xd: {  	[smem:$0x3FA7] =	sst s5  }
0xe: {  	[smem:$0x3FA8] =	sst s6  }
0xf: {  	[smem:$0x3FA9] =	sst s7  }
0x10: {  	[smem:$0x3FAA] =	sst s8  }
0x11: {  	[smem:$0x3FAB] =	sst s9;
	s0 =	simm.s32 @!p0 $0x0  }
0x12: {  	s1 =	sld [smem:$0x3F91];
	s0 =	simm.s32 @p0 $0x1  }
0x13: {  	[smem:$0x3FAC] =	sst s0;
	s0 =	simm.s32 @!p1 $0x0  }
0x14: {  	s2 =	sld [smem:$0x3F90];
	s0 =	simm.s32 @p1 $0x1  }
0x15: {  	[smem:$0x3FAD] =	sst s0;
	s0 =	simm.s32 @!p2 $0x0  }
0x16: {  	s3 =	sld [smem:$0x3FDB];
	s0 =	simm.s32 @p2 $0x1  }
0x17: {  	s4 =	simm.s32 $0x1BF5;
	[smem:$0x3FAF] =	sst s0  }
0x18: {  	s0 =	sld [smem:$0x3F92];
	_ =	swait.ge [sflag:s4], $0x0  }
0x19: {  	s7 =	sld [smem:$0x3F93]  }
0x1a: {  	s8 =	sadd.s32 $0xFFFFE003, lr  }
0x1b: {  	s9 =	sadd.s32 $0xFFFFFEF7, lr;
	s5 =	simm.s32 $0xFFFFFFFF;
	p2 =	slt.u32 s8, $0xFFFFF086  }
0x1c: {  	p1 =	slt.u32 s9, $0xF7A;
	s5 =	simm.s32 @!p2 $0x0  }
0x1d: {  	s5 =	simm.s32 @p1 $0x1;
	p0 =	seq.s32 s7, s2  }
0x1e: {  	s7 =	smul.u32 @!p0 $0xF7A, s2;
	p2 =	seq.s32 @!p0 s5, $0x0  }
0x1f: {  	s9 =	smul.u32 $0xF7A, s1;
	s8 =	simm.s32 @!p0 $0x1BF5;
	p2 =	por !p2, p0  }
0x20: {  	[sflag:s8] =	ssyncset.s32 @!p0 $0xFFFFF086;
	s6 =	sadd.s32 @!p0 s3, s7;
	s7 =	simm.s32 @!p0 $0x108  }
0x21: {  	s3 =	sadd.s32 s3, s9;
	s6 =	sadd.s32 @!p0 $0x88, s6;
	s7 =	simm.s32 @p2 $0x1082  }
0x22: {  	[simem:s7], [sflag:s8] =	dma.local @!p0 [hbm:s6], $0xF7A  }
0x23: {  	s9 =	sor.u32 $0xD0000000, s2;
	s6 =	simm.s32 $0x108;
	_ =	swait.ge @!p0 [sflag:s8], $0x0  }
0x24: {  	s3 =	sadd.s32 $0x88, s3;
	s6 =	simm.s32 @!p1 $0x1082;
	[sflag:s4] =	ssyncset.s32 $0xFFFFF086  }
0x25: {  	[simem:s6], [sflag:s4] =	dma.local [hbm:s3], $0xF7A  }
0x26: {  	[smem:$0x3F93] =	sst s1;
	(tag) =	ssettag s2;
	_ =	strace s9  }
0x27: {  	s1 =	sld [smem:$0x3FA3]  }
0x28: {  	s2 =	sld [smem:$0x3FA4]  }
0x29: {  	s4 =	sld [smem:$0x3FA6]  }
0x2a: {  	p0 =	seq.s32 s5, $0x0;
	s5 =	sld [smem:$0x3FA7]  }
0x2b: {  	s6 =	sld [smem:$0x3FA8]  }
0x2c: {  	s7 =	sld [smem:$0x3FA9]  }
0x2d: {  	s3 =	simm.s32 $0x108;
	s8 =	sld [smem:$0x3FAA]  }
0x2e: {  	s3 =	simm.s32 @!p0 $0x1082;
	s9 =	sld [smem:$0x3FAB]  }
0x2f: {  	lr =	sadd.s32 s0, s3;
	s0 =	sld [smem:$0x3FA2]  }
0x30: {  	s3 =	sld [smem:$0x3FA5]  }
0x31: {  	[smem:$0x3FAE] =	sst s10  }
0x32: {  	s10 =	sld [smem:$0x3FAC];
	_ =	sdelay $0x3  }
0x33: {  	p0 =	seq.s32 s10, $0x1;
	s10 =	sld [smem:$0x3FAE];
	_ =	sdelay $0x3  }
0x34: {  	[smem:$0x3FAE] =	sst s10  }
0x35: {  	s10 =	sld [smem:$0x3FAD];
	_ =	sdelay $0x3  }
0x36: {  	p1 =	seq.s32 s10, $0x1;
	s10 =	sld [smem:$0x3FAE];
	_ =	sdelay $0x3  }
0x37: {  	[smem:$0x3FAE] =	sst s10  }
0x38: {  	s10 =	sld [smem:$0x3FAF]  }
0x39: {  	_ = 	snop;
	(pc) =	sbr.ind lr, $3  }
0x3a: {  	_ = 	snop  }
0x3b: {  	_ = 	snop  }
0x3c: {  	p2 =	seq.s32 s10, $0x1;
	s10 =	sld [smem:$0x3FAE]  }
0x3d: {  	_ =	shalt  }
0x3e: {  	_ =	shalt  }
0x3f: {  	_ =	shalt  }
0x40: {  	_ =	shalt  }
0x41: {  	_ =	shalt  }
0x42: {  	_ =	shalt  }
0x43: {  	_ =	shalt  }
0x44: {  	_ =	shalt  }
0x45: {  	_ =	shalt  }
0x46: {  	_ =	shalt  }
0x47: {  	_ =	shalt  }
0x48: {  	_ =	shalt  }
0x49: {  	_ =	shalt  }
0x4a: {  	_ =	shalt  }
0x4b: {  	_ =	shalt  }
0x4c: {  	_ =	shalt  }
0x4d: {  	_ =	shalt  }
0x4e: {  	_ =	shalt  }
0x4f: {  	_ =	shalt  }
0x50: {  	_ =	shalt  }
0x51: {  	_ =	shalt  }
0x52: {  	_ =	shalt  }
0x53: {  	_ =	shalt  }
0x54: {  	_ =	shalt  }
0x55: {  	_ =	shalt  }
0x56: {  	_ =	shalt  }
0x57: {  	_ =	shalt  }
0x58: {  	_ =	shalt  }
0x59: {  	_ =	shalt  }
0x5a: {  	_ =	shalt  }
0x5b: {  	_ =	shalt  }
0x5c: {  	_ =	shalt  }
0x5d: {  	_ =	shalt  }
0x5e: {  	_ =	shalt  }
0x5f: {  	_ =	shalt  }
0x60: {  	_ =	shalt  }
0x61: {  	_ =	shalt  }
0x62: {  	_ =	shalt  }
0x63: {  	_ =	shalt  }
0x64: {  	_ =	shalt  }
0x65: {  	_ =	shalt  }
0x66: {  	_ =	shalt  }
0x67: {  	_ =	shalt  }
0x68: {  	_ =	shalt  }
0x69: {  	_ =	shalt  }
0x6a: {  	_ =	shalt  }
0x6b: {  	_ =	shalt  }
0x6c: {  	_ =	shalt  }
0x6d: {  	_ =	shalt  }
0x6e: {  	_ =	shalt  }
0x6f: {  	_ =	shalt  }
0x70: {  	_ =	shalt  }
0x71: {  	_ =	shalt  }
0x72: {  	_ =	shalt  }
0x73: {  	_ =	shalt  }
0x74: {  	_ =	shalt  }
0x75: {  	_ =	shalt  }
0x76: {  	_ =	shalt  }
0x77: {  	_ =	shalt  }
0x78: {  	_ =	shalt  }
0x79: {  	_ =	shalt  }
0x7a: {  	_ =	shalt  }
0x7b: {  	_ =	shalt  }
0x7c: {  	_ =	shalt  }
0x7d: {  	_ =	shalt  }
0x7e: {  	_ =	shalt  }
0x7f: {  	_ =	shalt  }
0x80: {  	_ =	shalt  }
0x81: {  	_ =	shalt  }
0x82: {  	_ =	shalt  }
0x83: {  	_ =	shalt  }
0x84: {  	_ =	shalt  }
0x85: {  	_ =	shalt  }
0x86: {  	_ =	shalt  }
0x87: {  	_ =	shalt  }
.Lfunc_end0:
.L_simem_size_0:
called_computation_lowered:
.L_overlay_start_0:
0x88: {  	s2 =	sld [smem:$0x3FD9]  }
0x89: {  	s3 =	sld [smem:$0x3FFE];
	_ =	sdelay $0x1  }
0x8a: {  	s1 =	srdreg.scid  }
0x8b: {  	s0 =	sand.u32 $0x1, s1  }
0x8c: {  	s17 =	sshll.u32 s0, $0xA;
	s2 =	sadd.s32 s3, s2  }
0x8d: {  	s2 =	sadd.s32 s2, s17  }
0x8e: {  	[smem:$0x3FBA] =	sst s2  }
0x8f: {  	_ = 	snop  }
0x90: {  	s2 =	sld [smem:$0x3FD0];
	(tm) =	ssettm $0x1  }
0x91: {  	s18 =	sld [smem:$0x3FFB];
	_ =	sdelay $0x3  }
0x92: {  	_ =	strace s18  }
0x93: {  	s3 =	sld [smem:$0x3FFC];
	_ =	sdelay $0x3  }
0x94: {  	_ =	strace s3  }
0x95: {  	s3 =	sld [smem:$0x3FFD];
	_ =	sdelay $0x3  }
0x96: {  	_ =	strace s3  }
0x97: {  	_ =	strace $0x8FFFFFFF  }
0x98: {  	s19 =	sld [smem:$0x3FDB];
	_ =	sdelay $0x1  }
0x99: {  	s4 =	simm.s32 $_scs_section_size  }
0x9a: {  	s5 =	simm.s32 $_size__tile_overlayer_lowered;
	s6 =	simm.s32 $_tile_overlayer_lowered  }
0x9b: {  	s22 =	simm.s32 $0x1BFF;
	s21 =	sshll.u32 s6, $0x1;
	s3 =	sadd.s32 s4, s19  }
0x9c: {  	s7 =	simm.s32 $0x0;
	s20 =	sshll.u32 s5, $0x1;
	s5 =	sadd.s32 s21, s3  }
0x9d: {  	[timem:s7], [sflag:s22] =	dma.local [hbm:s5], s20  }
0x9e: {  	_ =	swait.ge [sflag:s22], s20  }
0x9f: {  	s4 =	ssub.s32 $0x0, s20;
	[sflag:s22] =	ssyncset.done $0x0  }
0xa0: {  	[sflag:s22] =	ssyncadd.s32 s4;
	_ =	sdelay $0x1  }
0xa1: {  	s23 =	simm.s32 $0x1B8B  }
0xa2: {  	_ =	swait.ge [sflag:s23], $0x1  }
0xa3: {  	[sflag:s23] =	ssyncset.done $0x0  }
0xa4: {  	s25 =	simm.s32 $0x1B8E;
	s24 =	sld [smem:$0x3FFE];
	[sflag:s23] =	ssyncadd.s32 $0xFFFFFFFF  }
0xa5: {  	s26 =	simm.s32 $execute0_lowered;
	[smem:$0x3FD2] =	sst s25  }
0xa6: {  	s5 =	sshll.u32 s26, $0x1;
	_ =	strace $0x80000046;
	[dreg:$0x1] =	wrdreg $0xFFFFFFFF  }
0xa7: {  	s28 =	simm.s32 $_size_execute0_lowered;
	s3 =	sadd.s32 s3, s5;
	[dreg:$0x0] =	wrdreg $0x0  }
0xa8: {  	s5 =	sshll.u32 s28, $0x1;
	[dreg:$0x2] =	wrdreg s3  }
0xa9: {  	[dreg:$0x3] =	wrdreg s5  }
0xaa: {  	[dreg:$0x4] =	wrdreg $0xC0  }
0xab: {  	_ =	task [dreg:s7], $0x5FFFF  }
0xac: {  	[dreg:$0x1] =	wrdreg $0xFFFFFFFF  }
0xad: {  	[dreg:$0x0] =	wrdreg $0x60  }
0xae: {  	[dreg:$0x2] =	wrdreg s2  }
0xaf: {  	[dreg:$0x3] =	wrdreg s24  }
0xb0: {  	[dreg:$0x4] =	wrdreg $0x0  }
0xb1: {  	[dreg:$0x5] =	wrdreg $0x9  }
0xb2: {  	_ =	task.clear_ibuf [dreg:s7], $0x6FFFF;
	_ =	strace $0x90000046  }
0xb3: {  	s29 =	simm.s32 $0x9;
	_ =	strace $0x80000048  }
0xb4: {  	_ =	swait.ge [sflag:s29], $0x1  }
0xb5: {  	[sflag:s29] =	ssyncadd.s32 $0xFFFFFFFF  }
0xb6: {  	_ =	strace $0x90000048  }
0xb7: {  	_ =	sfence  }
0xb8: {  	s30 =	sld [smem:$0x0];
	_ =	sdelay $0x2  }
0xb9: {  	s31 =	sshll.u32 s1, $0xD;
	s1 =	sshrl.u32 s1, $0x2  }
0xba: {  	s3 =	sand.u32 $0x4000, s31;
	s1 =	sadd.s32 s1, s30  }
0xbb: {  	s0 =	sor.u32 s3, s0;
	s1 =	sshll.u32 s1, $0x11  }
0xbc: {  	s0 =	sor.u32 s1, s0  }
0xbd: {  	s0 =	sadd.s32 $0x8F2B, s0  }
0xbe: {  	[sflag:s0] =	ssyncadd.remote.s32 $0x1  }
0xbf: {  	_ =	sfence.sel $0xFFFF  }
0xc0: {  	[dreg:$0x0] =	wrdreg $0xFFFFFFFF;
	(pc) =	sbr.abs _section_cstart, $3  }
0xc1: {  	[dreg:$0x1] =	wrdreg $0xFFFFFFFF  }
0xc2: {  	_ =	task.clear_ibuf [dreg:s7], $0x2FFFF;
	_ =	strace $0x9FFFFFFF  }
0xc3: {  	(tm) =	ssettm $0x7FFFFFFF  }
tec
execute0_lowered:
.L_overlay_start_1:
0x0: {  	(tag) =	ssettag $0x1  }
0x1: {  	s1 =	rddreg [dreg:$0x0]  }
0x2: {  	s0 =	rddreg [dreg:$0x1]  }
0x3: {  	s3 =	rddreg [dreg:$0x2]  }
0x4: {  	s2 =	srdreg.scid;
	s9 =	stileid.u32;
	s5 =	simm.s32 $0x0  }
0x5: {  	s28 =	simm.s32 $0x10800;
	s29 =	simm.s32 $0x9;
	s30 =	simm.s32 $0xB  }
0x6: {  	s2 =	sand.u32 $0x1, s2;
	s4 =	smul.u32 $0x1400, s9;
	[smem:$0x7FF] =	sst s5  }
0x7: {  	s6 =	sadd.s32 $0x2A00, s0;
	s7 =	sadd.s32 $0x16A00, s0;
	s8 =	smul.u32 $0x28000, s9  }
0x8: {  	s10 =	sshll.u32 s9, $0x6;
	s24 =	smul.u32 $0x14000, s2;
	_ =	strace $0x80000047  }
0x9: {  	[dreg:$0x4] =	wrdreg s7;
	s25 =	sshll.u32 s2, $0x4;
	s26 =	ssub.s32 $0x2, s2  }
0xa: {  	s2 =	smul.u32 $0x50000, s2;
	[dreg:$0x5] =	wrdreg s10;
	s10 =	sor.u32 $0x1C0D, s10  }
0xb: {  	s5 =	sor.u32 s9, s25;
	s31 =	sshrl.u32 s26, $0x1;
	s8 =	sshrl.u32 s8, $0x2  }
0xc: {  	s9 =	smul.u32 $0x5000, s9;
	[dreg:$0x7] =	wrdreg s10;
	s10 =	simm.s32 $0x80  }
0xd: {  	s4 =	sadd.s32 s4, s24;
	s5 =	smul.u32 $0x5000, s5;
	s7 =	sadd.s32 s8, s3  }
0xe: {  	s0 =	sadd.s32 s4, s0;
	s4 =	ssub.s32 s26, s31;
	[dreg:$0x6] =	wrdreg s7  }
0xf: {  	s2 =	sadd.s32 s9, s2;
	s9 =	simm.s32 $0x5;
	s5 =	sshrl.u32 s5, $0x3  }
0x10: {  	s14 =	sor.u32 $0xF00, s2;
	s15 =	sor.u32 $0xE00, s2;
	s19 =	sor.u32 $0xD00, s2  }
0x11: {  	s20 =	sor.u32 $0xC00, s2;
	s21 =	sor.u32 $0xB00, s2;
	s23 =	sor.u32 $0xA00, s2  }
0x12: {  	s24 =	sor.u32 $0x900, s2;
	s2 =	sor.u32 $0x800, s2;
	s0 =	sadd.s32 $0x17E00, s0  }
0x13: {  	s26 =	smax.u32 s4, $0x1;
	s11 =	sadd.s32 s6, s5;
	[dreg:$0x13] =	wrdreg s0  }
0x14: {  	s7 =	sshrl.u32 s15, $0x3;
	s8 =	sshrl.u32 s21, $0x3;
	[dreg:$0x14] =	wrdreg s26  }
0x15: {  	s2 =	sshrl.u32 s2, $0x3;
	s5 =	sadd.s32 $0x20, s11;
	[dreg:$0x8] =	wrdreg s11  }
0x16: {  	s26 =	simm.s32 $0xE;
	s12 =	sadd.s32 $0x40, s11;
	[dreg:$0x9] =	wrdreg s5  }
0x17: {  	s0 =	simm.s32 $0x7;
	s13 =	sadd.s32 $0x60, s11;
	[dreg:$0xa] =	wrdreg s12  }
0x18: {  	s15 =	simm.s32 $0x0;
	s16 =	sadd.s32 $0x80, s11;
	[dreg:$0xb] =	wrdreg s13  }
0x19: {  	s17 =	sadd.s32 $0xA0, s11;
	s18 =	sadd.s32 s7, s6;
	[dreg:$0xc] =	wrdreg s16  }
0x1a: {  	s7 =	sshrl.u32 s20, $0x3;
	s25 =	sadd.s32 $0xC0, s11;
	[dreg:$0xd] =	wrdreg s17  }
0x1b: {  	s31 =	sadd.s32 $0xE0, s11;
	s11 =	simm.s32 $0xA800;
	[dreg:$0xf] =	wrdreg s18  }
0x1c: {  	s5 =	sshrl.u32 s14, $0x3;
	s22 =	sadd.s32 s7, s6;
	[dreg:$0x12] =	wrdreg s25  }
0x1d: {  	s7 =	sshrl.u32 s24, $0x3;
	[dreg:$0x15] =	wrdreg s31;
	s12 =	simm.s32 $0xC800  }
0x1e: {  	s13 =	simm.s32 $0x3;
	s14 =	simm.s32 $0xE800;
	s24 =	simm.s32 $0x6  }
0x1f: {  	s5 =	sadd.s32 s5, s6;
	[dreg:$0x11] =	wrdreg s22;
	s21 =	sadd.s32 s7, s6  }
.Ltmp0:
0x20: {  	s22 =	sadd.s32 s2, s6;
	s7 =	simm.s32 $0xA700;
	(pc) =	sbr.rel .LBB2_1-.Ltmp0, $4  }
0x21: {  	s2 =	simm.s32 $0xC;
	[dreg:$0xe] =	wrdreg s5;
	s5 =	sshrl.u32 s19, $0x3  }
0x22: {  	s19 =	sadd.s32 s8, s6;
	s8 =	simm.s32 $0xA;
	s5 =	sadd.s32 s5, s6  }
0x23: {  	[dreg:$0x10] =	wrdreg s5;
	s5 =	sshrl.u32 s23, $0x3;
	s23 =	simm.s32 $0x4  }
0x24: {  	s20 =	sadd.s32 s5, s6;
	s5 =	simm.s32 $0xA600;
	s6 =	simm.s32 $0x8  }
.LBB2_4:
0x25: {  	_ =	swait.ge [sflag:s2], $0x2000  }
0x26: {  	[sflag:s2] =	ssyncset.done $0x0  }
0x27: {  	s4 =	simm.s32 $0xA780;
	[sflag:s2] =	ssyncadd.s32 $0xFFFFE000  }
0x28: {  	[spmem:s3] =	stream.indirect.scatter.add.f32 [tilespmem:s28], [sflag:$0xE], $0x40, s4, s10, $0xb8;
	[tilespmem:$0x12800] =	vst v63  }
0x29: {  	_ =	swait.ge [sflag:s26], $0x2000  }
0x2a: {  	[sflag:s26] =	ssyncset.done $0x0  }
0x2b: {  	[sflag:s26] =	ssyncadd.s32 $0xFFFFE000  }
0x2c: {  	[bflag:$0x0] =	sbarrier.arrive $0xFFFF  }
0x2d: {  	s18 =	rddreg [dreg:$0x5]  }
0x2e: {  	s15 =	rddreg [dreg:$0x13]  }
0x2f: {  	s16 =	rddreg [dreg:$0x17];
	s4 =	sor.u32 $0x1C0E, s18  }
0x30: {  	[hbm:s15], [sflag:s4] =	dma.local [spmem:s16], $0x1400  }
0x31: {  	_ =	swait.ge [sflag:s26], $0x1400  }
0x32: {  	s25 =	rddreg [dreg:$0x16]  }
0x33: {  	s31 =	rddreg [dreg:$0x14];
	s15 =	sadd.s32 $0x1, s25  }
0x34: {  	p0 =	sne.s32 s15, s31  }
.Ltmp1:
0x35: {  	_ = 	snop;
	(pc) =	sbr.rel @!p0 .LBB2_5-.Ltmp1, $3  }
0x36: {  	_ =	sdelay $0x1  }
0x37: {  	[sflag:s26] =	ssyncset.done $0x0  }
0x38: {  	[sflag:s26] =	ssyncadd.s32 $0xFFFFEC00  }
.LBB2_1:
0x39: {  	[dreg:$0x16] =	wrdreg s15  }
0x3a: {  	s4 =	rddreg [dreg:$0x6]  }
0x3b: {  	s15 =	rddreg [dreg:$0x4]  }
0x3c: {  	s17 =	rddreg [dreg:$0x7];
	s16 =	sshrl.u32 s4, $0x3  }
0x3d: {  	[dreg:$0x17] =	wrdreg s16  }
0x3e: {  	[spmem:s16], [sflag:s17] =	dma.local [hbm:s15], $0x1400  }
0x3f: {  	s4 =	simm.s32 $0x0;
	s16 =	simm.s32 $0xA000;
	s15 =	rddreg [dreg:$0x8]  }
0x40: {  	[tilespmem:s16], [sflag:$0x1] =	stream.linear.gather [hbm4b:s15+s4], $0x100, $0x38;
	[tilespmem:$0x12800] =	vst v63  }
0x41: {  	s17 =	simm.s32 $0xA100;
	s18 =	rddreg [dreg:$0x9]  }
0x42: {  	[tilespmem:s17], [sflag:$0x2] =	stream.linear.gather [hbm4b:s18+s4], $0x100, $0x38;
	[tilespmem:$0x12800] =	vst v63  }
0x43: {  	s25 =	rddreg [dreg:$0xa];
	s18 =	simm.s32 $0xA200  }
0x44: {  	[tilespmem:s18], [sflag:$0x3] =	stream.linear.gather [hbm4b:s25+s4], $0x100, $0x38;
	[tilespmem:$0x12800] =	vst v63  }
0x45: {  	s31 =	rddreg [dreg:$0xb];
	s25 =	simm.s32 $0xA300  }
0x46: {  	[tilespmem:s25], [sflag:$0x4] =	stream.linear.gather [hbm4b:s31+s4], $0x100, $0x38;
	[tilespmem:$0x12800] =	vst v63  }
0x47: {  	s15 =	rddreg [dreg:$0xc];
	s31 =	simm.s32 $0xA400  }
0x48: {  	[tilespmem:s31], [sflag:$0x5] =	stream.linear.gather [hbm4b:s15+s4], $0x100, $0x38;
	[tilespmem:$0x12800] =	vst v63  }
0x49: {  	s15 =	rddreg [dreg:$0xd];
	s31 =	simm.s32 $0xA500  }
0x4a: {  	[tilespmem:s31], [sflag:$0x6] =	stream.linear.gather [hbm4b:s15+s4], $0x100, $0x38;
	[tilespmem:$0x12800] =	vst v63  }
0x4b: {  	s31 =	rddreg [dreg:$0x12]  }
0x4c: {  	[tilespmem:s5], [sflag:$0x7] =	stream.linear.gather [hbm4b:s31+s4], $0x100, $0x38;
	[tilespmem:$0x12800] =	vst v63  }
0x4d: {  	s15 =	simm.s32 $0x1;
	s31 =	rddreg [dreg:$0x15]  }
0x4e: {  	[tilespmem:s7], [sflag:$0x8] =	stream.linear.gather [hbm4b:s31+s4], $0x100, $0x38;
	[tilespmem:$0x12800] =	vst v63  }
0x4f: {  	_ =	swait.ge [sflag:s15], $0x100  }
0x50: {  	[sflag:s15] =	ssyncset.done $0x0  }
0x51: {  	[sflag:s15] =	ssyncadd.s32 $0xFFFFFF00  }
0x52: {  	[tilespmem:s11], [sflag:$0x9] =	stream.indirect.gather [hbm4b:s1+s10], $0x40, s16, s10, $0xb8;
	[tilespmem:$0x12800] =	vst v63  }
0x53: {  	s16 =	simm.s32 $0x2  }
0x54: {  	_ =	swait.ge [sflag:s16], $0x100  }
0x55: {  	[sflag:s16] =	ssyncset.done $0x0  }
0x56: {  	[sflag:s16] =	ssyncadd.s32 $0xFFFFFF00  }
0x57: {  	[tilespmem:s12], [sflag:$0xA] =	stream.indirect.gather [hbm4b:s1+s10], $0x40, s17, s10, $0xb8;
	[tilespmem:$0x12800] =	vst v63  }
0x58: {  	_ =	swait.ge [sflag:s13], $0x100  }
0x59: {  	[sflag:s13] =	ssyncset.done $0x0  }
0x5a: {  	[sflag:s13] =	ssyncadd.s32 $0xFFFFFF00  }
0x5b: {  	[tilespmem:s14], [sflag:$0xB] =	stream.indirect.gather [hbm4b:s1+s10], $0x40, s18, s10, $0xb8;
	[tilespmem:$0x12800] =	vst v63  }
0x5c: {  	_ =	swait.ge [sflag:s23], $0x100  }
0x5d: {  	[sflag:s23] =	ssyncset.done $0x0  }
0x5e: {  	s31 =	simm.s32 $0xD;
	[sflag:s23] =	ssyncadd.s32 $0xFFFFFF00  }
0x5f: {  	[tilespmem:s28], [sflag:$0xC] =	stream.indirect.gather [hbm4b:s1+s10], $0x40, s25, s10, $0xb8;
	[tilespmem:$0x12800] =	vst v63  }
0x60: {  	_ =	swait.ge [sflag:s31], $0x1400  }
0x61: {  	[sflag:s31] =	ssyncset.done $0x0  }
0x62: {  	[sflag:s31] =	ssyncadd.s32 $0xFFFFEC00  }
0x63: {  	s25 =	simm.s32 $0x0;
	[bflag:$0x0] =	sbarrier.arrive $0xFFFF  }
.LBB2_2:
0x64: {  	_ =	swait.ge [sflag:s29], $0x2000  }
0x65: {  	[sflag:s29] =	ssyncset.done $0x0  }
0x66: {  	s4 =	simm.s32 $0xA080;
	[sflag:s29] =	ssyncadd.s32 $0xFFFFE000  }
0x67: {  	[spmem:s3] =	stream.indirect.scatter.add.f32 [tilespmem:s11], [sflag:$0xE], $0x40, s4, s10, $0xb8;
	[tilespmem:$0x12800] =	vst v63  }
0x68: {  	p0 =	seq.s32 s25, $0x900;
	_ =	swait.ge [sflag:s26], $0x2000  }
0x69: {  	s15 =	sadd.s32 @!p0 s25, s22;
	[sflag:s26] =	ssyncset.done $0x0  }
0x6a: {  	s31 =	simm.s32 @!p0 $0x0;
	s4 =	simm.s32 @!p0 $0xA000;
	[sflag:s26] =	ssyncadd.s32 $0xFFFFE000  }
0x6b: {  	[tilespmem:s4], [sflag:$0x1] =	stream.linear.gather @!p0 [hbm4b:s15+s31], $0x100, $0x38;
	[tilespmem:$0x12800] =	vst v63  }
0x6c: {  	_ =	swait.ge [sflag:s9], $0x100  }
0x6d: {  	[sflag:s9] =	ssyncset.done $0x0  }
0x6e: {  	s18 =	simm.s32 $0xA400;
	[sflag:s9] =	ssyncadd.s32 $0xFFFFFF00  }
0x6f: {  	[tilespmem:s11], [sflag:$0x9] =	stream.indirect.gather [hbm4b:s1+s10], $0x40, s18, s10, $0xb8;
	[tilespmem:$0x12800] =	vst v63  }
0x70: {  	_ =	swait.ge [sflag:s8], $0x2000  }
0x71: {  	[sflag:s8] =	ssyncset.done $0x0  }
0x72: {  	s16 =	simm.s32 $0xA180;
	[sflag:s8] =	ssyncadd.s32 $0xFFFFE000  }
0x73: {  	[spmem:s3] =	stream.indirect.scatter.add.f32 [tilespmem:s12], [sflag:$0xE], $0x40, s16, s10, $0xb8;
	[tilespmem:$0x12800] =	vst v63  }
0x74: {  	_ =	swait.ge [sflag:s26], $0x2000  }
0x75: {  	[sflag:s26] =	ssyncset.done $0x0  }
0x76: {  	s15 =	simm.s32 @!p0 $0xA100;
	s16 =	sadd.s32 @!p0 s25, s21;
	[sflag:s26] =	ssyncadd.s32 $0xFFFFE000  }
0x77: {  	[tilespmem:s15], [sflag:$0x2] =	stream.linear.gather @!p0 [hbm4b:s16+s31], $0x100, $0x38;
	[tilespmem:$0x12800] =	vst v63  }
0x78: {  	_ =	swait.ge [sflag:s24], $0x100  }
0x79: {  	[sflag:s24] =	ssyncset.done $0x0  }
0x7a: {  	s17 =	simm.s32 $0xA500;
	[sflag:s24] =	ssyncadd.s32 $0xFFFFFF00  }
0x7b: {  	[tilespmem:s12], [sflag:$0xA] =	stream.indirect.gather [hbm4b:s1+s10], $0x40, s17, s10, $0xb8;
	[tilespmem:$0x12800] =	vst v63  }
0x7c: {  	_ =	swait.ge [sflag:s30], $0x2000  }
0x7d: {  	[sflag:s30] =	ssyncset.done $0x0  }
0x7e: {  	s18 =	simm.s32 $0xA280;
	[sflag:s30] =	ssyncadd.s32 $0xFFFFE000  }
0x7f: {  	[spmem:s3] =	stream.indirect.scatter.add.f32 [tilespmem:s14], [sflag:$0xE], $0x40, s18, s10, $0xb8;
	[tilespmem:$0x12800] =	vst v63  }
0x80: {  	_ =	swait.ge [sflag:s26], $0x2000  }
0x81: {  	[sflag:s26] =	ssyncset.done $0x0  }
0x82: {  	s16 =	sadd.s32 @!p0 s25, s20;
	s17 =	simm.s32 @!p0 $0xA200;
	[sflag:s26] =	ssyncadd.s32 $0xFFFFE000  }
0x83: {  	[tilespmem:s17], [sflag:$0x3] =	stream.linear.gather @!p0 [hbm4b:s16+s31], $0x100, $0x38;
	[tilespmem:$0x12800] =	vst v63  }
0x84: {  	_ =	swait.ge [sflag:s0], $0x100  }
0x85: {  	[sflag:s0] =	ssyncset.done $0x0  }
0x86: {  	[sflag:s0] =	ssyncadd.s32 $0xFFFFFF00  }
0x87: {  	[tilespmem:s14], [sflag:$0xB] =	stream.indirect.gather [hbm4b:s1+s10], $0x40, s5, s10, $0xb8;
	[tilespmem:$0x12800] =	vst v63  }
0x88: {  	_ =	swait.ge [sflag:s2], $0x2000  }
0x89: {  	[sflag:s2] =	ssyncset.done $0x0  }
0x8a: {  	s17 =	simm.s32 $0xA380;
	[sflag:s2] =	ssyncadd.s32 $0xFFFFE000  }
0x8b: {  	[spmem:s3] =	stream.indirect.scatter.add.f32 [tilespmem:s28], [sflag:$0xE], $0x40, s17, s10, $0xb8;
	[tilespmem:$0x12800] =	vst v63  }
0x8c: {  	_ =	swait.ge [sflag:s26], $0x2000  }
0x8d: {  	[sflag:s26] =	ssyncset.done $0x0  }
0x8e: {  	s16 =	sadd.s32 @!p0 s25, s19;
	s17 =	simm.s32 @!p0 $0xA300;
	[sflag:s26] =	ssyncadd.s32 $0xFFFFE000  }
0x8f: {  	[tilespmem:s17], [sflag:$0x4] =	stream.linear.gather @!p0 [hbm4b:s16+s31], $0x100, $0x38;
	[tilespmem:$0x12800] =	vst v63  }
0x90: {  	_ =	swait.ge [sflag:s6], $0x100  }
0x91: {  	[sflag:s6] =	ssyncset.done $0x0  }
0x92: {  	[sflag:s6] =	ssyncadd.s32 $0xFFFFFF00  }
0x93: {  	[tilespmem:s28], [sflag:$0xC] =	stream.indirect.gather [hbm4b:s1+s10], $0x40, s7, s10, $0xb8;
	[tilespmem:$0x12800] =	vst v63  }
0x94: {  	_ =	swait.ge [sflag:s29], $0x2000  }
0x95: {  	[sflag:s29] =	ssyncset.done $0x0  }
0x96: {  	s18 =	simm.s32 $0xA480;
	[sflag:s29] =	ssyncadd.s32 $0xFFFFE000  }
0x97: {  	[spmem:s3] =	stream.indirect.scatter.add.f32 [tilespmem:s11], [sflag:$0xE], $0x40, s18, s10, $0xb8;
	[tilespmem:$0x12800] =	vst v63  }
0x98: {  	_ =	swait.ge [sflag:s26], $0x2000  }
0x99: {  	[sflag:s26] =	ssyncset.done $0x0  }
0x9a: {  	s16 =	simm.s32 @p0 $0xA;
	[sflag:s26] =	ssyncadd.s32 $0xFFFFE000  }
0x9b: {  	_ =	swait.ge @p0 [sflag:s16], $0x2000  }
0x9c: {  	s17 =	simm.s32 @p0 $0xA580;
	[sflag:s16] =	ssyncset.done @p0 $0x0  }
0x9d: {  	s18 =	simm.s32 @p0 $0xC800;
	[sflag:s16] =	ssyncadd.s32 @p0 $0xFFFFE000;
	s16 =	simm.s32 @p0 $0x80  }
0x9e: {  	[spmem:s3] =	stream.indirect.scatter.add.f32 @p0 [tilespmem:s18], [sflag:$0xE], $0x40, s17, s16, $0xb8;
	[tilespmem:$0x12800] =	vst v63  }
0x9f: {  	s16 =	simm.s32 @p0 $0xE  }
0xa0: {  	_ =	swait.ge @p0 [sflag:s16], $0x2000  }
0xa1: {  	[sflag:s16] =	ssyncset.done @p0 $0x0  }
0xa2: {  	[sflag:s16] =	ssyncadd.s32 @p0 $0xFFFFE000;
	s16 =	rddreg [dreg:$0x11]  }
0xa3: {  	s17 =	simm.s32 @!p0 $0xA400;
	s16 =	sadd.s32 @!p0 s25, s16  }
0xa4: {  	[tilespmem:s17], [sflag:$0x5] =	stream.linear.gather @!p0 [hbm4b:s16+s31], $0x100, $0x38;
	[tilespmem:$0x12800] =	vst v63  }
0xa5: {  	s16 =	simm.s32 @!p0 $0x1  }
0xa6: {  	_ =	swait.ge @!p0 [sflag:s16], $0x100  }
0xa7: {  	[sflag:s16] =	ssyncset.done @!p0 $0x0  }
0xa8: {  	s17 =	simm.s32 @!p0 $0xA800;
	[sflag:s16] =	ssyncadd.s32 @!p0 $0xFFFFFF00;
	s16 =	simm.s32 @!p0 $0x80  }
0xa9: {  	[tilespmem:s17], [sflag:$0x9] =	stream.indirect.gather @!p0 [hbm4b:s1+s16], $0x40, s4, s16, $0xb8;
	[tilespmem:$0x12800] =	vst v63  }
0xaa: {  	s4 =	simm.s32 @!p0 $0xA  }
0xab: {  	_ =	swait.ge @!p0 [sflag:s4], $0x2000  }
0xac: {  	[sflag:s4] =	ssyncset.done @!p0 $0x0  }
0xad: {  	s17 =	simm.s32 @!p0 $0xC800;
	[sflag:s4] =	ssyncadd.s32 @!p0 $0xFFFFE000;
	s4 =	simm.s32 @!p0 $0xA580  }
0xae: {  	[spmem:s3] =	stream.indirect.scatter.add.f32 @!p0 [tilespmem:s17], [sflag:$0xE], $0x40, s4, s16, $0xb8;
	[tilespmem:$0x12800] =	vst v63  }
0xaf: {  	s4 =	simm.s32 @!p0 $0xE  }
0xb0: {  	_ =	swait.ge @!p0 [sflag:s4], $0x2000  }
0xb1: {  	[sflag:s4] =	ssyncset.done @!p0 $0x0  }
0xb2: {  	[sflag:s4] =	ssyncadd.s32 @!p0 $0xFFFFE000;
	s4 =	rddreg [dreg:$0x10]  }
0xb3: {  	s18 =	simm.s32 @!p0 $0xA500;
	s4 =	sadd.s32 @!p0 s25, s4  }
0xb4: {  	[tilespmem:s18], [sflag:$0x6] =	stream.linear.gather @!p0 [hbm4b:s4+s31], $0x100, $0x38;
	[tilespmem:$0x12800] =	vst v63  }
0xb5: {  	s4 =	simm.s32 @!p0 $0x2  }
0xb6: {  	_ =	swait.ge @!p0 [sflag:s4], $0x100  }
0xb7: {  	[sflag:s4] =	ssyncset.done @!p0 $0x0  }
0xb8: {  	[sflag:s4] =	ssyncadd.s32 @!p0 $0xFFFFFF00  }
0xb9: {  	[tilespmem:s17], [sflag:$0xA] =	stream.indirect.gather @!p0 [hbm4b:s1+s16], $0x40, s15, s16, $0xb8;
	[tilespmem:$0x12800] =	vst v63  }
0xba: {  	_ =	swait.ge [sflag:s30], $0x2000  }
0xbb: {  	[sflag:s30] =	ssyncset.done $0x0  }
.Ltmp2:
0xbc: {  	s31 =	simm.s32 $0xA680;
	[sflag:s30] =	ssyncadd.s32 $0xFFFFE000;
	(pc) =	sbr.rel @p0 .LBB2_4-.Ltmp2, $4  }
0xbd: {  	[spmem:s3] =	stream.indirect.scatter.add.f32 [tilespmem:s14], [sflag:$0xE], $0x40, s31, s10, $0xb8;
	[tilespmem:$0x12800] =	vst v63  }
0xbe: {  	_ =	swait.ge [sflag:s26], $0x2000  }
0xbf: {  	[sflag:s26] =	ssyncset.done $0x0  }
0xc0: {  	[sflag:s26] =	ssyncadd.s32 $0xFFFFE000  }
0xc1: {  	s4 =	rddreg [dreg:$0xf]  }
0xc2: {  	s15 =	simm.s32 $0x0;
	s4 =	sadd.s32 s25, s4  }
0xc3: {  	[tilespmem:s5], [sflag:$0x7] =	stream.linear.gather [hbm4b:s4+s15], $0x100, $0x38;
	[tilespmem:$0x12800] =	vst v63  }
0xc4: {  	_ =	swait.ge [sflag:s13], $0x100  }
0xc5: {  	[sflag:s13] =	ssyncset.done $0x0  }
0xc6: {  	s16 =	simm.s32 $0xA200;
	[sflag:s13] =	ssyncadd.s32 $0xFFFFFF00  }
0xc7: {  	[tilespmem:s14], [sflag:$0xB] =	stream.indirect.gather [hbm4b:s1+s10], $0x40, s16, s10, $0xb8;
	[tilespmem:$0x12800] =	vst v63  }
0xc8: {  	_ =	swait.ge [sflag:s2], $0x2000  }
0xc9: {  	[sflag:s2] =	ssyncset.done $0x0  }
0xca: {  	s17 =	simm.s32 $0xA780;
	[sflag:s2] =	ssyncadd.s32 $0xFFFFE000  }
0xcb: {  	[spmem:s3] =	stream.indirect.scatter.add.f32 [tilespmem:s28], [sflag:$0xE], $0x40, s17, s10, $0xb8;
	[tilespmem:$0x12800] =	vst v63  }
0xcc: {  	_ =	swait.ge [sflag:s26], $0x2000  }
0xcd: {  	[sflag:s26] =	ssyncset.done $0x0;
	s18 =	rddreg [dreg:$0xe]  }
0xce: {  	[sflag:s26] =	ssyncadd.s32 $0xFFFFE000;
	s4 =	sadd.s32 s25, s18  }
0xcf: {  	[tilespmem:s7], [sflag:$0x8] =	stream.linear.gather [hbm4b:s4+s15], $0x100, $0x38;
	[tilespmem:$0x12800] =	vst v63  }
.Ltmp3:
0xd0: {  	_ = 	snop;
	(pc) =	sbr.rel .LBB2_2-.Ltmp3, $4  }
0xd1: {  	_ =	swait.ge [sflag:s23], $0x100  }
0xd2: {  	[sflag:s23] =	ssyncset.done $0x0  }
0xd3: {  	s31 =	simm.s32 $0xA300;
	s25 =	sadd.s32 $0x100, s25;
	[sflag:s23] =	ssyncadd.s32 $0xFFFFFF00  }
0xd4: {  	[tilespmem:s28], [sflag:$0xC] =	stream.indirect.gather [hbm4b:s1+s10], $0x40, s31, s10, $0xb8;
	[tilespmem:$0x12800] =	vst v63  }
.LBB2_5:
0xd5: {  	_ =	sfence.sel $0x180000  }
0xd6: {  	[bflag:$0x0] =	sbarrier.arrive $0xFFFF  }
0xd7: {  	_ =	strace $0x90000047  }
0xd8: {  	s0 =	stileid.u32;
	[bflag:$0x2] =	sbarrier.arrive $0xFFFF  }
0xd9: {  	p0 =	sne.s32 s0, $0x0;
	s0 =	rddreg [dreg:$0x3]  }
0xda: {  	s0 =	sadd.s32 @!p0 $0x100000, s0  }
0xdb: {  	[sflag:s0] =	ssyncadd.tile.s32 @!p0 $0x1;
	_ =	shalt  }
.Lfunc_end2:
_tile_overlayer_lowered:
.L_overlay_start_2:
0xdc: {  	(tag) =	ssettag $0x2  }
0xdd: {  	s0 =	rddreg [dreg:$0x0];
	s2 =	stileid.u32  }
0xde: {  	s1 =	rddreg [dreg:$0x1];
	p0 =	sne.s32 s2, $0x0  }
0xdf: {  	s3 =	rddreg [dreg:$0x2];
	[bflag:$0x3] =	sbarrier.arrive $0xFFFF;
	s2 =	simm.s32 @!p0 $0x1C0E  }
0xe0: {  	[timem:s3], [sflag:s2] =	dma.local @!p0 [hbm:s0], s1  }
0xe1: {  	s0 =	simm.s32 @!p0 $0xE  }
0xe2: {  	_ =	swait.ge @!p0 [sflag:s0], s1  }
0xe3: {  	s1 =	ssub.s32 @!p0 $0x0, s1;
	[sflag:s0] =	ssyncset.done @!p0 $0x0  }
0xe4: {  	[sflag:s0] =	ssyncadd.s32 @!p0 s1  }
0xe5: {  	[bflag:$0x3] =	sbarrier.arrive $0xFFFF  }
0xe6: {  	_ =	shalt  }

</sc_bundles>
